<compile_context>
chip_gen: v7x
topology: tpu7x:2x2x1
jax: 0.10.2.dev20260603
libtpu: 0.0.44.dev20260713+nightly
codegen_flags: <defaults>
</compile_context>

<pallas_src>
import functools

import jax
import jax.numpy as jnp
from jax import lax
from jax.experimental import pallas as pl
from jax.experimental.pallas import tpu as pltpu
from jax.experimental.pallas import tpu_sc as plsc

_N = 100000
_D = 128
_DE = 16
_DT = 32
_B = 16384
_B2 = 2 * _B
_NW = 32
_NPT = 3200
_NPAD = _NW * _NPT
_EPT = _B2 // _NW
_INT_MIN = -(2**31)

_BLK = 2048
_NB = _B // _BLK

def _sigmoid(x):
  return 1.0 / (1.0 + jnp.exp(-x))


def _msg_body(s_ref, d_ref, ef_ref, t_ref, wt_ref, bt_ref, wm_ref, bm_ref,
              out_ref):
  side = pl.program_id(0) >= _NB
  s = s_ref[...]
  d = d_ref[...]
  a = jnp.where(side, d, s)
  b = jnp.where(side, s, d)
  te = jnp.cos(t_ref[...] * wt_ref[...] + bt_ref[...])
  acc = jnp.dot(a, wm_ref[0:_D, :], preferred_element_type=jnp.float32)
  acc += jnp.dot(b, wm_ref[_D:2 * _D, :], preferred_element_type=jnp.float32)
  acc += jnp.dot(ef_ref[...], wm_ref[2 * _D:2 * _D + _DE, :],
                 preferred_element_type=jnp.float32)
  acc += jnp.dot(te, wm_ref[2 * _D + _DE:, :],
                 preferred_element_type=jnp.float32)
  out_ref[...] = jnp.maximum(acc + bm_ref[...], 0.0)


def _msg_call(s_emb, d_emb, ef, t2, wt, bt, wm, bm):
  row = lambda g: (g % _NB, 0)
  full = lambda g: (0, 0)
  return pl.pallas_call(
      _msg_body,
      grid=(2 * _NB,),
      in_specs=[
          pl.BlockSpec((_BLK, _D), row),
          pl.BlockSpec((_BLK, _D), row),
          pl.BlockSpec((_BLK, _DE), row),
          pl.BlockSpec((_BLK, 1), row),
          pl.BlockSpec((1, _DT), full),
          pl.BlockSpec((1, _DT), full),
          pl.BlockSpec((2 * _D + _DE + _DT, _D), full),
          pl.BlockSpec((1, _D), full),
      ],
      out_specs=pl.BlockSpec((_BLK, _D), lambda g: (g, 0)),
      out_shape=jax.ShapeDtypeStruct((_B2, _D), jnp.float32),
  )(s_emb, d_emb, ef, t2, wt, bt, wm, bm)


def _gru_body(msg_ref, mg_ref, wih_ref, whh_ref, bih_ref, bhh_ref, out_ref):
  msg = msg_ref[...]
  h = mg_ref[...]
  gi = jnp.dot(msg, wih_ref[...], preferred_element_type=jnp.float32)
  gi += bih_ref[...]
  gh = jnp.dot(h, whh_ref[...], preferred_element_type=jnp.float32)
  gh += bhh_ref[...]
  r = _sigmoid(gi[:, :_D] + gh[:, :_D])
  z = _sigmoid(gi[:, _D:2 * _D] + gh[:, _D:2 * _D])
  n = jnp.tanh(gi[:, 2 * _D:] + r * gh[:, 2 * _D:])
  out_ref[...] = (1.0 - z) * n + z * h


def _gru_call(msg, mem_g, wih, whh, bih, bhh):
  row = lambda g: (g, 0)
  full = lambda g: (0, 0)
  return pl.pallas_call(
      _gru_body,
      grid=(_B2 // _BLK,),
      in_specs=[
          pl.BlockSpec((_BLK, _D), row),
          pl.BlockSpec((_BLK, _D), row),
          pl.BlockSpec((_D, 3 * _D), full),
          pl.BlockSpec((_D, 3 * _D), full),
          pl.BlockSpec((1, 3 * _D), full),
          pl.BlockSpec((1, 3 * _D), full),
      ],
      out_specs=pl.BlockSpec((_BLK, _D), row),
      out_shape=jax.ShapeDtypeStruct((_B2, _D), jnp.float32),
  )(msg, mem_g, wih, whh, bih, bhh)


def _sc_winner(src_h, dst_h, t_h, mem_h, widxf_h, memg_h,
               src_v, dst_v, t_v, maxkey, widx, idx2d, rows0, rows1,
               src_sh, dst_sh, t_sh, sem0, sem1):
  c = lax.axis_index("c")
  s = lax.axis_index("s")
  wid = s * 2 + c
  base = wid * _NPT
  is_dst_tile = wid >= (_NW // 2)

  @pl.when(s == 0)
  def _():
    pltpu.sync_copy(src_h, src_sh)
    pltpu.sync_copy(dst_h, dst_sh)
    pltpu.sync_copy(t_h, t_sh)

  plsc.subcore_barrier()
  pltpu.sync_copy(src_sh, src_v)
  pltpu.sync_copy(dst_sh, dst_v)
  pltpu.sync_copy(t_sh, t_v)

  @pl.loop(0, _NPT // 16, unroll=8)
  def _init(i):
    maxkey[pl.ds(i * 16, 16)] = jnp.full((16,), _INT_MIN, jnp.int32)
    widx[pl.ds(i * 16, 16)] = jnp.zeros((16,), jnp.int32)

  def _chunk(cc):
    off = cc * 16
    is_dst = cc >= (_B // 16)
    toff = off - jnp.where(is_dst, _B, 0)
    nodes = jnp.where(is_dst, dst_v[pl.ds(toff, 16)], src_v[pl.ds(toff, 16)])
    tb = lax.bitcast_convert_type(t_v[pl.ds(toff, 16)], jnp.int32)
    skey = ((tb << 1) | jnp.where(is_dst, 1, 0).astype(jnp.int32)) ^ _INT_MIN
    lidx = nodes - base
    mask = (lidx >= 0) & (lidx < _NPT)
    lidxc = jnp.where(mask, lidx, 0)
    return off, skey, mask, lidxc

  @pl.loop(0, _B2 // 16, unroll=8)
  def _phase_ab(cc):
    off, skey, mask, lidxc = _chunk(cc)

    ev = off + lax.iota(jnp.int32, 16)
    for _p in range(3):
      cur = plsc.load_gather(maxkey, [lidxc])
      m2 = mask & (skey > cur)
      plsc.store_scatter(maxkey, [lidxc], skey, mask=m2)
      plsc.store_scatter(widx, [lidxc], ev, mask=m2)

  pltpu.sync_copy(widx, widxf_h.at[pl.ds(base, _NPT)])

  ebase = wid * _EPT
  toff0 = ebase - jnp.where(is_dst_tile, _B, 0)
  for j in range(_EPT // 128):
    for k in range(8):
      o2 = toff0 + j * 128 + k * 16
      idx2d[j, pl.ds(k * 16, 16)] = jnp.where(
          is_dst_tile, dst_v[pl.ds(o2, 16)], src_v[pl.ds(o2, 16)])

  bufs = (rows0, rows1)
  sems = (sem0, sem1)
  copies = []
  for j in range(_EPT // 128):
    copies.append(
        pltpu.async_copy(mem_h.at[idx2d.at[j]], bufs[j % 2], sems[j % 2]))
    if j >= 1:
      copies[j - 1].wait()
      pltpu.sync_copy(bufs[(j - 1) % 2],
                      memg_h.at[pl.ds(ebase + (j - 1) * 128, 128)])
  copies[-1].wait()
  pltpu.sync_copy(bufs[(_EPT // 128 - 1) % 2],
                  memg_h.at[pl.ds(ebase + (_EPT - 128), 128)])


def _sc_scatter(src_h, dst_h, widxf_h, nv_h, mem_ref,
                nsel_v, idxn, idxw, rowbuf0, rowbuf1,
                gsem0, gsem1, ssem0, ssem1, semw):
  c = lax.axis_index("c")
  s = lax.axis_index("s")
  wid = s * 2 + c
  ebase = wid * _EPT
  is_dst_tile = wid >= (_NW // 2)
  toff0 = ebase - jnp.where(is_dst_tile, _B, 0)

  pltpu.sync_copy(src_h.at[pl.ds(toff0, _EPT)], nsel_v)

  @pl.when(is_dst_tile)
  def _():
    pltpu.sync_copy(dst_h.at[pl.ds(toff0, _EPT)], nsel_v)

  nj = _EPT // 128
  for j in range(nj):
    for k in range(8):
      idxn[j, pl.ds(k * 16, 16)] = nsel_v[pl.ds(j * 128 + k * 16, 16)]

  wcopies = [
      pltpu.async_copy(widxf_h.at[idxn.at[j]], idxw.at[j], semw)
      for j in range(nj)
  ]
  for cp in wcopies:
    cp.wait()

  bufs = (rowbuf0, rowbuf1)
  gsems = (gsem0, gsem1)
  ssems = (ssem0, ssem1)
  gathers = []
  scatters = []
  for j in range(nj):
    if j >= 2:
      scatters[j - 2].wait()
    gathers.append(
        pltpu.async_copy(nv_h.at[idxw.at[j]], bufs[j % 2], gsems[j % 2]))
    if j >= 1:
      gathers[j - 1].wait()
      scatters.append(
          pltpu.async_copy(bufs[(j - 1) % 2], mem_ref.at[idxn.at[j - 1]],
                           ssems[(j - 1) % 2]))
  gathers[-1].wait()
  scatters.append(
      pltpu.async_copy(bufs[(nj - 1) % 2], mem_ref.at[idxn.at[nj - 1]],
                       ssems[(nj - 1) % 2]))
  scatters[-2].wait()
  scatters[-1].wait()


@functools.cache
def _sc_kernels():
  mesh = plsc.VectorSubcoreMesh(
      core_axis_name="c", subcore_axis_name="s", num_cores=2, num_subcores=16
  )
  params = pltpu.CompilerParams(needs_layout_passes=False)
  winner = pl.kernel(
      _sc_winner,
      out_type=(
          jax.ShapeDtypeStruct((_NPAD,), jnp.int32),
          jax.ShapeDtypeStruct((_B2, _D), jnp.float32),
      ),
      mesh=mesh,
      compiler_params=params,
      scratch_types=[
          pltpu.VMEM((_B,), jnp.int32),
          pltpu.VMEM((_B,), jnp.int32),
          pltpu.VMEM((_B,), jnp.float32),
          pltpu.VMEM((_NPT,), jnp.int32),
          pltpu.VMEM((_NPT,), jnp.int32),
          pltpu.VMEM((_EPT // 128, 128), jnp.int32),
          pltpu.VMEM((128, _D), jnp.float32),
          pltpu.VMEM((128, _D), jnp.float32),
          pltpu.VMEM_SHARED((_B,), jnp.int32),
          pltpu.VMEM_SHARED((_B,), jnp.int32),
          pltpu.VMEM_SHARED((_B,), jnp.float32),
          pltpu.SemaphoreType.DMA,
          pltpu.SemaphoreType.DMA,
      ],
  )
  scatter = pl.kernel(
      _sc_scatter,
      out_type=(),
      mesh=mesh,
      compiler_params=params,
      scratch_types=[
          pltpu.VMEM((_EPT,), jnp.int32),
          pltpu.VMEM((_EPT // 128, 128), jnp.int32),
          pltpu.VMEM((_EPT // 128, 128), jnp.int32),
          pltpu.VMEM((128, _D), jnp.float32),
          pltpu.VMEM((128, _D), jnp.float32),
          pltpu.SemaphoreType.DMA,
          pltpu.SemaphoreType.DMA,
          pltpu.SemaphoreType.DMA,
          pltpu.SemaphoreType.DMA,
          pltpu.SemaphoreType.DMA,
      ],
  )
  return winner, scatter


def kernel(memory, src, dst, t, s_emb, d_emb, e_feat, w_time, b_time,
           W_msg, b_msg, W_ih, W_hh, b_ih, b_hh):
  sc_winner, sc_scatter = _sc_kernels()
  src = src.astype(jnp.int32)
  dst = dst.astype(jnp.int32)
  t = t.astype(jnp.float32)
  msg = _msg_call(s_emb, d_emb, e_feat, t.reshape(_B, 1),
                  w_time.reshape(1, _DT), b_time.reshape(1, _DT),
                  W_msg, b_msg.reshape(1, _D))
  widx_full, mem_g = sc_winner(src, dst, t, memory)
  nv = _gru_call(msg, mem_g, W_ih, W_hh,
                 b_ih.reshape(1, 3 * _D), b_hh.reshape(1, 3 * _D))
  mem_ref = jax.new_ref(memory)
  sc_scatter(src, dst, widx_full, nv, mem_ref)
  return jax.freeze(mem_ref)

# --- scband reference (transcript-rebuilt; emitter-appended) ---
"""Pipeline reference for scband-tiger-68985764708363 (READ-ONLY COPY).

The authoritative reference and input builder live on the scoring server;
editing this copy changes nothing except your own understanding.
"""

import jax, jax.numpy as jnp
import numpy as np

N = 100000
D = 128
B = 16384
DE = 16
DT = 32


def setup_inputs(seed: int = 0):
    key = jax.random.key(seed)
    ks = jax.random.split(key, 14)
    memory = jax.random.normal(ks[0], (N, D), dtype=jnp.float32)
    src = jax.random.randint(ks[1], (B,), 0, N)
    dst = jax.random.randint(ks[2], (B,), 0, N)
    t = jax.random.uniform(ks[3], (B,), dtype=jnp.float32) * 10000.0
    s_emb = jax.random.normal(ks[4], (B, D), dtype=jnp.float32)
    d_emb = jax.random.normal(ks[5], (B, D), dtype=jnp.float32)
    e_feat = jax.random.normal(ks[6], (B, DE), dtype=jnp.float32)
    w_time = jax.random.normal(ks[7], (DT,), dtype=jnp.float32)
    b_time = jax.random.normal(ks[8], (DT,), dtype=jnp.float32)
    W_msg = jax.random.normal(ks[9], (2 * D + DE + DT, D), dtype=jnp.float32) * 0.02
    b_msg = jnp.zeros((D,), dtype=jnp.float32)
    W_ih = jax.random.normal(ks[10], (D, 3 * D), dtype=jnp.float32) * 0.02
    W_hh = jax.random.normal(ks[11], (D, 3 * D), dtype=jnp.float32) * 0.02
    b_ih = jnp.zeros((3 * D,), dtype=jnp.float32)
    b_hh = jnp.zeros((3 * D,), dtype=jnp.float32)
    return {"memory": memory, "src": src, "dst": dst, "t": t, "s_emb": s_emb,
            "d_emb": d_emb, "e_feat": e_feat, "w_time": w_time, "b_time": b_time,
            "W_msg": W_msg, "b_msg": b_msg, "W_ih": W_ih, "W_hh": W_hh,
            "b_ih": b_ih, "b_hh": b_hh}


def reference(memory, src, dst, t, s_emb, d_emb, e_feat, w_time, b_time,
              W_msg, b_msg, W_ih, W_hh, b_ih, b_hh):
    # TIGER._update_memory core: build raw messages in both directions,
    # apply message function, aggregate last message per node (scatter_max on
    # timestamps), GRU memory update, scatter-overwrite into the memory table.
    te = jnp.cos(t[:, None] * w_time[None, :] + b_time[None, :])
    raw_s = jnp.concatenate([s_emb, d_emb, e_feat, te], axis=1)
    raw_d = jnp.concatenate([d_emb, s_emb, e_feat, te], axis=1)
    msg_all = jax.nn.relu(jnp.concatenate([raw_s, raw_d], axis=0) @ W_msg + b_msg)
    src_all = jnp.concatenate([src, dst], axis=0)
    t_all = jnp.concatenate([t, t], axis=0)
    Nn = int(memory.shape[0])
    B2 = int(src_all.shape[0])
    # last-message aggregator: pick event with max timestamp per node,
    # deterministic tie-break by event position via rank-in-sorted-order
    order = jnp.argsort(t_all)
    rank = jnp.zeros((B2,), dtype=jnp.int32).at[order].set(jnp.arange(B2, dtype=jnp.int32))
    best_rank = jax.ops.segment_max(rank, src_all, num_segments=Nn)
    has_event = best_rank >= 0
    event_idx = order[jnp.clip(best_rank, 0, B2 - 1)]
    agg_msg = msg_all[event_idx]
    old_mem = memory
    # GRUCell memory updater
    gi = agg_msg @ W_ih + b_ih
    gh = old_mem @ W_hh + b_hh
    i_r, i_z, i_n = jnp.split(gi, 3, axis=1)
    h_r, h_z, h_n = jnp.split(gh, 3, axis=1)
    r = jax.nn.sigmoid(i_r + h_r)
    z = jax.nn.sigmoid(i_z + h_z)
    n = jnp.tanh(i_n + r * h_n)
    new_mem = (1.0 - z) * n + z * old_mem
    return jnp.where(has_event[:, None], new_mem, memory)

if __name__ == "__main__":
    import jax
    _d = setup_inputs()
    print(jax.jit(kernel)(*tuple(_d.values())))

</pallas_src>

<mosaic_0001>
#map = affine_map<(d0, d1) -> (0)>
#map1 = affine_map<(d0, d1) -> (0, 0)>
module attributes {stable_mosaic.version = 14 : i64} {
  func.func @_sc_winner(%arg0: i32, %arg1: i32, %arg2: memref<16384xi32, #tpu.memory_space<hbm>>, %arg3: memref<16384xi32, #tpu.memory_space<hbm>>, %arg4: memref<16384xf32, #tpu.memory_space<hbm>>, %arg5: memref<100000x128xf32, #tpu.memory_space<hbm>>, %arg6: memref<102400xi32, #tpu.memory_space<hbm>>, %arg7: memref<32768x128xf32, #tpu.memory_space<hbm>>, %arg8: memref<16384xi32, #tpu.memory_space<vmem>>, %arg9: memref<16384xi32, #tpu.memory_space<vmem>>, %arg10: memref<16384xf32, #tpu.memory_space<vmem>>, %arg11: memref<3200xi32, #tpu.memory_space<vmem>>, %arg12: memref<3200xi32, #tpu.memory_space<vmem>>, %arg13: memref<8x128xi32, #tpu.memory_space<vmem>>, %arg14: memref<128x128xf32, #tpu.memory_space<vmem>>, %arg15: memref<128x128xf32, #tpu.memory_space<vmem>>, %arg16: memref<16384xi32, #tpu.memory_space<vmem_shared>>, %arg17: memref<16384xi32, #tpu.memory_space<vmem_shared>>, %arg18: memref<16384xf32, #tpu.memory_space<vmem_shared>>, %arg19: memref<!tpu.dma_semaphore, #tpu.memory_space<semaphore_mem>>, %arg20: memref<!tpu.dma_semaphore, #tpu.memory_space<semaphore_mem>>) attributes {dimension_semantics = [#tpu.dimension_semantics<core_parallel>, #tpu.dimension_semantics<subcore_parallel>], iteration_bounds = array<i64: 2, 16>, scalar_prefetch = 0 : i64, scratch_operands = 13 : i64, tpu.core_type = #tpu.core_type<sc_vector_subcore>, window_params = [{transform_indices = #map}, {transform_indices = #map}, {transform_indices = #map}, {transform_indices = #map1}, {transform_indices = #map}, {transform_indices = #map1}]} {
    %mul3A = arith.constant 2 : i32
    %mul3A_0 = arith.muli %arg1, %mul3A : i32
    %add3A = arith.addi %mul3A_0, %arg0 : i32
    %mul3A_1 = arith.constant 3200 : i32
    %mul3A_2 = arith.muli %add3A, %mul3A_1 : i32
    %ge3A = arith.constant 16 : i32
    %ge3A_3 = arith.cmpi sge, %add3A, %ge3A : i32
    %eq3A = arith.constant 0 : i32
    %eq3A_4 = arith.cmpi eq, %arg1, %eq3A : i32
    %convert_element_type3A = arith.extui %eq3A_4 : i1 to i32
    %cond3A = arith.constant 0 : i32
    %cond3A_5 = arith.cmpi ne, %convert_element_type3A, %cond3A : i32
    scf.if %cond3A_5 {
      "tpu.region"() ({
        %run_scoped3A = tpu.sem_alloc : memref<!tpu.dma_semaphore, #tpu.memory_space<semaphore_mem>>
        tpu.enqueue_dma source(%arg2 : memref<16384xi32, #tpu.memory_space<hbm>>) target(%arg16 : memref<16384xi32, #tpu.memory_space<vmem_shared>>) target_semaphore(%run_scoped3A : memref<!tpu.dma_semaphore, #tpu.memory_space<semaphore_mem>>)
        tpu.wait_dma2 semaphore(%run_scoped3A : memref<!tpu.dma_semaphore, #tpu.memory_space<semaphore_mem>>) src(%arg2 : memref<16384xi32, #tpu.memory_space<hbm>>) dst(%arg16 : memref<16384xi32, #tpu.memory_space<vmem_shared>>)
        tpu.yield
      }) : () -> ()
      "tpu.region"() ({
        %run_scoped3A = tpu.sem_alloc : memref<!tpu.dma_semaphore, #tpu.memory_space<semaphore_mem>>
        tpu.enqueue_dma source(%arg3 : memref<16384xi32, #tpu.memory_space<hbm>>) target(%arg17 : memref<16384xi32, #tpu.memory_space<vmem_shared>>) target_semaphore(%run_scoped3A : memref<!tpu.dma_semaphore, #tpu.memory_space<semaphore_mem>>)
        tpu.wait_dma2 semaphore(%run_scoped3A : memref<!tpu.dma_semaphore, #tpu.memory_space<semaphore_mem>>) src(%arg3 : memref<16384xi32, #tpu.memory_space<hbm>>) dst(%arg17 : memref<16384xi32, #tpu.memory_space<vmem_shared>>)
        tpu.yield
      }) : () -> ()
      "tpu.region"() ({
        %run_scoped3A = tpu.sem_alloc : memref<!tpu.dma_semaphore, #tpu.memory_space<semaphore_mem>>
        tpu.enqueue_dma source(%arg4 : memref<16384xf32, #tpu.memory_space<hbm>>) target(%arg18 : memref<16384xf32, #tpu.memory_space<vmem_shared>>) target_semaphore(%run_scoped3A : memref<!tpu.dma_semaphore, #tpu.memory_space<semaphore_mem>>)
        tpu.wait_dma2 semaphore(%run_scoped3A : memref<!tpu.dma_semaphore, #tpu.memory_space<semaphore_mem>>) src(%arg4 : memref<16384xf32, #tpu.memory_space<hbm>>) dst(%arg18 : memref<16384xf32, #tpu.memory_space<vmem_shared>>)
        tpu.yield
      }) : () -> ()
    } else {
    }
    %barrier3A = arith.constant 0 : index
    tpu.barrier barrier_id(%barrier3A)
    "tpu.region"() ({
      %run_scoped3A = tpu.sem_alloc : memref<!tpu.dma_semaphore, #tpu.memory_space<semaphore_mem>>
      tpu.enqueue_dma source(%arg16 : memref<16384xi32, #tpu.memory_space<vmem_shared>>) target(%arg8 : memref<16384xi32, #tpu.memory_space<vmem>>) target_semaphore(%run_scoped3A : memref<!tpu.dma_semaphore, #tpu.memory_space<semaphore_mem>>)
      tpu.wait_dma2 semaphore(%run_scoped3A : memref<!tpu.dma_semaphore, #tpu.memory_space<semaphore_mem>>) src(%arg16 : memref<16384xi32, #tpu.memory_space<vmem_shared>>) dst(%arg8 : memref<16384xi32, #tpu.memory_space<vmem>>)
      tpu.yield
    }) : () -> ()
    "tpu.region"() ({
      %run_scoped3A = tpu.sem_alloc : memref<!tpu.dma_semaphore, #tpu.memory_space<semaphore_mem>>
      tpu.enqueue_dma source(%arg17 : memref<16384xi32, #tpu.memory_space<vmem_shared>>) target(%arg9 : memref<16384xi32, #tpu.memory_space<vmem>>) target_semaphore(%run_scoped3A : memref<!tpu.dma_semaphore, #tpu.memory_space<semaphore_mem>>)
      tpu.wait_dma2 semaphore(%run_scoped3A : memref<!tpu.dma_semaphore, #tpu.memory_space<semaphore_mem>>) src(%arg17 : memref<16384xi32, #tpu.memory_space<vmem_shared>>) dst(%arg9 : memref<16384xi32, #tpu.memory_space<vmem>>)
      tpu.yield
    }) : () -> ()
    "tpu.region"() ({
      %run_scoped3A = tpu.sem_alloc : memref<!tpu.dma_semaphore, #tpu.memory_space<semaphore_mem>>
      tpu.enqueue_dma source(%arg18 : memref<16384xf32, #tpu.memory_space<vmem_shared>>) target(%arg10 : memref<16384xf32, #tpu.memory_space<vmem>>) target_semaphore(%run_scoped3A : memref<!tpu.dma_semaphore, #tpu.memory_space<semaphore_mem>>)
      tpu.wait_dma2 semaphore(%run_scoped3A : memref<!tpu.dma_semaphore, #tpu.memory_space<semaphore_mem>>) src(%arg18 : memref<16384xf32, #tpu.memory_space<vmem_shared>>) dst(%arg10 : memref<16384xf32, #tpu.memory_space<vmem>>)
      tpu.yield
    }) : () -> ()
    %scan3A = arith.constant 0 : i32
    %scan3A_6 = arith.constant 200 : i32
    %scan3A_7 = arith.addi %scan3A, %scan3A_6 : i32
    %scan3A_8 = arith.constant 8 : i32
    scf.for %scan3A_974 = %scan3A to %scan3A_7 step %scan3A_8  : i32 {
      %mul3A_975 = arith.constant 1 : i32
      %mul3A_976 = arith.muli %scan3A_974, %mul3A_975 : i32
      %add3A_977 = arith.constant 0 : i32
      %add3A_978 = arith.addi %add3A_977, %mul3A_976 : i32
      %broadcast_in_dim3A = arith.constant -2147483648 : i32
      %broadcast_in_dim3A_979 = vector.broadcast %broadcast_in_dim3A : i32 to vector<16xi32>
      %mul3A_980 = arith.constant 16 : i32
      %mul3A_981 = arith.muli %add3A_978, %mul3A_980 : i32
      %swap3A_982 = arith.index_cast %mul3A_981 : i32 to index
      %swap3A_983 = tpu.vector_load %arg11[%swap3A_982] {strides = array<i32>} : memref<3200xi32, #tpu.memory_space<vmem>>, vector<16xi32>,
      tpu.vector_store %arg11[%swap3A_982], %broadcast_in_dim3A_979 {strides = array<i32>} : memref<3200xi32, #tpu.memory_space<vmem>>, vector<16xi32>,
      %broadcast_in_dim3A_984 = arith.constant 0 : i32
      %broadcast_in_dim3A_985 = vector.broadcast %broadcast_in_dim3A_984 : i32 to vector<16xi32>
      %mul3A_986 = arith.constant 16 : i32
      %mul3A_987 = arith.muli %add3A_978, %mul3A_986 : i32
      %swap3A_988 = arith.index_cast %mul3A_987 : i32 to index
      %swap3A_989 = tpu.vector_load %arg12[%swap3A_988] {strides = array<i32>} : memref<3200xi32, #tpu.memory_space<vmem>>, vector<16xi32>,
      tpu.vector_store %arg12[%swap3A_988], %broadcast_in_dim3A_985 {strides = array<i32>} : memref<3200xi32, #tpu.memory_space<vmem>>, vector<16xi32>,
      %scan3A_990 = arith.constant 1 : i32
      %scan3A_991 = arith.addi %scan3A_974, %scan3A_990 : i32
      %mul3A_992 = arith.constant 1 : i32
      %mul3A_993 = arith.muli %scan3A_991, %mul3A_992 : i32
      %add3A_994 = arith.constant 0 : i32
      %add3A_995 = arith.addi %add3A_994, %mul3A_993 : i32
      %broadcast_in_dim3A_996 = arith.constant -2147483648 : i32
      %broadcast_in_dim3A_997 = vector.broadcast %broadcast_in_dim3A_996 : i32 to vector<16xi32>
      %mul3A_998 = arith.constant 16 : i32
      %mul3A_999 = arith.muli %add3A_995, %mul3A_998 : i32
      %swap3A_1000 = arith.index_cast %mul3A_999 : i32 to index
      %swap3A_1001 = tpu.vector_load %arg11[%swap3A_1000] {strides = array<i32>} : memref<3200xi32, #tpu.memory_space<vmem>>, vector<16xi32>,
      tpu.vector_store %arg11[%swap3A_1000], %broadcast_in_dim3A_997 {strides = array<i32>} : memref<3200xi32, #tpu.memory_space<vmem>>, vector<16xi32>,
      %broadcast_in_dim3A_1002 = arith.constant 0 : i32
      %broadcast_in_dim3A_1003 = vector.broadcast %broadcast_in_dim3A_1002 : i32 to vector<16xi32>
      %mul3A_1004 = arith.constant 16 : i32
      %mul3A_1005 = arith.muli %add3A_995, %mul3A_1004 : i32
      %swap3A_1006 = arith.index_cast %mul3A_1005 : i32 to index
      %swap3A_1007 = tpu.vector_load %arg12[%swap3A_1006] {strides = array<i32>} : memref<3200xi32, #tpu.memory_space<vmem>>, vector<16xi32>,
      tpu.vector_store %arg12[%swap3A_1006], %broadcast_in_dim3A_1003 {strides = array<i32>} : memref<3200xi32, #tpu.memory_space<vmem>>, vector<16xi32>,
      %scan3A_1008 = arith.constant 2 : i32
      %scan3A_1009 = arith.addi %scan3A_974, %scan3A_1008 : i32
      %mul3A_1010 = arith.constant 1 : i32
      %mul3A_1011 = arith.muli %scan3A_1009, %mul3A_1010 : i32
      %add3A_1012 = arith.constant 0 : i32
      %add3A_1013 = arith.addi %add3A_1012, %mul3A_1011 : i32
      %broadcast_in_dim3A_1014 = arith.constant -2147483648 : i32
      %broadcast_in_dim3A_1015 = vector.broadcast %broadcast_in_dim3A_1014 : i32 to vector<16xi32>
      %mul3A_1016 = arith.constant 16 : i32
      %mul3A_1017 = arith.muli %add3A_1013, %mul3A_1016 : i32
      %swap3A_1018 = arith.index_cast %mul3A_1017 : i32 to index
      %swap3A_1019 = tpu.vector_load %arg11[%swap3A_1018] {strides = array<i32>} : memref<3200xi32, #tpu.memory_space<vmem>>, vector<16xi32>,
      tpu.vector_store %arg11[%swap3A_1018], %broadcast_in_dim3A_1015 {strides = array<i32>} : memref<3200xi32, #tpu.memory_space<vmem>>, vector<16xi32>,
      %broadcast_in_dim3A_1020 = arith.constant 0 : i32
      %broadcast_in_dim3A_1021 = vector.broadcast %broadcast_in_dim3A_1020 : i32 to vector<16xi32>
      %mul3A_1022 = arith.constant 16 : i32
      %mul3A_1023 = arith.muli %add3A_1013, %mul3A_1022 : i32
      %swap3A_1024 = arith.index_cast %mul3A_1023 : i32 to index
      %swap3A_1025 = tpu.vector_load %arg12[%swap3A_1024] {strides = array<i32>} : memref<3200xi32, #tpu.memory_space<vmem>>, vector<16xi32>,
      tpu.vector_store %arg12[%swap3A_1024], %broadcast_in_dim3A_1021 {strides = array<i32>} : memref<3200xi32, #tpu.memory_space<vmem>>, vector<16xi32>,
      %scan3A_1026 = arith.constant 3 : i32
      %scan3A_1027 = arith.addi %scan3A_974, %scan3A_1026 : i32
      %mul3A_1028 = arith.constant 1 : i32
      %mul3A_1029 = arith.muli %scan3A_1027, %mul3A_1028 : i32
      %add3A_1030 = arith.constant 0 : i32
      %add3A_1031 = arith.addi %add3A_1030, %mul3A_1029 : i32
      %broadcast_in_dim3A_1032 = arith.constant -2147483648 : i32
      %broadcast_in_dim3A_1033 = vector.broadcast %broadcast_in_dim3A_1032 : i32 to vector<16xi32>
      %mul3A_1034 = arith.constant 16 : i32
      %mul3A_1035 = arith.muli %add3A_1031, %mul3A_1034 : i32
      %swap3A_1036 = arith.index_cast %mul3A_1035 : i32 to index
      %swap3A_1037 = tpu.vector_load %arg11[%swap3A_1036] {strides = array<i32>} : memref<3200xi32, #tpu.memory_space<vmem>>, vector<16xi32>,
      tpu.vector_store %arg11[%swap3A_1036], %broadcast_in_dim3A_1033 {strides = array<i32>} : memref<3200xi32, #tpu.memory_space<vmem>>, vector<16xi32>,
      %broadcast_in_dim3A_1038 = arith.constant 0 : i32
      %broadcast_in_dim3A_1039 = vector.broadcast %broadcast_in_dim3A_1038 : i32 to vector<16xi32>
      %mul3A_1040 = arith.constant 16 : i32
      %mul3A_1041 = arith.muli %add3A_1031, %mul3A_1040 : i32
      %swap3A_1042 = arith.index_cast %mul3A_1041 : i32 to index
      %swap3A_1043 = tpu.vector_load %arg12[%swap3A_1042] {strides = array<i32>} : memref<3200xi32, #tpu.memory_space<vmem>>, vector<16xi32>,
      tpu.vector_store %arg12[%swap3A_1042], %broadcast_in_dim3A_1039 {strides = array<i32>} : memref<3200xi32, #tpu.memory_space<vmem>>, vector<16xi32>,
      %scan3A_1044 = arith.constant 4 : i32
      %scan3A_1045 = arith.addi %scan3A_974, %scan3A_1044 : i32
      %mul3A_1046 = arith.constant 1 : i32
      %mul3A_1047 = arith.muli %scan3A_1045, %mul3A_1046 : i32
      %add3A_1048 = arith.constant 0 : i32
      %add3A_1049 = arith.addi %add3A_1048, %mul3A_1047 : i32
      %broadcast_in_dim3A_1050 = arith.constant -2147483648 : i32
      %broadcast_in_dim3A_1051 = vector.broadcast %broadcast_in_dim3A_1050 : i32 to vector<16xi32>
      %mul3A_1052 = arith.constant 16 : i32
      %mul3A_1053 = arith.muli %add3A_1049, %mul3A_1052 : i32
      %swap3A_1054 = arith.index_cast %mul3A_1053 : i32 to index
      %swap3A_1055 = tpu.vector_load %arg11[%swap3A_1054] {strides = array<i32>} : memref<3200xi32, #tpu.memory_space<vmem>>, vector<16xi32>,
      tpu.vector_store %arg11[%swap3A_1054], %broadcast_in_dim3A_1051 {strides = array<i32>} : memref<3200xi32, #tpu.memory_space<vmem>>, vector<16xi32>,
      %broadcast_in_dim3A_1056 = arith.constant 0 : i32
      %broadcast_in_dim3A_1057 = vector.broadcast %broadcast_in_dim3A_1056 : i32 to vector<16xi32>
      %mul3A_1058 = arith.constant 16 : i32
      %mul3A_1059 = arith.muli %add3A_1049, %mul3A_1058 : i32
      %swap3A_1060 = arith.index_cast %mul3A_1059 : i32 to index
      %swap3A_1061 = tpu.vector_load %arg12[%swap3A_1060] {strides = array<i32>} : memref<3200xi32, #tpu.memory_space<vmem>>, vector<16xi32>,
      tpu.vector_store %arg12[%swap3A_1060], %broadcast_in_dim3A_1057 {strides = array<i32>} : memref<3200xi32, #tpu.memory_space<vmem>>, vector<16xi32>,
      %scan3A_1062 = arith.constant 5 : i32
      %scan3A_1063 = arith.addi %scan3A_974, %scan3A_1062 : i32
      %mul3A_1064 = arith.constant 1 : i32
      %mul3A_1065 = arith.muli %scan3A_1063, %mul3A_1064 : i32
      %add3A_1066 = arith.constant 0 : i32
      %add3A_1067 = arith.addi %add3A_1066, %mul3A_1065 : i32
      %broadcast_in_dim3A_1068 = arith.constant -2147483648 : i32
      %broadcast_in_dim3A_1069 = vector.broadcast %broadcast_in_dim3A_1068 : i32 to vector<16xi32>
      %mul3A_1070 = arith.constant 16 : i32
      %mul3A_1071 = arith.muli %add3A_1067, %mul3A_1070 : i32
      %swap3A_1072 = arith.index_cast %mul3A_1071 : i32 to index
      %swap3A_1073 = tpu.vector_load %arg11[%swap3A_1072] {strides = array<i32>} : memref<3200xi32, #tpu.memory_space<vmem>>, vector<16xi32>,
      tpu.vector_store %arg11[%swap3A_1072], %broadcast_in_dim3A_1069 {strides = array<i32>} : memref<3200xi32, #tpu.memory_space<vmem>>, vector<16xi32>,
      %broadcast_in_dim3A_1074 = arith.constant 0 : i32
      %broadcast_in_dim3A_1075 = vector.broadcast %broadcast_in_dim3A_1074 : i32 to vector<16xi32>
      %mul3A_1076 = arith.constant 16 : i32
      %mul3A_1077 = arith.muli %add3A_1067, %mul3A_1076 : i32
      %swap3A_1078 = arith.index_cast %mul3A_1077 : i32 to index
      %swap3A_1079 = tpu.vector_load %arg12[%swap3A_1078] {strides = array<i32>} : memref<3200xi32, #tpu.memory_space<vmem>>, vector<16xi32>,
      tpu.vector_store %arg12[%swap3A_1078], %broadcast_in_dim3A_1075 {strides = array<i32>} : memref<3200xi32, #tpu.memory_space<vmem>>, vector<16xi32>,
      %scan3A_1080 = arith.constant 6 : i32
      %scan3A_1081 = arith.addi %scan3A_974, %scan3A_1080 : i32
      %mul3A_1082 = arith.constant 1 : i32
      %mul3A_1083 = arith.muli %scan3A_1081, %mul3A_1082 : i32
      %add3A_1084 = arith.constant 0 : i32
      %add3A_1085 = arith.addi %add3A_1084, %mul3A_1083 : i32
      %broadcast_in_dim3A_1086 = arith.constant -2147483648 : i32
      %broadcast_in_dim3A_1087 = vector.broadcast %broadcast_in_dim3A_1086 : i32 to vector<16xi32>
      %mul3A_1088 = arith.constant 16 : i32
      %mul3A_1089 = arith.muli %add3A_1085, %mul3A_1088 : i32
      %swap3A_1090 = arith.index_cast %mul3A_1089 : i32 to index
      %swap3A_1091 = tpu.vector_load %arg11[%swap3A_1090] {strides = array<i32>} : memref<3200xi32, #tpu.memory_space<vmem>>, vector<16xi32>,
      tpu.vector_store %arg11[%swap3A_1090], %broadcast_in_dim3A_1087 {strides = array<i32>} : memref<3200xi32, #tpu.memory_space<vmem>>, vector<16xi32>,
      %broadcast_in_dim3A_1092 = arith.constant 0 : i32
      %broadcast_in_dim3A_1093 = vector.broadcast %broadcast_in_dim3A_1092 : i32 to vector<16xi32>
      %mul3A_1094 = arith.constant 16 : i32
      %mul3A_1095 = arith.muli %add3A_1085, %mul3A_1094 : i32
      %swap3A_1096 = arith.index_cast %mul3A_1095 : i32 to index
      %swap3A_1097 = tpu.vector_load %arg12[%swap3A_1096] {strides = array<i32>} : memref<3200xi32, #tpu.memory_space<vmem>>, vector<16xi32>,
      tpu.vector_store %arg12[%swap3A_1096], %broadcast_in_dim3A_1093 {strides = array<i32>} : memref<3200xi32, #tpu.memory_space<vmem>>, vector<16xi32>,
      %scan3A_1098 = arith.constant 7 : i32
      %scan3A_1099 = arith.addi %scan3A_974, %scan3A_1098 : i32
      %mul3A_1100 = arith.constant 1 : i32
      %mul3A_1101 = arith.muli %scan3A_1099, %mul3A_1100 : i32
      %add3A_1102 = arith.constant 0 : i32
      %add3A_1103 = arith.addi %add3A_1102, %mul3A_1101 : i32
      %broadcast_in_dim3A_1104 = arith.constant -2147483648 : i32
      %broadcast_in_dim3A_1105 = vector.broadcast %broadcast_in_dim3A_1104 : i32 to vector<16xi32>
      %mul3A_1106 = arith.constant 16 : i32
      %mul3A_1107 = arith.muli %add3A_1103, %mul3A_1106 : i32
      %swap3A_1108 = arith.index_cast %mul3A_1107 : i32 to index
      %swap3A_1109 = tpu.vector_load %arg11[%swap3A_1108] {strides = array<i32>} : memref<3200xi32, #tpu.memory_space<vmem>>, vector<16xi32>,
      tpu.vector_store %arg11[%swap3A_1108], %broadcast_in_dim3A_1105 {strides = array<i32>} : memref<3200xi32, #tpu.memory_space<vmem>>, vector<16xi32>,
      %broadcast_in_dim3A_1110 = arith.constant 0 : i32
      %broadcast_in_dim3A_1111 = vector.broadcast %broadcast_in_dim3A_1110 : i32 to vector<16xi32>
      %mul3A_1112 = arith.constant 16 : i32
      %mul3A_1113 = arith.muli %add3A_1103, %mul3A_1112 : i32
      %swap3A_1114 = arith.index_cast %mul3A_1113 : i32 to index
      %swap3A_1115 = tpu.vector_load %arg12[%swap3A_1114] {strides = array<i32>} : memref<3200xi32, #tpu.memory_space<vmem>>, vector<16xi32>,
      tpu.vector_store %arg12[%swap3A_1114], %broadcast_in_dim3A_1111 {strides = array<i32>} : memref<3200xi32, #tpu.memory_space<vmem>>, vector<16xi32>,
    }
    %scan3A_9 = arith.constant 200 : i32
    %scan3A_10 = arith.constant 0 : i32
    %scan3A_11 = arith.constant 2048 : i32
    %scan3A_12 = arith.addi %scan3A_10, %scan3A_11 : i32
    %scan3A_13 = arith.constant 8 : i32
    scf.for %scan3A_974 = %scan3A_10 to %scan3A_12 step %scan3A_13  : i32 {
      %mul3A_975 = arith.constant 1 : i32
      %mul3A_976 = arith.muli %scan3A_974, %mul3A_975 : i32
      %add3A_977 = arith.constant 0 : i32
      %add3A_978 = arith.addi %add3A_977, %mul3A_976 : i32
      %mul3A_979 = arith.constant 16 : i32
      %mul3A_980 = arith.muli %add3A_978, %mul3A_979 : i32
      %ge3A_981 = arith.constant 1024 : i32
      %ge3A_982 = arith.cmpi sge, %add3A_978, %ge3A_981 : i32
      %jit3A_983 = arith.constant 16384 : i32
      %jit3A_984 = arith.constant 0 : i32
      %select_n3A_985 = arith.select %ge3A_982, %jit3A_983, %jit3A_984 : i32
      %sub3A_986 = arith.subi %mul3A_980, %select_n3A_985 : i32
      %get3A_987 = arith.index_cast %sub3A_986 : i32 to index
      %get3A_988 = tpu.vector_load %arg9[%get3A_987] {strides = array<i32>} : memref<16384xi32, #tpu.memory_space<vmem>>, vector<16xi32>,
      %get3A_989 = arith.index_cast %sub3A_986 : i32 to index
      %get3A_990 = tpu.vector_load %arg8[%get3A_989] {strides = array<i32>} : memref<16384xi32, #tpu.memory_space<vmem>>, vector<16xi32>,
      %select_n3A_991 = arith.select %ge3A_982, %get3A_988, %get3A_990 : vector<16xi32>
      %get3A_992 = arith.index_cast %sub3A_986 : i32 to index
      %get3A_993 = tpu.vector_load %arg10[%get3A_992] {strides = array<i32>} : memref<16384xf32, #tpu.memory_space<vmem>>, vector<16xf32>,
      %bitcast_convert_type3A = tpu.bitcast %get3A_993 : vector<16xf32> -> vector<16xi32>
      %shift_left3A = arith.constant 1 : i32
      %shift_left3A_994 = vector.broadcast %shift_left3A : i32 to vector<16xi32>
      %shift_left3A_995 = arith.shli %bitcast_convert_type3A, %shift_left3A_994 : vector<16xi32>
      %jit3A_996 = arith.constant 1 : i32
      %jit3A_997 = arith.constant 0 : i32
      %select_n3A_998 = arith.select %ge3A_982, %jit3A_996, %jit3A_997 : i32
      %or3A = vector.broadcast %select_n3A_998 : i32 to vector<16xi32>
      %or3A_999 = arith.ori %shift_left3A_995, %or3A : vector<16xi32>
      %xor3A = arith.constant -2147483648 : i32
      %xor3A_1000 = vector.broadcast %xor3A : i32 to vector<16xi32>
      %xor3A_1001 = arith.xori %or3A_999, %xor3A_1000 : vector<16xi32>
      %sub3A_1002 = vector.broadcast %mul3A_2 : i32 to vector<16xi32>
      %sub3A_1003 = arith.subi %select_n3A_991, %sub3A_1002 : vector<16xi32>
      %ge3A_1004 = arith.constant 0 : i32
      %ge3A_1005 = vector.broadcast %ge3A_1004 : i32 to vector<16xi32>
      %ge3A_1006 = arith.cmpi sge, %sub3A_1003, %ge3A_1005 : vector<16xi32>
      %lt3A = arith.constant 3200 : i32
      %lt3A_1007 = vector.broadcast %lt3A : i32 to vector<16xi32>
      %lt3A_1008 = arith.cmpi slt, %sub3A_1003, %lt3A_1007 : vector<16xi32>
      %and3A = arith.andi %ge3A_1006, %lt3A_1008 : vector<16xi1>
      %jit3A_1009 = arith.constant 0 : i32
      %broadcast_in_dim3A = vector.broadcast %jit3A_1009 : i32 to vector<16xi32>
      %select_n3A_1010 = arith.select %and3A, %sub3A_1003, %broadcast_in_dim3A : vector<16xi1>, vector<16xi32>
      %iota3A = tpu.iota {dimensions = array<i32: 0>} : vector<16xi32>
      %add3A_1011 = vector.broadcast %mul3A_980 : i32 to vector<16xi32>
      %add3A_1012 = arith.addi %add3A_1011, %iota3A : vector<16xi32>
      %gather3A = tpu.vector_load_idx %arg11[%select_n3A_1010] : memref<3200xi32, #tpu.memory_space<vmem>>[vector<16xi32>], vector<16xi32>,
      %gt3A = arith.cmpi sgt, %xor3A_1001, %gather3A : vector<16xi32>
      %and3A_1013 = arith.andi %and3A, %gt3A : vector<16xi1>
      tpu.vector_store_idx %arg11[%select_n3A_1010], %xor3A_1001 masked %and3A_1013 : memref<3200xi32, #tpu.memory_space<vmem>>[vector<16xi32>], vector<16xi32>, vector<16xi1>
      tpu.vector_store_idx %arg12[%select_n3A_1010], %add3A_1012 masked %and3A_1013 : memref<3200xi32, #tpu.memory_space<vmem>>[vector<16xi32>], vector<16xi32>, vector<16xi1>
      %gather3A_1014 = tpu.vector_load_idx %arg11[%select_n3A_1010] : memref<3200xi32, #tpu.memory_space<vmem>>[vector<16xi32>], vector<16xi32>,
      %gt3A_1015 = arith.cmpi sgt, %xor3A_1001, %gather3A_1014 : vector<16xi32>
      %and3A_1016 = arith.andi %and3A, %gt3A_1015 : vector<16xi1>
      tpu.vector_store_idx %arg11[%select_n3A_1010], %xor3A_1001 masked %and3A_1016 : memref<3200xi32, #tpu.memory_space<vmem>>[vector<16xi32>], vector<16xi32>, vector<16xi1>
      tpu.vector_store_idx %arg12[%select_n3A_1010], %add3A_1012 masked %and3A_1016 : memref<3200xi32, #tpu.memory_space<vmem>>[vector<16xi32>], vector<16xi32>, vector<16xi1>
      %gather3A_1017 = tpu.vector_load_idx %arg11[%select_n3A_1010] : memref<3200xi32, #tpu.memory_space<vmem>>[vector<16xi32>], vector<16xi32>,
      %gt3A_1018 = arith.cmpi sgt, %xor3A_1001, %gather3A_1017 : vector<16xi32>
      %and3A_1019 = arith.andi %and3A, %gt3A_1018 : vector<16xi1>
      tpu.vector_store_idx %arg11[%select_n3A_1010], %xor3A_1001 masked %and3A_1019 : memref<3200xi32, #tpu.memory_space<vmem>>[vector<16xi32>], vector<16xi32>, vector<16xi1>
      tpu.vector_store_idx %arg12[%select_n3A_1010], %add3A_1012 masked %and3A_1019 : memref<3200xi32, #tpu.memory_space<vmem>>[vector<16xi32>], vector<16xi32>, vector<16xi1>
      %scan3A_1020 = arith.constant 1 : i32
      %scan3A_1021 = arith.addi %scan3A_974, %scan3A_1020 : i32
      %mul3A_1022 = arith.constant 1 : i32
      %mul3A_1023 = arith.muli %scan3A_1021, %mul3A_1022 : i32
      %add3A_1024 = arith.constant 0 : i32
      %add3A_1025 = arith.addi %add3A_1024, %mul3A_1023 : i32
      %mul3A_1026 = arith.constant 16 : i32
      %mul3A_1027 = arith.muli %add3A_1025, %mul3A_1026 : i32
      %ge3A_1028 = arith.constant 1024 : i32
      %ge3A_1029 = arith.cmpi sge, %add3A_1025, %ge3A_1028 : i32
      %jit3A_1030 = arith.constant 16384 : i32
      %jit3A_1031 = arith.constant 0 : i32
      %select_n3A_1032 = arith.select %ge3A_1029, %jit3A_1030, %jit3A_1031 : i32
      %sub3A_1033 = arith.subi %mul3A_1027, %select_n3A_1032 : i32
      %get3A_1034 = arith.index_cast %sub3A_1033 : i32 to index
      %get3A_1035 = tpu.vector_load %arg9[%get3A_1034] {strides = array<i32>} : memref<16384xi32, #tpu.memory_space<vmem>>, vector<16xi32>,
      %get3A_1036 = arith.index_cast %sub3A_1033 : i32 to index
      %get3A_1037 = tpu.vector_load %arg8[%get3A_1036] {strides = array<i32>} : memref<16384xi32, #tpu.memory_space<vmem>>, vector<16xi32>,
      %select_n3A_1038 = arith.select %ge3A_1029, %get3A_1035, %get3A_1037 : vector<16xi32>
      %get3A_1039 = arith.index_cast %sub3A_1033 : i32 to index
      %get3A_1040 = tpu.vector_load %arg10[%get3A_1039] {strides = array<i32>} : memref<16384xf32, #tpu.memory_space<vmem>>, vector<16xf32>,
      %bitcast_convert_type3A_1041 = tpu.bitcast %get3A_1040 : vector<16xf32> -> vector<16xi32>
      %shift_left3A_1042 = arith.constant 1 : i32
      %shift_left3A_1043 = vector.broadcast %shift_left3A_1042 : i32 to vector<16xi32>
      %shift_left3A_1044 = arith.shli %bitcast_convert_type3A_1041, %shift_left3A_1043 : vector<16xi32>
      %jit3A_1045 = arith.constant 1 : i32
      %jit3A_1046 = arith.constant 0 : i32
      %select_n3A_1047 = arith.select %ge3A_1029, %jit3A_1045, %jit3A_1046 : i32
      %or3A_1048 = vector.broadcast %select_n3A_1047 : i32 to vector<16xi32>
      %or3A_1049 = arith.ori %shift_left3A_1044, %or3A_1048 : vector<16xi32>
      %xor3A_1050 = arith.constant -2147483648 : i32
      %xor3A_1051 = vector.broadcast %xor3A_1050 : i32 to vector<16xi32>
      %xor3A_1052 = arith.xori %or3A_1049, %xor3A_1051 : vector<16xi32>
      %sub3A_1053 = vector.broadcast %mul3A_2 : i32 to vector<16xi32>
      %sub3A_1054 = arith.subi %select_n3A_1038, %sub3A_1053 : vector<16xi32>
      %ge3A_1055 = arith.constant 0 : i32
      %ge3A_1056 = vector.broadcast %ge3A_1055 : i32 to vector<16xi32>
      %ge3A_1057 = arith.cmpi sge, %sub3A_1054, %ge3A_1056 : vector<16xi32>
      %lt3A_1058 = arith.constant 3200 : i32
      %lt3A_1059 = vector.broadcast %lt3A_1058 : i32 to vector<16xi32>
      %lt3A_1060 = arith.cmpi slt, %sub3A_1054, %lt3A_1059 : vector<16xi32>
      %and3A_1061 = arith.andi %ge3A_1057, %lt3A_1060 : vector<16xi1>
      %jit3A_1062 = arith.constant 0 : i32
      %broadcast_in_dim3A_1063 = vector.broadcast %jit3A_1062 : i32 to vector<16xi32>
      %select_n3A_1064 = arith.select %and3A_1061, %sub3A_1054, %broadcast_in_dim3A_1063 : vector<16xi1>, vector<16xi32>
      %iota3A_1065 = tpu.iota {dimensions = array<i32: 0>} : vector<16xi32>
      %add3A_1066 = vector.broadcast %mul3A_1027 : i32 to vector<16xi32>
      %add3A_1067 = arith.addi %add3A_1066, %iota3A_1065 : vector<16xi32>
      %gather3A_1068 = tpu.vector_load_idx %arg11[%select_n3A_1064] : memref<3200xi32, #tpu.memory_space<vmem>>[vector<16xi32>], vector<16xi32>,
      %gt3A_1069 = arith.cmpi sgt, %xor3A_1052, %gather3A_1068 : vector<16xi32>
      %and3A_1070 = arith.andi %and3A_1061, %gt3A_1069 : vector<16xi1>
      tpu.vector_store_idx %arg11[%select_n3A_1064], %xor3A_1052 masked %and3A_1070 : memref<3200xi32, #tpu.memory_space<vmem>>[vector<16xi32>], vector<16xi32>, vector<16xi1>
      tpu.vector_store_idx %arg12[%select_n3A_1064], %add3A_1067 masked %and3A_1070 : memref<3200xi32, #tpu.memory_space<vmem>>[vector<16xi32>], vector<16xi32>, vector<16xi1>
      %gather3A_1071 = tpu.vector_load_idx %arg11[%select_n3A_1064] : memref<3200xi32, #tpu.memory_space<vmem>>[vector<16xi32>], vector<16xi32>,
      %gt3A_1072 = arith.cmpi sgt, %xor3A_1052, %gather3A_1071 : vector<16xi32>
      %and3A_1073 = arith.andi %and3A_1061, %gt3A_1072 : vector<16xi1>
      tpu.vector_store_idx %arg11[%select_n3A_1064], %xor3A_1052 masked %and3A_1073 : memref<3200xi32, #tpu.memory_space<vmem>>[vector<16xi32>], vector<16xi32>, vector<16xi1>
      tpu.vector_store_idx %arg12[%select_n3A_1064], %add3A_1067 masked %and3A_1073 : memref<3200xi32, #tpu.memory_space<vmem>>[vector<16xi32>], vector<16xi32>, vector<16xi1>
      %gather3A_1074 = tpu.vector_load_idx %arg11[%select_n3A_1064] : memref<3200xi32, #tpu.memory_space<vmem>>[vector<16xi32>], vector<16xi32>,
      %gt3A_1075 = arith.cmpi sgt, %xor3A_1052, %gather3A_1074 : vector<16xi32>
      %and3A_1076 = arith.andi %and3A_1061, %gt3A_1075 : vector<16xi1>
      tpu.vector_store_idx %arg11[%select_n3A_1064], %xor3A_1052 masked %and3A_1076 : memref<3200xi32, #tpu.memory_space<vmem>>[vector<16xi32>], vector<16xi32>, vector<16xi1>
      tpu.vector_store_idx %arg12[%select_n3A_1064], %add3A_1067 masked %and3A_1076 : memref<3200xi32, #tpu.memory_space<vmem>>[vector<16xi32>], vector<16xi32>, vector<16xi1>
      %scan3A_1077 = arith.constant 2 : i32
      %scan3A_1078 = arith.addi %scan3A_974, %scan3A_1077 : i32
      %mul3A_1079 = arith.constant 1 : i32
      %mul3A_1080 = arith.muli %scan3A_1078, %mul3A_1079 : i32
      %add3A_1081 = arith.constant 0 : i32
      %add3A_1082 = arith.addi %add3A_1081, %mul3A_1080 : i32
      %mul3A_1083 = arith.constant 16 : i32
      %mul3A_1084 = arith.muli %add3A_1082, %mul3A_1083 : i32
      %ge3A_1085 = arith.constant 1024 : i32
      %ge3A_1086 = arith.cmpi sge, %add3A_1082, %ge3A_1085 : i32
      %jit3A_1087 = arith.constant 16384 : i32
      %jit3A_1088 = arith.constant 0 : i32
      %select_n3A_1089 = arith.select %ge3A_1086, %jit3A_1087, %jit3A_1088 : i32
      %sub3A_1090 = arith.subi %mul3A_1084, %select_n3A_1089 : i32
      %get3A_1091 = arith.index_cast %sub3A_1090 : i32 to index
      %get3A_1092 = tpu.vector_load %arg9[%get3A_1091] {strides = array<i32>} : memref<16384xi32, #tpu.memory_space<vmem>>, vector<16xi32>,
      %get3A_1093 = arith.index_cast %sub3A_1090 : i32 to index
      %get3A_1094 = tpu.vector_load %arg8[%get3A_1093] {strides = array<i32>} : memref<16384xi32, #tpu.memory_space<vmem>>, vector<16xi32>,
      %select_n3A_1095 = arith.select %ge3A_1086, %get3A_1092, %get3A_1094 : vector<16xi32>
      %get3A_1096 = arith.index_cast %sub3A_1090 : i32 to index
      %get3A_1097 = tpu.vector_load %arg10[%get3A_1096] {strides = array<i32>} : memref<16384xf32, #tpu.memory_space<vmem>>, vector<16xf32>,
      %bitcast_convert_type3A_1098 = tpu.bitcast %get3A_1097 : vector<16xf32> -> vector<16xi32>
      %shift_left3A_1099 = arith.constant 1 : i32
      %shift_left3A_1100 = vector.broadcast %shift_left3A_1099 : i32 to vector<16xi32>
      %shift_left3A_1101 = arith.shli %bitcast_convert_type3A_1098, %shift_left3A_1100 : vector<16xi32>
      %jit3A_1102 = arith.constant 1 : i32
      %jit3A_1103 = arith.constant 0 : i32
      %select_n3A_1104 = arith.select %ge3A_1086, %jit3A_1102, %jit3A_1103 : i32
      %or3A_1105 = vector.broadcast %select_n3A_1104 : i32 to vector<16xi32>
      %or3A_1106 = arith.ori %shift_left3A_1101, %or3A_1105 : vector<16xi32>
      %xor3A_1107 = arith.constant -2147483648 : i32
      %xor3A_1108 = vector.broadcast %xor3A_1107 : i32 to vector<16xi32>
      %xor3A_1109 = arith.xori %or3A_1106, %xor3A_1108 : vector<16xi32>
      %sub3A_1110 = vector.broadcast %mul3A_2 : i32 to vector<16xi32>
      %sub3A_1111 = arith.subi %select_n3A_1095, %sub3A_1110 : vector<16xi32>
      %ge3A_1112 = arith.constant 0 : i32
      %ge3A_1113 = vector.broadcast %ge3A_1112 : i32 to vector<16xi32>
      %ge3A_1114 = arith.cmpi sge, %sub3A_1111, %ge3A_1113 : vector<16xi32>
      %lt3A_1115 = arith.constant 3200 : i32
      %lt3A_1116 = vector.broadcast %lt3A_1115 : i32 to vector<16xi32>
      %lt3A_1117 = arith.cmpi slt, %sub3A_1111, %lt3A_1116 : vector<16xi32>
      %and3A_1118 = arith.andi %ge3A_1114, %lt3A_1117 : vector<16xi1>
      %jit3A_1119 = arith.constant 0 : i32
      %broadcast_in_dim3A_1120 = vector.broadcast %jit3A_1119 : i32 to vector<16xi32>
      %select_n3A_1121 = arith.select %and3A_1118, %sub3A_1111, %broadcast_in_dim3A_1120 : vector<16xi1>, vector<16xi32>
      %iota3A_1122 = tpu.iota {dimensions = array<i32: 0>} : vector<16xi32>
      %add3A_1123 = vector.broadcast %mul3A_1084 : i32 to vector<16xi32>
      %add3A_1124 = arith.addi %add3A_1123, %iota3A_1122 : vector<16xi32>
      %gather3A_1125 = tpu.vector_load_idx %arg11[%select_n3A_1121] : memref<3200xi32, #tpu.memory_space<vmem>>[vector<16xi32>], vector<16xi32>,
      %gt3A_1126 = arith.cmpi sgt, %xor3A_1109, %gather3A_1125 : vector<16xi32>
      %and3A_1127 = arith.andi %and3A_1118, %gt3A_1126 : vector<16xi1>
      tpu.vector_store_idx %arg11[%select_n3A_1121], %xor3A_1109 masked %and3A_1127 : memref<3200xi32, #tpu.memory_space<vmem>>[vector<16xi32>], vector<16xi32>, vector<16xi1>
      tpu.vector_store_idx %arg12[%select_n3A_1121], %add3A_1124 masked %and3A_1127 : memref<3200xi32, #tpu.memory_space<vmem>>[vector<16xi32>], vector<16xi32>, vector<16xi1>
      %gather3A_1128 = tpu.vector_load_idx %arg11[%select_n3A_1121] : memref<3200xi32, #tpu.memory_space<vmem>>[vector<16xi32>], vector<16xi32>,
      %gt3A_1129 = arith.cmpi sgt, %xor3A_1109, %gather3A_1128 : vector<16xi32>
      %and3A_1130 = arith.andi %and3A_1118, %gt3A_1129 : vector<16xi1>
      tpu.vector_store_idx %arg11[%select_n3A_1121], %xor3A_1109 masked %and3A_1130 : memref<3200xi32, #tpu.memory_space<vmem>>[vector<16xi32>], vector<16xi32>, vector<16xi1>
      tpu.vector_store_idx %arg12[%select_n3A_1121], %add3A_1124 masked %and3A_1130 : memref<3200xi32, #tpu.memory_space<vmem>>[vector<16xi32>], vector<16xi32>, vector<16xi1>
      %gather3A_1131 = tpu.vector_load_idx %arg11[%select_n3A_1121] : memref<3200xi32, #tpu.memory_space<vmem>>[vector<16xi32>], vector<16xi32>,
      %gt3A_1132 = arith.cmpi sgt, %xor3A_1109, %gather3A_1131 : vector<16xi32>
      %and3A_1133 = arith.andi %and3A_1118, %gt3A_1132 : vector<16xi1>
      tpu.vector_store_idx %arg11[%select_n3A_1121], %xor3A_1109 masked %and3A_1133 : memref<3200xi32, #tpu.memory_space<vmem>>[vector<16xi32>], vector<16xi32>, vector<16xi1>
      tpu.vector_store_idx %arg12[%select_n3A_1121], %add3A_1124 masked %and3A_1133 : memref<3200xi32, #tpu.memory_space<vmem>>[vector<16xi32>], vector<16xi32>, vector<16xi1>
      %scan3A_1134 = arith.constant 3 : i32
      %scan3A_1135 = arith.addi %scan3A_974, %scan3A_1134 : i32
      %mul3A_1136 = arith.constant 1 : i32
      %mul3A_1137 = arith.muli %scan3A_1135, %mul3A_1136 : i32
      %add3A_1138 = arith.constant 0 : i32
      %add3A_1139 = arith.addi %add3A_1138, %mul3A_1137 : i32
      %mul3A_1140 = arith.constant 16 : i32
      %mul3A_1141 = arith.muli %add3A_1139, %mul3A_1140 : i32
      %ge3A_1142 = arith.constant 1024 : i32
      %ge3A_1143 = arith.cmpi sge, %add3A_1139, %ge3A_1142 : i32
      %jit3A_1144 = arith.constant 16384 : i32
      %jit3A_1145 = arith.constant 0 : i32
      %select_n3A_1146 = arith.select %ge3A_1143, %jit3A_1144, %jit3A_1145 : i32
      %sub3A_1147 = arith.subi %mul3A_1141, %select_n3A_1146 : i32
      %get3A_1148 = arith.index_cast %sub3A_1147 : i32 to index
      %get3A_1149 = tpu.vector_load %arg9[%get3A_1148] {strides = array<i32>} : memref<16384xi32, #tpu.memory_space<vmem>>, vector<16xi32>,
      %get3A_1150 = arith.index_cast %sub3A_1147 : i32 to index
      %get3A_1151 = tpu.vector_load %arg8[%get3A_1150] {strides = array<i32>} : memref<16384xi32, #tpu.memory_space<vmem>>, vector<16xi32>,
      %select_n3A_1152 = arith.select %ge3A_1143, %get3A_1149, %get3A_1151 : vector<16xi32>
      %get3A_1153 = arith.index_cast %sub3A_1147 : i32 to index
      %get3A_1154 = tpu.vector_load %arg10[%get3A_1153] {strides = array<i32>} : memref<16384xf32, #tpu.memory_space<vmem>>, vector<16xf32>,
      %bitcast_convert_type3A_1155 = tpu.bitcast %get3A_1154 : vector<16xf32> -> vector<16xi32>
      %shift_left3A_1156 = arith.constant 1 : i32
      %shift_left3A_1157 = vector.broadcast %shift_left3A_1156 : i32 to vector<16xi32>
      %shift_left3A_1158 = arith.shli %bitcast_convert_type3A_1155, %shift_left3A_1157 : vector<16xi32>
      %jit3A_1159 = arith.constant 1 : i32
      %jit3A_1160 = arith.constant 0 : i32
      %select_n3A_1161 = arith.select %ge3A_1143, %jit3A_1159, %jit3A_1160 : i32
      %or3A_1162 = vector.broadcast %select_n3A_1161 : i32 to vector<16xi32>
      %or3A_1163 = arith.ori %shift_left3A_1158, %or3A_1162 : vector<16xi32>
      %xor3A_1164 = arith.constant -2147483648 : i32
      %xor3A_1165 = vector.broadcast %xor3A_1164 : i32 to vector<16xi32>
      %xor3A_1166 = arith.xori %or3A_1163, %xor3A_1165 : vector<16xi32>
      %sub3A_1167 = vector.broadcast %mul3A_2 : i32 to vector<16xi32>
      %sub3A_1168 = arith.subi %select_n3A_1152, %sub3A_1167 : vector<16xi32>
      %ge3A_1169 = arith.constant 0 : i32
      %ge3A_1170 = vector.broadcast %ge3A_1169 : i32 to vector<16xi32>
      %ge3A_1171 = arith.cmpi sge, %sub3A_1168, %ge3A_1170 : vector<16xi32>
      %lt3A_1172 = arith.constant 3200 : i32
      %lt3A_1173 = vector.broadcast %lt3A_1172 : i32 to vector<16xi32>
      %lt3A_1174 = arith.cmpi slt, %sub3A_1168, %lt3A_1173 : vector<16xi32>
      %and3A_1175 = arith.andi %ge3A_1171, %lt3A_1174 : vector<16xi1>
      %jit3A_1176 = arith.constant 0 : i32
      %broadcast_in_dim3A_1177 = vector.broadcast %jit3A_1176 : i32 to vector<16xi32>
      %select_n3A_1178 = arith.select %and3A_1175, %sub3A_1168, %broadcast_in_dim3A_1177 : vector<16xi1>, vector<16xi32>
      %iota3A_1179 = tpu.iota {dimensions = array<i32: 0>} : vector<16xi32>
      %add3A_1180 = vector.broadcast %mul3A_1141 : i32 to vector<16xi32>
      %add3A_1181 = arith.addi %add3A_1180, %iota3A_1179 : vector<16xi32>
      %gather3A_1182 = tpu.vector_load_idx %arg11[%select_n3A_1178] : memref<3200xi32, #tpu.memory_space<vmem>>[vector<16xi32>], vector<16xi32>,
      %gt3A_1183 = arith.cmpi sgt, %xor3A_1166, %gather3A_1182 : vector<16xi32>
      %and3A_1184 = arith.andi %and3A_1175, %gt3A_1183 : vector<16xi1>
      tpu.vector_store_idx %arg11[%select_n3A_1178], %xor3A_1166 masked %and3A_1184 : memref<3200xi32, #tpu.memory_space<vmem>>[vector<16xi32>], vector<16xi32>, vector<16xi1>
      tpu.vector_store_idx %arg12[%select_n3A_1178], %add3A_1181 masked %and3A_1184 : memref<3200xi32, #tpu.memory_space<vmem>>[vector<16xi32>], vector<16xi32>, vector<16xi1>
      %gather3A_1185 = tpu.vector_load_idx %arg11[%select_n3A_1178] : memref<3200xi32, #tpu.memory_space<vmem>>[vector<16xi32>], vector<16xi32>,
      %gt3A_1186 = arith.cmpi sgt, %xor3A_1166, %gather3A_1185 : vector<16xi32>
      %and3A_1187 = arith.andi %and3A_1175, %gt3A_1186 : vector<16xi1>
      tpu.vector_store_idx %arg11[%select_n3A_1178], %xor3A_1166 masked %and3A_1187 : memref<3200xi32, #tpu.memory_space<vmem>>[vector<16xi32>], vector<16xi32>, vector<16xi1>
      tpu.vector_store_idx %arg12[%select_n3A_1178], %add3A_1181 masked %and3A_1187 : memref<3200xi32, #tpu.memory_space<vmem>>[vector<16xi32>], vector<16xi32>, vector<16xi1>
      %gather3A_1188 = tpu.vector_load_idx %arg11[%select_n3A_1178] : memref<3200xi32, #tpu.memory_space<vmem>>[vector<16xi32>], vector<16xi32>,
      %gt3A_1189 = arith.cmpi sgt, %xor3A_1166, %gather3A_1188 : vector<16xi32>
      %and3A_1190 = arith.andi %and3A_1175, %gt3A_1189 : vector<16xi1>
      tpu.vector_store_idx %arg11[%select_n3A_1178], %xor3A_1166 masked %and3A_1190 : memref<3200xi32, #tpu.memory_space<vmem>>[vector<16xi32>], vector<16xi32>, vector<16xi1>
      tpu.vector_store_idx %arg12[%select_n3A_1178], %add3A_1181 masked %and3A_1190 : memref<3200xi32, #tpu.memory_space<vmem>>[vector<16xi32>], vector<16xi32>, vector<16xi1>
      %scan3A_1191 = arith.constant 4 : i32
      %scan3A_1192 = arith.addi %scan3A_974, %scan3A_1191 : i32
      %mul3A_1193 = arith.constant 1 : i32
      %mul3A_1194 = arith.muli %scan3A_1192, %mul3A_1193 : i32
      %add3A_1195 = arith.constant 0 : i32
      %add3A_1196 = arith.addi %add3A_1195, %mul3A_1194 : i32
      %mul3A_1197 = arith.constant 16 : i32
      %mul3A_1198 = arith.muli %add3A_1196, %mul3A_1197 : i32
      %ge3A_1199 = arith.constant 1024 : i32
      %ge3A_1200 = arith.cmpi sge, %add3A_1196, %ge3A_1199 : i32
      %jit3A_1201 = arith.constant 16384 : i32
      %jit3A_1202 = arith.constant 0 : i32
      %select_n3A_1203 = arith.select %ge3A_1200, %jit3A_1201, %jit3A_1202 : i32
      %sub3A_1204 = arith.subi %mul3A_1198, %select_n3A_1203 : i32
      %get3A_1205 = arith.index_cast %sub3A_1204 : i32 to index
      %get3A_1206 = tpu.vector_load %arg9[%get3A_1205] {strides = array<i32>} : memref<16384xi32, #tpu.memory_space<vmem>>, vector<16xi32>,
      %get3A_1207 = arith.index_cast %sub3A_1204 : i32 to index
      %get3A_1208 = tpu.vector_load %arg8[%get3A_1207] {strides = array<i32>} : memref<16384xi32, #tpu.memory_space<vmem>>, vector<16xi32>,
      %select_n3A_1209 = arith.select %ge3A_1200, %get3A_1206, %get3A_1208 : vector<16xi32>
      %get3A_1210 = arith.index_cast %sub3A_1204 : i32 to index
      %get3A_1211 = tpu.vector_load %arg10[%get3A_1210] {strides = array<i32>} : memref<16384xf32, #tpu.memory_space<vmem>>, vector<16xf32>,
      %bitcast_convert_type3A_1212 = tpu.bitcast %get3A_1211 : vector<16xf32> -> vector<16xi32>
      %shift_left3A_1213 = arith.constant 1 : i32
      %shift_left3A_1214 = vector.broadcast %shift_left3A_1213 : i32 to vector<16xi32>
      %shift_left3A_1215 = arith.shli %bitcast_convert_type3A_1212, %shift_left3A_1214 : vector<16xi32>
      %jit3A_1216 = arith.constant 1 : i32
      %jit3A_1217 = arith.constant 0 : i32
      %select_n3A_1218 = arith.select %ge3A_1200, %jit3A_1216, %jit3A_1217 : i32
      %or3A_1219 = vector.broadcast %select_n3A_1218 : i32 to vector<16xi32>
      %or3A_1220 = arith.ori %shift_left3A_1215, %or3A_1219 : vector<16xi32>
      %xor3A_1221 = arith.constant -2147483648 : i32
      %xor3A_1222 = vector.broadcast %xor3A_1221 : i32 to vector<16xi32>
      %xor3A_1223 = arith.xori %or3A_1220, %xor3A_1222 : vector<16xi32>
      %sub3A_1224 = vector.broadcast %mul3A_2 : i32 to vector<16xi32>
      %sub3A_1225 = arith.subi %select_n3A_1209, %sub3A_1224 : vector<16xi32>
      %ge3A_1226 = arith.constant 0 : i32
      %ge3A_1227 = vector.broadcast %ge3A_1226 : i32 to vector<16xi32>
      %ge3A_1228 = arith.cmpi sge, %sub3A_1225, %ge3A_1227 : vector<16xi32>
      %lt3A_1229 = arith.constant 3200 : i32
      %lt3A_1230 = vector.broadcast %lt3A_1229 : i32 to vector<16xi32>
      %lt3A_1231 = arith.cmpi slt, %sub3A_1225, %lt3A_1230 : vector<16xi32>
      %and3A_1232 = arith.andi %ge3A_1228, %lt3A_1231 : vector<16xi1>
      %jit3A_1233 = arith.constant 0 : i32
      %broadcast_in_dim3A_1234 = vector.broadcast %jit3A_1233 : i32 to vector<16xi32>
      %select_n3A_1235 = arith.select %and3A_1232, %sub3A_1225, %broadcast_in_dim3A_1234 : vector<16xi1>, vector<16xi32>
      %iota3A_1236 = tpu.iota {dimensions = array<i32: 0>} : vector<16xi32>
      %add3A_1237 = vector.broadcast %mul3A_1198 : i32 to vector<16xi32>
      %add3A_1238 = arith.addi %add3A_1237, %iota3A_1236 : vector<16xi32>
      %gather3A_1239 = tpu.vector_load_idx %arg11[%select_n3A_1235] : memref<3200xi32, #tpu.memory_space<vmem>>[vector<16xi32>], vector<16xi32>,
      %gt3A_1240 = arith.cmpi sgt, %xor3A_1223, %gather3A_1239 : vector<16xi32>
      %and3A_1241 = arith.andi %and3A_1232, %gt3A_1240 : vector<16xi1>
      tpu.vector_store_idx %arg11[%select_n3A_1235], %xor3A_1223 masked %and3A_1241 : memref<3200xi32, #tpu.memory_space<vmem>>[vector<16xi32>], vector<16xi32>, vector<16xi1>
      tpu.vector_store_idx %arg12[%select_n3A_1235], %add3A_1238 masked %and3A_1241 : memref<3200xi32, #tpu.memory_space<vmem>>[vector<16xi32>], vector<16xi32>, vector<16xi1>
      %gather3A_1242 = tpu.vector_load_idx %arg11[%select_n3A_1235] : memref<3200xi32, #tpu.memory_space<vmem>>[vector<16xi32>], vector<16xi32>,
      %gt3A_1243 = arith.cmpi sgt, %xor3A_1223, %gather3A_1242 : vector<16xi32>
      %and3A_1244 = arith.andi %and3A_1232, %gt3A_1243 : vector<16xi1>
      tpu.vector_store_idx %arg11[%select_n3A_1235], %xor3A_1223 masked %and3A_1244 : memref<3200xi32, #tpu.memory_space<vmem>>[vector<16xi32>], vector<16xi32>, vector<16xi1>
      tpu.vector_store_idx %arg12[%select_n3A_1235], %add3A_1238 masked %and3A_1244 : memref<3200xi32, #tpu.memory_space<vmem>>[vector<16xi32>], vector<16xi32>, vector<16xi1>
      %gather3A_1245 = tpu.vector_load_idx %arg11[%select_n3A_1235] : memref<3200xi32, #tpu.memory_space<vmem>>[vector<16xi32>], vector<16xi32>,
      %gt3A_1246 = arith.cmpi sgt, %xor3A_1223, %gather3A_1245 : vector<16xi32>
      %and3A_1247 = arith.andi %and3A_1232, %gt3A_1246 : vector<16xi1>
      tpu.vector_store_idx %arg11[%select_n3A_1235], %xor3A_1223 masked %and3A_1247 : memref<3200xi32, #tpu.memory_space<vmem>>[vector<16xi32>], vector<16xi32>, vector<16xi1>
      tpu.vector_store_idx %arg12[%select_n3A_1235], %add3A_1238 masked %and3A_1247 : memref<3200xi32, #tpu.memory_space<vmem>>[vector<16xi32>], vector<16xi32>, vector<16xi1>
      %scan3A_1248 = arith.constant 5 : i32
      %scan3A_1249 = arith.addi %scan3A_974, %scan3A_1248 : i32
      %mul3A_1250 = arith.constant 1 : i32
      %mul3A_1251 = arith.muli %scan3A_1249, %mul3A_1250 : i32
      %add3A_1252 = arith.constant 0 : i32
      %add3A_1253 = arith.addi %add3A_1252, %mul3A_1251 : i32
      %mul3A_1254 = arith.constant 16 : i32
      %mul3A_1255 = arith.muli %add3A_1253, %mul3A_1254 : i32
      %ge3A_1256 = arith.constant 1024 : i32
      %ge3A_1257 = arith.cmpi sge, %add3A_1253, %ge3A_1256 : i32
      %jit3A_1258 = arith.constant 16384 : i32
      %jit3A_1259 = arith.constant 0 : i32
      %select_n3A_1260 = arith.select %ge3A_1257, %jit3A_1258, %jit3A_1259 : i32
      %sub3A_1261 = arith.subi %mul3A_1255, %select_n3A_1260 : i32
      %get3A_1262 = arith.index_cast %sub3A_1261 : i32 to index
      %get3A_1263 = tpu.vector_load %arg9[%get3A_1262] {strides = array<i32>} : memref<16384xi32, #tpu.memory_space<vmem>>, vector<16xi32>,
      %get3A_1264 = arith.index_cast %sub3A_1261 : i32 to index
      %get3A_1265 = tpu.vector_load %arg8[%get3A_1264] {strides = array<i32>} : memref<16384xi32, #tpu.memory_space<vmem>>, vector<16xi32>,
      %select_n3A_1266 = arith.select %ge3A_1257, %get3A_1263, %get3A_1265 : vector<16xi32>
      %get3A_1267 = arith.index_cast %sub3A_1261 : i32 to index
      %get3A_1268 = tpu.vector_load %arg10[%get3A_1267] {strides = array<i32>} : memref<16384xf32, #tpu.memory_space<vmem>>, vector<16xf32>,
      %bitcast_convert_type3A_1269 = tpu.bitcast %get3A_1268 : vector<16xf32> -> vector<16xi32>
      %shift_left3A_1270 = arith.constant 1 : i32
      %shift_left3A_1271 = vector.broadcast %shift_left3A_1270 : i32 to vector<16xi32>
      %shift_left3A_1272 = arith.shli %bitcast_convert_type3A_1269, %shift_left3A_1271 : vector<16xi32>
      %jit3A_1273 = arith.constant 1 : i32
      %jit3A_1274 = arith.constant 0 : i32
      %select_n3A_1275 = arith.select %ge3A_1257, %jit3A_1273, %jit3A_1274 : i32
      %or3A_1276 = vector.broadcast %select_n3A_1275 : i32 to vector<16xi32>
      %or3A_1277 = arith.ori %shift_left3A_1272, %or3A_1276 : vector<16xi32>
      %xor3A_1278 = arith.constant -2147483648 : i32
      %xor3A_1279 = vector.broadcast %xor3A_1278 : i32 to vector<16xi32>
      %xor3A_1280 = arith.xori %or3A_1277, %xor3A_1279 : vector<16xi32>
      %sub3A_1281 = vector.broadcast %mul3A_2 : i32 to vector<16xi32>
      %sub3A_1282 = arith.subi %select_n3A_1266, %sub3A_1281 : vector<16xi32>
      %ge3A_1283 = arith.constant 0 : i32
      %ge3A_1284 = vector.broadcast %ge3A_1283 : i32 to vector<16xi32>
      %ge3A_1285 = arith.cmpi sge, %sub3A_1282, %ge3A_1284 : vector<16xi32>
      %lt3A_1286 = arith.constant 3200 : i32
      %lt3A_1287 = vector.broadcast %lt3A_1286 : i32 to vector<16xi32>
      %lt3A_1288 = arith.cmpi slt, %sub3A_1282, %lt3A_1287 : vector<16xi32>
      %and3A_1289 = arith.andi %ge3A_1285, %lt3A_1288 : vector<16xi1>
      %jit3A_1290 = arith.constant 0 : i32
      %broadcast_in_dim3A_1291 = vector.broadcast %jit3A_1290 : i32 to vector<16xi32>
      %select_n3A_1292 = arith.select %and3A_1289, %sub3A_1282, %broadcast_in_dim3A_1291 : vector<16xi1>, vector<16xi32>
      %iota3A_1293 = tpu.iota {dimensions = array<i32: 0>} : vector<16xi32>
      %add3A_1294 = vector.broadcast %mul3A_1255 : i32 to vector<16xi32>
      %add3A_1295 = arith.addi %add3A_1294, %iota3A_1293 : vector<16xi32>
      %gather3A_1296 = tpu.vector_load_idx %arg11[%select_n3A_1292] : memref<3200xi32, #tpu.memory_space<vmem>>[vector<16xi32>], vector<16xi32>,
      %gt3A_1297 = arith.cmpi sgt, %xor3A_1280, %gather3A_1296 : vector<16xi32>
      %and3A_1298 = arith.andi %and3A_1289, %gt3A_1297 : vector<16xi1>
      tpu.vector_store_idx %arg11[%select_n3A_1292], %xor3A_1280 masked %and3A_1298 : memref<3200xi32, #tpu.memory_space<vmem>>[vector<16xi32>], vector<16xi32>, vector<16xi1>
      tpu.vector_store_idx %arg12[%select_n3A_1292], %add3A_1295 masked %and3A_1298 : memref<3200xi32, #tpu.memory_space<vmem>>[vector<16xi32>], vector<16xi32>, vector<16xi1>
      %gather3A_1299 = tpu.vector_load_idx %arg11[%select_n3A_1292] : memref<3200xi32, #tpu.memory_space<vmem>>[vector<16xi32>], vector<16xi32>,
      %gt3A_1300 = arith.cmpi sgt, %xor3A_1280, %gather3A_1299 : vector<16xi32>
      %and3A_1301 = arith.andi %and3A_1289, %gt3A_1300 : vector<16xi1>
      tpu.vector_store_idx %arg11[%select_n3A_1292], %xor3A_1280 masked %and3A_1301 : memref<3200xi32, #tpu.memory_space<vmem>>[vector<16xi32>], vector<16xi32>, vector<16xi1>
      tpu.vector_store_idx %arg12[%select_n3A_1292], %add3A_1295 masked %and3A_1301 : memref<3200xi32, #tpu.memory_space<vmem>>[vector<16xi32>], vector<16xi32>, vector<16xi1>
      %gather3A_1302 = tpu.vector_load_idx %arg11[%select_n3A_1292] : memref<3200xi32, #tpu.memory_space<vmem>>[vector<16xi32>], vector<16xi32>,
      %gt3A_1303 = arith.cmpi sgt, %xor3A_1280, %gather3A_1302 : vector<16xi32>
      %and3A_1304 = arith.andi %and3A_1289, %gt3A_1303 : vector<16xi1>
      tpu.vector_store_idx %arg11[%select_n3A_1292], %xor3A_1280 masked %and3A_1304 : memref<3200xi32, #tpu.memory_space<vmem>>[vector<16xi32>], vector<16xi32>, vector<16xi1>
      tpu.vector_store_idx %arg12[%select_n3A_1292], %add3A_1295 masked %and3A_1304 : memref<3200xi32, #tpu.memory_space<vmem>>[vector<16xi32>], vector<16xi32>, vector<16xi1>
      %scan3A_1305 = arith.constant 6 : i32
      %scan3A_1306 = arith.addi %scan3A_974, %scan3A_1305 : i32
      %mul3A_1307 = arith.constant 1 : i32
      %mul3A_1308 = arith.muli %scan3A_1306, %mul3A_1307 : i32
      %add3A_1309 = arith.constant 0 : i32
      %add3A_1310 = arith.addi %add3A_1309, %mul3A_1308 : i32
      %mul3A_1311 = arith.constant 16 : i32
      %mul3A_1312 = arith.muli %add3A_1310, %mul3A_1311 : i32
      %ge3A_1313 = arith.constant 1024 : i32
      %ge3A_1314 = arith.cmpi sge, %add3A_1310, %ge3A_1313 : i32
      %jit3A_1315 = arith.constant 16384 : i32
      %jit3A_1316 = arith.constant 0 : i32
      %select_n3A_1317 = arith.select %ge3A_1314, %jit3A_1315, %jit3A_1316 : i32
      %sub3A_1318 = arith.subi %mul3A_1312, %select_n3A_1317 : i32
      %get3A_1319 = arith.index_cast %sub3A_1318 : i32 to index
      %get3A_1320 = tpu.vector_load %arg9[%get3A_1319] {strides = array<i32>} : memref<16384xi32, #tpu.memory_space<vmem>>, vector<16xi32>,
      %get3A_1321 = arith.index_cast %sub3A_1318 : i32 to index
      %get3A_1322 = tpu.vector_load %arg8[%get3A_1321] {strides = array<i32>} : memref<16384xi32, #tpu.memory_space<vmem>>, vector<16xi32>,
      %select_n3A_1323 = arith.select %ge3A_1314, %get3A_1320, %get3A_1322 : vector<16xi32>
      %get3A_1324 = arith.index_cast %sub3A_1318 : i32 to index
      %get3A_1325 = tpu.vector_load %arg10[%get3A_1324] {strides = array<i32>} : memref<16384xf32, #tpu.memory_space<vmem>>, vector<16xf32>,
      %bitcast_convert_type3A_1326 = tpu.bitcast %get3A_1325 : vector<16xf32> -> vector<16xi32>
      %shift_left3A_1327 = arith.constant 1 : i32
      %shift_left3A_1328 = vector.broadcast %shift_left3A_1327 : i32 to vector<16xi32>
      %shift_left3A_1329 = arith.shli %bitcast_convert_type3A_1326, %shift_left3A_1328 : vector<16xi32>
      %jit3A_1330 = arith.constant 1 : i32
      %jit3A_1331 = arith.constant 0 : i32
      %select_n3A_1332 = arith.select %ge3A_1314, %jit3A_1330, %jit3A_1331 : i32
      %or3A_1333 = vector.broadcast %select_n3A_1332 : i32 to vector<16xi32>
      %or3A_1334 = arith.ori %shift_left3A_1329, %or3A_1333 : vector<16xi32>
      %xor3A_1335 = arith.constant -2147483648 : i32
      %xor3A_1336 = vector.broadcast %xor3A_1335 : i32 to vector<16xi32>
      %xor3A_1337 = arith.xori %or3A_1334, %xor3A_1336 : vector<16xi32>
      %sub3A_1338 = vector.broadcast %mul3A_2 : i32 to vector<16xi32>
      %sub3A_1339 = arith.subi %select_n3A_1323, %sub3A_1338 : vector<16xi32>
      %ge3A_1340 = arith.constant 0 : i32
      %ge3A_1341 = vector.broadcast %ge3A_1340 : i32 to vector<16xi32>
      %ge3A_1342 = arith.cmpi sge, %sub3A_1339, %ge3A_1341 : vector<16xi32>
      %lt3A_1343 = arith.constant 3200 : i32
      %lt3A_1344 = vector.broadcast %lt3A_1343 : i32 to vector<16xi32>
      %lt3A_1345 = arith.cmpi slt, %sub3A_1339, %lt3A_1344 : vector<16xi32>
      %and3A_1346 = arith.andi %ge3A_1342, %lt3A_1345 : vector<16xi1>
      %jit3A_1347 = arith.constant 0 : i32
      %broadcast_in_dim3A_1348 = vector.broadcast %jit3A_1347 : i32 to vector<16xi32>
      %select_n3A_1349 = arith.select %and3A_1346, %sub3A_1339, %broadcast_in_dim3A_1348 : vector<16xi1>, vector<16xi32>
      %iota3A_1350 = tpu.iota {dimensions = array<i32: 0>} : vector<16xi32>
      %add3A_1351 = vector.broadcast %mul3A_1312 : i32 to vector<16xi32>
      %add3A_1352 = arith.addi %add3A_1351, %iota3A_1350 : vector<16xi32>
      %gather3A_1353 = tpu.vector_load_idx %arg11[%select_n3A_1349] : memref<3200xi32, #tpu.memory_space<vmem>>[vector<16xi32>], vector<16xi32>,
      %gt3A_1354 = arith.cmpi sgt, %xor3A_1337, %gather3A_1353 : vector<16xi32>
      %and3A_1355 = arith.andi %and3A_1346, %gt3A_1354 : vector<16xi1>
      tpu.vector_store_idx %arg11[%select_n3A_1349], %xor3A_1337 masked %and3A_1355 : memref<3200xi32, #tpu.memory_space<vmem>>[vector<16xi32>], vector<16xi32>, vector<16xi1>
      tpu.vector_store_idx %arg12[%select_n3A_1349], %add3A_1352 masked %and3A_1355 : memref<3200xi32, #tpu.memory_space<vmem>>[vector<16xi32>], vector<16xi32>, vector<16xi1>
      %gather3A_1356 = tpu.vector_load_idx %arg11[%select_n3A_1349] : memref<3200xi32, #tpu.memory_space<vmem>>[vector<16xi32>], vector<16xi32>,
      %gt3A_1357 = arith.cmpi sgt, %xor3A_1337, %gather3A_1356 : vector<16xi32>
      %and3A_1358 = arith.andi %and3A_1346, %gt3A_1357 : vector<16xi1>
      tpu.vector_store_idx %arg11[%select_n3A_1349], %xor3A_1337 masked %and3A_1358 : memref<3200xi32, #tpu.memory_space<vmem>>[vector<16xi32>], vector<16xi32>, vector<16xi1>
      tpu.vector_store_idx %arg12[%select_n3A_1349], %add3A_1352 masked %and3A_1358 : memref<3200xi32, #tpu.memory_space<vmem>>[vector<16xi32>], vector<16xi32>, vector<16xi1>
      %gather3A_1359 = tpu.vector_load_idx %arg11[%select_n3A_1349] : memref<3200xi32, #tpu.memory_space<vmem>>[vector<16xi32>], vector<16xi32>,
      %gt3A_1360 = arith.cmpi sgt, %xor3A_1337, %gather3A_1359 : vector<16xi32>
      %and3A_1361 = arith.andi %and3A_1346, %gt3A_1360 : vector<16xi1>
      tpu.vector_store_idx %arg11[%select_n3A_1349], %xor3A_1337 masked %and3A_1361 : memref<3200xi32, #tpu.memory_space<vmem>>[vector<16xi32>], vector<16xi32>, vector<16xi1>
      tpu.vector_store_idx %arg12[%select_n3A_1349], %add3A_1352 masked %and3A_1361 : memref<3200xi32, #tpu.memory_space<vmem>>[vector<16xi32>], vector<16xi32>, vector<16xi1>
      %scan3A_1362 = arith.constant 7 : i32
      %scan3A_1363 = arith.addi %scan3A_974, %scan3A_1362 : i32
      %mul3A_1364 = arith.constant 1 : i32
      %mul3A_1365 = arith.muli %scan3A_1363, %mul3A_1364 : i32
      %add3A_1366 = arith.constant 0 : i32
      %add3A_1367 = arith.addi %add3A_1366, %mul3A_1365 : i32
      %mul3A_1368 = arith.constant 16 : i32
      %mul3A_1369 = arith.muli %add3A_1367, %mul3A_1368 : i32
      %ge3A_1370 = arith.constant 1024 : i32
      %ge3A_1371 = arith.cmpi sge, %add3A_1367, %ge3A_1370 : i32
      %jit3A_1372 = arith.constant 16384 : i32
      %jit3A_1373 = arith.constant 0 : i32
      %select_n3A_1374 = arith.select %ge3A_1371, %jit3A_1372, %jit3A_1373 : i32
      %sub3A_1375 = arith.subi %mul3A_1369, %select_n3A_1374 : i32
      %get3A_1376 = arith.index_cast %sub3A_1375 : i32 to index
      %get3A_1377 = tpu.vector_load %arg9[%get3A_1376] {strides = array<i32>} : memref<16384xi32, #tpu.memory_space<vmem>>, vector<16xi32>,
      %get3A_1378 = arith.index_cast %sub3A_1375 : i32 to index
      %get3A_1379 = tpu.vector_load %arg8[%get3A_1378] {strides = array<i32>} : memref<16384xi32, #tpu.memory_space<vmem>>, vector<16xi32>,
      %select_n3A_1380 = arith.select %ge3A_1371, %get3A_1377, %get3A_1379 : vector<16xi32>
      %get3A_1381 = arith.index_cast %sub3A_1375 : i32 to index
      %get3A_1382 = tpu.vector_load %arg10[%get3A_1381] {strides = array<i32>} : memref<16384xf32, #tpu.memory_space<vmem>>, vector<16xf32>,
      %bitcast_convert_type3A_1383 = tpu.bitcast %get3A_1382 : vector<16xf32> -> vector<16xi32>
      %shift_left3A_1384 = arith.constant 1 : i32
      %shift_left3A_1385 = vector.broadcast %shift_left3A_1384 : i32 to vector<16xi32>
      %shift_left3A_1386 = arith.shli %bitcast_convert_type3A_1383, %shift_left3A_1385 : vector<16xi32>
      %jit3A_1387 = arith.constant 1 : i32
      %jit3A_1388 = arith.constant 0 : i32
      %select_n3A_1389 = arith.select %ge3A_1371, %jit3A_1387, %jit3A_1388 : i32
      %or3A_1390 = vector.broadcast %select_n3A_1389 : i32 to vector<16xi32>
      %or3A_1391 = arith.ori %shift_left3A_1386, %or3A_1390 : vector<16xi32>
      %xor3A_1392 = arith.constant -2147483648 : i32
      %xor3A_1393 = vector.broadcast %xor3A_1392 : i32 to vector<16xi32>
      %xor3A_1394 = arith.xori %or3A_1391, %xor3A_1393 : vector<16xi32>
      %sub3A_1395 = vector.broadcast %mul3A_2 : i32 to vector<16xi32>
      %sub3A_1396 = arith.subi %select_n3A_1380, %sub3A_1395 : vector<16xi32>
      %ge3A_1397 = arith.constant 0 : i32
      %ge3A_1398 = vector.broadcast %ge3A_1397 : i32 to vector<16xi32>
      %ge3A_1399 = arith.cmpi sge, %sub3A_1396, %ge3A_1398 : vector<16xi32>
      %lt3A_1400 = arith.constant 3200 : i32
      %lt3A_1401 = vector.broadcast %lt3A_1400 : i32 to vector<16xi32>
      %lt3A_1402 = arith.cmpi slt, %sub3A_1396, %lt3A_1401 : vector<16xi32>
      %and3A_1403 = arith.andi %ge3A_1399, %lt3A_1402 : vector<16xi1>
      %jit3A_1404 = arith.constant 0 : i32
      %broadcast_in_dim3A_1405 = vector.broadcast %jit3A_1404 : i32 to vector<16xi32>
      %select_n3A_1406 = arith.select %and3A_1403, %sub3A_1396, %broadcast_in_dim3A_1405 : vector<16xi1>, vector<16xi32>
      %iota3A_1407 = tpu.iota {dimensions = array<i32: 0>} : vector<16xi32>
      %add3A_1408 = vector.broadcast %mul3A_1369 : i32 to vector<16xi32>
      %add3A_1409 = arith.addi %add3A_1408, %iota3A_1407 : vector<16xi32>
      %gather3A_1410 = tpu.vector_load_idx %arg11[%select_n3A_1406] : memref<3200xi32, #tpu.memory_space<vmem>>[vector<16xi32>], vector<16xi32>,
      %gt3A_1411 = arith.cmpi sgt, %xor3A_1394, %gather3A_1410 : vector<16xi32>
      %and3A_1412 = arith.andi %and3A_1403, %gt3A_1411 : vector<16xi1>
      tpu.vector_store_idx %arg11[%select_n3A_1406], %xor3A_1394 masked %and3A_1412 : memref<3200xi32, #tpu.memory_space<vmem>>[vector<16xi32>], vector<16xi32>, vector<16xi1>
      tpu.vector_store_idx %arg12[%select_n3A_1406], %add3A_1409 masked %and3A_1412 : memref<3200xi32, #tpu.memory_space<vmem>>[vector<16xi32>], vector<16xi32>, vector<16xi1>
      %gather3A_1413 = tpu.vector_load_idx %arg11[%select_n3A_1406] : memref<3200xi32, #tpu.memory_space<vmem>>[vector<16xi32>], vector<16xi32>,
      %gt3A_1414 = arith.cmpi sgt, %xor3A_1394, %gather3A_1413 : vector<16xi32>
      %and3A_1415 = arith.andi %and3A_1403, %gt3A_1414 : vector<16xi1>
      tpu.vector_store_idx %arg11[%select_n3A_1406], %xor3A_1394 masked %and3A_1415 : memref<3200xi32, #tpu.memory_space<vmem>>[vector<16xi32>], vector<16xi32>, vector<16xi1>
      tpu.vector_store_idx %arg12[%select_n3A_1406], %add3A_1409 masked %and3A_1415 : memref<3200xi32, #tpu.memory_space<vmem>>[vector<16xi32>], vector<16xi32>, vector<16xi1>
      %gather3A_1416 = tpu.vector_load_idx %arg11[%select_n3A_1406] : memref<3200xi32, #tpu.memory_space<vmem>>[vector<16xi32>], vector<16xi32>,
      %gt3A_1417 = arith.cmpi sgt, %xor3A_1394, %gather3A_1416 : vector<16xi32>
      %and3A_1418 = arith.andi %and3A_1403, %gt3A_1417 : vector<16xi1>
      tpu.vector_store_idx %arg11[%select_n3A_1406], %xor3A_1394 masked %and3A_1418 : memref<3200xi32, #tpu.memory_space<vmem>>[vector<16xi32>], vector<16xi32>, vector<16xi1>
      tpu.vector_store_idx %arg12[%select_n3A_1406], %add3A_1409 masked %and3A_1418 : memref<3200xi32, #tpu.memory_space<vmem>>[vector<16xi32>], vector<16xi32>, vector<16xi1>
    }
    %scan3A_14 = arith.constant 2048 : i32
    "tpu.region"() ({
      %run_scoped3A = tpu.sem_alloc : memref<!tpu.dma_semaphore, #tpu.memory_space<semaphore_mem>>
      %dma_start3A_974 = tpu.memref_slice %arg6[%mul3A_2] : memref<102400xi32, #tpu.memory_space<hbm>> -> memref<3200xi32, #tpu.memory_space<hbm>>
      %dma_start3A_975 = tpu.memref_slice %arg6[%mul3A_2] : memref<102400xi32, #tpu.memory_space<hbm>> -> memref<3200xi32, #tpu.memory_space<hbm>>
      tpu.enqueue_dma source(%arg12 : memref<3200xi32, #tpu.memory_space<vmem>>) target(%dma_start3A_975 : memref<3200xi32, #tpu.memory_space<hbm>>) target_semaphore(%run_scoped3A : memref<!tpu.dma_semaphore, #tpu.memory_space<semaphore_mem>>)
      %dma_wait3A_976 = tpu.memref_slice %arg6[%mul3A_2] : memref<102400xi32, #tpu.memory_space<hbm>> -> memref<3200xi32, #tpu.memory_space<hbm>>
      %dma_wait3A_977 = tpu.memref_slice %arg6[%mul3A_2] : memref<102400xi32, #tpu.memory_space<hbm>> -> memref<3200xi32, #tpu.memory_space<hbm>>
      tpu.wait_dma2 semaphore(%run_scoped3A : memref<!tpu.dma_semaphore, #tpu.memory_space<semaphore_mem>>) src(%arg12 : memref<3200xi32, #tpu.memory_space<vmem>>) dst(%dma_wait3A_977 : memref<3200xi32, #tpu.memory_space<hbm>>)
      tpu.yield
    }) : () -> ()
    %mul3A_15 = arith.constant 1024 : i32
    %mul3A_16 = arith.muli %add3A, %mul3A_15 : i32
    %jit3A = arith.constant 16384 : i32
    %jit3A_17 = arith.constant 0 : i32
    %select_n3A = arith.select %ge3A_3, %jit3A, %jit3A_17 : i32
    %sub3A = arith.subi %mul3A_16, %select_n3A : i32
    %add3A_18 = arith.constant 0 : i32
    %add3A_19 = arith.addi %sub3A, %add3A_18 : i32
    %add3A_20 = arith.constant 0 : i32
    %add3A_21 = arith.addi %add3A_19, %add3A_20 : i32
    %get3A = arith.index_cast %add3A_21 : i32 to index
    %get3A_22 = tpu.vector_load %arg9[%get3A] {strides = array<i32>} : memref<16384xi32, #tpu.memory_space<vmem>>, vector<16xi32>,
    %get3A_23 = arith.index_cast %add3A_21 : i32 to index
    %get3A_24 = tpu.vector_load %arg8[%get3A_23] {strides = array<i32>} : memref<16384xi32, #tpu.memory_space<vmem>>, vector<16xi32>,
    %select_n3A_25 = arith.select %ge3A_3, %get3A_22, %get3A_24 : vector<16xi32>
    %swap3A = arith.constant 0 : i32
    %swap3A_26 = arith.index_cast %swap3A : i32 to index
    %swap3A_27 = arith.constant 0 : index
    %swap3A_28 = tpu.vector_load %arg13[%swap3A_26, %swap3A_27] {strides = array<i32>} : memref<8x128xi32, #tpu.memory_space<vmem>>, vector<16xi32>,
    tpu.vector_store %arg13[%swap3A_26, %swap3A_27], %select_n3A_25 {strides = array<i32>} : memref<8x128xi32, #tpu.memory_space<vmem>>, vector<16xi32>,
    %add3A_29 = arith.constant 0 : i32
    %add3A_30 = arith.addi %sub3A, %add3A_29 : i32
    %add3A_31 = arith.constant 16 : i32
    %add3A_32 = arith.addi %add3A_30, %add3A_31 : i32
    %get3A_33 = arith.index_cast %add3A_32 : i32 to index
    %get3A_34 = tpu.vector_load %arg9[%get3A_33] {strides = array<i32>} : memref<16384xi32, #tpu.memory_space<vmem>>, vector<16xi32>,
    %get3A_35 = arith.index_cast %add3A_32 : i32 to index
    %get3A_36 = tpu.vector_load %arg8[%get3A_35] {strides = array<i32>} : memref<16384xi32, #tpu.memory_space<vmem>>, vector<16xi32>,
    %select_n3A_37 = arith.select %ge3A_3, %get3A_34, %get3A_36 : vector<16xi32>
    %swap3A_38 = arith.constant 0 : i32
    %swap3A_39 = arith.index_cast %swap3A_38 : i32 to index
    %swap3A_40 = arith.constant 16 : index
    %swap3A_41 = tpu.vector_load %arg13[%swap3A_39, %swap3A_40] {strides = array<i32>} : memref<8x128xi32, #tpu.memory_space<vmem>>, vector<16xi32>,
    tpu.vector_store %arg13[%swap3A_39, %swap3A_40], %select_n3A_37 {strides = array<i32>} : memref<8x128xi32, #tpu.memory_space<vmem>>, vector<16xi32>,
    %add3A_42 = arith.constant 0 : i32
    %add3A_43 = arith.addi %sub3A, %add3A_42 : i32
    %add3A_44 = arith.constant 32 : i32
    %add3A_45 = arith.addi %add3A_43, %add3A_44 : i32
    %get3A_46 = arith.index_cast %add3A_45 : i32 to index
    %get3A_47 = tpu.vector_load %arg9[%get3A_46] {strides = array<i32>} : memref<16384xi32, #tpu.memory_space<vmem>>, vector<16xi32>,
    %get3A_48 = arith.index_cast %add3A_45 : i32 to index
    %get3A_49 = tpu.vector_load %arg8[%get3A_48] {strides = array<i32>} : memref<16384xi32, #tpu.memory_space<vmem>>, vector<16xi32>,
    %select_n3A_50 = arith.select %ge3A_3, %get3A_47, %get3A_49 : vector<16xi32>
    %swap3A_51 = arith.constant 0 : i32
    %swap3A_52 = arith.index_cast %swap3A_51 : i32 to index
    %swap3A_53 = arith.constant 32 : index
    %swap3A_54 = tpu.vector_load %arg13[%swap3A_52, %swap3A_53] {strides = array<i32>} : memref<8x128xi32, #tpu.memory_space<vmem>>, vector<16xi32>,
    tpu.vector_store %arg13[%swap3A_52, %swap3A_53], %select_n3A_50 {strides = array<i32>} : memref<8x128xi32, #tpu.memory_space<vmem>>, vector<16xi32>,
    %add3A_55 = arith.constant 0 : i32
    %add3A_56 = arith.addi %sub3A, %add3A_55 : i32
    %add3A_57 = arith.constant 48 : i32
    %add3A_58 = arith.addi %add3A_56, %add3A_57 : i32
    %get3A_59 = arith.index_cast %add3A_58 : i32 to index
    %get3A_60 = tpu.vector_load %arg9[%get3A_59] {strides = array<i32>} : memref<16384xi32, #tpu.memory_space<vmem>>, vector<16xi32>,
    %get3A_61 = arith.index_cast %add3A_58 : i32 to index
    %get3A_62 = tpu.vector_load %arg8[%get3A_61] {strides = array<i32>} : memref<16384xi32, #tpu.memory_space<vmem>>, vector<16xi32>,
    %select_n3A_63 = arith.select %ge3A_3, %get3A_60, %get3A_62 : vector<16xi32>
    %swap3A_64 = arith.constant 0 : i32
    %swap3A_65 = arith.index_cast %swap3A_64 : i32 to index
    %swap3A_66 = arith.constant 48 : index
    %swap3A_67 = tpu.vector_load %arg13[%swap3A_65, %swap3A_66] {strides = array<i32>} : memref<8x128xi32, #tpu.memory_space<vmem>>, vector<16xi32>,
    tpu.vector_store %arg13[%swap3A_65, %swap3A_66], %select_n3A_63 {strides = array<i32>} : memref<8x128xi32, #tpu.memory_space<vmem>>, vector<16xi32>,
    %add3A_68 = arith.constant 0 : i32
    %add3A_69 = arith.addi %sub3A, %add3A_68 : i32
    %add3A_70 = arith.constant 64 : i32
    %add3A_71 = arith.addi %add3A_69, %add3A_70 : i32
    %get3A_72 = arith.index_cast %add3A_71 : i32 to index
    %get3A_73 = tpu.vector_load %arg9[%get3A_72] {strides = array<i32>} : memref<16384xi32, #tpu.memory_space<vmem>>, vector<16xi32>,
    %get3A_74 = arith.index_cast %add3A_71 : i32 to index
    %get3A_75 = tpu.vector_load %arg8[%get3A_74] {strides = array<i32>} : memref<16384xi32, #tpu.memory_space<vmem>>, vector<16xi32>,
    %select_n3A_76 = arith.select %ge3A_3, %get3A_73, %get3A_75 : vector<16xi32>
    %swap3A_77 = arith.constant 0 : i32
    %swap3A_78 = arith.index_cast %swap3A_77 : i32 to index
    %swap3A_79 = arith.constant 64 : index
    %swap3A_80 = tpu.vector_load %arg13[%swap3A_78, %swap3A_79] {strides = array<i32>} : memref<8x128xi32, #tpu.memory_space<vmem>>, vector<16xi32>,
    tpu.vector_store %arg13[%swap3A_78, %swap3A_79], %select_n3A_76 {strides = array<i32>} : memref<8x128xi32, #tpu.memory_space<vmem>>, vector<16xi32>,
    %add3A_81 = arith.constant 0 : i32
    %add3A_82 = arith.addi %sub3A, %add3A_81 : i32
    %add3A_83 = arith.constant 80 : i32
    %add3A_84 = arith.addi %add3A_82, %add3A_83 : i32
    %get3A_85 = arith.index_cast %add3A_84 : i32 to index
    %get3A_86 = tpu.vector_load %arg9[%get3A_85] {strides = array<i32>} : memref<16384xi32, #tpu.memory_space<vmem>>, vector<16xi32>,
    %get3A_87 = arith.index_cast %add3A_84 : i32 to index
    %get3A_88 = tpu.vector_load %arg8[%get3A_87] {strides = array<i32>} : memref<16384xi32, #tpu.memory_space<vmem>>, vector<16xi32>,
    %select_n3A_89 = arith.select %ge3A_3, %get3A_86, %get3A_88 : vector<16xi32>
    %swap3A_90 = arith.constant 0 : i32
    %swap3A_91 = arith.index_cast %swap3A_90 : i32 to index
    %swap3A_92 = arith.constant 80 : index
    %swap3A_93 = tpu.vector_load %arg13[%swap3A_91, %swap3A_92] {strides = array<i32>} : memref<8x128xi32, #tpu.memory_space<vmem>>, vector<16xi32>,
    tpu.vector_store %arg13[%swap3A_91, %swap3A_92], %select_n3A_89 {strides = array<i32>} : memref<8x128xi32, #tpu.memory_space<vmem>>, vector<16xi32>,
    %add3A_94 = arith.constant 0 : i32
    %add3A_95 = arith.addi %sub3A, %add3A_94 : i32
    %add3A_96 = arith.constant 96 : i32
    %add3A_97 = arith.addi %add3A_95, %add3A_96 : i32
    %get3A_98 = arith.index_cast %add3A_97 : i32 to index
    %get3A_99 = tpu.vector_load %arg9[%get3A_98] {strides = array<i32>} : memref<16384xi32, #tpu.memory_space<vmem>>, vector<16xi32>,
    %get3A_100 = arith.index_cast %add3A_97 : i32 to index
    %get3A_101 = tpu.vector_load %arg8[%get3A_100] {strides = array<i32>} : memref<16384xi32, #tpu.memory_space<vmem>>, vector<16xi32>,
    %select_n3A_102 = arith.select %ge3A_3, %get3A_99, %get3A_101 : vector<16xi32>
    %swap3A_103 = arith.constant 0 : i32
    %swap3A_104 = arith.index_cast %swap3A_103 : i32 to index
    %swap3A_105 = arith.constant 96 : index
    %swap3A_106 = tpu.vector_load %arg13[%swap3A_104, %swap3A_105] {strides = array<i32>} : memref<8x128xi32, #tpu.memory_space<vmem>>, vector<16xi32>,
    tpu.vector_store %arg13[%swap3A_104, %swap3A_105], %select_n3A_102 {strides = array<i32>} : memref<8x128xi32, #tpu.memory_space<vmem>>, vector<16xi32>,
    %add3A_107 = arith.constant 0 : i32
    %add3A_108 = arith.addi %sub3A, %add3A_107 : i32
    %add3A_109 = arith.constant 112 : i32
    %add3A_110 = arith.addi %add3A_108, %add3A_109 : i32
    %get3A_111 = arith.index_cast %add3A_110 : i32 to index
    %get3A_112 = tpu.vector_load %arg9[%get3A_111] {strides = array<i32>} : memref<16384xi32, #tpu.memory_space<vmem>>, vector<16xi32>,
    %get3A_113 = arith.index_cast %add3A_110 : i32 to index
    %get3A_114 = tpu.vector_load %arg8[%get3A_113] {strides = array<i32>} : memref<16384xi32, #tpu.memory_space<vmem>>, vector<16xi32>,
    %select_n3A_115 = arith.select %ge3A_3, %get3A_112, %get3A_114 : vector<16xi32>
    %swap3A_116 = arith.constant 0 : i32
    %swap3A_117 = arith.index_cast %swap3A_116 : i32 to index
    %swap3A_118 = arith.constant 112 : index
    %swap3A_119 = tpu.vector_load %arg13[%swap3A_117, %swap3A_118] {strides = array<i32>} : memref<8x128xi32, #tpu.memory_space<vmem>>, vector<16xi32>,
    tpu.vector_store %arg13[%swap3A_117, %swap3A_118], %select_n3A_115 {strides = array<i32>} : memref<8x128xi32, #tpu.memory_space<vmem>>, vector<16xi32>,
    %add3A_120 = arith.constant 128 : i32
    %add3A_121 = arith.addi %sub3A, %add3A_120 : i32
    %add3A_122 = arith.constant 0 : i32
    %add3A_123 = arith.addi %add3A_121, %add3A_122 : i32
    %get3A_124 = arith.index_cast %add3A_123 : i32 to index
    %get3A_125 = tpu.vector_load %arg9[%get3A_124] {strides = array<i32>} : memref<16384xi32, #tpu.memory_space<vmem>>, vector<16xi32>,
    %get3A_126 = arith.index_cast %add3A_123 : i32 to index
    %get3A_127 = tpu.vector_load %arg8[%get3A_126] {strides = array<i32>} : memref<16384xi32, #tpu.memory_space<vmem>>, vector<16xi32>,
    %select_n3A_128 = arith.select %ge3A_3, %get3A_125, %get3A_127 : vector<16xi32>
    %swap3A_129 = arith.constant 1 : i32
    %swap3A_130 = arith.index_cast %swap3A_129 : i32 to index
    %swap3A_131 = arith.constant 0 : index
    %swap3A_132 = tpu.vector_load %arg13[%swap3A_130, %swap3A_131] {strides = array<i32>} : memref<8x128xi32, #tpu.memory_space<vmem>>, vector<16xi32>,
    tpu.vector_store %arg13[%swap3A_130, %swap3A_131], %select_n3A_128 {strides = array<i32>} : memref<8x128xi32, #tpu.memory_space<vmem>>, vector<16xi32>,
    %add3A_133 = arith.constant 128 : i32
    %add3A_134 = arith.addi %sub3A, %add3A_133 : i32
    %add3A_135 = arith.constant 16 : i32
    %add3A_136 = arith.addi %add3A_134, %add3A_135 : i32
    %get3A_137 = arith.index_cast %add3A_136 : i32 to index
    %get3A_138 = tpu.vector_load %arg9[%get3A_137] {strides = array<i32>} : memref<16384xi32, #tpu.memory_space<vmem>>, vector<16xi32>,
    %get3A_139 = arith.index_cast %add3A_136 : i32 to index
    %get3A_140 = tpu.vector_load %arg8[%get3A_139] {strides = array<i32>} : memref<16384xi32, #tpu.memory_space<vmem>>, vector<16xi32>,
    %select_n3A_141 = arith.select %ge3A_3, %get3A_138, %get3A_140 : vector<16xi32>
    %swap3A_142 = arith.constant 1 : i32
    %swap3A_143 = arith.index_cast %swap3A_142 : i32 to index
    %swap3A_144 = arith.constant 16 : index
    %swap3A_145 = tpu.vector_load %arg13[%swap3A_143, %swap3A_144] {strides = array<i32>} : memref<8x128xi32, #tpu.memory_space<vmem>>, vector<16xi32>,
    tpu.vector_store %arg13[%swap3A_143, %swap3A_144], %select_n3A_141 {strides = array<i32>} : memref<8x128xi32, #tpu.memory_space<vmem>>, vector<16xi32>,
    %add3A_146 = arith.constant 128 : i32
    %add3A_147 = arith.addi %sub3A, %add3A_146 : i32
    %add3A_148 = arith.constant 32 : i32
    %add3A_149 = arith.addi %add3A_147, %add3A_148 : i32
    %get3A_150 = arith.index_cast %add3A_149 : i32 to index
    %get3A_151 = tpu.vector_load %arg9[%get3A_150] {strides = array<i32>} : memref<16384xi32, #tpu.memory_space<vmem>>, vector<16xi32>,
    %get3A_152 = arith.index_cast %add3A_149 : i32 to index
    %get3A_153 = tpu.vector_load %arg8[%get3A_152] {strides = array<i32>} : memref<16384xi32, #tpu.memory_space<vmem>>, vector<16xi32>,
    %select_n3A_154 = arith.select %ge3A_3, %get3A_151, %get3A_153 : vector<16xi32>
    %swap3A_155 = arith.constant 1 : i32
    %swap3A_156 = arith.index_cast %swap3A_155 : i32 to index
    %swap3A_157 = arith.constant 32 : index
    %swap3A_158 = tpu.vector_load %arg13[%swap3A_156, %swap3A_157] {strides = array<i32>} : memref<8x128xi32, #tpu.memory_space<vmem>>, vector<16xi32>,
    tpu.vector_store %arg13[%swap3A_156, %swap3A_157], %select_n3A_154 {strides = array<i32>} : memref<8x128xi32, #tpu.memory_space<vmem>>, vector<16xi32>,
    %add3A_159 = arith.constant 128 : i32
    %add3A_160 = arith.addi %sub3A, %add3A_159 : i32
    %add3A_161 = arith.constant 48 : i32
    %add3A_162 = arith.addi %add3A_160, %add3A_161 : i32
    %get3A_163 = arith.index_cast %add3A_162 : i32 to index
    %get3A_164 = tpu.vector_load %arg9[%get3A_163] {strides = array<i32>} : memref<16384xi32, #tpu.memory_space<vmem>>, vector<16xi32>,
    %get3A_165 = arith.index_cast %add3A_162 : i32 to index
    %get3A_166 = tpu.vector_load %arg8[%get3A_165] {strides = array<i32>} : memref<16384xi32, #tpu.memory_space<vmem>>, vector<16xi32>,
    %select_n3A_167 = arith.select %ge3A_3, %get3A_164, %get3A_166 : vector<16xi32>
    %swap3A_168 = arith.constant 1 : i32
    %swap3A_169 = arith.index_cast %swap3A_168 : i32 to index
    %swap3A_170 = arith.constant 48 : index
    %swap3A_171 = tpu.vector_load %arg13[%swap3A_169, %swap3A_170] {strides = array<i32>} : memref<8x128xi32, #tpu.memory_space<vmem>>, vector<16xi32>,
    tpu.vector_store %arg13[%swap3A_169, %swap3A_170], %select_n3A_167 {strides = array<i32>} : memref<8x128xi32, #tpu.memory_space<vmem>>, vector<16xi32>,
    %add3A_172 = arith.constant 128 : i32
    %add3A_173 = arith.addi %sub3A, %add3A_172 : i32
    %add3A_174 = arith.constant 64 : i32
    %add3A_175 = arith.addi %add3A_173, %add3A_174 : i32
    %get3A_176 = arith.index_cast %add3A_175 : i32 to index
    %get3A_177 = tpu.vector_load %arg9[%get3A_176] {strides = array<i32>} : memref<16384xi32, #tpu.memory_space<vmem>>, vector<16xi32>,
    %get3A_178 = arith.index_cast %add3A_175 : i32 to index
    %get3A_179 = tpu.vector_load %arg8[%get3A_178] {strides = array<i32>} : memref<16384xi32, #tpu.memory_space<vmem>>, vector<16xi32>,
    %select_n3A_180 = arith.select %ge3A_3, %get3A_177, %get3A_179 : vector<16xi32>
    %swap3A_181 = arith.constant 1 : i32
    %swap3A_182 = arith.index_cast %swap3A_181 : i32 to index
    %swap3A_183 = arith.constant 64 : index
    %swap3A_184 = tpu.vector_load %arg13[%swap3A_182, %swap3A_183] {strides = array<i32>} : memref<8x128xi32, #tpu.memory_space<vmem>>, vector<16xi32>,
    tpu.vector_store %arg13[%swap3A_182, %swap3A_183], %select_n3A_180 {strides = array<i32>} : memref<8x128xi32, #tpu.memory_space<vmem>>, vector<16xi32>,
    %add3A_185 = arith.constant 128 : i32
    %add3A_186 = arith.addi %sub3A, %add3A_185 : i32
    %add3A_187 = arith.constant 80 : i32
    %add3A_188 = arith.addi %add3A_186, %add3A_187 : i32
    %get3A_189 = arith.index_cast %add3A_188 : i32 to index
    %get3A_190 = tpu.vector_load %arg9[%get3A_189] {strides = array<i32>} : memref<16384xi32, #tpu.memory_space<vmem>>, vector<16xi32>,
    %get3A_191 = arith.index_cast %add3A_188 : i32 to index
    %get3A_192 = tpu.vector_load %arg8[%get3A_191] {strides = array<i32>} : memref<16384xi32, #tpu.memory_space<vmem>>, vector<16xi32>,
    %select_n3A_193 = arith.select %ge3A_3, %get3A_190, %get3A_192 : vector<16xi32>
    %swap3A_194 = arith.constant 1 : i32
    %swap3A_195 = arith.index_cast %swap3A_194 : i32 to index
    %swap3A_196 = arith.constant 80 : index
    %swap3A_197 = tpu.vector_load %arg13[%swap3A_195, %swap3A_196] {strides = array<i32>} : memref<8x128xi32, #tpu.memory_space<vmem>>, vector<16xi32>,
    tpu.vector_store %arg13[%swap3A_195, %swap3A_196], %select_n3A_193 {strides = array<i32>} : memref<8x128xi32, #tpu.memory_space<vmem>>, vector<16xi32>,
    %add3A_198 = arith.constant 128 : i32
    %add3A_199 = arith.addi %sub3A, %add3A_198 : i32
    %add3A_200 = arith.constant 96 : i32
    %add3A_201 = arith.addi %add3A_199, %add3A_200 : i32
    %get3A_202 = arith.index_cast %add3A_201 : i32 to index
    %get3A_203 = tpu.vector_load %arg9[%get3A_202] {strides = array<i32>} : memref<16384xi32, #tpu.memory_space<vmem>>, vector<16xi32>,
    %get3A_204 = arith.index_cast %add3A_201 : i32 to index
    %get3A_205 = tpu.vector_load %arg8[%get3A_204] {strides = array<i32>} : memref<16384xi32, #tpu.memory_space<vmem>>, vector<16xi32>,
    %select_n3A_206 = arith.select %ge3A_3, %get3A_203, %get3A_205 : vector<16xi32>
    %swap3A_207 = arith.constant 1 : i32
    %swap3A_208 = arith.index_cast %swap3A_207 : i32 to index
    %swap3A_209 = arith.constant 96 : index
    %swap3A_210 = tpu.vector_load %arg13[%swap3A_208, %swap3A_209] {strides = array<i32>} : memref<8x128xi32, #tpu.memory_space<vmem>>, vector<16xi32>,
    tpu.vector_store %arg13[%swap3A_208, %swap3A_209], %select_n3A_206 {strides = array<i32>} : memref<8x128xi32, #tpu.memory_space<vmem>>, vector<16xi32>,
    %add3A_211 = arith.constant 128 : i32
    %add3A_212 = arith.addi %sub3A, %add3A_211 : i32
    %add3A_213 = arith.constant 112 : i32
    %add3A_214 = arith.addi %add3A_212, %add3A_213 : i32
    %get3A_215 = arith.index_cast %add3A_214 : i32 to index
    %get3A_216 = tpu.vector_load %arg9[%get3A_215] {strides = array<i32>} : memref<16384xi32, #tpu.memory_space<vmem>>, vector<16xi32>,
    %get3A_217 = arith.index_cast %add3A_214 : i32 to index
    %get3A_218 = tpu.vector_load %arg8[%get3A_217] {strides = array<i32>} : memref<16384xi32, #tpu.memory_space<vmem>>, vector<16xi32>,
    %select_n3A_219 = arith.select %ge3A_3, %get3A_216, %get3A_218 : vector<16xi32>
    %swap3A_220 = arith.constant 1 : i32
    %swap3A_221 = arith.index_cast %swap3A_220 : i32 to index
    %swap3A_222 = arith.constant 112 : index
    %swap3A_223 = tpu.vector_load %arg13[%swap3A_221, %swap3A_222] {strides = array<i32>} : memref<8x128xi32, #tpu.memory_space<vmem>>, vector<16xi32>,
    tpu.vector_store %arg13[%swap3A_221, %swap3A_222], %select_n3A_219 {strides = array<i32>} : memref<8x128xi32, #tpu.memory_space<vmem>>, vector<16xi32>,
    %add3A_224 = arith.constant 256 : i32
    %add3A_225 = arith.addi %sub3A, %add3A_224 : i32
    %add3A_226 = arith.constant 0 : i32
    %add3A_227 = arith.addi %add3A_225, %add3A_226 : i32
    %get3A_228 = arith.index_cast %add3A_227 : i32 to index
    %get3A_229 = tpu.vector_load %arg9[%get3A_228] {strides = array<i32>} : memref<16384xi32, #tpu.memory_space<vmem>>, vector<16xi32>,
    %get3A_230 = arith.index_cast %add3A_227 : i32 to index
    %get3A_231 = tpu.vector_load %arg8[%get3A_230] {strides = array<i32>} : memref<16384xi32, #tpu.memory_space<vmem>>, vector<16xi32>,
    %select_n3A_232 = arith.select %ge3A_3, %get3A_229, %get3A_231 : vector<16xi32>
    %swap3A_233 = arith.constant 2 : i32
    %swap3A_234 = arith.index_cast %swap3A_233 : i32 to index
    %swap3A_235 = arith.constant 0 : index
    %swap3A_236 = tpu.vector_load %arg13[%swap3A_234, %swap3A_235] {strides = array<i32>} : memref<8x128xi32, #tpu.memory_space<vmem>>, vector<16xi32>,
    tpu.vector_store %arg13[%swap3A_234, %swap3A_235], %select_n3A_232 {strides = array<i32>} : memref<8x128xi32, #tpu.memory_space<vmem>>, vector<16xi32>,
    %add3A_237 = arith.constant 256 : i32
    %add3A_238 = arith.addi %sub3A, %add3A_237 : i32
    %add3A_239 = arith.constant 16 : i32
    %add3A_240 = arith.addi %add3A_238, %add3A_239 : i32
    %get3A_241 = arith.index_cast %add3A_240 : i32 to index
    %get3A_242 = tpu.vector_load %arg9[%get3A_241] {strides = array<i32>} : memref<16384xi32, #tpu.memory_space<vmem>>, vector<16xi32>,
    %get3A_243 = arith.index_cast %add3A_240 : i32 to index
    %get3A_244 = tpu.vector_load %arg8[%get3A_243] {strides = array<i32>} : memref<16384xi32, #tpu.memory_space<vmem>>, vector<16xi32>,
    %select_n3A_245 = arith.select %ge3A_3, %get3A_242, %get3A_244 : vector<16xi32>
    %swap3A_246 = arith.constant 2 : i32
    %swap3A_247 = arith.index_cast %swap3A_246 : i32 to index
    %swap3A_248 = arith.constant 16 : index
    %swap3A_249 = tpu.vector_load %arg13[%swap3A_247, %swap3A_248] {strides = array<i32>} : memref<8x128xi32, #tpu.memory_space<vmem>>, vector<16xi32>,
    tpu.vector_store %arg13[%swap3A_247, %swap3A_248], %select_n3A_245 {strides = array<i32>} : memref<8x128xi32, #tpu.memory_space<vmem>>, vector<16xi32>,
    %add3A_250 = arith.constant 256 : i32
    %add3A_251 = arith.addi %sub3A, %add3A_250 : i32
    %add3A_252 = arith.constant 32 : i32
    %add3A_253 = arith.addi %add3A_251, %add3A_252 : i32
    %get3A_254 = arith.index_cast %add3A_253 : i32 to index
    %get3A_255 = tpu.vector_load %arg9[%get3A_254] {strides = array<i32>} : memref<16384xi32, #tpu.memory_space<vmem>>, vector<16xi32>,
    %get3A_256 = arith.index_cast %add3A_253 : i32 to index
    %get3A_257 = tpu.vector_load %arg8[%get3A_256] {strides = array<i32>} : memref<16384xi32, #tpu.memory_space<vmem>>, vector<16xi32>,
    %select_n3A_258 = arith.select %ge3A_3, %get3A_255, %get3A_257 : vector<16xi32>
    %swap3A_259 = arith.constant 2 : i32
    %swap3A_260 = arith.index_cast %swap3A_259 : i32 to index
    %swap3A_261 = arith.constant 32 : index
    %swap3A_262 = tpu.vector_load %arg13[%swap3A_260, %swap3A_261] {strides = array<i32>} : memref<8x128xi32, #tpu.memory_space<vmem>>, vector<16xi32>,
    tpu.vector_store %arg13[%swap3A_260, %swap3A_261], %select_n3A_258 {strides = array<i32>} : memref<8x128xi32, #tpu.memory_space<vmem>>, vector<16xi32>,
    %add3A_263 = arith.constant 256 : i32
    %add3A_264 = arith.addi %sub3A, %add3A_263 : i32
    %add3A_265 = arith.constant 48 : i32
    %add3A_266 = arith.addi %add3A_264, %add3A_265 : i32
    %get3A_267 = arith.index_cast %add3A_266 : i32 to index
    %get3A_268 = tpu.vector_load %arg9[%get3A_267] {strides = array<i32>} : memref<16384xi32, #tpu.memory_space<vmem>>, vector<16xi32>,
    %get3A_269 = arith.index_cast %add3A_266 : i32 to index
    %get3A_270 = tpu.vector_load %arg8[%get3A_269] {strides = array<i32>} : memref<16384xi32, #tpu.memory_space<vmem>>, vector<16xi32>,
    %select_n3A_271 = arith.select %ge3A_3, %get3A_268, %get3A_270 : vector<16xi32>
    %swap3A_272 = arith.constant 2 : i32
    %swap3A_273 = arith.index_cast %swap3A_272 : i32 to index
    %swap3A_274 = arith.constant 48 : index
    %swap3A_275 = tpu.vector_load %arg13[%swap3A_273, %swap3A_274] {strides = array<i32>} : memref<8x128xi32, #tpu.memory_space<vmem>>, vector<16xi32>,
    tpu.vector_store %arg13[%swap3A_273, %swap3A_274], %select_n3A_271 {strides = array<i32>} : memref<8x128xi32, #tpu.memory_space<vmem>>, vector<16xi32>,
    %add3A_276 = arith.constant 256 : i32
    %add3A_277 = arith.addi %sub3A, %add3A_276 : i32
    %add3A_278 = arith.constant 64 : i32
    %add3A_279 = arith.addi %add3A_277, %add3A_278 : i32
    %get3A_280 = arith.index_cast %add3A_279 : i32 to index
    %get3A_281 = tpu.vector_load %arg9[%get3A_280] {strides = array<i32>} : memref<16384xi32, #tpu.memory_space<vmem>>, vector<16xi32>,
    %get3A_282 = arith.index_cast %add3A_279 : i32 to index
    %get3A_283 = tpu.vector_load %arg8[%get3A_282] {strides = array<i32>} : memref<16384xi32, #tpu.memory_space<vmem>>, vector<16xi32>,
    %select_n3A_284 = arith.select %ge3A_3, %get3A_281, %get3A_283 : vector<16xi32>
    %swap3A_285 = arith.constant 2 : i32
    %swap3A_286 = arith.index_cast %swap3A_285 : i32 to index
    %swap3A_287 = arith.constant 64 : index
    %swap3A_288 = tpu.vector_load %arg13[%swap3A_286, %swap3A_287] {strides = array<i32>} : memref<8x128xi32, #tpu.memory_space<vmem>>, vector<16xi32>,
    tpu.vector_store %arg13[%swap3A_286, %swap3A_287], %select_n3A_284 {strides = array<i32>} : memref<8x128xi32, #tpu.memory_space<vmem>>, vector<16xi32>,
    %add3A_289 = arith.constant 256 : i32
    %add3A_290 = arith.addi %sub3A, %add3A_289 : i32
    %add3A_291 = arith.constant 80 : i32
    %add3A_292 = arith.addi %add3A_290, %add3A_291 : i32
    %get3A_293 = arith.index_cast %add3A_292 : i32 to index
    %get3A_294 = tpu.vector_load %arg9[%get3A_293] {strides = array<i32>} : memref<16384xi32, #tpu.memory_space<vmem>>, vector<16xi32>,
    %get3A_295 = arith.index_cast %add3A_292 : i32 to index
    %get3A_296 = tpu.vector_load %arg8[%get3A_295] {strides = array<i32>} : memref<16384xi32, #tpu.memory_space<vmem>>, vector<16xi32>,
    %select_n3A_297 = arith.select %ge3A_3, %get3A_294, %get3A_296 : vector<16xi32>
    %swap3A_298 = arith.constant 2 : i32
    %swap3A_299 = arith.index_cast %swap3A_298 : i32 to index
    %swap3A_300 = arith.constant 80 : index
    %swap3A_301 = tpu.vector_load %arg13[%swap3A_299, %swap3A_300] {strides = array<i32>} : memref<8x128xi32, #tpu.memory_space<vmem>>, vector<16xi32>,
    tpu.vector_store %arg13[%swap3A_299, %swap3A_300], %select_n3A_297 {strides = array<i32>} : memref<8x128xi32, #tpu.memory_space<vmem>>, vector<16xi32>,
    %add3A_302 = arith.constant 256 : i32
    %add3A_303 = arith.addi %sub3A, %add3A_302 : i32
    %add3A_304 = arith.constant 96 : i32
    %add3A_305 = arith.addi %add3A_303, %add3A_304 : i32
    %get3A_306 = arith.index_cast %add3A_305 : i32 to index
    %get3A_307 = tpu.vector_load %arg9[%get3A_306] {strides = array<i32>} : memref<16384xi32, #tpu.memory_space<vmem>>, vector<16xi32>,
    %get3A_308 = arith.index_cast %add3A_305 : i32 to index
    %get3A_309 = tpu.vector_load %arg8[%get3A_308] {strides = array<i32>} : memref<16384xi32, #tpu.memory_space<vmem>>, vector<16xi32>,
    %select_n3A_310 = arith.select %ge3A_3, %get3A_307, %get3A_309 : vector<16xi32>
    %swap3A_311 = arith.constant 2 : i32
    %swap3A_312 = arith.index_cast %swap3A_311 : i32 to index
    %swap3A_313 = arith.constant 96 : index
    %swap3A_314 = tpu.vector_load %arg13[%swap3A_312, %swap3A_313] {strides = array<i32>} : memref<8x128xi32, #tpu.memory_space<vmem>>, vector<16xi32>,
    tpu.vector_store %arg13[%swap3A_312, %swap3A_313], %select_n3A_310 {strides = array<i32>} : memref<8x128xi32, #tpu.memory_space<vmem>>, vector<16xi32>,
    %add3A_315 = arith.constant 256 : i32
    %add3A_316 = arith.addi %sub3A, %add3A_315 : i32
    %add3A_317 = arith.constant 112 : i32
    %add3A_318 = arith.addi %add3A_316, %add3A_317 : i32
    %get3A_319 = arith.index_cast %add3A_318 : i32 to index
    %get3A_320 = tpu.vector_load %arg9[%get3A_319] {strides = array<i32>} : memref<16384xi32, #tpu.memory_space<vmem>>, vector<16xi32>,
    %get3A_321 = arith.index_cast %add3A_318 : i32 to index
    %get3A_322 = tpu.vector_load %arg8[%get3A_321] {strides = array<i32>} : memref<16384xi32, #tpu.memory_space<vmem>>, vector<16xi32>,
    %select_n3A_323 = arith.select %ge3A_3, %get3A_320, %get3A_322 : vector<16xi32>
    %swap3A_324 = arith.constant 2 : i32
    %swap3A_325 = arith.index_cast %swap3A_324 : i32 to index
    %swap3A_326 = arith.constant 112 : index
    %swap3A_327 = tpu.vector_load %arg13[%swap3A_325, %swap3A_326] {strides = array<i32>} : memref<8x128xi32, #tpu.memory_space<vmem>>, vector<16xi32>,
    tpu.vector_store %arg13[%swap3A_325, %swap3A_326], %select_n3A_323 {strides = array<i32>} : memref<8x128xi32, #tpu.memory_space<vmem>>, vector<16xi32>,
    %add3A_328 = arith.constant 384 : i32
    %add3A_329 = arith.addi %sub3A, %add3A_328 : i32
    %add3A_330 = arith.constant 0 : i32
    %add3A_331 = arith.addi %add3A_329, %add3A_330 : i32
    %get3A_332 = arith.index_cast %add3A_331 : i32 to index
    %get3A_333 = tpu.vector_load %arg9[%get3A_332] {strides = array<i32>} : memref<16384xi32, #tpu.memory_space<vmem>>, vector<16xi32>,
    %get3A_334 = arith.index_cast %add3A_331 : i32 to index
    %get3A_335 = tpu.vector_load %arg8[%get3A_334] {strides = array<i32>} : memref<16384xi32, #tpu.memory_space<vmem>>, vector<16xi32>,
    %select_n3A_336 = arith.select %ge3A_3, %get3A_333, %get3A_335 : vector<16xi32>
    %swap3A_337 = arith.constant 3 : i32
    %swap3A_338 = arith.index_cast %swap3A_337 : i32 to index
    %swap3A_339 = arith.constant 0 : index
    %swap3A_340 = tpu.vector_load %arg13[%swap3A_338, %swap3A_339] {strides = array<i32>} : memref<8x128xi32, #tpu.memory_space<vmem>>, vector<16xi32>,
    tpu.vector_store %arg13[%swap3A_338, %swap3A_339], %select_n3A_336 {strides = array<i32>} : memref<8x128xi32, #tpu.memory_space<vmem>>, vector<16xi32>,
    %add3A_341 = arith.constant 384 : i32
    %add3A_342 = arith.addi %sub3A, %add3A_341 : i32
    %add3A_343 = arith.constant 16 : i32
    %add3A_344 = arith.addi %add3A_342, %add3A_343 : i32
    %get3A_345 = arith.index_cast %add3A_344 : i32 to index
    %get3A_346 = tpu.vector_load %arg9[%get3A_345] {strides = array<i32>} : memref<16384xi32, #tpu.memory_space<vmem>>, vector<16xi32>,
    %get3A_347 = arith.index_cast %add3A_344 : i32 to index
    %get3A_348 = tpu.vector_load %arg8[%get3A_347] {strides = array<i32>} : memref<16384xi32, #tpu.memory_space<vmem>>, vector<16xi32>,
    %select_n3A_349 = arith.select %ge3A_3, %get3A_346, %get3A_348 : vector<16xi32>
    %swap3A_350 = arith.constant 3 : i32
    %swap3A_351 = arith.index_cast %swap3A_350 : i32 to index
    %swap3A_352 = arith.constant 16 : index
    %swap3A_353 = tpu.vector_load %arg13[%swap3A_351, %swap3A_352] {strides = array<i32>} : memref<8x128xi32, #tpu.memory_space<vmem>>, vector<16xi32>,
    tpu.vector_store %arg13[%swap3A_351, %swap3A_352], %select_n3A_349 {strides = array<i32>} : memref<8x128xi32, #tpu.memory_space<vmem>>, vector<16xi32>,
    %add3A_354 = arith.constant 384 : i32
    %add3A_355 = arith.addi %sub3A, %add3A_354 : i32
    %add3A_356 = arith.constant 32 : i32
    %add3A_357 = arith.addi %add3A_355, %add3A_356 : i32
    %get3A_358 = arith.index_cast %add3A_357 : i32 to index
    %get3A_359 = tpu.vector_load %arg9[%get3A_358] {strides = array<i32>} : memref<16384xi32, #tpu.memory_space<vmem>>, vector<16xi32>,
    %get3A_360 = arith.index_cast %add3A_357 : i32 to index
    %get3A_361 = tpu.vector_load %arg8[%get3A_360] {strides = array<i32>} : memref<16384xi32, #tpu.memory_space<vmem>>, vector<16xi32>,
    %select_n3A_362 = arith.select %ge3A_3, %get3A_359, %get3A_361 : vector<16xi32>
    %swap3A_363 = arith.constant 3 : i32
    %swap3A_364 = arith.index_cast %swap3A_363 : i32 to index
    %swap3A_365 = arith.constant 32 : index
    %swap3A_366 = tpu.vector_load %arg13[%swap3A_364, %swap3A_365] {strides = array<i32>} : memref<8x128xi32, #tpu.memory_space<vmem>>, vector<16xi32>,
    tpu.vector_store %arg13[%swap3A_364, %swap3A_365], %select_n3A_362 {strides = array<i32>} : memref<8x128xi32, #tpu.memory_space<vmem>>, vector<16xi32>,
    %add3A_367 = arith.constant 384 : i32
    %add3A_368 = arith.addi %sub3A, %add3A_367 : i32
    %add3A_369 = arith.constant 48 : i32
    %add3A_370 = arith.addi %add3A_368, %add3A_369 : i32
    %get3A_371 = arith.index_cast %add3A_370 : i32 to index
    %get3A_372 = tpu.vector_load %arg9[%get3A_371] {strides = array<i32>} : memref<16384xi32, #tpu.memory_space<vmem>>, vector<16xi32>,
    %get3A_373 = arith.index_cast %add3A_370 : i32 to index
    %get3A_374 = tpu.vector_load %arg8[%get3A_373] {strides = array<i32>} : memref<16384xi32, #tpu.memory_space<vmem>>, vector<16xi32>,
    %select_n3A_375 = arith.select %ge3A_3, %get3A_372, %get3A_374 : vector<16xi32>
    %swap3A_376 = arith.constant 3 : i32
    %swap3A_377 = arith.index_cast %swap3A_376 : i32 to index
    %swap3A_378 = arith.constant 48 : index
    %swap3A_379 = tpu.vector_load %arg13[%swap3A_377, %swap3A_378] {strides = array<i32>} : memref<8x128xi32, #tpu.memory_space<vmem>>, vector<16xi32>,
    tpu.vector_store %arg13[%swap3A_377, %swap3A_378], %select_n3A_375 {strides = array<i32>} : memref<8x128xi32, #tpu.memory_space<vmem>>, vector<16xi32>,
    %add3A_380 = arith.constant 384 : i32
    %add3A_381 = arith.addi %sub3A, %add3A_380 : i32
    %add3A_382 = arith.constant 64 : i32
    %add3A_383 = arith.addi %add3A_381, %add3A_382 : i32
    %get3A_384 = arith.index_cast %add3A_383 : i32 to index
    %get3A_385 = tpu.vector_load %arg9[%get3A_384] {strides = array<i32>} : memref<16384xi32, #tpu.memory_space<vmem>>, vector<16xi32>,
    %get3A_386 = arith.index_cast %add3A_383 : i32 to index
    %get3A_387 = tpu.vector_load %arg8[%get3A_386] {strides = array<i32>} : memref<16384xi32, #tpu.memory_space<vmem>>, vector<16xi32>,
    %select_n3A_388 = arith.select %ge3A_3, %get3A_385, %get3A_387 : vector<16xi32>
    %swap3A_389 = arith.constant 3 : i32
    %swap3A_390 = arith.index_cast %swap3A_389 : i32 to index
    %swap3A_391 = arith.constant 64 : index
    %swap3A_392 = tpu.vector_load %arg13[%swap3A_390, %swap3A_391] {strides = array<i32>} : memref<8x128xi32, #tpu.memory_space<vmem>>, vector<16xi32>,
    tpu.vector_store %arg13[%swap3A_390, %swap3A_391], %select_n3A_388 {strides = array<i32>} : memref<8x128xi32, #tpu.memory_space<vmem>>, vector<16xi32>,
    %add3A_393 = arith.constant 384 : i32
    %add3A_394 = arith.addi %sub3A, %add3A_393 : i32
    %add3A_395 = arith.constant 80 : i32
    %add3A_396 = arith.addi %add3A_394, %add3A_395 : i32
    %get3A_397 = arith.index_cast %add3A_396 : i32 to index
    %get3A_398 = tpu.vector_load %arg9[%get3A_397] {strides = array<i32>} : memref<16384xi32, #tpu.memory_space<vmem>>, vector<16xi32>,
    %get3A_399 = arith.index_cast %add3A_396 : i32 to index
    %get3A_400 = tpu.vector_load %arg8[%get3A_399] {strides = array<i32>} : memref<16384xi32, #tpu.memory_space<vmem>>, vector<16xi32>,
    %select_n3A_401 = arith.select %ge3A_3, %get3A_398, %get3A_400 : vector<16xi32>
    %swap3A_402 = arith.constant 3 : i32
    %swap3A_403 = arith.index_cast %swap3A_402 : i32 to index
    %swap3A_404 = arith.constant 80 : index
    %swap3A_405 = tpu.vector_load %arg13[%swap3A_403, %swap3A_404] {strides = array<i32>} : memref<8x128xi32, #tpu.memory_space<vmem>>, vector<16xi32>,
    tpu.vector_store %arg13[%swap3A_403, %swap3A_404], %select_n3A_401 {strides = array<i32>} : memref<8x128xi32, #tpu.memory_space<vmem>>, vector<16xi32>,
    %add3A_406 = arith.constant 384 : i32
    %add3A_407 = arith.addi %sub3A, %add3A_406 : i32
    %add3A_408 = arith.constant 96 : i32
    %add3A_409 = arith.addi %add3A_407, %add3A_408 : i32
    %get3A_410 = arith.index_cast %add3A_409 : i32 to index
    %get3A_411 = tpu.vector_load %arg9[%get3A_410] {strides = array<i32>} : memref<16384xi32, #tpu.memory_space<vmem>>, vector<16xi32>,
    %get3A_412 = arith.index_cast %add3A_409 : i32 to index
    %get3A_413 = tpu.vector_load %arg8[%get3A_412] {strides = array<i32>} : memref<16384xi32, #tpu.memory_space<vmem>>, vector<16xi32>,
    %select_n3A_414 = arith.select %ge3A_3, %get3A_411, %get3A_413 : vector<16xi32>
    %swap3A_415 = arith.constant 3 : i32
    %swap3A_416 = arith.index_cast %swap3A_415 : i32 to index
    %swap3A_417 = arith.constant 96 : index
    %swap3A_418 = tpu.vector_load %arg13[%swap3A_416, %swap3A_417] {strides = array<i32>} : memref<8x128xi32, #tpu.memory_space<vmem>>, vector<16xi32>,
    tpu.vector_store %arg13[%swap3A_416, %swap3A_417], %select_n3A_414 {strides = array<i32>} : memref<8x128xi32, #tpu.memory_space<vmem>>, vector<16xi32>,
    %add3A_419 = arith.constant 384 : i32
    %add3A_420 = arith.addi %sub3A, %add3A_419 : i32
    %add3A_421 = arith.constant 112 : i32
    %add3A_422 = arith.addi %add3A_420, %add3A_421 : i32
    %get3A_423 = arith.index_cast %add3A_422 : i32 to index
    %get3A_424 = tpu.vector_load %arg9[%get3A_423] {strides = array<i32>} : memref<16384xi32, #tpu.memory_space<vmem>>, vector<16xi32>,
    %get3A_425 = arith.index_cast %add3A_422 : i32 to index
    %get3A_426 = tpu.vector_load %arg8[%get3A_425] {strides = array<i32>} : memref<16384xi32, #tpu.memory_space<vmem>>, vector<16xi32>,
    %select_n3A_427 = arith.select %ge3A_3, %get3A_424, %get3A_426 : vector<16xi32>
    %swap3A_428 = arith.constant 3 : i32
    %swap3A_429 = arith.index_cast %swap3A_428 : i32 to index
    %swap3A_430 = arith.constant 112 : index
    %swap3A_431 = tpu.vector_load %arg13[%swap3A_429, %swap3A_430] {strides = array<i32>} : memref<8x128xi32, #tpu.memory_space<vmem>>, vector<16xi32>,
    tpu.vector_store %arg13[%swap3A_429, %swap3A_430], %select_n3A_427 {strides = array<i32>} : memref<8x128xi32, #tpu.memory_space<vmem>>, vector<16xi32>,
    %add3A_432 = arith.constant 512 : i32
    %add3A_433 = arith.addi %sub3A, %add3A_432 : i32
    %add3A_434 = arith.constant 0 : i32
    %add3A_435 = arith.addi %add3A_433, %add3A_434 : i32
    %get3A_436 = arith.index_cast %add3A_435 : i32 to index
    %get3A_437 = tpu.vector_load %arg9[%get3A_436] {strides = array<i32>} : memref<16384xi32, #tpu.memory_space<vmem>>, vector<16xi32>,
    %get3A_438 = arith.index_cast %add3A_435 : i32 to index
    %get3A_439 = tpu.vector_load %arg8[%get3A_438] {strides = array<i32>} : memref<16384xi32, #tpu.memory_space<vmem>>, vector<16xi32>,
    %select_n3A_440 = arith.select %ge3A_3, %get3A_437, %get3A_439 : vector<16xi32>
    %swap3A_441 = arith.constant 4 : i32
    %swap3A_442 = arith.index_cast %swap3A_441 : i32 to index
    %swap3A_443 = arith.constant 0 : index
    %swap3A_444 = tpu.vector_load %arg13[%swap3A_442, %swap3A_443] {strides = array<i32>} : memref<8x128xi32, #tpu.memory_space<vmem>>, vector<16xi32>,
    tpu.vector_store %arg13[%swap3A_442, %swap3A_443], %select_n3A_440 {strides = array<i32>} : memref<8x128xi32, #tpu.memory_space<vmem>>, vector<16xi32>,
    %add3A_445 = arith.constant 512 : i32
    %add3A_446 = arith.addi %sub3A, %add3A_445 : i32
    %add3A_447 = arith.constant 16 : i32
    %add3A_448 = arith.addi %add3A_446, %add3A_447 : i32
    %get3A_449 = arith.index_cast %add3A_448 : i32 to index
    %get3A_450 = tpu.vector_load %arg9[%get3A_449] {strides = array<i32>} : memref<16384xi32, #tpu.memory_space<vmem>>, vector<16xi32>,
    %get3A_451 = arith.index_cast %add3A_448 : i32 to index
    %get3A_452 = tpu.vector_load %arg8[%get3A_451] {strides = array<i32>} : memref<16384xi32, #tpu.memory_space<vmem>>, vector<16xi32>,
    %select_n3A_453 = arith.select %ge3A_3, %get3A_450, %get3A_452 : vector<16xi32>
    %swap3A_454 = arith.constant 4 : i32
    %swap3A_455 = arith.index_cast %swap3A_454 : i32 to index
    %swap3A_456 = arith.constant 16 : index
    %swap3A_457 = tpu.vector_load %arg13[%swap3A_455, %swap3A_456] {strides = array<i32>} : memref<8x128xi32, #tpu.memory_space<vmem>>, vector<16xi32>,
    tpu.vector_store %arg13[%swap3A_455, %swap3A_456], %select_n3A_453 {strides = array<i32>} : memref<8x128xi32, #tpu.memory_space<vmem>>, vector<16xi32>,
    %add3A_458 = arith.constant 512 : i32
    %add3A_459 = arith.addi %sub3A, %add3A_458 : i32
    %add3A_460 = arith.constant 32 : i32
    %add3A_461 = arith.addi %add3A_459, %add3A_460 : i32
    %get3A_462 = arith.index_cast %add3A_461 : i32 to index
    %get3A_463 = tpu.vector_load %arg9[%get3A_462] {strides = array<i32>} : memref<16384xi32, #tpu.memory_space<vmem>>, vector<16xi32>,
    %get3A_464 = arith.index_cast %add3A_461 : i32 to index
    %get3A_465 = tpu.vector_load %arg8[%get3A_464] {strides = array<i32>} : memref<16384xi32, #tpu.memory_space<vmem>>, vector<16xi32>,
    %select_n3A_466 = arith.select %ge3A_3, %get3A_463, %get3A_465 : vector<16xi32>
    %swap3A_467 = arith.constant 4 : i32
    %swap3A_468 = arith.index_cast %swap3A_467 : i32 to index
    %swap3A_469 = arith.constant 32 : index
    %swap3A_470 = tpu.vector_load %arg13[%swap3A_468, %swap3A_469] {strides = array<i32>} : memref<8x128xi32, #tpu.memory_space<vmem>>, vector<16xi32>,
    tpu.vector_store %arg13[%swap3A_468, %swap3A_469], %select_n3A_466 {strides = array<i32>} : memref<8x128xi32, #tpu.memory_space<vmem>>, vector<16xi32>,
    %add3A_471 = arith.constant 512 : i32
    %add3A_472 = arith.addi %sub3A, %add3A_471 : i32
    %add3A_473 = arith.constant 48 : i32
    %add3A_474 = arith.addi %add3A_472, %add3A_473 : i32
    %get3A_475 = arith.index_cast %add3A_474 : i32 to index
    %get3A_476 = tpu.vector_load %arg9[%get3A_475] {strides = array<i32>} : memref<16384xi32, #tpu.memory_space<vmem>>, vector<16xi32>,
    %get3A_477 = arith.index_cast %add3A_474 : i32 to index
    %get3A_478 = tpu.vector_load %arg8[%get3A_477] {strides = array<i32>} : memref<16384xi32, #tpu.memory_space<vmem>>, vector<16xi32>,
    %select_n3A_479 = arith.select %ge3A_3, %get3A_476, %get3A_478 : vector<16xi32>
    %swap3A_480 = arith.constant 4 : i32
    %swap3A_481 = arith.index_cast %swap3A_480 : i32 to index
    %swap3A_482 = arith.constant 48 : index
    %swap3A_483 = tpu.vector_load %arg13[%swap3A_481, %swap3A_482] {strides = array<i32>} : memref<8x128xi32, #tpu.memory_space<vmem>>, vector<16xi32>,
    tpu.vector_store %arg13[%swap3A_481, %swap3A_482], %select_n3A_479 {strides = array<i32>} : memref<8x128xi32, #tpu.memory_space<vmem>>, vector<16xi32>,
    %add3A_484 = arith.constant 512 : i32
    %add3A_485 = arith.addi %sub3A, %add3A_484 : i32
    %add3A_486 = arith.constant 64 : i32
    %add3A_487 = arith.addi %add3A_485, %add3A_486 : i32
    %get3A_488 = arith.index_cast %add3A_487 : i32 to index
    %get3A_489 = tpu.vector_load %arg9[%get3A_488] {strides = array<i32>} : memref<16384xi32, #tpu.memory_space<vmem>>, vector<16xi32>,
    %get3A_490 = arith.index_cast %add3A_487 : i32 to index
    %get3A_491 = tpu.vector_load %arg8[%get3A_490] {strides = array<i32>} : memref<16384xi32, #tpu.memory_space<vmem>>, vector<16xi32>,
    %select_n3A_492 = arith.select %ge3A_3, %get3A_489, %get3A_491 : vector<16xi32>
    %swap3A_493 = arith.constant 4 : i32
    %swap3A_494 = arith.index_cast %swap3A_493 : i32 to index
    %swap3A_495 = arith.constant 64 : index
    %swap3A_496 = tpu.vector_load %arg13[%swap3A_494, %swap3A_495] {strides = array<i32>} : memref<8x128xi32, #tpu.memory_space<vmem>>, vector<16xi32>,
    tpu.vector_store %arg13[%swap3A_494, %swap3A_495], %select_n3A_492 {strides = array<i32>} : memref<8x128xi32, #tpu.memory_space<vmem>>, vector<16xi32>,
    %add3A_497 = arith.constant 512 : i32
    %add3A_498 = arith.addi %sub3A, %add3A_497 : i32
    %add3A_499 = arith.constant 80 : i32
    %add3A_500 = arith.addi %add3A_498, %add3A_499 : i32
    %get3A_501 = arith.index_cast %add3A_500 : i32 to index
    %get3A_502 = tpu.vector_load %arg9[%get3A_501] {strides = array<i32>} : memref<16384xi32, #tpu.memory_space<vmem>>, vector<16xi32>,
    %get3A_503 = arith.index_cast %add3A_500 : i32 to index
    %get3A_504 = tpu.vector_load %arg8[%get3A_503] {strides = array<i32>} : memref<16384xi32, #tpu.memory_space<vmem>>, vector<16xi32>,
    %select_n3A_505 = arith.select %ge3A_3, %get3A_502, %get3A_504 : vector<16xi32>
    %swap3A_506 = arith.constant 4 : i32
    %swap3A_507 = arith.index_cast %swap3A_506 : i32 to index
    %swap3A_508 = arith.constant 80 : index
    %swap3A_509 = tpu.vector_load %arg13[%swap3A_507, %swap3A_508] {strides = array<i32>} : memref<8x128xi32, #tpu.memory_space<vmem>>, vector<16xi32>,
    tpu.vector_store %arg13[%swap3A_507, %swap3A_508], %select_n3A_505 {strides = array<i32>} : memref<8x128xi32, #tpu.memory_space<vmem>>, vector<16xi32>,
    %add3A_510 = arith.constant 512 : i32
    %add3A_511 = arith.addi %sub3A, %add3A_510 : i32
    %add3A_512 = arith.constant 96 : i32
    %add3A_513 = arith.addi %add3A_511, %add3A_512 : i32
    %get3A_514 = arith.index_cast %add3A_513 : i32 to index
    %get3A_515 = tpu.vector_load %arg9[%get3A_514] {strides = array<i32>} : memref<16384xi32, #tpu.memory_space<vmem>>, vector<16xi32>,
    %get3A_516 = arith.index_cast %add3A_513 : i32 to index
    %get3A_517 = tpu.vector_load %arg8[%get3A_516] {strides = array<i32>} : memref<16384xi32, #tpu.memory_space<vmem>>, vector<16xi32>,
    %select_n3A_518 = arith.select %ge3A_3, %get3A_515, %get3A_517 : vector<16xi32>
    %swap3A_519 = arith.constant 4 : i32
    %swap3A_520 = arith.index_cast %swap3A_519 : i32 to index
    %swap3A_521 = arith.constant 96 : index
    %swap3A_522 = tpu.vector_load %arg13[%swap3A_520, %swap3A_521] {strides = array<i32>} : memref<8x128xi32, #tpu.memory_space<vmem>>, vector<16xi32>,
    tpu.vector_store %arg13[%swap3A_520, %swap3A_521], %select_n3A_518 {strides = array<i32>} : memref<8x128xi32, #tpu.memory_space<vmem>>, vector<16xi32>,
    %add3A_523 = arith.constant 512 : i32
    %add3A_524 = arith.addi %sub3A, %add3A_523 : i32
    %add3A_525 = arith.constant 112 : i32
    %add3A_526 = arith.addi %add3A_524, %add3A_525 : i32
    %get3A_527 = arith.index_cast %add3A_526 : i32 to index
    %get3A_528 = tpu.vector_load %arg9[%get3A_527] {strides = array<i32>} : memref<16384xi32, #tpu.memory_space<vmem>>, vector<16xi32>,
    %get3A_529 = arith.index_cast %add3A_526 : i32 to index
    %get3A_530 = tpu.vector_load %arg8[%get3A_529] {strides = array<i32>} : memref<16384xi32, #tpu.memory_space<vmem>>, vector<16xi32>,
    %select_n3A_531 = arith.select %ge3A_3, %get3A_528, %get3A_530 : vector<16xi32>
    %swap3A_532 = arith.constant 4 : i32
    %swap3A_533 = arith.index_cast %swap3A_532 : i32 to index
    %swap3A_534 = arith.constant 112 : index
    %swap3A_535 = tpu.vector_load %arg13[%swap3A_533, %swap3A_534] {strides = array<i32>} : memref<8x128xi32, #tpu.memory_space<vmem>>, vector<16xi32>,
    tpu.vector_store %arg13[%swap3A_533, %swap3A_534], %select_n3A_531 {strides = array<i32>} : memref<8x128xi32, #tpu.memory_space<vmem>>, vector<16xi32>,
    %add3A_536 = arith.constant 640 : i32
    %add3A_537 = arith.addi %sub3A, %add3A_536 : i32
    %add3A_538 = arith.constant 0 : i32
    %add3A_539 = arith.addi %add3A_537, %add3A_538 : i32
    %get3A_540 = arith.index_cast %add3A_539 : i32 to index
    %get3A_541 = tpu.vector_load %arg9[%get3A_540] {strides = array<i32>} : memref<16384xi32, #tpu.memory_space<vmem>>, vector<16xi32>,
    %get3A_542 = arith.index_cast %add3A_539 : i32 to index
    %get3A_543 = tpu.vector_load %arg8[%get3A_542] {strides = array<i32>} : memref<16384xi32, #tpu.memory_space<vmem>>, vector<16xi32>,
    %select_n3A_544 = arith.select %ge3A_3, %get3A_541, %get3A_543 : vector<16xi32>
    %swap3A_545 = arith.constant 5 : i32
    %swap3A_546 = arith.index_cast %swap3A_545 : i32 to index
    %swap3A_547 = arith.constant 0 : index
    %swap3A_548 = tpu.vector_load %arg13[%swap3A_546, %swap3A_547] {strides = array<i32>} : memref<8x128xi32, #tpu.memory_space<vmem>>, vector<16xi32>,
    tpu.vector_store %arg13[%swap3A_546, %swap3A_547], %select_n3A_544 {strides = array<i32>} : memref<8x128xi32, #tpu.memory_space<vmem>>, vector<16xi32>,
    %add3A_549 = arith.constant 640 : i32
    %add3A_550 = arith.addi %sub3A, %add3A_549 : i32
    %add3A_551 = arith.constant 16 : i32
    %add3A_552 = arith.addi %add3A_550, %add3A_551 : i32
    %get3A_553 = arith.index_cast %add3A_552 : i32 to index
    %get3A_554 = tpu.vector_load %arg9[%get3A_553] {strides = array<i32>} : memref<16384xi32, #tpu.memory_space<vmem>>, vector<16xi32>,
    %get3A_555 = arith.index_cast %add3A_552 : i32 to index
    %get3A_556 = tpu.vector_load %arg8[%get3A_555] {strides = array<i32>} : memref<16384xi32, #tpu.memory_space<vmem>>, vector<16xi32>,
    %select_n3A_557 = arith.select %ge3A_3, %get3A_554, %get3A_556 : vector<16xi32>
    %swap3A_558 = arith.constant 5 : i32
    %swap3A_559 = arith.index_cast %swap3A_558 : i32 to index
    %swap3A_560 = arith.constant 16 : index
    %swap3A_561 = tpu.vector_load %arg13[%swap3A_559, %swap3A_560] {strides = array<i32>} : memref<8x128xi32, #tpu.memory_space<vmem>>, vector<16xi32>,
    tpu.vector_store %arg13[%swap3A_559, %swap3A_560], %select_n3A_557 {strides = array<i32>} : memref<8x128xi32, #tpu.memory_space<vmem>>, vector<16xi32>,
    %add3A_562 = arith.constant 640 : i32
    %add3A_563 = arith.addi %sub3A, %add3A_562 : i32
    %add3A_564 = arith.constant 32 : i32
    %add3A_565 = arith.addi %add3A_563, %add3A_564 : i32
    %get3A_566 = arith.index_cast %add3A_565 : i32 to index
    %get3A_567 = tpu.vector_load %arg9[%get3A_566] {strides = array<i32>} : memref<16384xi32, #tpu.memory_space<vmem>>, vector<16xi32>,
    %get3A_568 = arith.index_cast %add3A_565 : i32 to index
    %get3A_569 = tpu.vector_load %arg8[%get3A_568] {strides = array<i32>} : memref<16384xi32, #tpu.memory_space<vmem>>, vector<16xi32>,
    %select_n3A_570 = arith.select %ge3A_3, %get3A_567, %get3A_569 : vector<16xi32>
    %swap3A_571 = arith.constant 5 : i32
    %swap3A_572 = arith.index_cast %swap3A_571 : i32 to index
    %swap3A_573 = arith.constant 32 : index
    %swap3A_574 = tpu.vector_load %arg13[%swap3A_572, %swap3A_573] {strides = array<i32>} : memref<8x128xi32, #tpu.memory_space<vmem>>, vector<16xi32>,
    tpu.vector_store %arg13[%swap3A_572, %swap3A_573], %select_n3A_570 {strides = array<i32>} : memref<8x128xi32, #tpu.memory_space<vmem>>, vector<16xi32>,
    %add3A_575 = arith.constant 640 : i32
    %add3A_576 = arith.addi %sub3A, %add3A_575 : i32
    %add3A_577 = arith.constant 48 : i32
    %add3A_578 = arith.addi %add3A_576, %add3A_577 : i32
    %get3A_579 = arith.index_cast %add3A_578 : i32 to index
    %get3A_580 = tpu.vector_load %arg9[%get3A_579] {strides = array<i32>} : memref<16384xi32, #tpu.memory_space<vmem>>, vector<16xi32>,
    %get3A_581 = arith.index_cast %add3A_578 : i32 to index
    %get3A_582 = tpu.vector_load %arg8[%get3A_581] {strides = array<i32>} : memref<16384xi32, #tpu.memory_space<vmem>>, vector<16xi32>,
    %select_n3A_583 = arith.select %ge3A_3, %get3A_580, %get3A_582 : vector<16xi32>
    %swap3A_584 = arith.constant 5 : i32
    %swap3A_585 = arith.index_cast %swap3A_584 : i32 to index
    %swap3A_586 = arith.constant 48 : index
    %swap3A_587 = tpu.vector_load %arg13[%swap3A_585, %swap3A_586] {strides = array<i32>} : memref<8x128xi32, #tpu.memory_space<vmem>>, vector<16xi32>,
    tpu.vector_store %arg13[%swap3A_585, %swap3A_586], %select_n3A_583 {strides = array<i32>} : memref<8x128xi32, #tpu.memory_space<vmem>>, vector<16xi32>,
    %add3A_588 = arith.constant 640 : i32
    %add3A_589 = arith.addi %sub3A, %add3A_588 : i32
    %add3A_590 = arith.constant 64 : i32
    %add3A_591 = arith.addi %add3A_589, %add3A_590 : i32
    %get3A_592 = arith.index_cast %add3A_591 : i32 to index
    %get3A_593 = tpu.vector_load %arg9[%get3A_592] {strides = array<i32>} : memref<16384xi32, #tpu.memory_space<vmem>>, vector<16xi32>,
    %get3A_594 = arith.index_cast %add3A_591 : i32 to index
    %get3A_595 = tpu.vector_load %arg8[%get3A_594] {strides = array<i32>} : memref<16384xi32, #tpu.memory_space<vmem>>, vector<16xi32>,
    %select_n3A_596 = arith.select %ge3A_3, %get3A_593, %get3A_595 : vector<16xi32>
    %swap3A_597 = arith.constant 5 : i32
    %swap3A_598 = arith.index_cast %swap3A_597 : i32 to index
    %swap3A_599 = arith.constant 64 : index
    %swap3A_600 = tpu.vector_load %arg13[%swap3A_598, %swap3A_599] {strides = array<i32>} : memref<8x128xi32, #tpu.memory_space<vmem>>, vector<16xi32>,
    tpu.vector_store %arg13[%swap3A_598, %swap3A_599], %select_n3A_596 {strides = array<i32>} : memref<8x128xi32, #tpu.memory_space<vmem>>, vector<16xi32>,
    %add3A_601 = arith.constant 640 : i32
    %add3A_602 = arith.addi %sub3A, %add3A_601 : i32
    %add3A_603 = arith.constant 80 : i32
    %add3A_604 = arith.addi %add3A_602, %add3A_603 : i32
    %get3A_605 = arith.index_cast %add3A_604 : i32 to index
    %get3A_606 = tpu.vector_load %arg9[%get3A_605] {strides = array<i32>} : memref<16384xi32, #tpu.memory_space<vmem>>, vector<16xi32>,
    %get3A_607 = arith.index_cast %add3A_604 : i32 to index
    %get3A_608 = tpu.vector_load %arg8[%get3A_607] {strides = array<i32>} : memref<16384xi32, #tpu.memory_space<vmem>>, vector<16xi32>,
    %select_n3A_609 = arith.select %ge3A_3, %get3A_606, %get3A_608 : vector<16xi32>
    %swap3A_610 = arith.constant 5 : i32
    %swap3A_611 = arith.index_cast %swap3A_610 : i32 to index
    %swap3A_612 = arith.constant 80 : index
    %swap3A_613 = tpu.vector_load %arg13[%swap3A_611, %swap3A_612] {strides = array<i32>} : memref<8x128xi32, #tpu.memory_space<vmem>>, vector<16xi32>,
    tpu.vector_store %arg13[%swap3A_611, %swap3A_612], %select_n3A_609 {strides = array<i32>} : memref<8x128xi32, #tpu.memory_space<vmem>>, vector<16xi32>,
    %add3A_614 = arith.constant 640 : i32
    %add3A_615 = arith.addi %sub3A, %add3A_614 : i32
    %add3A_616 = arith.constant 96 : i32
    %add3A_617 = arith.addi %add3A_615, %add3A_616 : i32
    %get3A_618 = arith.index_cast %add3A_617 : i32 to index
    %get3A_619 = tpu.vector_load %arg9[%get3A_618] {strides = array<i32>} : memref<16384xi32, #tpu.memory_space<vmem>>, vector<16xi32>,
    %get3A_620 = arith.index_cast %add3A_617 : i32 to index
    %get3A_621 = tpu.vector_load %arg8[%get3A_620] {strides = array<i32>} : memref<16384xi32, #tpu.memory_space<vmem>>, vector<16xi32>,
    %select_n3A_622 = arith.select %ge3A_3, %get3A_619, %get3A_621 : vector<16xi32>
    %swap3A_623 = arith.constant 5 : i32
    %swap3A_624 = arith.index_cast %swap3A_623 : i32 to index
    %swap3A_625 = arith.constant 96 : index
    %swap3A_626 = tpu.vector_load %arg13[%swap3A_624, %swap3A_625] {strides = array<i32>} : memref<8x128xi32, #tpu.memory_space<vmem>>, vector<16xi32>,
    tpu.vector_store %arg13[%swap3A_624, %swap3A_625], %select_n3A_622 {strides = array<i32>} : memref<8x128xi32, #tpu.memory_space<vmem>>, vector<16xi32>,
    %add3A_627 = arith.constant 640 : i32
    %add3A_628 = arith.addi %sub3A, %add3A_627 : i32
    %add3A_629 = arith.constant 112 : i32
    %add3A_630 = arith.addi %add3A_628, %add3A_629 : i32
    %get3A_631 = arith.index_cast %add3A_630 : i32 to index
    %get3A_632 = tpu.vector_load %arg9[%get3A_631] {strides = array<i32>} : memref<16384xi32, #tpu.memory_space<vmem>>, vector<16xi32>,
    %get3A_633 = arith.index_cast %add3A_630 : i32 to index
    %get3A_634 = tpu.vector_load %arg8[%get3A_633] {strides = array<i32>} : memref<16384xi32, #tpu.memory_space<vmem>>, vector<16xi32>,
    %select_n3A_635 = arith.select %ge3A_3, %get3A_632, %get3A_634 : vector<16xi32>
    %swap3A_636 = arith.constant 5 : i32
    %swap3A_637 = arith.index_cast %swap3A_636 : i32 to index
    %swap3A_638 = arith.constant 112 : index
    %swap3A_639 = tpu.vector_load %arg13[%swap3A_637, %swap3A_638] {strides = array<i32>} : memref<8x128xi32, #tpu.memory_space<vmem>>, vector<16xi32>,
    tpu.vector_store %arg13[%swap3A_637, %swap3A_638], %select_n3A_635 {strides = array<i32>} : memref<8x128xi32, #tpu.memory_space<vmem>>, vector<16xi32>,
    %add3A_640 = arith.constant 768 : i32
    %add3A_641 = arith.addi %sub3A, %add3A_640 : i32
    %add3A_642 = arith.constant 0 : i32
    %add3A_643 = arith.addi %add3A_641, %add3A_642 : i32
    %get3A_644 = arith.index_cast %add3A_643 : i32 to index
    %get3A_645 = tpu.vector_load %arg9[%get3A_644] {strides = array<i32>} : memref<16384xi32, #tpu.memory_space<vmem>>, vector<16xi32>,
    %get3A_646 = arith.index_cast %add3A_643 : i32 to index
    %get3A_647 = tpu.vector_load %arg8[%get3A_646] {strides = array<i32>} : memref<16384xi32, #tpu.memory_space<vmem>>, vector<16xi32>,
    %select_n3A_648 = arith.select %ge3A_3, %get3A_645, %get3A_647 : vector<16xi32>
    %swap3A_649 = arith.constant 6 : i32
    %swap3A_650 = arith.index_cast %swap3A_649 : i32 to index
    %swap3A_651 = arith.constant 0 : index
    %swap3A_652 = tpu.vector_load %arg13[%swap3A_650, %swap3A_651] {strides = array<i32>} : memref<8x128xi32, #tpu.memory_space<vmem>>, vector<16xi32>,
    tpu.vector_store %arg13[%swap3A_650, %swap3A_651], %select_n3A_648 {strides = array<i32>} : memref<8x128xi32, #tpu.memory_space<vmem>>, vector<16xi32>,
    %add3A_653 = arith.constant 768 : i32
    %add3A_654 = arith.addi %sub3A, %add3A_653 : i32
    %add3A_655 = arith.constant 16 : i32
    %add3A_656 = arith.addi %add3A_654, %add3A_655 : i32
    %get3A_657 = arith.index_cast %add3A_656 : i32 to index
    %get3A_658 = tpu.vector_load %arg9[%get3A_657] {strides = array<i32>} : memref<16384xi32, #tpu.memory_space<vmem>>, vector<16xi32>,
    %get3A_659 = arith.index_cast %add3A_656 : i32 to index
    %get3A_660 = tpu.vector_load %arg8[%get3A_659] {strides = array<i32>} : memref<16384xi32, #tpu.memory_space<vmem>>, vector<16xi32>,
    %select_n3A_661 = arith.select %ge3A_3, %get3A_658, %get3A_660 : vector<16xi32>
    %swap3A_662 = arith.constant 6 : i32
    %swap3A_663 = arith.index_cast %swap3A_662 : i32 to index
    %swap3A_664 = arith.constant 16 : index
    %swap3A_665 = tpu.vector_load %arg13[%swap3A_663, %swap3A_664] {strides = array<i32>} : memref<8x128xi32, #tpu.memory_space<vmem>>, vector<16xi32>,
    tpu.vector_store %arg13[%swap3A_663, %swap3A_664], %select_n3A_661 {strides = array<i32>} : memref<8x128xi32, #tpu.memory_space<vmem>>, vector<16xi32>,
    %add3A_666 = arith.constant 768 : i32
    %add3A_667 = arith.addi %sub3A, %add3A_666 : i32
    %add3A_668 = arith.constant 32 : i32
    %add3A_669 = arith.addi %add3A_667, %add3A_668 : i32
    %get3A_670 = arith.index_cast %add3A_669 : i32 to index
    %get3A_671 = tpu.vector_load %arg9[%get3A_670] {strides = array<i32>} : memref<16384xi32, #tpu.memory_space<vmem>>, vector<16xi32>,
    %get3A_672 = arith.index_cast %add3A_669 : i32 to index
    %get3A_673 = tpu.vector_load %arg8[%get3A_672] {strides = array<i32>} : memref<16384xi32, #tpu.memory_space<vmem>>, vector<16xi32>,
    %select_n3A_674 = arith.select %ge3A_3, %get3A_671, %get3A_673 : vector<16xi32>
    %swap3A_675 = arith.constant 6 : i32
    %swap3A_676 = arith.index_cast %swap3A_675 : i32 to index
    %swap3A_677 = arith.constant 32 : index
    %swap3A_678 = tpu.vector_load %arg13[%swap3A_676, %swap3A_677] {strides = array<i32>} : memref<8x128xi32, #tpu.memory_space<vmem>>, vector<16xi32>,
    tpu.vector_store %arg13[%swap3A_676, %swap3A_677], %select_n3A_674 {strides = array<i32>} : memref<8x128xi32, #tpu.memory_space<vmem>>, vector<16xi32>,
    %add3A_679 = arith.constant 768 : i32
    %add3A_680 = arith.addi %sub3A, %add3A_679 : i32
    %add3A_681 = arith.constant 48 : i32
    %add3A_682 = arith.addi %add3A_680, %add3A_681 : i32
    %get3A_683 = arith.index_cast %add3A_682 : i32 to index
    %get3A_684 = tpu.vector_load %arg9[%get3A_683] {strides = array<i32>} : memref<16384xi32, #tpu.memory_space<vmem>>, vector<16xi32>,
    %get3A_685 = arith.index_cast %add3A_682 : i32 to index
    %get3A_686 = tpu.vector_load %arg8[%get3A_685] {strides = array<i32>} : memref<16384xi32, #tpu.memory_space<vmem>>, vector<16xi32>,
    %select_n3A_687 = arith.select %ge3A_3, %get3A_684, %get3A_686 : vector<16xi32>
    %swap3A_688 = arith.constant 6 : i32
    %swap3A_689 = arith.index_cast %swap3A_688 : i32 to index
    %swap3A_690 = arith.constant 48 : index
    %swap3A_691 = tpu.vector_load %arg13[%swap3A_689, %swap3A_690] {strides = array<i32>} : memref<8x128xi32, #tpu.memory_space<vmem>>, vector<16xi32>,
    tpu.vector_store %arg13[%swap3A_689, %swap3A_690], %select_n3A_687 {strides = array<i32>} : memref<8x128xi32, #tpu.memory_space<vmem>>, vector<16xi32>,
    %add3A_692 = arith.constant 768 : i32
    %add3A_693 = arith.addi %sub3A, %add3A_692 : i32
    %add3A_694 = arith.constant 64 : i32
    %add3A_695 = arith.addi %add3A_693, %add3A_694 : i32
    %get3A_696 = arith.index_cast %add3A_695 : i32 to index
    %get3A_697 = tpu.vector_load %arg9[%get3A_696] {strides = array<i32>} : memref<16384xi32, #tpu.memory_space<vmem>>, vector<16xi32>,
    %get3A_698 = arith.index_cast %add3A_695 : i32 to index
    %get3A_699 = tpu.vector_load %arg8[%get3A_698] {strides = array<i32>} : memref<16384xi32, #tpu.memory_space<vmem>>, vector<16xi32>,
    %select_n3A_700 = arith.select %ge3A_3, %get3A_697, %get3A_699 : vector<16xi32>
    %swap3A_701 = arith.constant 6 : i32
    %swap3A_702 = arith.index_cast %swap3A_701 : i32 to index
    %swap3A_703 = arith.constant 64 : index
    %swap3A_704 = tpu.vector_load %arg13[%swap3A_702, %swap3A_703] {strides = array<i32>} : memref<8x128xi32, #tpu.memory_space<vmem>>, vector<16xi32>,
    tpu.vector_store %arg13[%swap3A_702, %swap3A_703], %select_n3A_700 {strides = array<i32>} : memref<8x128xi32, #tpu.memory_space<vmem>>, vector<16xi32>,
    %add3A_705 = arith.constant 768 : i32
    %add3A_706 = arith.addi %sub3A, %add3A_705 : i32
    %add3A_707 = arith.constant 80 : i32
    %add3A_708 = arith.addi %add3A_706, %add3A_707 : i32
    %get3A_709 = arith.index_cast %add3A_708 : i32 to index
    %get3A_710 = tpu.vector_load %arg9[%get3A_709] {strides = array<i32>} : memref<16384xi32, #tpu.memory_space<vmem>>, vector<16xi32>,
    %get3A_711 = arith.index_cast %add3A_708 : i32 to index
    %get3A_712 = tpu.vector_load %arg8[%get3A_711] {strides = array<i32>} : memref<16384xi32, #tpu.memory_space<vmem>>, vector<16xi32>,
    %select_n3A_713 = arith.select %ge3A_3, %get3A_710, %get3A_712 : vector<16xi32>
    %swap3A_714 = arith.constant 6 : i32
    %swap3A_715 = arith.index_cast %swap3A_714 : i32 to index
    %swap3A_716 = arith.constant 80 : index
    %swap3A_717 = tpu.vector_load %arg13[%swap3A_715, %swap3A_716] {strides = array<i32>} : memref<8x128xi32, #tpu.memory_space<vmem>>, vector<16xi32>,
    tpu.vector_store %arg13[%swap3A_715, %swap3A_716], %select_n3A_713 {strides = array<i32>} : memref<8x128xi32, #tpu.memory_space<vmem>>, vector<16xi32>,
    %add3A_718 = arith.constant 768 : i32
    %add3A_719 = arith.addi %sub3A, %add3A_718 : i32
    %add3A_720 = arith.constant 96 : i32
    %add3A_721 = arith.addi %add3A_719, %add3A_720 : i32
    %get3A_722 = arith.index_cast %add3A_721 : i32 to index
    %get3A_723 = tpu.vector_load %arg9[%get3A_722] {strides = array<i32>} : memref<16384xi32, #tpu.memory_space<vmem>>, vector<16xi32>,
    %get3A_724 = arith.index_cast %add3A_721 : i32 to index
    %get3A_725 = tpu.vector_load %arg8[%get3A_724] {strides = array<i32>} : memref<16384xi32, #tpu.memory_space<vmem>>, vector<16xi32>,
    %select_n3A_726 = arith.select %ge3A_3, %get3A_723, %get3A_725 : vector<16xi32>
    %swap3A_727 = arith.constant 6 : i32
    %swap3A_728 = arith.index_cast %swap3A_727 : i32 to index
    %swap3A_729 = arith.constant 96 : index
    %swap3A_730 = tpu.vector_load %arg13[%swap3A_728, %swap3A_729] {strides = array<i32>} : memref<8x128xi32, #tpu.memory_space<vmem>>, vector<16xi32>,
    tpu.vector_store %arg13[%swap3A_728, %swap3A_729], %select_n3A_726 {strides = array<i32>} : memref<8x128xi32, #tpu.memory_space<vmem>>, vector<16xi32>,
    %add3A_731 = arith.constant 768 : i32
    %add3A_732 = arith.addi %sub3A, %add3A_731 : i32
    %add3A_733 = arith.constant 112 : i32
    %add3A_734 = arith.addi %add3A_732, %add3A_733 : i32
    %get3A_735 = arith.index_cast %add3A_734 : i32 to index
    %get3A_736 = tpu.vector_load %arg9[%get3A_735] {strides = array<i32>} : memref<16384xi32, #tpu.memory_space<vmem>>, vector<16xi32>,
    %get3A_737 = arith.index_cast %add3A_734 : i32 to index
    %get3A_738 = tpu.vector_load %arg8[%get3A_737] {strides = array<i32>} : memref<16384xi32, #tpu.memory_space<vmem>>, vector<16xi32>,
    %select_n3A_739 = arith.select %ge3A_3, %get3A_736, %get3A_738 : vector<16xi32>
    %swap3A_740 = arith.constant 6 : i32
    %swap3A_741 = arith.index_cast %swap3A_740 : i32 to index
    %swap3A_742 = arith.constant 112 : index
    %swap3A_743 = tpu.vector_load %arg13[%swap3A_741, %swap3A_742] {strides = array<i32>} : memref<8x128xi32, #tpu.memory_space<vmem>>, vector<16xi32>,
    tpu.vector_store %arg13[%swap3A_741, %swap3A_742], %select_n3A_739 {strides = array<i32>} : memref<8x128xi32, #tpu.memory_space<vmem>>, vector<16xi32>,
    %add3A_744 = arith.constant 896 : i32
    %add3A_745 = arith.addi %sub3A, %add3A_744 : i32
    %add3A_746 = arith.constant 0 : i32
    %add3A_747 = arith.addi %add3A_745, %add3A_746 : i32
    %get3A_748 = arith.index_cast %add3A_747 : i32 to index
    %get3A_749 = tpu.vector_load %arg9[%get3A_748] {strides = array<i32>} : memref<16384xi32, #tpu.memory_space<vmem>>, vector<16xi32>,
    %get3A_750 = arith.index_cast %add3A_747 : i32 to index
    %get3A_751 = tpu.vector_load %arg8[%get3A_750] {strides = array<i32>} : memref<16384xi32, #tpu.memory_space<vmem>>, vector<16xi32>,
    %select_n3A_752 = arith.select %ge3A_3, %get3A_749, %get3A_751 : vector<16xi32>
    %swap3A_753 = arith.constant 7 : i32
    %swap3A_754 = arith.index_cast %swap3A_753 : i32 to index
    %swap3A_755 = arith.constant 0 : index
    %swap3A_756 = tpu.vector_load %arg13[%swap3A_754, %swap3A_755] {strides = array<i32>} : memref<8x128xi32, #tpu.memory_space<vmem>>, vector<16xi32>,
    tpu.vector_store %arg13[%swap3A_754, %swap3A_755], %select_n3A_752 {strides = array<i32>} : memref<8x128xi32, #tpu.memory_space<vmem>>, vector<16xi32>,
    %add3A_757 = arith.constant 896 : i32
    %add3A_758 = arith.addi %sub3A, %add3A_757 : i32
    %add3A_759 = arith.constant 16 : i32
    %add3A_760 = arith.addi %add3A_758, %add3A_759 : i32
    %get3A_761 = arith.index_cast %add3A_760 : i32 to index
    %get3A_762 = tpu.vector_load %arg9[%get3A_761] {strides = array<i32>} : memref<16384xi32, #tpu.memory_space<vmem>>, vector<16xi32>,
    %get3A_763 = arith.index_cast %add3A_760 : i32 to index
    %get3A_764 = tpu.vector_load %arg8[%get3A_763] {strides = array<i32>} : memref<16384xi32, #tpu.memory_space<vmem>>, vector<16xi32>,
    %select_n3A_765 = arith.select %ge3A_3, %get3A_762, %get3A_764 : vector<16xi32>
    %swap3A_766 = arith.constant 7 : i32
    %swap3A_767 = arith.index_cast %swap3A_766 : i32 to index
    %swap3A_768 = arith.constant 16 : index
    %swap3A_769 = tpu.vector_load %arg13[%swap3A_767, %swap3A_768] {strides = array<i32>} : memref<8x128xi32, #tpu.memory_space<vmem>>, vector<16xi32>,
    tpu.vector_store %arg13[%swap3A_767, %swap3A_768], %select_n3A_765 {strides = array<i32>} : memref<8x128xi32, #tpu.memory_space<vmem>>, vector<16xi32>,
    %add3A_770 = arith.constant 896 : i32
    %add3A_771 = arith.addi %sub3A, %add3A_770 : i32
    %add3A_772 = arith.constant 32 : i32
    %add3A_773 = arith.addi %add3A_771, %add3A_772 : i32
    %get3A_774 = arith.index_cast %add3A_773 : i32 to index
    %get3A_775 = tpu.vector_load %arg9[%get3A_774] {strides = array<i32>} : memref<16384xi32, #tpu.memory_space<vmem>>, vector<16xi32>,
    %get3A_776 = arith.index_cast %add3A_773 : i32 to index
    %get3A_777 = tpu.vector_load %arg8[%get3A_776] {strides = array<i32>} : memref<16384xi32, #tpu.memory_space<vmem>>, vector<16xi32>,
    %select_n3A_778 = arith.select %ge3A_3, %get3A_775, %get3A_777 : vector<16xi32>
    %swap3A_779 = arith.constant 7 : i32
    %swap3A_780 = arith.index_cast %swap3A_779 : i32 to index
    %swap3A_781 = arith.constant 32 : index
    %swap3A_782 = tpu.vector_load %arg13[%swap3A_780, %swap3A_781] {strides = array<i32>} : memref<8x128xi32, #tpu.memory_space<vmem>>, vector<16xi32>,
    tpu.vector_store %arg13[%swap3A_780, %swap3A_781], %select_n3A_778 {strides = array<i32>} : memref<8x128xi32, #tpu.memory_space<vmem>>, vector<16xi32>,
    %add3A_783 = arith.constant 896 : i32
    %add3A_784 = arith.addi %sub3A, %add3A_783 : i32
    %add3A_785 = arith.constant 48 : i32
    %add3A_786 = arith.addi %add3A_784, %add3A_785 : i32
    %get3A_787 = arith.index_cast %add3A_786 : i32 to index
    %get3A_788 = tpu.vector_load %arg9[%get3A_787] {strides = array<i32>} : memref<16384xi32, #tpu.memory_space<vmem>>, vector<16xi32>,
    %get3A_789 = arith.index_cast %add3A_786 : i32 to index
    %get3A_790 = tpu.vector_load %arg8[%get3A_789] {strides = array<i32>} : memref<16384xi32, #tpu.memory_space<vmem>>, vector<16xi32>,
    %select_n3A_791 = arith.select %ge3A_3, %get3A_788, %get3A_790 : vector<16xi32>
    %swap3A_792 = arith.constant 7 : i32
    %swap3A_793 = arith.index_cast %swap3A_792 : i32 to index
    %swap3A_794 = arith.constant 48 : index
    %swap3A_795 = tpu.vector_load %arg13[%swap3A_793, %swap3A_794] {strides = array<i32>} : memref<8x128xi32, #tpu.memory_space<vmem>>, vector<16xi32>,
    tpu.vector_store %arg13[%swap3A_793, %swap3A_794], %select_n3A_791 {strides = array<i32>} : memref<8x128xi32, #tpu.memory_space<vmem>>, vector<16xi32>,
    %add3A_796 = arith.constant 896 : i32
    %add3A_797 = arith.addi %sub3A, %add3A_796 : i32
    %add3A_798 = arith.constant 64 : i32
    %add3A_799 = arith.addi %add3A_797, %add3A_798 : i32
    %get3A_800 = arith.index_cast %add3A_799 : i32 to index
    %get3A_801 = tpu.vector_load %arg9[%get3A_800] {strides = array<i32>} : memref<16384xi32, #tpu.memory_space<vmem>>, vector<16xi32>,
    %get3A_802 = arith.index_cast %add3A_799 : i32 to index
    %get3A_803 = tpu.vector_load %arg8[%get3A_802] {strides = array<i32>} : memref<16384xi32, #tpu.memory_space<vmem>>, vector<16xi32>,
    %select_n3A_804 = arith.select %ge3A_3, %get3A_801, %get3A_803 : vector<16xi32>
    %swap3A_805 = arith.constant 7 : i32
    %swap3A_806 = arith.index_cast %swap3A_805 : i32 to index
    %swap3A_807 = arith.constant 64 : index
    %swap3A_808 = tpu.vector_load %arg13[%swap3A_806, %swap3A_807] {strides = array<i32>} : memref<8x128xi32, #tpu.memory_space<vmem>>, vector<16xi32>,
    tpu.vector_store %arg13[%swap3A_806, %swap3A_807], %select_n3A_804 {strides = array<i32>} : memref<8x128xi32, #tpu.memory_space<vmem>>, vector<16xi32>,
    %add3A_809 = arith.constant 896 : i32
    %add3A_810 = arith.addi %sub3A, %add3A_809 : i32
    %add3A_811 = arith.constant 80 : i32
    %add3A_812 = arith.addi %add3A_810, %add3A_811 : i32
    %get3A_813 = arith.index_cast %add3A_812 : i32 to index
    %get3A_814 = tpu.vector_load %arg9[%get3A_813] {strides = array<i32>} : memref<16384xi32, #tpu.memory_space<vmem>>, vector<16xi32>,
    %get3A_815 = arith.index_cast %add3A_812 : i32 to index
    %get3A_816 = tpu.vector_load %arg8[%get3A_815] {strides = array<i32>} : memref<16384xi32, #tpu.memory_space<vmem>>, vector<16xi32>,
    %select_n3A_817 = arith.select %ge3A_3, %get3A_814, %get3A_816 : vector<16xi32>
    %swap3A_818 = arith.constant 7 : i32
    %swap3A_819 = arith.index_cast %swap3A_818 : i32 to index
    %swap3A_820 = arith.constant 80 : index
    %swap3A_821 = tpu.vector_load %arg13[%swap3A_819, %swap3A_820] {strides = array<i32>} : memref<8x128xi32, #tpu.memory_space<vmem>>, vector<16xi32>,
    tpu.vector_store %arg13[%swap3A_819, %swap3A_820], %select_n3A_817 {strides = array<i32>} : memref<8x128xi32, #tpu.memory_space<vmem>>, vector<16xi32>,
    %add3A_822 = arith.constant 896 : i32
    %add3A_823 = arith.addi %sub3A, %add3A_822 : i32
    %add3A_824 = arith.constant 96 : i32
    %add3A_825 = arith.addi %add3A_823, %add3A_824 : i32
    %get3A_826 = arith.index_cast %add3A_825 : i32 to index
    %get3A_827 = tpu.vector_load %arg9[%get3A_826] {strides = array<i32>} : memref<16384xi32, #tpu.memory_space<vmem>>, vector<16xi32>,
    %get3A_828 = arith.index_cast %add3A_825 : i32 to index
    %get3A_829 = tpu.vector_load %arg8[%get3A_828] {strides = array<i32>} : memref<16384xi32, #tpu.memory_space<vmem>>, vector<16xi32>,
    %select_n3A_830 = arith.select %ge3A_3, %get3A_827, %get3A_829 : vector<16xi32>
    %swap3A_831 = arith.constant 7 : i32
    %swap3A_832 = arith.index_cast %swap3A_831 : i32 to index
    %swap3A_833 = arith.constant 96 : index
    %swap3A_834 = tpu.vector_load %arg13[%swap3A_832, %swap3A_833] {strides = array<i32>} : memref<8x128xi32, #tpu.memory_space<vmem>>, vector<16xi32>,
    tpu.vector_store %arg13[%swap3A_832, %swap3A_833], %select_n3A_830 {strides = array<i32>} : memref<8x128xi32, #tpu.memory_space<vmem>>, vector<16xi32>,
    %add3A_835 = arith.constant 896 : i32
    %add3A_836 = arith.addi %sub3A, %add3A_835 : i32
    %add3A_837 = arith.constant 112 : i32
    %add3A_838 = arith.addi %add3A_836, %add3A_837 : i32
    %get3A_839 = arith.index_cast %add3A_838 : i32 to index
    %get3A_840 = tpu.vector_load %arg9[%get3A_839] {strides = array<i32>} : memref<16384xi32, #tpu.memory_space<vmem>>, vector<16xi32>,
    %get3A_841 = arith.index_cast %add3A_838 : i32 to index
    %get3A_842 = tpu.vector_load %arg8[%get3A_841] {strides = array<i32>} : memref<16384xi32, #tpu.memory_space<vmem>>, vector<16xi32>,
    %select_n3A_843 = arith.select %ge3A_3, %get3A_840, %get3A_842 : vector<16xi32>
    %swap3A_844 = arith.constant 7 : i32
    %swap3A_845 = arith.index_cast %swap3A_844 : i32 to index
    %swap3A_846 = arith.constant 112 : index
    %swap3A_847 = tpu.vector_load %arg13[%swap3A_845, %swap3A_846] {strides = array<i32>} : memref<8x128xi32, #tpu.memory_space<vmem>>, vector<16xi32>,
    tpu.vector_store %arg13[%swap3A_845, %swap3A_846], %select_n3A_843 {strides = array<i32>} : memref<8x128xi32, #tpu.memory_space<vmem>>, vector<16xi32>,
    %dma_start3A = arith.constant 0 : i32
    %dma_start3A_848 = arith.constant 0 : i32
    %dma_start3A_849 = tpu.memref_slice %arg13[%dma_start3A, %dma_start3A_848] : memref<8x128xi32, #tpu.memory_space<vmem>> -> memref<1x128xi32, #tpu.memory_space<vmem>>
    %dma_start3A_850 = tpu.memref_squeeze %dma_start3A_849 : memref<1x128xi32, #tpu.memory_space<vmem>> -> memref<128xi32, #tpu.memory_space<vmem>>
    %dma_start3A_851 = arith.constant 0 : i32
    %dma_start3A_852 = arith.constant 0 : i32
    %dma_start3A_853 = tpu.memref_slice %arg5[%dma_start3A_851, %dma_start3A_852] : memref<100000x128xf32, #tpu.memory_space<hbm>> -> memref<100000x128xf32, #tpu.memory_space<hbm>>
    tpu.enqueue_indirect_dma source(%dma_start3A_853 : memref<100000x128xf32, #tpu.memory_space<hbm>>) target(%arg14 : memref<128x128xf32, #tpu.memory_space<vmem>>) offsets(%dma_start3A_850 : memref<128xi32, #tpu.memory_space<vmem>>) semaphore(%arg19 : memref<!tpu.dma_semaphore, #tpu.memory_space<semaphore_mem>>)
    %dma_start3A_854 = arith.constant 1 : i32
    %dma_start3A_855 = arith.constant 0 : i32
    %dma_start3A_856 = tpu.memref_slice %arg13[%dma_start3A_854, %dma_start3A_855] : memref<8x128xi32, #tpu.memory_space<vmem>> -> memref<1x128xi32, #tpu.memory_space<vmem>>
    %dma_start3A_857 = tpu.memref_squeeze %dma_start3A_856 : memref<1x128xi32, #tpu.memory_space<vmem>> -> memref<128xi32, #tpu.memory_space<vmem>>
    %dma_start3A_858 = arith.constant 0 : i32
    %dma_start3A_859 = arith.constant 0 : i32
    %dma_start3A_860 = tpu.memref_slice %arg5[%dma_start3A_858, %dma_start3A_859] : memref<100000x128xf32, #tpu.memory_space<hbm>> -> memref<100000x128xf32, #tpu.memory_space<hbm>>
    tpu.enqueue_indirect_dma source(%dma_start3A_860 : memref<100000x128xf32, #tpu.memory_space<hbm>>) target(%arg15 : memref<128x128xf32, #tpu.memory_space<vmem>>) offsets(%dma_start3A_857 : memref<128xi32, #tpu.memory_space<vmem>>) semaphore(%arg20 : memref<!tpu.dma_semaphore, #tpu.memory_space<semaphore_mem>>)
    %dma_wait3A = arith.constant 0 : i32
    %dma_wait3A_861 = arith.constant 0 : i32
    %dma_wait3A_862 = tpu.memref_slice %arg13[%dma_wait3A, %dma_wait3A_861] : memref<8x128xi32, #tpu.memory_space<vmem>> -> memref<1x128xi32, #tpu.memory_space<vmem>>
    %dma_wait3A_863 = tpu.memref_squeeze %dma_wait3A_862 : memref<1x128xi32, #tpu.memory_space<vmem>> -> memref<128xi32, #tpu.memory_space<vmem>>
    %dma_wait3A_864 = arith.constant 0 : i32
    %dma_wait3A_865 = arith.constant 0 : i32
    %dma_wait3A_866 = tpu.memref_slice %arg5[%dma_wait3A_864, %dma_wait3A_865] : memref<100000x128xf32, #tpu.memory_space<hbm>> -> memref<100000x128xf32, #tpu.memory_space<hbm>>
    tpu.wait_indirect_dma semaphore(%arg19 : memref<!tpu.dma_semaphore, #tpu.memory_space<semaphore_mem>>) src(%dma_wait3A_866 : memref<100000x128xf32, #tpu.memory_space<hbm>>) dst(%arg14 : memref<128x128xf32, #tpu.memory_space<vmem>>)
    %add3A_867 = arith.constant 0 : i32
    %add3A_868 = arith.addi %mul3A_16, %add3A_867 : i32
    "tpu.region"() ({
      %run_scoped3A = tpu.sem_alloc : memref<!tpu.dma_semaphore, #tpu.memory_space<semaphore_mem>>
      %dma_start3A_974 = arith.constant 0 : i32
      %dma_start3A_975 = tpu.memref_slice %arg7[%add3A_868, %dma_start3A_974] : memref<32768x128xf32, #tpu.memory_space<hbm>> -> memref<128x128xf32, #tpu.memory_space<hbm>>
      %dma_start3A_976 = arith.constant 0 : i32
      %dma_start3A_977 = tpu.memref_slice %arg7[%add3A_868, %dma_start3A_976] : memref<32768x128xf32, #tpu.memory_space<hbm>> -> memref<128x128xf32, #tpu.memory_space<hbm>>
      tpu.enqueue_dma source(%arg14 : memref<128x128xf32, #tpu.memory_space<vmem>>) target(%dma_start3A_977 : memref<128x128xf32, #tpu.memory_space<hbm>>) target_semaphore(%run_scoped3A : memref<!tpu.dma_semaphore, #tpu.memory_space<semaphore_mem>>)
      %dma_wait3A_978 = arith.constant 0 : i32
      %dma_wait3A_979 = tpu.memref_slice %arg7[%add3A_868, %dma_wait3A_978] : memref<32768x128xf32, #tpu.memory_space<hbm>> -> memref<128x128xf32, #tpu.memory_space<hbm>>
      %dma_wait3A_980 = arith.constant 0 : i32
      %dma_wait3A_981 = tpu.memref_slice %arg7[%add3A_868, %dma_wait3A_980] : memref<32768x128xf32, #tpu.memory_space<hbm>> -> memref<128x128xf32, #tpu.memory_space<hbm>>
      tpu.wait_dma2 semaphore(%run_scoped3A : memref<!tpu.dma_semaphore, #tpu.memory_space<semaphore_mem>>) src(%arg14 : memref<128x128xf32, #tpu.memory_space<vmem>>) dst(%dma_wait3A_981 : memref<128x128xf32, #tpu.memory_space<hbm>>)
      tpu.yield
    }) : () -> ()
    %dma_start3A_869 = arith.constant 2 : i32
    %dma_start3A_870 = arith.constant 0 : i32
    %dma_start3A_871 = tpu.memref_slice %arg13[%dma_start3A_869, %dma_start3A_870] : memref<8x128xi32, #tpu.memory_space<vmem>> -> memref<1x128xi32, #tpu.memory_space<vmem>>
    %dma_start3A_872 = tpu.memref_squeeze %dma_start3A_871 : memref<1x128xi32, #tpu.memory_space<vmem>> -> memref<128xi32, #tpu.memory_space<vmem>>
    %dma_start3A_873 = arith.constant 0 : i32
    %dma_start3A_874 = arith.constant 0 : i32
    %dma_start3A_875 = tpu.memref_slice %arg5[%dma_start3A_873, %dma_start3A_874] : memref<100000x128xf32, #tpu.memory_space<hbm>> -> memref<100000x128xf32, #tpu.memory_space<hbm>>
    tpu.enqueue_indirect_dma source(%dma_start3A_875 : memref<100000x128xf32, #tpu.memory_space<hbm>>) target(%arg14 : memref<128x128xf32, #tpu.memory_space<vmem>>) offsets(%dma_start3A_872 : memref<128xi32, #tpu.memory_space<vmem>>) semaphore(%arg19 : memref<!tpu.dma_semaphore, #tpu.memory_space<semaphore_mem>>)
    %dma_wait3A_876 = arith.constant 1 : i32
    %dma_wait3A_877 = arith.constant 0 : i32
    %dma_wait3A_878 = tpu.memref_slice %arg13[%dma_wait3A_876, %dma_wait3A_877] : memref<8x128xi32, #tpu.memory_space<vmem>> -> memref<1x128xi32, #tpu.memory_space<vmem>>
    %dma_wait3A_879 = tpu.memref_squeeze %dma_wait3A_878 : memref<1x128xi32, #tpu.memory_space<vmem>> -> memref<128xi32, #tpu.memory_space<vmem>>
    %dma_wait3A_880 = arith.constant 0 : i32
    %dma_wait3A_881 = arith.constant 0 : i32
    %dma_wait3A_882 = tpu.memref_slice %arg5[%dma_wait3A_880, %dma_wait3A_881] : memref<100000x128xf32, #tpu.memory_space<hbm>> -> memref<100000x128xf32, #tpu.memory_space<hbm>>
    tpu.wait_indirect_dma semaphore(%arg20 : memref<!tpu.dma_semaphore, #tpu.memory_space<semaphore_mem>>) src(%dma_wait3A_882 : memref<100000x128xf32, #tpu.memory_space<hbm>>) dst(%arg15 : memref<128x128xf32, #tpu.memory_space<vmem>>)
    %add3A_883 = arith.constant 128 : i32
    %add3A_884 = arith.addi %mul3A_16, %add3A_883 : i32
    "tpu.region"() ({
      %run_scoped3A = tpu.sem_alloc : memref<!tpu.dma_semaphore, #tpu.memory_space<semaphore_mem>>
      %dma_start3A_974 = arith.constant 0 : i32
      %dma_start3A_975 = tpu.memref_slice %arg7[%add3A_884, %dma_start3A_974] : memref<32768x128xf32, #tpu.memory_space<hbm>> -> memref<128x128xf32, #tpu.memory_space<hbm>>
      %dma_start3A_976 = arith.constant 0 : i32
      %dma_start3A_977 = tpu.memref_slice %arg7[%add3A_884, %dma_start3A_976] : memref<32768x128xf32, #tpu.memory_space<hbm>> -> memref<128x128xf32, #tpu.memory_space<hbm>>
      tpu.enqueue_dma source(%arg15 : memref<128x128xf32, #tpu.memory_space<vmem>>) target(%dma_start3A_977 : memref<128x128xf32, #tpu.memory_space<hbm>>) target_semaphore(%run_scoped3A : memref<!tpu.dma_semaphore, #tpu.memory_space<semaphore_mem>>)
      %dma_wait3A_978 = arith.constant 0 : i32
      %dma_wait3A_979 = tpu.memref_slice %arg7[%add3A_884, %dma_wait3A_978] : memref<32768x128xf32, #tpu.memory_space<hbm>> -> memref<128x128xf32, #tpu.memory_space<hbm>>
      %dma_wait3A_980 = arith.constant 0 : i32
      %dma_wait3A_981 = tpu.memref_slice %arg7[%add3A_884, %dma_wait3A_980] : memref<32768x128xf32, #tpu.memory_space<hbm>> -> memref<128x128xf32, #tpu.memory_space<hbm>>
      tpu.wait_dma2 semaphore(%run_scoped3A : memref<!tpu.dma_semaphore, #tpu.memory_space<semaphore_mem>>) src(%arg15 : memref<128x128xf32, #tpu.memory_space<vmem>>) dst(%dma_wait3A_981 : memref<128x128xf32, #tpu.memory_space<hbm>>)
      tpu.yield
    }) : () -> ()
    %dma_start3A_885 = arith.constant 3 : i32
    %dma_start3A_886 = arith.constant 0 : i32
    %dma_start3A_887 = tpu.memref_slice %arg13[%dma_start3A_885, %dma_start3A_886] : memref<8x128xi32, #tpu.memory_space<vmem>> -> memref<1x128xi32, #tpu.memory_space<vmem>>
    %dma_start3A_888 = tpu.memref_squeeze %dma_start3A_887 : memref<1x128xi32, #tpu.memory_space<vmem>> -> memref<128xi32, #tpu.memory_space<vmem>>
    %dma_start3A_889 = arith.constant 0 : i32
    %dma_start3A_890 = arith.constant 0 : i32
    %dma_start3A_891 = tpu.memref_slice %arg5[%dma_start3A_889, %dma_start3A_890] : memref<100000x128xf32, #tpu.memory_space<hbm>> -> memref<100000x128xf32, #tpu.memory_space<hbm>>
    tpu.enqueue_indirect_dma source(%dma_start3A_891 : memref<100000x128xf32, #tpu.memory_space<hbm>>) target(%arg15 : memref<128x128xf32, #tpu.memory_space<vmem>>) offsets(%dma_start3A_888 : memref<128xi32, #tpu.memory_space<vmem>>) semaphore(%arg20 : memref<!tpu.dma_semaphore, #tpu.memory_space<semaphore_mem>>)
    %dma_wait3A_892 = arith.constant 2 : i32
    %dma_wait3A_893 = arith.constant 0 : i32
    %dma_wait3A_894 = tpu.memref_slice %arg13[%dma_wait3A_892, %dma_wait3A_893] : memref<8x128xi32, #tpu.memory_space<vmem>> -> memref<1x128xi32, #tpu.memory_space<vmem>>
    %dma_wait3A_895 = tpu.memref_squeeze %dma_wait3A_894 : memref<1x128xi32, #tpu.memory_space<vmem>> -> memref<128xi32, #tpu.memory_space<vmem>>
    %dma_wait3A_896 = arith.constant 0 : i32
    %dma_wait3A_897 = arith.constant 0 : i32
    %dma_wait3A_898 = tpu.memref_slice %arg5[%dma_wait3A_896, %dma_wait3A_897] : memref<100000x128xf32, #tpu.memory_space<hbm>> -> memref<100000x128xf32, #tpu.memory_space<hbm>>
    tpu.wait_indirect_dma semaphore(%arg19 : memref<!tpu.dma_semaphore, #tpu.memory_space<semaphore_mem>>) src(%dma_wait3A_898 : memref<100000x128xf32, #tpu.memory_space<hbm>>) dst(%arg14 : memref<128x128xf32, #tpu.memory_space<vmem>>)
    %add3A_899 = arith.constant 256 : i32
    %add3A_900 = arith.addi %mul3A_16, %add3A_899 : i32
    "tpu.region"() ({
      %run_scoped3A = tpu.sem_alloc : memref<!tpu.dma_semaphore, #tpu.memory_space<semaphore_mem>>
      %dma_start3A_974 = arith.constant 0 : i32
      %dma_start3A_975 = tpu.memref_slice %arg7[%add3A_900, %dma_start3A_974] : memref<32768x128xf32, #tpu.memory_space<hbm>> -> memref<128x128xf32, #tpu.memory_space<hbm>>
      %dma_start3A_976 = arith.constant 0 : i32
      %dma_start3A_977 = tpu.memref_slice %arg7[%add3A_900, %dma_start3A_976] : memref<32768x128xf32, #tpu.memory_space<hbm>> -> memref<128x128xf32, #tpu.memory_space<hbm>>
      tpu.enqueue_dma source(%arg14 : memref<128x128xf32, #tpu.memory_space<vmem>>) target(%dma_start3A_977 : memref<128x128xf32, #tpu.memory_space<hbm>>) target_semaphore(%run_scoped3A : memref<!tpu.dma_semaphore, #tpu.memory_space<semaphore_mem>>)
      %dma_wait3A_978 = arith.constant 0 : i32
      %dma_wait3A_979 = tpu.memref_slice %arg7[%add3A_900, %dma_wait3A_978] : memref<32768x128xf32, #tpu.memory_space<hbm>> -> memref<128x128xf32, #tpu.memory_space<hbm>>
      %dma_wait3A_980 = arith.constant 0 : i32
      %dma_wait3A_981 = tpu.memref_slice %arg7[%add3A_900, %dma_wait3A_980] : memref<32768x128xf32, #tpu.memory_space<hbm>> -> memref<128x128xf32, #tpu.memory_space<hbm>>
      tpu.wait_dma2 semaphore(%run_scoped3A : memref<!tpu.dma_semaphore, #tpu.memory_space<semaphore_mem>>) src(%arg14 : memref<128x128xf32, #tpu.memory_space<vmem>>) dst(%dma_wait3A_981 : memref<128x128xf32, #tpu.memory_space<hbm>>)
      tpu.yield
    }) : () -> ()
    %dma_start3A_901 = arith.constant 4 : i32
    %dma_start3A_902 = arith.constant 0 : i32
    %dma_start3A_903 = tpu.memref_slice %arg13[%dma_start3A_901, %dma_start3A_902] : memref<8x128xi32, #tpu.memory_space<vmem>> -> memref<1x128xi32, #tpu.memory_space<vmem>>
    %dma_start3A_904 = tpu.memref_squeeze %dma_start3A_903 : memref<1x128xi32, #tpu.memory_space<vmem>> -> memref<128xi32, #tpu.memory_space<vmem>>
    %dma_start3A_905 = arith.constant 0 : i32
    %dma_start3A_906 = arith.constant 0 : i32
    %dma_start3A_907 = tpu.memref_slice %arg5[%dma_start3A_905, %dma_start3A_906] : memref<100000x128xf32, #tpu.memory_space<hbm>> -> memref<100000x128xf32, #tpu.memory_space<hbm>>
    tpu.enqueue_indirect_dma source(%dma_start3A_907 : memref<100000x128xf32, #tpu.memory_space<hbm>>) target(%arg14 : memref<128x128xf32, #tpu.memory_space<vmem>>) offsets(%dma_start3A_904 : memref<128xi32, #tpu.memory_space<vmem>>) semaphore(%arg19 : memref<!tpu.dma_semaphore, #tpu.memory_space<semaphore_mem>>)
    %dma_wait3A_908 = arith.constant 3 : i32
    %dma_wait3A_909 = arith.constant 0 : i32
    %dma_wait3A_910 = tpu.memref_slice %arg13[%dma_wait3A_908, %dma_wait3A_909] : memref<8x128xi32, #tpu.memory_space<vmem>> -> memref<1x128xi32, #tpu.memory_space<vmem>>
    %dma_wait3A_911 = tpu.memref_squeeze %dma_wait3A_910 : memref<1x128xi32, #tpu.memory_space<vmem>> -> memref<128xi32, #tpu.memory_space<vmem>>
    %dma_wait3A_912 = arith.constant 0 : i32
    %dma_wait3A_913 = arith.constant 0 : i32
    %dma_wait3A_914 = tpu.memref_slice %arg5[%dma_wait3A_912, %dma_wait3A_913] : memref<100000x128xf32, #tpu.memory_space<hbm>> -> memref<100000x128xf32, #tpu.memory_space<hbm>>
    tpu.wait_indirect_dma semaphore(%arg20 : memref<!tpu.dma_semaphore, #tpu.memory_space<semaphore_mem>>) src(%dma_wait3A_914 : memref<100000x128xf32, #tpu.memory_space<hbm>>) dst(%arg15 : memref<128x128xf32, #tpu.memory_space<vmem>>)
    %add3A_915 = arith.constant 384 : i32
    %add3A_916 = arith.addi %mul3A_16, %add3A_915 : i32
    "tpu.region"() ({
      %run_scoped3A = tpu.sem_alloc : memref<!tpu.dma_semaphore, #tpu.memory_space<semaphore_mem>>
      %dma_start3A_974 = arith.constant 0 : i32
      %dma_start3A_975 = tpu.memref_slice %arg7[%add3A_916, %dma_start3A_974] : memref<32768x128xf32, #tpu.memory_space<hbm>> -> memref<128x128xf32, #tpu.memory_space<hbm>>
      %dma_start3A_976 = arith.constant 0 : i32
      %dma_start3A_977 = tpu.memref_slice %arg7[%add3A_916, %dma_start3A_976] : memref<32768x128xf32, #tpu.memory_space<hbm>> -> memref<128x128xf32, #tpu.memory_space<hbm>>
      tpu.enqueue_dma source(%arg15 : memref<128x128xf32, #tpu.memory_space<vmem>>) target(%dma_start3A_977 : memref<128x128xf32, #tpu.memory_space<hbm>>) target_semaphore(%run_scoped3A : memref<!tpu.dma_semaphore, #tpu.memory_space<semaphore_mem>>)
      %dma_wait3A_978 = arith.constant 0 : i32
      %dma_wait3A_979 = tpu.memref_slice %arg7[%add3A_916, %dma_wait3A_978] : memref<32768x128xf32, #tpu.memory_space<hbm>> -> memref<128x128xf32, #tpu.memory_space<hbm>>
      %dma_wait3A_980 = arith.constant 0 : i32
      %dma_wait3A_981 = tpu.memref_slice %arg7[%add3A_916, %dma_wait3A_980] : memref<32768x128xf32, #tpu.memory_space<hbm>> -> memref<128x128xf32, #tpu.memory_space<hbm>>
      tpu.wait_dma2 semaphore(%run_scoped3A : memref<!tpu.dma_semaphore, #tpu.memory_space<semaphore_mem>>) src(%arg15 : memref<128x128xf32, #tpu.memory_space<vmem>>) dst(%dma_wait3A_981 : memref<128x128xf32, #tpu.memory_space<hbm>>)
      tpu.yield
    }) : () -> ()
    %dma_start3A_917 = arith.constant 5 : i32
    %dma_start3A_918 = arith.constant 0 : i32
    %dma_start3A_919 = tpu.memref_slice %arg13[%dma_start3A_917, %dma_start3A_918] : memref<8x128xi32, #tpu.memory_space<vmem>> -> memref<1x128xi32, #tpu.memory_space<vmem>>
    %dma_start3A_920 = tpu.memref_squeeze %dma_start3A_919 : memref<1x128xi32, #tpu.memory_space<vmem>> -> memref<128xi32, #tpu.memory_space<vmem>>
    %dma_start3A_921 = arith.constant 0 : i32
    %dma_start3A_922 = arith.constant 0 : i32
    %dma_start3A_923 = tpu.memref_slice %arg5[%dma_start3A_921, %dma_start3A_922] : memref<100000x128xf32, #tpu.memory_space<hbm>> -> memref<100000x128xf32, #tpu.memory_space<hbm>>
    tpu.enqueue_indirect_dma source(%dma_start3A_923 : memref<100000x128xf32, #tpu.memory_space<hbm>>) target(%arg15 : memref<128x128xf32, #tpu.memory_space<vmem>>) offsets(%dma_start3A_920 : memref<128xi32, #tpu.memory_space<vmem>>) semaphore(%arg20 : memref<!tpu.dma_semaphore, #tpu.memory_space<semaphore_mem>>)
    %dma_wait3A_924 = arith.constant 4 : i32
    %dma_wait3A_925 = arith.constant 0 : i32
    %dma_wait3A_926 = tpu.memref_slice %arg13[%dma_wait3A_924, %dma_wait3A_925] : memref<8x128xi32, #tpu.memory_space<vmem>> -> memref<1x128xi32, #tpu.memory_space<vmem>>
    %dma_wait3A_927 = tpu.memref_squeeze %dma_wait3A_926 : memref<1x128xi32, #tpu.memory_space<vmem>> -> memref<128xi32, #tpu.memory_space<vmem>>
    %dma_wait3A_928 = arith.constant 0 : i32
    %dma_wait3A_929 = arith.constant 0 : i32
    %dma_wait3A_930 = tpu.memref_slice %arg5[%dma_wait3A_928, %dma_wait3A_929] : memref<100000x128xf32, #tpu.memory_space<hbm>> -> memref<100000x128xf32, #tpu.memory_space<hbm>>
    tpu.wait_indirect_dma semaphore(%arg19 : memref<!tpu.dma_semaphore, #tpu.memory_space<semaphore_mem>>) src(%dma_wait3A_930 : memref<100000x128xf32, #tpu.memory_space<hbm>>) dst(%arg14 : memref<128x128xf32, #tpu.memory_space<vmem>>)
    %add3A_931 = arith.constant 512 : i32
    %add3A_932 = arith.addi %mul3A_16, %add3A_931 : i32
    "tpu.region"() ({
      %run_scoped3A = tpu.sem_alloc : memref<!tpu.dma_semaphore, #tpu.memory_space<semaphore_mem>>
      %dma_start3A_974 = arith.constant 0 : i32
      %dma_start3A_975 = tpu.memref_slice %arg7[%add3A_932, %dma_start3A_974] : memref<32768x128xf32, #tpu.memory_space<hbm>> -> memref<128x128xf32, #tpu.memory_space<hbm>>
      %dma_start3A_976 = arith.constant 0 : i32
      %dma_start3A_977 = tpu.memref_slice %arg7[%add3A_932, %dma_start3A_976] : memref<32768x128xf32, #tpu.memory_space<hbm>> -> memref<128x128xf32, #tpu.memory_space<hbm>>
      tpu.enqueue_dma source(%arg14 : memref<128x128xf32, #tpu.memory_space<vmem>>) target(%dma_start3A_977 : memref<128x128xf32, #tpu.memory_space<hbm>>) target_semaphore(%run_scoped3A : memref<!tpu.dma_semaphore, #tpu.memory_space<semaphore_mem>>)
      %dma_wait3A_978 = arith.constant 0 : i32
      %dma_wait3A_979 = tpu.memref_slice %arg7[%add3A_932, %dma_wait3A_978] : memref<32768x128xf32, #tpu.memory_space<hbm>> -> memref<128x128xf32, #tpu.memory_space<hbm>>
      %dma_wait3A_980 = arith.constant 0 : i32
      %dma_wait3A_981 = tpu.memref_slice %arg7[%add3A_932, %dma_wait3A_980] : memref<32768x128xf32, #tpu.memory_space<hbm>> -> memref<128x128xf32, #tpu.memory_space<hbm>>
      tpu.wait_dma2 semaphore(%run_scoped3A : memref<!tpu.dma_semaphore, #tpu.memory_space<semaphore_mem>>) src(%arg14 : memref<128x128xf32, #tpu.memory_space<vmem>>) dst(%dma_wait3A_981 : memref<128x128xf32, #tpu.memory_space<hbm>>)
      tpu.yield
    }) : () -> ()
    %dma_start3A_933 = arith.constant 6 : i32
    %dma_start3A_934 = arith.constant 0 : i32
    %dma_start3A_935 = tpu.memref_slice %arg13[%dma_start3A_933, %dma_start3A_934] : memref<8x128xi32, #tpu.memory_space<vmem>> -> memref<1x128xi32, #tpu.memory_space<vmem>>
    %dma_start3A_936 = tpu.memref_squeeze %dma_start3A_935 : memref<1x128xi32, #tpu.memory_space<vmem>> -> memref<128xi32, #tpu.memory_space<vmem>>
    %dma_start3A_937 = arith.constant 0 : i32
    %dma_start3A_938 = arith.constant 0 : i32
    %dma_start3A_939 = tpu.memref_slice %arg5[%dma_start3A_937, %dma_start3A_938] : memref<100000x128xf32, #tpu.memory_space<hbm>> -> memref<100000x128xf32, #tpu.memory_space<hbm>>
    tpu.enqueue_indirect_dma source(%dma_start3A_939 : memref<100000x128xf32, #tpu.memory_space<hbm>>) target(%arg14 : memref<128x128xf32, #tpu.memory_space<vmem>>) offsets(%dma_start3A_936 : memref<128xi32, #tpu.memory_space<vmem>>) semaphore(%arg19 : memref<!tpu.dma_semaphore, #tpu.memory_space<semaphore_mem>>)
    %dma_wait3A_940 = arith.constant 5 : i32
    %dma_wait3A_941 = arith.constant 0 : i32
    %dma_wait3A_942 = tpu.memref_slice %arg13[%dma_wait3A_940, %dma_wait3A_941] : memref<8x128xi32, #tpu.memory_space<vmem>> -> memref<1x128xi32, #tpu.memory_space<vmem>>
    %dma_wait3A_943 = tpu.memref_squeeze %dma_wait3A_942 : memref<1x128xi32, #tpu.memory_space<vmem>> -> memref<128xi32, #tpu.memory_space<vmem>>
    %dma_wait3A_944 = arith.constant 0 : i32
    %dma_wait3A_945 = arith.constant 0 : i32
    %dma_wait3A_946 = tpu.memref_slice %arg5[%dma_wait3A_944, %dma_wait3A_945] : memref<100000x128xf32, #tpu.memory_space<hbm>> -> memref<100000x128xf32, #tpu.memory_space<hbm>>
    tpu.wait_indirect_dma semaphore(%arg20 : memref<!tpu.dma_semaphore, #tpu.memory_space<semaphore_mem>>) src(%dma_wait3A_946 : memref<100000x128xf32, #tpu.memory_space<hbm>>) dst(%arg15 : memref<128x128xf32, #tpu.memory_space<vmem>>)
    %add3A_947 = arith.constant 640 : i32
    %add3A_948 = arith.addi %mul3A_16, %add3A_947 : i32
    "tpu.region"() ({
      %run_scoped3A = tpu.sem_alloc : memref<!tpu.dma_semaphore, #tpu.memory_space<semaphore_mem>>
      %dma_start3A_974 = arith.constant 0 : i32
      %dma_start3A_975 = tpu.memref_slice %arg7[%add3A_948, %dma_start3A_974] : memref<32768x128xf32, #tpu.memory_space<hbm>> -> memref<128x128xf32, #tpu.memory_space<hbm>>
      %dma_start3A_976 = arith.constant 0 : i32
      %dma_start3A_977 = tpu.memref_slice %arg7[%add3A_948, %dma_start3A_976] : memref<32768x128xf32, #tpu.memory_space<hbm>> -> memref<128x128xf32, #tpu.memory_space<hbm>>
      tpu.enqueue_dma source(%arg15 : memref<128x128xf32, #tpu.memory_space<vmem>>) target(%dma_start3A_977 : memref<128x128xf32, #tpu.memory_space<hbm>>) target_semaphore(%run_scoped3A : memref<!tpu.dma_semaphore, #tpu.memory_space<semaphore_mem>>)
      %dma_wait3A_978 = arith.constant 0 : i32
      %dma_wait3A_979 = tpu.memref_slice %arg7[%add3A_948, %dma_wait3A_978] : memref<32768x128xf32, #tpu.memory_space<hbm>> -> memref<128x128xf32, #tpu.memory_space<hbm>>
      %dma_wait3A_980 = arith.constant 0 : i32
      %dma_wait3A_981 = tpu.memref_slice %arg7[%add3A_948, %dma_wait3A_980] : memref<32768x128xf32, #tpu.memory_space<hbm>> -> memref<128x128xf32, #tpu.memory_space<hbm>>
      tpu.wait_dma2 semaphore(%run_scoped3A : memref<!tpu.dma_semaphore, #tpu.memory_space<semaphore_mem>>) src(%arg15 : memref<128x128xf32, #tpu.memory_space<vmem>>) dst(%dma_wait3A_981 : memref<128x128xf32, #tpu.memory_space<hbm>>)
      tpu.yield
    }) : () -> ()
    %dma_start3A_949 = arith.constant 7 : i32
    %dma_start3A_950 = arith.constant 0 : i32
    %dma_start3A_951 = tpu.memref_slice %arg13[%dma_start3A_949, %dma_start3A_950] : memref<8x128xi32, #tpu.memory_space<vmem>> -> memref<1x128xi32, #tpu.memory_space<vmem>>
    %dma_start3A_952 = tpu.memref_squeeze %dma_start3A_951 : memref<1x128xi32, #tpu.memory_space<vmem>> -> memref<128xi32, #tpu.memory_space<vmem>>
    %dma_start3A_953 = arith.constant 0 : i32
    %dma_start3A_954 = arith.constant 0 : i32
    %dma_start3A_955 = tpu.memref_slice %arg5[%dma_start3A_953, %dma_start3A_954] : memref<100000x128xf32, #tpu.memory_space<hbm>> -> memref<100000x128xf32, #tpu.memory_space<hbm>>
    tpu.enqueue_indirect_dma source(%dma_start3A_955 : memref<100000x128xf32, #tpu.memory_space<hbm>>) target(%arg15 : memref<128x128xf32, #tpu.memory_space<vmem>>) offsets(%dma_start3A_952 : memref<128xi32, #tpu.memory_space<vmem>>) semaphore(%arg20 : memref<!tpu.dma_semaphore, #tpu.memory_space<semaphore_mem>>)
    %dma_wait3A_956 = arith.constant 6 : i32
    %dma_wait3A_957 = arith.constant 0 : i32
    %dma_wait3A_958 = tpu.memref_slice %arg13[%dma_wait3A_956, %dma_wait3A_957] : memref<8x128xi32, #tpu.memory_space<vmem>> -> memref<1x128xi32, #tpu.memory_space<vmem>>
    %dma_wait3A_959 = tpu.memref_squeeze %dma_wait3A_958 : memref<1x128xi32, #tpu.memory_space<vmem>> -> memref<128xi32, #tpu.memory_space<vmem>>
    %dma_wait3A_960 = arith.constant 0 : i32
    %dma_wait3A_961 = arith.constant 0 : i32
    %dma_wait3A_962 = tpu.memref_slice %arg5[%dma_wait3A_960, %dma_wait3A_961] : memref<100000x128xf32, #tpu.memory_space<hbm>> -> memref<100000x128xf32, #tpu.memory_space<hbm>>
    tpu.wait_indirect_dma semaphore(%arg19 : memref<!tpu.dma_semaphore, #tpu.memory_space<semaphore_mem>>) src(%dma_wait3A_962 : memref<100000x128xf32, #tpu.memory_space<hbm>>) dst(%arg14 : memref<128x128xf32, #tpu.memory_space<vmem>>)
    %add3A_963 = arith.constant 768 : i32
    %add3A_964 = arith.addi %mul3A_16, %add3A_963 : i32
    "tpu.region"() ({
      %run_scoped3A = tpu.sem_alloc : memref<!tpu.dma_semaphore, #tpu.memory_space<semaphore_mem>>
      %dma_start3A_974 = arith.constant 0 : i32
      %dma_start3A_975 = tpu.memref_slice %arg7[%add3A_964, %dma_start3A_974] : memref<32768x128xf32, #tpu.memory_space<hbm>> -> memref<128x128xf32, #tpu.memory_space<hbm>>
      %dma_start3A_976 = arith.constant 0 : i32
      %dma_start3A_977 = tpu.memref_slice %arg7[%add3A_964, %dma_start3A_976] : memref<32768x128xf32, #tpu.memory_space<hbm>> -> memref<128x128xf32, #tpu.memory_space<hbm>>
      tpu.enqueue_dma source(%arg14 : memref<128x128xf32, #tpu.memory_space<vmem>>) target(%dma_start3A_977 : memref<128x128xf32, #tpu.memory_space<hbm>>) target_semaphore(%run_scoped3A : memref<!tpu.dma_semaphore, #tpu.memory_space<semaphore_mem>>)
      %dma_wait3A_978 = arith.constant 0 : i32
      %dma_wait3A_979 = tpu.memref_slice %arg7[%add3A_964, %dma_wait3A_978] : memref<32768x128xf32, #tpu.memory_space<hbm>> -> memref<128x128xf32, #tpu.memory_space<hbm>>
      %dma_wait3A_980 = arith.constant 0 : i32
      %dma_wait3A_981 = tpu.memref_slice %arg7[%add3A_964, %dma_wait3A_980] : memref<32768x128xf32, #tpu.memory_space<hbm>> -> memref<128x128xf32, #tpu.memory_space<hbm>>
      tpu.wait_dma2 semaphore(%run_scoped3A : memref<!tpu.dma_semaphore, #tpu.memory_space<semaphore_mem>>) src(%arg14 : memref<128x128xf32, #tpu.memory_space<vmem>>) dst(%dma_wait3A_981 : memref<128x128xf32, #tpu.memory_space<hbm>>)
      tpu.yield
    }) : () -> ()
    %dma_wait3A_965 = arith.constant 7 : i32
    %dma_wait3A_966 = arith.constant 0 : i32
    %dma_wait3A_967 = tpu.memref_slice %arg13[%dma_wait3A_965, %dma_wait3A_966] : memref<8x128xi32, #tpu.memory_space<vmem>> -> memref<1x128xi32, #tpu.memory_space<vmem>>
    %dma_wait3A_968 = tpu.memref_squeeze %dma_wait3A_967 : memref<1x128xi32, #tpu.memory_space<vmem>> -> memref<128xi32, #tpu.memory_space<vmem>>
    %dma_wait3A_969 = arith.constant 0 : i32
    %dma_wait3A_970 = arith.constant 0 : i32
    %dma_wait3A_971 = tpu.memref_slice %arg5[%dma_wait3A_969, %dma_wait3A_970] : memref<100000x128xf32, #tpu.memory_space<hbm>> -> memref<100000x128xf32, #tpu.memory_space<hbm>>
    tpu.wait_indirect_dma semaphore(%arg20 : memref<!tpu.dma_semaphore, #tpu.memory_space<semaphore_mem>>) src(%dma_wait3A_971 : memref<100000x128xf32, #tpu.memory_space<hbm>>) dst(%arg15 : memref<128x128xf32, #tpu.memory_space<vmem>>)
    %add3A_972 = arith.constant 896 : i32
    %add3A_973 = arith.addi %mul3A_16, %add3A_972 : i32
    "tpu.region"() ({
      %run_scoped3A = tpu.sem_alloc : memref<!tpu.dma_semaphore, #tpu.memory_space<semaphore_mem>>
      %dma_start3A_974 = arith.constant 0 : i32
      %dma_start3A_975 = tpu.memref_slice %arg7[%add3A_973, %dma_start3A_974] : memref<32768x128xf32, #tpu.memory_space<hbm>> -> memref<128x128xf32, #tpu.memory_space<hbm>>
      %dma_start3A_976 = arith.constant 0 : i32
      %dma_start3A_977 = tpu.memref_slice %arg7[%add3A_973, %dma_start3A_976] : memref<32768x128xf32, #tpu.memory_space<hbm>> -> memref<128x128xf32, #tpu.memory_space<hbm>>
      tpu.enqueue_dma source(%arg15 : memref<128x128xf32, #tpu.memory_space<vmem>>) target(%dma_start3A_977 : memref<128x128xf32, #tpu.memory_space<hbm>>) target_semaphore(%run_scoped3A : memref<!tpu.dma_semaphore, #tpu.memory_space<semaphore_mem>>)
      %dma_wait3A_978 = arith.constant 0 : i32
      %dma_wait3A_979 = tpu.memref_slice %arg7[%add3A_973, %dma_wait3A_978] : memref<32768x128xf32, #tpu.memory_space<hbm>> -> memref<128x128xf32, #tpu.memory_space<hbm>>
      %dma_wait3A_980 = arith.constant 0 : i32
      %dma_wait3A_981 = tpu.memref_slice %arg7[%add3A_973, %dma_wait3A_980] : memref<32768x128xf32, #tpu.memory_space<hbm>> -> memref<128x128xf32, #tpu.memory_space<hbm>>
      tpu.wait_dma2 semaphore(%run_scoped3A : memref<!tpu.dma_semaphore, #tpu.memory_space<semaphore_mem>>) src(%arg15 : memref<128x128xf32, #tpu.memory_space<vmem>>) dst(%dma_wait3A_981 : memref<128x128xf32, #tpu.memory_space<hbm>>)
      tpu.yield
    }) : () -> ()
    return
  }
}

#map = affine_map<(d0, d1) -> (0)>
#map1 = affine_map<(d0, d1) -> (0, 0)>
module attributes {stable_mosaic.version = 14 : i64} {
  func.func @new_body(%arg0: i32, %arg1: i32, %arg2: memref<16384xi32, #tpu.memory_space<hbm>>, %arg3: memref<16384xi32, #tpu.memory_space<hbm>>, %arg4: memref<102400xi32, #tpu.memory_space<hbm>>, %arg5: memref<32768x128xf32, #tpu.memory_space<hbm>>, %arg6: memref<100000x128xf32, #tpu.memory_space<hbm>>, %arg7: memref<100000x128xf32, #tpu.memory_space<hbm>>, %arg8: memref<1024xi32, #tpu.memory_space<vmem>>, %arg9: memref<8x128xi32, #tpu.memory_space<vmem>>, %arg10: memref<8x128xi32, #tpu.memory_space<vmem>>, %arg11: memref<128x128xf32, #tpu.memory_space<vmem>>, %arg12: memref<128x128xf32, #tpu.memory_space<vmem>>, %arg13: memref<!tpu.dma_semaphore, #tpu.memory_space<semaphore_mem>>, %arg14: memref<!tpu.dma_semaphore, #tpu.memory_space<semaphore_mem>>, %arg15: memref<!tpu.dma_semaphore, #tpu.memory_space<semaphore_mem>>, %arg16: memref<!tpu.dma_semaphore, #tpu.memory_space<semaphore_mem>>, %arg17: memref<!tpu.dma_semaphore, #tpu.memory_space<semaphore_mem>>) attributes {dimension_semantics = [#tpu.dimension_semantics<core_parallel>, #tpu.dimension_semantics<subcore_parallel>], iteration_bounds = array<i64: 2, 16>, scalar_prefetch = 0 : i64, scratch_operands = 10 : i64, tpu.core_type = #tpu.core_type<sc_vector_subcore>, window_params = [{transform_indices = #map}, {transform_indices = #map}, {transform_indices = #map}, {transform_indices = #map1}, {transform_indices = #map1}, {transform_indices = #map1}]} {
    %mul3A = arith.constant 2 : i32
    %mul3A_0 = arith.muli %arg1, %mul3A : i32
    %add3A = arith.addi %mul3A_0, %arg0 : i32
    %mul3A_1 = arith.constant 1024 : i32
    %mul3A_2 = arith.muli %add3A, %mul3A_1 : i32
    %ge3A = arith.constant 16 : i32
    %ge3A_3 = arith.cmpi sge, %add3A, %ge3A : i32
    %jit3A = arith.constant 16384 : i32
    %jit3A_4 = arith.constant 0 : i32
    %select_n3A = arith.select %ge3A_3, %jit3A, %jit3A_4 : i32
    %sub3A = arith.subi %mul3A_2, %select_n3A : i32
    "tpu.region"() ({
      %run_scoped3A = tpu.sem_alloc : memref<!tpu.dma_semaphore, #tpu.memory_space<semaphore_mem>>
      %dma_start3A_770 = tpu.memref_slice %arg2[%sub3A] : memref<16384xi32, #tpu.memory_space<hbm>> -> memref<1024xi32, #tpu.memory_space<hbm>>
      %dma_start3A_771 = tpu.memref_slice %arg2[%sub3A] : memref<16384xi32, #tpu.memory_space<hbm>> -> memref<1024xi32, #tpu.memory_space<hbm>>
      tpu.enqueue_dma source(%dma_start3A_771 : memref<1024xi32, #tpu.memory_space<hbm>>) target(%arg8 : memref<1024xi32, #tpu.memory_space<vmem>>) target_semaphore(%run_scoped3A : memref<!tpu.dma_semaphore, #tpu.memory_space<semaphore_mem>>)
      %dma_wait3A_772 = tpu.memref_slice %arg2[%sub3A] : memref<16384xi32, #tpu.memory_space<hbm>> -> memref<1024xi32, #tpu.memory_space<hbm>>
      %dma_wait3A_773 = tpu.memref_slice %arg2[%sub3A] : memref<16384xi32, #tpu.memory_space<hbm>> -> memref<1024xi32, #tpu.memory_space<hbm>>
      tpu.wait_dma2 semaphore(%run_scoped3A : memref<!tpu.dma_semaphore, #tpu.memory_space<semaphore_mem>>) src(%dma_wait3A_773 : memref<1024xi32, #tpu.memory_space<hbm>>) dst(%arg8 : memref<1024xi32, #tpu.memory_space<vmem>>)
      tpu.yield
    }) : () -> ()
    %convert_element_type3A = arith.extui %ge3A_3 : i1 to i32
    %cond3A = arith.constant 0 : i32
    %cond3A_5 = arith.cmpi ne, %convert_element_type3A, %cond3A : i32
    scf.if %cond3A_5 {
      "tpu.region"() ({
        %run_scoped3A = tpu.sem_alloc : memref<!tpu.dma_semaphore, #tpu.memory_space<semaphore_mem>>
        %dma_start3A_770 = tpu.memref_slice %arg3[%sub3A] : memref<16384xi32, #tpu.memory_space<hbm>> -> memref<1024xi32, #tpu.memory_space<hbm>>
        %dma_start3A_771 = tpu.memref_slice %arg3[%sub3A] : memref<16384xi32, #tpu.memory_space<hbm>> -> memref<1024xi32, #tpu.memory_space<hbm>>
        tpu.enqueue_dma source(%dma_start3A_771 : memref<1024xi32, #tpu.memory_space<hbm>>) target(%arg8 : memref<1024xi32, #tpu.memory_space<vmem>>) target_semaphore(%run_scoped3A : memref<!tpu.dma_semaphore, #tpu.memory_space<semaphore_mem>>)
        %dma_wait3A_772 = tpu.memref_slice %arg3[%sub3A] : memref<16384xi32, #tpu.memory_space<hbm>> -> memref<1024xi32, #tpu.memory_space<hbm>>
        %dma_wait3A_773 = tpu.memref_slice %arg3[%sub3A] : memref<16384xi32, #tpu.memory_space<hbm>> -> memref<1024xi32, #tpu.memory_space<hbm>>
        tpu.wait_dma2 semaphore(%run_scoped3A : memref<!tpu.dma_semaphore, #tpu.memory_space<semaphore_mem>>) src(%dma_wait3A_773 : memref<1024xi32, #tpu.memory_space<hbm>>) dst(%arg8 : memref<1024xi32, #tpu.memory_space<vmem>>)
        tpu.yield
      }) : () -> ()
    } else {
    }
    %get3A = arith.constant 0 : index
    %get3A_6 = tpu.vector_load %arg8[%get3A] {strides = array<i32>} : memref<1024xi32, #tpu.memory_space<vmem>>, vector<16xi32>,
    %swap3A = arith.constant 0 : i32
    %swap3A_7 = arith.index_cast %swap3A : i32 to index
    %swap3A_8 = arith.constant 0 : index
    %swap3A_9 = tpu.vector_load %arg9[%swap3A_7, %swap3A_8] {strides = array<i32>} : memref<8x128xi32, #tpu.memory_space<vmem>>, vector<16xi32>,
    tpu.vector_store %arg9[%swap3A_7, %swap3A_8], %get3A_6 {strides = array<i32>} : memref<8x128xi32, #tpu.memory_space<vmem>>, vector<16xi32>,
    %get3A_10 = arith.constant 16 : index
    %get3A_11 = tpu.vector_load %arg8[%get3A_10] {strides = array<i32>} : memref<1024xi32, #tpu.memory_space<vmem>>, vector<16xi32>,
    %swap3A_12 = arith.constant 0 : i32
    %swap3A_13 = arith.index_cast %swap3A_12 : i32 to index
    %swap3A_14 = arith.constant 16 : index
    %swap3A_15 = tpu.vector_load %arg9[%swap3A_13, %swap3A_14] {strides = array<i32>} : memref<8x128xi32, #tpu.memory_space<vmem>>, vector<16xi32>,
    tpu.vector_store %arg9[%swap3A_13, %swap3A_14], %get3A_11 {strides = array<i32>} : memref<8x128xi32, #tpu.memory_space<vmem>>, vector<16xi32>,
    %get3A_16 = arith.constant 32 : index
    %get3A_17 = tpu.vector_load %arg8[%get3A_16] {strides = array<i32>} : memref<1024xi32, #tpu.memory_space<vmem>>, vector<16xi32>,
    %swap3A_18 = arith.constant 0 : i32
    %swap3A_19 = arith.index_cast %swap3A_18 : i32 to index
    %swap3A_20 = arith.constant 32 : index
    %swap3A_21 = tpu.vector_load %arg9[%swap3A_19, %swap3A_20] {strides = array<i32>} : memref<8x128xi32, #tpu.memory_space<vmem>>, vector<16xi32>,
    tpu.vector_store %arg9[%swap3A_19, %swap3A_20], %get3A_17 {strides = array<i32>} : memref<8x128xi32, #tpu.memory_space<vmem>>, vector<16xi32>,
    %get3A_22 = arith.constant 48 : index
    %get3A_23 = tpu.vector_load %arg8[%get3A_22] {strides = array<i32>} : memref<1024xi32, #tpu.memory_space<vmem>>, vector<16xi32>,
    %swap3A_24 = arith.constant 0 : i32
    %swap3A_25 = arith.index_cast %swap3A_24 : i32 to index
    %swap3A_26 = arith.constant 48 : index
    %swap3A_27 = tpu.vector_load %arg9[%swap3A_25, %swap3A_26] {strides = array<i32>} : memref<8x128xi32, #tpu.memory_space<vmem>>, vector<16xi32>,
    tpu.vector_store %arg9[%swap3A_25, %swap3A_26], %get3A_23 {strides = array<i32>} : memref<8x128xi32, #tpu.memory_space<vmem>>, vector<16xi32>,
    %get3A_28 = arith.constant 64 : index
    %get3A_29 = tpu.vector_load %arg8[%get3A_28] {strides = array<i32>} : memref<1024xi32, #tpu.memory_space<vmem>>, vector<16xi32>,
    %swap3A_30 = arith.constant 0 : i32
    %swap3A_31 = arith.index_cast %swap3A_30 : i32 to index
    %swap3A_32 = arith.constant 64 : index
    %swap3A_33 = tpu.vector_load %arg9[%swap3A_31, %swap3A_32] {strides = array<i32>} : memref<8x128xi32, #tpu.memory_space<vmem>>, vector<16xi32>,
    tpu.vector_store %arg9[%swap3A_31, %swap3A_32], %get3A_29 {strides = array<i32>} : memref<8x128xi32, #tpu.memory_space<vmem>>, vector<16xi32>,
    %get3A_34 = arith.constant 80 : index
    %get3A_35 = tpu.vector_load %arg8[%get3A_34] {strides = array<i32>} : memref<1024xi32, #tpu.memory_space<vmem>>, vector<16xi32>,
    %swap3A_36 = arith.constant 0 : i32
    %swap3A_37 = arith.index_cast %swap3A_36 : i32 to index
    %swap3A_38 = arith.constant 80 : index
    %swap3A_39 = tpu.vector_load %arg9[%swap3A_37, %swap3A_38] {strides = array<i32>} : memref<8x128xi32, #tpu.memory_space<vmem>>, vector<16xi32>,
    tpu.vector_store %arg9[%swap3A_37, %swap3A_38], %get3A_35 {strides = array<i32>} : memref<8x128xi32, #tpu.memory_space<vmem>>, vector<16xi32>,
    %get3A_40 = arith.constant 96 : index
    %get3A_41 = tpu.vector_load %arg8[%get3A_40] {strides = array<i32>} : memref<1024xi32, #tpu.memory_space<vmem>>, vector<16xi32>,
    %swap3A_42 = arith.constant 0 : i32
    %swap3A_43 = arith.index_cast %swap3A_42 : i32 to index
    %swap3A_44 = arith.constant 96 : index
    %swap3A_45 = tpu.vector_load %arg9[%swap3A_43, %swap3A_44] {strides = array<i32>} : memref<8x128xi32, #tpu.memory_space<vmem>>, vector<16xi32>,
    tpu.vector_store %arg9[%swap3A_43, %swap3A_44], %get3A_41 {strides = array<i32>} : memref<8x128xi32, #tpu.memory_space<vmem>>, vector<16xi32>,
    %get3A_46 = arith.constant 112 : index
    %get3A_47 = tpu.vector_load %arg8[%get3A_46] {strides = array<i32>} : memref<1024xi32, #tpu.memory_space<vmem>>, vector<16xi32>,
    %swap3A_48 = arith.constant 0 : i32
    %swap3A_49 = arith.index_cast %swap3A_48 : i32 to index
    %swap3A_50 = arith.constant 112 : index
    %swap3A_51 = tpu.vector_load %arg9[%swap3A_49, %swap3A_50] {strides = array<i32>} : memref<8x128xi32, #tpu.memory_space<vmem>>, vector<16xi32>,
    tpu.vector_store %arg9[%swap3A_49, %swap3A_50], %get3A_47 {strides = array<i32>} : memref<8x128xi32, #tpu.memory_space<vmem>>, vector<16xi32>,
    %get3A_52 = arith.constant 128 : index
    %get3A_53 = tpu.vector_load %arg8[%get3A_52] {strides = array<i32>} : memref<1024xi32, #tpu.memory_space<vmem>>, vector<16xi32>,
    %swap3A_54 = arith.constant 1 : i32
    %swap3A_55 = arith.index_cast %swap3A_54 : i32 to index
    %swap3A_56 = arith.constant 0 : index
    %swap3A_57 = tpu.vector_load %arg9[%swap3A_55, %swap3A_56] {strides = array<i32>} : memref<8x128xi32, #tpu.memory_space<vmem>>, vector<16xi32>,
    tpu.vector_store %arg9[%swap3A_55, %swap3A_56], %get3A_53 {strides = array<i32>} : memref<8x128xi32, #tpu.memory_space<vmem>>, vector<16xi32>,
    %get3A_58 = arith.constant 144 : index
    %get3A_59 = tpu.vector_load %arg8[%get3A_58] {strides = array<i32>} : memref<1024xi32, #tpu.memory_space<vmem>>, vector<16xi32>,
    %swap3A_60 = arith.constant 1 : i32
    %swap3A_61 = arith.index_cast %swap3A_60 : i32 to index
    %swap3A_62 = arith.constant 16 : index
    %swap3A_63 = tpu.vector_load %arg9[%swap3A_61, %swap3A_62] {strides = array<i32>} : memref<8x128xi32, #tpu.memory_space<vmem>>, vector<16xi32>,
    tpu.vector_store %arg9[%swap3A_61, %swap3A_62], %get3A_59 {strides = array<i32>} : memref<8x128xi32, #tpu.memory_space<vmem>>, vector<16xi32>,
    %get3A_64 = arith.constant 160 : index
    %get3A_65 = tpu.vector_load %arg8[%get3A_64] {strides = array<i32>} : memref<1024xi32, #tpu.memory_space<vmem>>, vector<16xi32>,
    %swap3A_66 = arith.constant 1 : i32
    %swap3A_67 = arith.index_cast %swap3A_66 : i32 to index
    %swap3A_68 = arith.constant 32 : index
    %swap3A_69 = tpu.vector_load %arg9[%swap3A_67, %swap3A_68] {strides = array<i32>} : memref<8x128xi32, #tpu.memory_space<vmem>>, vector<16xi32>,
    tpu.vector_store %arg9[%swap3A_67, %swap3A_68], %get3A_65 {strides = array<i32>} : memref<8x128xi32, #tpu.memory_space<vmem>>, vector<16xi32>,
    %get3A_70 = arith.constant 176 : index
    %get3A_71 = tpu.vector_load %arg8[%get3A_70] {strides = array<i32>} : memref<1024xi32, #tpu.memory_space<vmem>>, vector<16xi32>,
    %swap3A_72 = arith.constant 1 : i32
    %swap3A_73 = arith.index_cast %swap3A_72 : i32 to index
    %swap3A_74 = arith.constant 48 : index
    %swap3A_75 = tpu.vector_load %arg9[%swap3A_73, %swap3A_74] {strides = array<i32>} : memref<8x128xi32, #tpu.memory_space<vmem>>, vector<16xi32>,
    tpu.vector_store %arg9[%swap3A_73, %swap3A_74], %get3A_71 {strides = array<i32>} : memref<8x128xi32, #tpu.memory_space<vmem>>, vector<16xi32>,
    %get3A_76 = arith.constant 192 : index
    %get3A_77 = tpu.vector_load %arg8[%get3A_76] {strides = array<i32>} : memref<1024xi32, #tpu.memory_space<vmem>>, vector<16xi32>,
    %swap3A_78 = arith.constant 1 : i32
    %swap3A_79 = arith.index_cast %swap3A_78 : i32 to index
    %swap3A_80 = arith.constant 64 : index
    %swap3A_81 = tpu.vector_load %arg9[%swap3A_79, %swap3A_80] {strides = array<i32>} : memref<8x128xi32, #tpu.memory_space<vmem>>, vector<16xi32>,
    tpu.vector_store %arg9[%swap3A_79, %swap3A_80], %get3A_77 {strides = array<i32>} : memref<8x128xi32, #tpu.memory_space<vmem>>, vector<16xi32>,
    %get3A_82 = arith.constant 208 : index
    %get3A_83 = tpu.vector_load %arg8[%get3A_82] {strides = array<i32>} : memref<1024xi32, #tpu.memory_space<vmem>>, vector<16xi32>,
    %swap3A_84 = arith.constant 1 : i32
    %swap3A_85 = arith.index_cast %swap3A_84 : i32 to index
    %swap3A_86 = arith.constant 80 : index
    %swap3A_87 = tpu.vector_load %arg9[%swap3A_85, %swap3A_86] {strides = array<i32>} : memref<8x128xi32, #tpu.memory_space<vmem>>, vector<16xi32>,
    tpu.vector_store %arg9[%swap3A_85, %swap3A_86], %get3A_83 {strides = array<i32>} : memref<8x128xi32, #tpu.memory_space<vmem>>, vector<16xi32>,
    %get3A_88 = arith.constant 224 : index
    %get3A_89 = tpu.vector_load %arg8[%get3A_88] {strides = array<i32>} : memref<1024xi32, #tpu.memory_space<vmem>>, vector<16xi32>,
    %swap3A_90 = arith.constant 1 : i32
    %swap3A_91 = arith.index_cast %swap3A_90 : i32 to index
    %swap3A_92 = arith.constant 96 : index
    %swap3A_93 = tpu.vector_load %arg9[%swap3A_91, %swap3A_92] {strides = array<i32>} : memref<8x128xi32, #tpu.memory_space<vmem>>, vector<16xi32>,
    tpu.vector_store %arg9[%swap3A_91, %swap3A_92], %get3A_89 {strides = array<i32>} : memref<8x128xi32, #tpu.memory_space<vmem>>, vector<16xi32>,
    %get3A_94 = arith.constant 240 : index
    %get3A_95 = tpu.vector_load %arg8[%get3A_94] {strides = array<i32>} : memref<1024xi32, #tpu.memory_space<vmem>>, vector<16xi32>,
    %swap3A_96 = arith.constant 1 : i32
    %swap3A_97 = arith.index_cast %swap3A_96 : i32 to index
    %swap3A_98 = arith.constant 112 : index
    %swap3A_99 = tpu.vector_load %arg9[%swap3A_97, %swap3A_98] {strides = array<i32>} : memref<8x128xi32, #tpu.memory_space<vmem>>, vector<16xi32>,
    tpu.vector_store %arg9[%swap3A_97, %swap3A_98], %get3A_95 {strides = array<i32>} : memref<8x128xi32, #tpu.memory_space<vmem>>, vector<16xi32>,
    %get3A_100 = arith.constant 256 : index
    %get3A_101 = tpu.vector_load %arg8[%get3A_100] {strides = array<i32>} : memref<1024xi32, #tpu.memory_space<vmem>>, vector<16xi32>,
    %swap3A_102 = arith.constant 2 : i32
    %swap3A_103 = arith.index_cast %swap3A_102 : i32 to index
    %swap3A_104 = arith.constant 0 : index
    %swap3A_105 = tpu.vector_load %arg9[%swap3A_103, %swap3A_104] {strides = array<i32>} : memref<8x128xi32, #tpu.memory_space<vmem>>, vector<16xi32>,
    tpu.vector_store %arg9[%swap3A_103, %swap3A_104], %get3A_101 {strides = array<i32>} : memref<8x128xi32, #tpu.memory_space<vmem>>, vector<16xi32>,
    %get3A_106 = arith.constant 272 : index
    %get3A_107 = tpu.vector_load %arg8[%get3A_106] {strides = array<i32>} : memref<1024xi32, #tpu.memory_space<vmem>>, vector<16xi32>,
    %swap3A_108 = arith.constant 2 : i32
    %swap3A_109 = arith.index_cast %swap3A_108 : i32 to index
    %swap3A_110 = arith.constant 16 : index
    %swap3A_111 = tpu.vector_load %arg9[%swap3A_109, %swap3A_110] {strides = array<i32>} : memref<8x128xi32, #tpu.memory_space<vmem>>, vector<16xi32>,
    tpu.vector_store %arg9[%swap3A_109, %swap3A_110], %get3A_107 {strides = array<i32>} : memref<8x128xi32, #tpu.memory_space<vmem>>, vector<16xi32>,
    %get3A_112 = arith.constant 288 : index
    %get3A_113 = tpu.vector_load %arg8[%get3A_112] {strides = array<i32>} : memref<1024xi32, #tpu.memory_space<vmem>>, vector<16xi32>,
    %swap3A_114 = arith.constant 2 : i32
    %swap3A_115 = arith.index_cast %swap3A_114 : i32 to index
    %swap3A_116 = arith.constant 32 : index
    %swap3A_117 = tpu.vector_load %arg9[%swap3A_115, %swap3A_116] {strides = array<i32>} : memref<8x128xi32, #tpu.memory_space<vmem>>, vector<16xi32>,
    tpu.vector_store %arg9[%swap3A_115, %swap3A_116], %get3A_113 {strides = array<i32>} : memref<8x128xi32, #tpu.memory_space<vmem>>, vector<16xi32>,
    %get3A_118 = arith.constant 304 : index
    %get3A_119 = tpu.vector_load %arg8[%get3A_118] {strides = array<i32>} : memref<1024xi32, #tpu.memory_space<vmem>>, vector<16xi32>,
    %swap3A_120 = arith.constant 2 : i32
    %swap3A_121 = arith.index_cast %swap3A_120 : i32 to index
    %swap3A_122 = arith.constant 48 : index
    %swap3A_123 = tpu.vector_load %arg9[%swap3A_121, %swap3A_122] {strides = array<i32>} : memref<8x128xi32, #tpu.memory_space<vmem>>, vector<16xi32>,
    tpu.vector_store %arg9[%swap3A_121, %swap3A_122], %get3A_119 {strides = array<i32>} : memref<8x128xi32, #tpu.memory_space<vmem>>, vector<16xi32>,
    %get3A_124 = arith.constant 320 : index
    %get3A_125 = tpu.vector_load %arg8[%get3A_124] {strides = array<i32>} : memref<1024xi32, #tpu.memory_space<vmem>>, vector<16xi32>,
    %swap3A_126 = arith.constant 2 : i32
    %swap3A_127 = arith.index_cast %swap3A_126 : i32 to index
    %swap3A_128 = arith.constant 64 : index
    %swap3A_129 = tpu.vector_load %arg9[%swap3A_127, %swap3A_128] {strides = array<i32>} : memref<8x128xi32, #tpu.memory_space<vmem>>, vector<16xi32>,
    tpu.vector_store %arg9[%swap3A_127, %swap3A_128], %get3A_125 {strides = array<i32>} : memref<8x128xi32, #tpu.memory_space<vmem>>, vector<16xi32>,
    %get3A_130 = arith.constant 336 : index
    %get3A_131 = tpu.vector_load %arg8[%get3A_130] {strides = array<i32>} : memref<1024xi32, #tpu.memory_space<vmem>>, vector<16xi32>,
    %swap3A_132 = arith.constant 2 : i32
    %swap3A_133 = arith.index_cast %swap3A_132 : i32 to index
    %swap3A_134 = arith.constant 80 : index
    %swap3A_135 = tpu.vector_load %arg9[%swap3A_133, %swap3A_134] {strides = array<i32>} : memref<8x128xi32, #tpu.memory_space<vmem>>, vector<16xi32>,
    tpu.vector_store %arg9[%swap3A_133, %swap3A_134], %get3A_131 {strides = array<i32>} : memref<8x128xi32, #tpu.memory_space<vmem>>, vector<16xi32>,
    %get3A_136 = arith.constant 352 : index
    %get3A_137 = tpu.vector_load %arg8[%get3A_136] {strides = array<i32>} : memref<1024xi32, #tpu.memory_space<vmem>>, vector<16xi32>,
    %swap3A_138 = arith.constant 2 : i32
    %swap3A_139 = arith.index_cast %swap3A_138 : i32 to index
    %swap3A_140 = arith.constant 96 : index
    %swap3A_141 = tpu.vector_load %arg9[%swap3A_139, %swap3A_140] {strides = array<i32>} : memref<8x128xi32, #tpu.memory_space<vmem>>, vector<16xi32>,
    tpu.vector_store %arg9[%swap3A_139, %swap3A_140], %get3A_137 {strides = array<i32>} : memref<8x128xi32, #tpu.memory_space<vmem>>, vector<16xi32>,
    %get3A_142 = arith.constant 368 : index
    %get3A_143 = tpu.vector_load %arg8[%get3A_142] {strides = array<i32>} : memref<1024xi32, #tpu.memory_space<vmem>>, vector<16xi32>,
    %swap3A_144 = arith.constant 2 : i32
    %swap3A_145 = arith.index_cast %swap3A_144 : i32 to index
    %swap3A_146 = arith.constant 112 : index
    %swap3A_147 = tpu.vector_load %arg9[%swap3A_145, %swap3A_146] {strides = array<i32>} : memref<8x128xi32, #tpu.memory_space<vmem>>, vector<16xi32>,
    tpu.vector_store %arg9[%swap3A_145, %swap3A_146], %get3A_143 {strides = array<i32>} : memref<8x128xi32, #tpu.memory_space<vmem>>, vector<16xi32>,
    %get3A_148 = arith.constant 384 : index
    %get3A_149 = tpu.vector_load %arg8[%get3A_148] {strides = array<i32>} : memref<1024xi32, #tpu.memory_space<vmem>>, vector<16xi32>,
    %swap3A_150 = arith.constant 3 : i32
    %swap3A_151 = arith.index_cast %swap3A_150 : i32 to index
    %swap3A_152 = arith.constant 0 : index
    %swap3A_153 = tpu.vector_load %arg9[%swap3A_151, %swap3A_152] {strides = array<i32>} : memref<8x128xi32, #tpu.memory_space<vmem>>, vector<16xi32>,
    tpu.vector_store %arg9[%swap3A_151, %swap3A_152], %get3A_149 {strides = array<i32>} : memref<8x128xi32, #tpu.memory_space<vmem>>, vector<16xi32>,
    %get3A_154 = arith.constant 400 : index
    %get3A_155 = tpu.vector_load %arg8[%get3A_154] {strides = array<i32>} : memref<1024xi32, #tpu.memory_space<vmem>>, vector<16xi32>,
    %swap3A_156 = arith.constant 3 : i32
    %swap3A_157 = arith.index_cast %swap3A_156 : i32 to index
    %swap3A_158 = arith.constant 16 : index
    %swap3A_159 = tpu.vector_load %arg9[%swap3A_157, %swap3A_158] {strides = array<i32>} : memref<8x128xi32, #tpu.memory_space<vmem>>, vector<16xi32>,
    tpu.vector_store %arg9[%swap3A_157, %swap3A_158], %get3A_155 {strides = array<i32>} : memref<8x128xi32, #tpu.memory_space<vmem>>, vector<16xi32>,
    %get3A_160 = arith.constant 416 : index
    %get3A_161 = tpu.vector_load %arg8[%get3A_160] {strides = array<i32>} : memref<1024xi32, #tpu.memory_space<vmem>>, vector<16xi32>,
    %swap3A_162 = arith.constant 3 : i32
    %swap3A_163 = arith.index_cast %swap3A_162 : i32 to index
    %swap3A_164 = arith.constant 32 : index
    %swap3A_165 = tpu.vector_load %arg9[%swap3A_163, %swap3A_164] {strides = array<i32>} : memref<8x128xi32, #tpu.memory_space<vmem>>, vector<16xi32>,
    tpu.vector_store %arg9[%swap3A_163, %swap3A_164], %get3A_161 {strides = array<i32>} : memref<8x128xi32, #tpu.memory_space<vmem>>, vector<16xi32>,
    %get3A_166 = arith.constant 432 : index
    %get3A_167 = tpu.vector_load %arg8[%get3A_166] {strides = array<i32>} : memref<1024xi32, #tpu.memory_space<vmem>>, vector<16xi32>,
    %swap3A_168 = arith.constant 3 : i32
    %swap3A_169 = arith.index_cast %swap3A_168 : i32 to index
    %swap3A_170 = arith.constant 48 : index
    %swap3A_171 = tpu.vector_load %arg9[%swap3A_169, %swap3A_170] {strides = array<i32>} : memref<8x128xi32, #tpu.memory_space<vmem>>, vector<16xi32>,
    tpu.vector_store %arg9[%swap3A_169, %swap3A_170], %get3A_167 {strides = array<i32>} : memref<8x128xi32, #tpu.memory_space<vmem>>, vector<16xi32>,
    %get3A_172 = arith.constant 448 : index
    %get3A_173 = tpu.vector_load %arg8[%get3A_172] {strides = array<i32>} : memref<1024xi32, #tpu.memory_space<vmem>>, vector<16xi32>,
    %swap3A_174 = arith.constant 3 : i32
    %swap3A_175 = arith.index_cast %swap3A_174 : i32 to index
    %swap3A_176 = arith.constant 64 : index
    %swap3A_177 = tpu.vector_load %arg9[%swap3A_175, %swap3A_176] {strides = array<i32>} : memref<8x128xi32, #tpu.memory_space<vmem>>, vector<16xi32>,
    tpu.vector_store %arg9[%swap3A_175, %swap3A_176], %get3A_173 {strides = array<i32>} : memref<8x128xi32, #tpu.memory_space<vmem>>, vector<16xi32>,
    %get3A_178 = arith.constant 464 : index
    %get3A_179 = tpu.vector_load %arg8[%get3A_178] {strides = array<i32>} : memref<1024xi32, #tpu.memory_space<vmem>>, vector<16xi32>,
    %swap3A_180 = arith.constant 3 : i32
    %swap3A_181 = arith.index_cast %swap3A_180 : i32 to index
    %swap3A_182 = arith.constant 80 : index
    %swap3A_183 = tpu.vector_load %arg9[%swap3A_181, %swap3A_182] {strides = array<i32>} : memref<8x128xi32, #tpu.memory_space<vmem>>, vector<16xi32>,
    tpu.vector_store %arg9[%swap3A_181, %swap3A_182], %get3A_179 {strides = array<i32>} : memref<8x128xi32, #tpu.memory_space<vmem>>, vector<16xi32>,
    %get3A_184 = arith.constant 480 : index
    %get3A_185 = tpu.vector_load %arg8[%get3A_184] {strides = array<i32>} : memref<1024xi32, #tpu.memory_space<vmem>>, vector<16xi32>,
    %swap3A_186 = arith.constant 3 : i32
    %swap3A_187 = arith.index_cast %swap3A_186 : i32 to index
    %swap3A_188 = arith.constant 96 : index
    %swap3A_189 = tpu.vector_load %arg9[%swap3A_187, %swap3A_188] {strides = array<i32>} : memref<8x128xi32, #tpu.memory_space<vmem>>, vector<16xi32>,
    tpu.vector_store %arg9[%swap3A_187, %swap3A_188], %get3A_185 {strides = array<i32>} : memref<8x128xi32, #tpu.memory_space<vmem>>, vector<16xi32>,
    %get3A_190 = arith.constant 496 : index
    %get3A_191 = tpu.vector_load %arg8[%get3A_190] {strides = array<i32>} : memref<1024xi32, #tpu.memory_space<vmem>>, vector<16xi32>,
    %swap3A_192 = arith.constant 3 : i32
    %swap3A_193 = arith.index_cast %swap3A_192 : i32 to index
    %swap3A_194 = arith.constant 112 : index
    %swap3A_195 = tpu.vector_load %arg9[%swap3A_193, %swap3A_194] {strides = array<i32>} : memref<8x128xi32, #tpu.memory_space<vmem>>, vector<16xi32>,
    tpu.vector_store %arg9[%swap3A_193, %swap3A_194], %get3A_191 {strides = array<i32>} : memref<8x128xi32, #tpu.memory_space<vmem>>, vector<16xi32>,
    %get3A_196 = arith.constant 512 : index
    %get3A_197 = tpu.vector_load %arg8[%get3A_196] {strides = array<i32>} : memref<1024xi32, #tpu.memory_space<vmem>>, vector<16xi32>,
    %swap3A_198 = arith.constant 4 : i32
    %swap3A_199 = arith.index_cast %swap3A_198 : i32 to index
    %swap3A_200 = arith.constant 0 : index
    %swap3A_201 = tpu.vector_load %arg9[%swap3A_199, %swap3A_200] {strides = array<i32>} : memref<8x128xi32, #tpu.memory_space<vmem>>, vector<16xi32>,
    tpu.vector_store %arg9[%swap3A_199, %swap3A_200], %get3A_197 {strides = array<i32>} : memref<8x128xi32, #tpu.memory_space<vmem>>, vector<16xi32>,
    %get3A_202 = arith.constant 528 : index
    %get3A_203 = tpu.vector_load %arg8[%get3A_202] {strides = array<i32>} : memref<1024xi32, #tpu.memory_space<vmem>>, vector<16xi32>,
    %swap3A_204 = arith.constant 4 : i32
    %swap3A_205 = arith.index_cast %swap3A_204 : i32 to index
    %swap3A_206 = arith.constant 16 : index
    %swap3A_207 = tpu.vector_load %arg9[%swap3A_205, %swap3A_206] {strides = array<i32>} : memref<8x128xi32, #tpu.memory_space<vmem>>, vector<16xi32>,
    tpu.vector_store %arg9[%swap3A_205, %swap3A_206], %get3A_203 {strides = array<i32>} : memref<8x128xi32, #tpu.memory_space<vmem>>, vector<16xi32>,
    %get3A_208 = arith.constant 544 : index
    %get3A_209 = tpu.vector_load %arg8[%get3A_208] {strides = array<i32>} : memref<1024xi32, #tpu.memory_space<vmem>>, vector<16xi32>,
    %swap3A_210 = arith.constant 4 : i32
    %swap3A_211 = arith.index_cast %swap3A_210 : i32 to index
    %swap3A_212 = arith.constant 32 : index
    %swap3A_213 = tpu.vector_load %arg9[%swap3A_211, %swap3A_212] {strides = array<i32>} : memref<8x128xi32, #tpu.memory_space<vmem>>, vector<16xi32>,
    tpu.vector_store %arg9[%swap3A_211, %swap3A_212], %get3A_209 {strides = array<i32>} : memref<8x128xi32, #tpu.memory_space<vmem>>, vector<16xi32>,
    %get3A_214 = arith.constant 560 : index
    %get3A_215 = tpu.vector_load %arg8[%get3A_214] {strides = array<i32>} : memref<1024xi32, #tpu.memory_space<vmem>>, vector<16xi32>,
    %swap3A_216 = arith.constant 4 : i32
    %swap3A_217 = arith.index_cast %swap3A_216 : i32 to index
    %swap3A_218 = arith.constant 48 : index
    %swap3A_219 = tpu.vector_load %arg9[%swap3A_217, %swap3A_218] {strides = array<i32>} : memref<8x128xi32, #tpu.memory_space<vmem>>, vector<16xi32>,
    tpu.vector_store %arg9[%swap3A_217, %swap3A_218], %get3A_215 {strides = array<i32>} : memref<8x128xi32, #tpu.memory_space<vmem>>, vector<16xi32>,
    %get3A_220 = arith.constant 576 : index
    %get3A_221 = tpu.vector_load %arg8[%get3A_220] {strides = array<i32>} : memref<1024xi32, #tpu.memory_space<vmem>>, vector<16xi32>,
    %swap3A_222 = arith.constant 4 : i32
    %swap3A_223 = arith.index_cast %swap3A_222 : i32 to index
    %swap3A_224 = arith.constant 64 : index
    %swap3A_225 = tpu.vector_load %arg9[%swap3A_223, %swap3A_224] {strides = array<i32>} : memref<8x128xi32, #tpu.memory_space<vmem>>, vector<16xi32>,
    tpu.vector_store %arg9[%swap3A_223, %swap3A_224], %get3A_221 {strides = array<i32>} : memref<8x128xi32, #tpu.memory_space<vmem>>, vector<16xi32>,
    %get3A_226 = arith.constant 592 : index
    %get3A_227 = tpu.vector_load %arg8[%get3A_226] {strides = array<i32>} : memref<1024xi32, #tpu.memory_space<vmem>>, vector<16xi32>,
    %swap3A_228 = arith.constant 4 : i32
    %swap3A_229 = arith.index_cast %swap3A_228 : i32 to index
    %swap3A_230 = arith.constant 80 : index
    %swap3A_231 = tpu.vector_load %arg9[%swap3A_229, %swap3A_230] {strides = array<i32>} : memref<8x128xi32, #tpu.memory_space<vmem>>, vector<16xi32>,
    tpu.vector_store %arg9[%swap3A_229, %swap3A_230], %get3A_227 {strides = array<i32>} : memref<8x128xi32, #tpu.memory_space<vmem>>, vector<16xi32>,
    %get3A_232 = arith.constant 608 : index
    %get3A_233 = tpu.vector_load %arg8[%get3A_232] {strides = array<i32>} : memref<1024xi32, #tpu.memory_space<vmem>>, vector<16xi32>,
    %swap3A_234 = arith.constant 4 : i32
    %swap3A_235 = arith.index_cast %swap3A_234 : i32 to index
    %swap3A_236 = arith.constant 96 : index
    %swap3A_237 = tpu.vector_load %arg9[%swap3A_235, %swap3A_236] {strides = array<i32>} : memref<8x128xi32, #tpu.memory_space<vmem>>, vector<16xi32>,
    tpu.vector_store %arg9[%swap3A_235, %swap3A_236], %get3A_233 {strides = array<i32>} : memref<8x128xi32, #tpu.memory_space<vmem>>, vector<16xi32>,
    %get3A_238 = arith.constant 624 : index
    %get3A_239 = tpu.vector_load %arg8[%get3A_238] {strides = array<i32>} : memref<1024xi32, #tpu.memory_space<vmem>>, vector<16xi32>,
    %swap3A_240 = arith.constant 4 : i32
    %swap3A_241 = arith.index_cast %swap3A_240 : i32 to index
    %swap3A_242 = arith.constant 112 : index
    %swap3A_243 = tpu.vector_load %arg9[%swap3A_241, %swap3A_242] {strides = array<i32>} : memref<8x128xi32, #tpu.memory_space<vmem>>, vector<16xi32>,
    tpu.vector_store %arg9[%swap3A_241, %swap3A_242], %get3A_239 {strides = array<i32>} : memref<8x128xi32, #tpu.memory_space<vmem>>, vector<16xi32>,
    %get3A_244 = arith.constant 640 : index
    %get3A_245 = tpu.vector_load %arg8[%get3A_244] {strides = array<i32>} : memref<1024xi32, #tpu.memory_space<vmem>>, vector<16xi32>,
    %swap3A_246 = arith.constant 5 : i32
    %swap3A_247 = arith.index_cast %swap3A_246 : i32 to index
    %swap3A_248 = arith.constant 0 : index
    %swap3A_249 = tpu.vector_load %arg9[%swap3A_247, %swap3A_248] {strides = array<i32>} : memref<8x128xi32, #tpu.memory_space<vmem>>, vector<16xi32>,
    tpu.vector_store %arg9[%swap3A_247, %swap3A_248], %get3A_245 {strides = array<i32>} : memref<8x128xi32, #tpu.memory_space<vmem>>, vector<16xi32>,
    %get3A_250 = arith.constant 656 : index
    %get3A_251 = tpu.vector_load %arg8[%get3A_250] {strides = array<i32>} : memref<1024xi32, #tpu.memory_space<vmem>>, vector<16xi32>,
    %swap3A_252 = arith.constant 5 : i32
    %swap3A_253 = arith.index_cast %swap3A_252 : i32 to index
    %swap3A_254 = arith.constant 16 : index
    %swap3A_255 = tpu.vector_load %arg9[%swap3A_253, %swap3A_254] {strides = array<i32>} : memref<8x128xi32, #tpu.memory_space<vmem>>, vector<16xi32>,
    tpu.vector_store %arg9[%swap3A_253, %swap3A_254], %get3A_251 {strides = array<i32>} : memref<8x128xi32, #tpu.memory_space<vmem>>, vector<16xi32>,
    %get3A_256 = arith.constant 672 : index
    %get3A_257 = tpu.vector_load %arg8[%get3A_256] {strides = array<i32>} : memref<1024xi32, #tpu.memory_space<vmem>>, vector<16xi32>,
    %swap3A_258 = arith.constant 5 : i32
    %swap3A_259 = arith.index_cast %swap3A_258 : i32 to index
    %swap3A_260 = arith.constant 32 : index
    %swap3A_261 = tpu.vector_load %arg9[%swap3A_259, %swap3A_260] {strides = array<i32>} : memref<8x128xi32, #tpu.memory_space<vmem>>, vector<16xi32>,
    tpu.vector_store %arg9[%swap3A_259, %swap3A_260], %get3A_257 {strides = array<i32>} : memref<8x128xi32, #tpu.memory_space<vmem>>, vector<16xi32>,
    %get3A_262 = arith.constant 688 : index
    %get3A_263 = tpu.vector_load %arg8[%get3A_262] {strides = array<i32>} : memref<1024xi32, #tpu.memory_space<vmem>>, vector<16xi32>,
    %swap3A_264 = arith.constant 5 : i32
    %swap3A_265 = arith.index_cast %swap3A_264 : i32 to index
    %swap3A_266 = arith.constant 48 : index
    %swap3A_267 = tpu.vector_load %arg9[%swap3A_265, %swap3A_266] {strides = array<i32>} : memref<8x128xi32, #tpu.memory_space<vmem>>, vector<16xi32>,
    tpu.vector_store %arg9[%swap3A_265, %swap3A_266], %get3A_263 {strides = array<i32>} : memref<8x128xi32, #tpu.memory_space<vmem>>, vector<16xi32>,
    %get3A_268 = arith.constant 704 : index
    %get3A_269 = tpu.vector_load %arg8[%get3A_268] {strides = array<i32>} : memref<1024xi32, #tpu.memory_space<vmem>>, vector<16xi32>,
    %swap3A_270 = arith.constant 5 : i32
    %swap3A_271 = arith.index_cast %swap3A_270 : i32 to index
    %swap3A_272 = arith.constant 64 : index
    %swap3A_273 = tpu.vector_load %arg9[%swap3A_271, %swap3A_272] {strides = array<i32>} : memref<8x128xi32, #tpu.memory_space<vmem>>, vector<16xi32>,
    tpu.vector_store %arg9[%swap3A_271, %swap3A_272], %get3A_269 {strides = array<i32>} : memref<8x128xi32, #tpu.memory_space<vmem>>, vector<16xi32>,
    %get3A_274 = arith.constant 720 : index
    %get3A_275 = tpu.vector_load %arg8[%get3A_274] {strides = array<i32>} : memref<1024xi32, #tpu.memory_space<vmem>>, vector<16xi32>,
    %swap3A_276 = arith.constant 5 : i32
    %swap3A_277 = arith.index_cast %swap3A_276 : i32 to index
    %swap3A_278 = arith.constant 80 : index
    %swap3A_279 = tpu.vector_load %arg9[%swap3A_277, %swap3A_278] {strides = array<i32>} : memref<8x128xi32, #tpu.memory_space<vmem>>, vector<16xi32>,
    tpu.vector_store %arg9[%swap3A_277, %swap3A_278], %get3A_275 {strides = array<i32>} : memref<8x128xi32, #tpu.memory_space<vmem>>, vector<16xi32>,
    %get3A_280 = arith.constant 736 : index
    %get3A_281 = tpu.vector_load %arg8[%get3A_280] {strides = array<i32>} : memref<1024xi32, #tpu.memory_space<vmem>>, vector<16xi32>,
    %swap3A_282 = arith.constant 5 : i32
    %swap3A_283 = arith.index_cast %swap3A_282 : i32 to index
    %swap3A_284 = arith.constant 96 : index
    %swap3A_285 = tpu.vector_load %arg9[%swap3A_283, %swap3A_284] {strides = array<i32>} : memref<8x128xi32, #tpu.memory_space<vmem>>, vector<16xi32>,
    tpu.vector_store %arg9[%swap3A_283, %swap3A_284], %get3A_281 {strides = array<i32>} : memref<8x128xi32, #tpu.memory_space<vmem>>, vector<16xi32>,
    %get3A_286 = arith.constant 752 : index
    %get3A_287 = tpu.vector_load %arg8[%get3A_286] {strides = array<i32>} : memref<1024xi32, #tpu.memory_space<vmem>>, vector<16xi32>,
    %swap3A_288 = arith.constant 5 : i32
    %swap3A_289 = arith.index_cast %swap3A_288 : i32 to index
    %swap3A_290 = arith.constant 112 : index
    %swap3A_291 = tpu.vector_load %arg9[%swap3A_289, %swap3A_290] {strides = array<i32>} : memref<8x128xi32, #tpu.memory_space<vmem>>, vector<16xi32>,
    tpu.vector_store %arg9[%swap3A_289, %swap3A_290], %get3A_287 {strides = array<i32>} : memref<8x128xi32, #tpu.memory_space<vmem>>, vector<16xi32>,
    %get3A_292 = arith.constant 768 : index
    %get3A_293 = tpu.vector_load %arg8[%get3A_292] {strides = array<i32>} : memref<1024xi32, #tpu.memory_space<vmem>>, vector<16xi32>,
    %swap3A_294 = arith.constant 6 : i32
    %swap3A_295 = arith.index_cast %swap3A_294 : i32 to index
    %swap3A_296 = arith.constant 0 : index
    %swap3A_297 = tpu.vector_load %arg9[%swap3A_295, %swap3A_296] {strides = array<i32>} : memref<8x128xi32, #tpu.memory_space<vmem>>, vector<16xi32>,
    tpu.vector_store %arg9[%swap3A_295, %swap3A_296], %get3A_293 {strides = array<i32>} : memref<8x128xi32, #tpu.memory_space<vmem>>, vector<16xi32>,
    %get3A_298 = arith.constant 784 : index
    %get3A_299 = tpu.vector_load %arg8[%get3A_298] {strides = array<i32>} : memref<1024xi32, #tpu.memory_space<vmem>>, vector<16xi32>,
    %swap3A_300 = arith.constant 6 : i32
    %swap3A_301 = arith.index_cast %swap3A_300 : i32 to index
    %swap3A_302 = arith.constant 16 : index
    %swap3A_303 = tpu.vector_load %arg9[%swap3A_301, %swap3A_302] {strides = array<i32>} : memref<8x128xi32, #tpu.memory_space<vmem>>, vector<16xi32>,
    tpu.vector_store %arg9[%swap3A_301, %swap3A_302], %get3A_299 {strides = array<i32>} : memref<8x128xi32, #tpu.memory_space<vmem>>, vector<16xi32>,
    %get3A_304 = arith.constant 800 : index
    %get3A_305 = tpu.vector_load %arg8[%get3A_304] {strides = array<i32>} : memref<1024xi32, #tpu.memory_space<vmem>>, vector<16xi32>,
    %swap3A_306 = arith.constant 6 : i32
    %swap3A_307 = arith.index_cast %swap3A_306 : i32 to index
    %swap3A_308 = arith.constant 32 : index
    %swap3A_309 = tpu.vector_load %arg9[%swap3A_307, %swap3A_308] {strides = array<i32>} : memref<8x128xi32, #tpu.memory_space<vmem>>, vector<16xi32>,
    tpu.vector_store %arg9[%swap3A_307, %swap3A_308], %get3A_305 {strides = array<i32>} : memref<8x128xi32, #tpu.memory_space<vmem>>, vector<16xi32>,
    %get3A_310 = arith.constant 816 : index
    %get3A_311 = tpu.vector_load %arg8[%get3A_310] {strides = array<i32>} : memref<1024xi32, #tpu.memory_space<vmem>>, vector<16xi32>,
    %swap3A_312 = arith.constant 6 : i32
    %swap3A_313 = arith.index_cast %swap3A_312 : i32 to index
    %swap3A_314 = arith.constant 48 : index
    %swap3A_315 = tpu.vector_load %arg9[%swap3A_313, %swap3A_314] {strides = array<i32>} : memref<8x128xi32, #tpu.memory_space<vmem>>, vector<16xi32>,
    tpu.vector_store %arg9[%swap3A_313, %swap3A_314], %get3A_311 {strides = array<i32>} : memref<8x128xi32, #tpu.memory_space<vmem>>, vector<16xi32>,
    %get3A_316 = arith.constant 832 : index
    %get3A_317 = tpu.vector_load %arg8[%get3A_316] {strides = array<i32>} : memref<1024xi32, #tpu.memory_space<vmem>>, vector<16xi32>,
    %swap3A_318 = arith.constant 6 : i32
    %swap3A_319 = arith.index_cast %swap3A_318 : i32 to index
    %swap3A_320 = arith.constant 64 : index
    %swap3A_321 = tpu.vector_load %arg9[%swap3A_319, %swap3A_320] {strides = array<i32>} : memref<8x128xi32, #tpu.memory_space<vmem>>, vector<16xi32>,
    tpu.vector_store %arg9[%swap3A_319, %swap3A_320], %get3A_317 {strides = array<i32>} : memref<8x128xi32, #tpu.memory_space<vmem>>, vector<16xi32>,
    %get3A_322 = arith.constant 848 : index
    %get3A_323 = tpu.vector_load %arg8[%get3A_322] {strides = array<i32>} : memref<1024xi32, #tpu.memory_space<vmem>>, vector<16xi32>,
    %swap3A_324 = arith.constant 6 : i32
    %swap3A_325 = arith.index_cast %swap3A_324 : i32 to index
    %swap3A_326 = arith.constant 80 : index
    %swap3A_327 = tpu.vector_load %arg9[%swap3A_325, %swap3A_326] {strides = array<i32>} : memref<8x128xi32, #tpu.memory_space<vmem>>, vector<16xi32>,
    tpu.vector_store %arg9[%swap3A_325, %swap3A_326], %get3A_323 {strides = array<i32>} : memref<8x128xi32, #tpu.memory_space<vmem>>, vector<16xi32>,
    %get3A_328 = arith.constant 864 : index
    %get3A_329 = tpu.vector_load %arg8[%get3A_328] {strides = array<i32>} : memref<1024xi32, #tpu.memory_space<vmem>>, vector<16xi32>,
    %swap3A_330 = arith.constant 6 : i32
    %swap3A_331 = arith.index_cast %swap3A_330 : i32 to index
    %swap3A_332 = arith.constant 96 : index
    %swap3A_333 = tpu.vector_load %arg9[%swap3A_331, %swap3A_332] {strides = array<i32>} : memref<8x128xi32, #tpu.memory_space<vmem>>, vector<16xi32>,
    tpu.vector_store %arg9[%swap3A_331, %swap3A_332], %get3A_329 {strides = array<i32>} : memref<8x128xi32, #tpu.memory_space<vmem>>, vector<16xi32>,
    %get3A_334 = arith.constant 880 : index
    %get3A_335 = tpu.vector_load %arg8[%get3A_334] {strides = array<i32>} : memref<1024xi32, #tpu.memory_space<vmem>>, vector<16xi32>,
    %swap3A_336 = arith.constant 6 : i32
    %swap3A_337 = arith.index_cast %swap3A_336 : i32 to index
    %swap3A_338 = arith.constant 112 : index
    %swap3A_339 = tpu.vector_load %arg9[%swap3A_337, %swap3A_338] {strides = array<i32>} : memref<8x128xi32, #tpu.memory_space<vmem>>, vector<16xi32>,
    tpu.vector_store %arg9[%swap3A_337, %swap3A_338], %get3A_335 {strides = array<i32>} : memref<8x128xi32, #tpu.memory_space<vmem>>, vector<16xi32>,
    %get3A_340 = arith.constant 896 : index
    %get3A_341 = tpu.vector_load %arg8[%get3A_340] {strides = array<i32>} : memref<1024xi32, #tpu.memory_space<vmem>>, vector<16xi32>,
    %swap3A_342 = arith.constant 7 : i32
    %swap3A_343 = arith.index_cast %swap3A_342 : i32 to index
    %swap3A_344 = arith.constant 0 : index
    %swap3A_345 = tpu.vector_load %arg9[%swap3A_343, %swap3A_344] {strides = array<i32>} : memref<8x128xi32, #tpu.memory_space<vmem>>, vector<16xi32>,
    tpu.vector_store %arg9[%swap3A_343, %swap3A_344], %get3A_341 {strides = array<i32>} : memref<8x128xi32, #tpu.memory_space<vmem>>, vector<16xi32>,
    %get3A_346 = arith.constant 912 : index
    %get3A_347 = tpu.vector_load %arg8[%get3A_346] {strides = array<i32>} : memref<1024xi32, #tpu.memory_space<vmem>>, vector<16xi32>,
    %swap3A_348 = arith.constant 7 : i32
    %swap3A_349 = arith.index_cast %swap3A_348 : i32 to index
    %swap3A_350 = arith.constant 16 : index
    %swap3A_351 = tpu.vector_load %arg9[%swap3A_349, %swap3A_350] {strides = array<i32>} : memref<8x128xi32, #tpu.memory_space<vmem>>, vector<16xi32>,
    tpu.vector_store %arg9[%swap3A_349, %swap3A_350], %get3A_347 {strides = array<i32>} : memref<8x128xi32, #tpu.memory_space<vmem>>, vector<16xi32>,
    %get3A_352 = arith.constant 928 : index
    %get3A_353 = tpu.vector_load %arg8[%get3A_352] {strides = array<i32>} : memref<1024xi32, #tpu.memory_space<vmem>>, vector<16xi32>,
    %swap3A_354 = arith.constant 7 : i32
    %swap3A_355 = arith.index_cast %swap3A_354 : i32 to index
    %swap3A_356 = arith.constant 32 : index
    %swap3A_357 = tpu.vector_load %arg9[%swap3A_355, %swap3A_356] {strides = array<i32>} : memref<8x128xi32, #tpu.memory_space<vmem>>, vector<16xi32>,
    tpu.vector_store %arg9[%swap3A_355, %swap3A_356], %get3A_353 {strides = array<i32>} : memref<8x128xi32, #tpu.memory_space<vmem>>, vector<16xi32>,
    %get3A_358 = arith.constant 944 : index
    %get3A_359 = tpu.vector_load %arg8[%get3A_358] {strides = array<i32>} : memref<1024xi32, #tpu.memory_space<vmem>>, vector<16xi32>,
    %swap3A_360 = arith.constant 7 : i32
    %swap3A_361 = arith.index_cast %swap3A_360 : i32 to index
    %swap3A_362 = arith.constant 48 : index
    %swap3A_363 = tpu.vector_load %arg9[%swap3A_361, %swap3A_362] {strides = array<i32>} : memref<8x128xi32, #tpu.memory_space<vmem>>, vector<16xi32>,
    tpu.vector_store %arg9[%swap3A_361, %swap3A_362], %get3A_359 {strides = array<i32>} : memref<8x128xi32, #tpu.memory_space<vmem>>, vector<16xi32>,
    %get3A_364 = arith.constant 960 : index
    %get3A_365 = tpu.vector_load %arg8[%get3A_364] {strides = array<i32>} : memref<1024xi32, #tpu.memory_space<vmem>>, vector<16xi32>,
    %swap3A_366 = arith.constant 7 : i32
    %swap3A_367 = arith.index_cast %swap3A_366 : i32 to index
    %swap3A_368 = arith.constant 64 : index
    %swap3A_369 = tpu.vector_load %arg9[%swap3A_367, %swap3A_368] {strides = array<i32>} : memref<8x128xi32, #tpu.memory_space<vmem>>, vector<16xi32>,
    tpu.vector_store %arg9[%swap3A_367, %swap3A_368], %get3A_365 {strides = array<i32>} : memref<8x128xi32, #tpu.memory_space<vmem>>, vector<16xi32>,
    %get3A_370 = arith.constant 976 : index
    %get3A_371 = tpu.vector_load %arg8[%get3A_370] {strides = array<i32>} : memref<1024xi32, #tpu.memory_space<vmem>>, vector<16xi32>,
    %swap3A_372 = arith.constant 7 : i32
    %swap3A_373 = arith.index_cast %swap3A_372 : i32 to index
    %swap3A_374 = arith.constant 80 : index
    %swap3A_375 = tpu.vector_load %arg9[%swap3A_373, %swap3A_374] {strides = array<i32>} : memref<8x128xi32, #tpu.memory_space<vmem>>, vector<16xi32>,
    tpu.vector_store %arg9[%swap3A_373, %swap3A_374], %get3A_371 {strides = array<i32>} : memref<8x128xi32, #tpu.memory_space<vmem>>, vector<16xi32>,
    %get3A_376 = arith.constant 992 : index
    %get3A_377 = tpu.vector_load %arg8[%get3A_376] {strides = array<i32>} : memref<1024xi32, #tpu.memory_space<vmem>>, vector<16xi32>,
    %swap3A_378 = arith.constant 7 : i32
    %swap3A_379 = arith.index_cast %swap3A_378 : i32 to index
    %swap3A_380 = arith.constant 96 : index
    %swap3A_381 = tpu.vector_load %arg9[%swap3A_379, %swap3A_380] {strides = array<i32>} : memref<8x128xi32, #tpu.memory_space<vmem>>, vector<16xi32>,
    tpu.vector_store %arg9[%swap3A_379, %swap3A_380], %get3A_377 {strides = array<i32>} : memref<8x128xi32, #tpu.memory_space<vmem>>, vector<16xi32>,
    %get3A_382 = arith.constant 1008 : index
    %get3A_383 = tpu.vector_load %arg8[%get3A_382] {strides = array<i32>} : memref<1024xi32, #tpu.memory_space<vmem>>, vector<16xi32>,
    %swap3A_384 = arith.constant 7 : i32
    %swap3A_385 = arith.index_cast %swap3A_384 : i32 to index
    %swap3A_386 = arith.constant 112 : index
    %swap3A_387 = tpu.vector_load %arg9[%swap3A_385, %swap3A_386] {strides = array<i32>} : memref<8x128xi32, #tpu.memory_space<vmem>>, vector<16xi32>,
    tpu.vector_store %arg9[%swap3A_385, %swap3A_386], %get3A_383 {strides = array<i32>} : memref<8x128xi32, #tpu.memory_space<vmem>>, vector<16xi32>,
    %dma_start3A = arith.constant 0 : i32
    %dma_start3A_388 = arith.constant 0 : i32
    %dma_start3A_389 = arith.constant 0 : i32
    %dma_start3A_390 = tpu.memref_slice %arg10[%dma_start3A_388, %dma_start3A_389] : memref<8x128xi32, #tpu.memory_space<vmem>> -> memref<1x128xi32, #tpu.memory_space<vmem>>
    %dma_start3A_391 = tpu.memref_squeeze %dma_start3A_390 : memref<1x128xi32, #tpu.memory_space<vmem>> -> memref<128xi32, #tpu.memory_space<vmem>>
    %dma_start3A_392 = arith.constant 0 : i32
    %dma_start3A_393 = tpu.memref_slice %arg9[%dma_start3A, %dma_start3A_392] : memref<8x128xi32, #tpu.memory_space<vmem>> -> memref<1x128xi32, #tpu.memory_space<vmem>>
    %dma_start3A_394 = tpu.memref_squeeze %dma_start3A_393 : memref<1x128xi32, #tpu.memory_space<vmem>> -> memref<128xi32, #tpu.memory_space<vmem>>
    %dma_start3A_395 = arith.constant 0 : i32
    %dma_start3A_396 = tpu.memref_slice %arg4[%dma_start3A_395] : memref<102400xi32, #tpu.memory_space<hbm>> -> memref<102400xi32, #tpu.memory_space<hbm>>
    tpu.enqueue_indirect_dma source(%dma_start3A_396 : memref<102400xi32, #tpu.memory_space<hbm>>) target(%dma_start3A_391 : memref<128xi32, #tpu.memory_space<vmem>>) offsets(%dma_start3A_394 : memref<128xi32, #tpu.memory_space<vmem>>) semaphore(%arg17 : memref<!tpu.dma_semaphore, #tpu.memory_space<semaphore_mem>>)
    %dma_start3A_397 = arith.constant 1 : i32
    %dma_start3A_398 = arith.constant 1 : i32
    %dma_start3A_399 = arith.constant 0 : i32
    %dma_start3A_400 = tpu.memref_slice %arg10[%dma_start3A_398, %dma_start3A_399] : memref<8x128xi32, #tpu.memory_space<vmem>> -> memref<1x128xi32, #tpu.memory_space<vmem>>
    %dma_start3A_401 = tpu.memref_squeeze %dma_start3A_400 : memref<1x128xi32, #tpu.memory_space<vmem>> -> memref<128xi32, #tpu.memory_space<vmem>>
    %dma_start3A_402 = arith.constant 0 : i32
    %dma_start3A_403 = tpu.memref_slice %arg9[%dma_start3A_397, %dma_start3A_402] : memref<8x128xi32, #tpu.memory_space<vmem>> -> memref<1x128xi32, #tpu.memory_space<vmem>>
    %dma_start3A_404 = tpu.memref_squeeze %dma_start3A_403 : memref<1x128xi32, #tpu.memory_space<vmem>> -> memref<128xi32, #tpu.memory_space<vmem>>
    %dma_start3A_405 = arith.constant 0 : i32
    %dma_start3A_406 = tpu.memref_slice %arg4[%dma_start3A_405] : memref<102400xi32, #tpu.memory_space<hbm>> -> memref<102400xi32, #tpu.memory_space<hbm>>
    tpu.enqueue_indirect_dma source(%dma_start3A_406 : memref<102400xi32, #tpu.memory_space<hbm>>) target(%dma_start3A_401 : memref<128xi32, #tpu.memory_space<vmem>>) offsets(%dma_start3A_404 : memref<128xi32, #tpu.memory_space<vmem>>) semaphore(%arg17 : memref<!tpu.dma_semaphore, #tpu.memory_space<semaphore_mem>>)
    %dma_start3A_407 = arith.constant 2 : i32
    %dma_start3A_408 = arith.constant 2 : i32
    %dma_start3A_409 = arith.constant 0 : i32
    %dma_start3A_410 = tpu.memref_slice %arg10[%dma_start3A_408, %dma_start3A_409] : memref<8x128xi32, #tpu.memory_space<vmem>> -> memref<1x128xi32, #tpu.memory_space<vmem>>
    %dma_start3A_411 = tpu.memref_squeeze %dma_start3A_410 : memref<1x128xi32, #tpu.memory_space<vmem>> -> memref<128xi32, #tpu.memory_space<vmem>>
    %dma_start3A_412 = arith.constant 0 : i32
    %dma_start3A_413 = tpu.memref_slice %arg9[%dma_start3A_407, %dma_start3A_412] : memref<8x128xi32, #tpu.memory_space<vmem>> -> memref<1x128xi32, #tpu.memory_space<vmem>>
    %dma_start3A_414 = tpu.memref_squeeze %dma_start3A_413 : memref<1x128xi32, #tpu.memory_space<vmem>> -> memref<128xi32, #tpu.memory_space<vmem>>
    %dma_start3A_415 = arith.constant 0 : i32
    %dma_start3A_416 = tpu.memref_slice %arg4[%dma_start3A_415] : memref<102400xi32, #tpu.memory_space<hbm>> -> memref<102400xi32, #tpu.memory_space<hbm>>
    tpu.enqueue_indirect_dma source(%dma_start3A_416 : memref<102400xi32, #tpu.memory_space<hbm>>) target(%dma_start3A_411 : memref<128xi32, #tpu.memory_space<vmem>>) offsets(%dma_start3A_414 : memref<128xi32, #tpu.memory_space<vmem>>) semaphore(%arg17 : memref<!tpu.dma_semaphore, #tpu.memory_space<semaphore_mem>>)
    %dma_start3A_417 = arith.constant 3 : i32
    %dma_start3A_418 = arith.constant 3 : i32
    %dma_start3A_419 = arith.constant 0 : i32
    %dma_start3A_420 = tpu.memref_slice %arg10[%dma_start3A_418, %dma_start3A_419] : memref<8x128xi32, #tpu.memory_space<vmem>> -> memref<1x128xi32, #tpu.memory_space<vmem>>
    %dma_start3A_421 = tpu.memref_squeeze %dma_start3A_420 : memref<1x128xi32, #tpu.memory_space<vmem>> -> memref<128xi32, #tpu.memory_space<vmem>>
    %dma_start3A_422 = arith.constant 0 : i32
    %dma_start3A_423 = tpu.memref_slice %arg9[%dma_start3A_417, %dma_start3A_422] : memref<8x128xi32, #tpu.memory_space<vmem>> -> memref<1x128xi32, #tpu.memory_space<vmem>>
    %dma_start3A_424 = tpu.memref_squeeze %dma_start3A_423 : memref<1x128xi32, #tpu.memory_space<vmem>> -> memref<128xi32, #tpu.memory_space<vmem>>
    %dma_start3A_425 = arith.constant 0 : i32
    %dma_start3A_426 = tpu.memref_slice %arg4[%dma_start3A_425] : memref<102400xi32, #tpu.memory_space<hbm>> -> memref<102400xi32, #tpu.memory_space<hbm>>
    tpu.enqueue_indirect_dma source(%dma_start3A_426 : memref<102400xi32, #tpu.memory_space<hbm>>) target(%dma_start3A_421 : memref<128xi32, #tpu.memory_space<vmem>>) offsets(%dma_start3A_424 : memref<128xi32, #tpu.memory_space<vmem>>) semaphore(%arg17 : memref<!tpu.dma_semaphore, #tpu.memory_space<semaphore_mem>>)
    %dma_start3A_427 = arith.constant 4 : i32
    %dma_start3A_428 = arith.constant 4 : i32
    %dma_start3A_429 = arith.constant 0 : i32
    %dma_start3A_430 = tpu.memref_slice %arg10[%dma_start3A_428, %dma_start3A_429] : memref<8x128xi32, #tpu.memory_space<vmem>> -> memref<1x128xi32, #tpu.memory_space<vmem>>
    %dma_start3A_431 = tpu.memref_squeeze %dma_start3A_430 : memref<1x128xi32, #tpu.memory_space<vmem>> -> memref<128xi32, #tpu.memory_space<vmem>>
    %dma_start3A_432 = arith.constant 0 : i32
    %dma_start3A_433 = tpu.memref_slice %arg9[%dma_start3A_427, %dma_start3A_432] : memref<8x128xi32, #tpu.memory_space<vmem>> -> memref<1x128xi32, #tpu.memory_space<vmem>>
    %dma_start3A_434 = tpu.memref_squeeze %dma_start3A_433 : memref<1x128xi32, #tpu.memory_space<vmem>> -> memref<128xi32, #tpu.memory_space<vmem>>
    %dma_start3A_435 = arith.constant 0 : i32
    %dma_start3A_436 = tpu.memref_slice %arg4[%dma_start3A_435] : memref<102400xi32, #tpu.memory_space<hbm>> -> memref<102400xi32, #tpu.memory_space<hbm>>
    tpu.enqueue_indirect_dma source(%dma_start3A_436 : memref<102400xi32, #tpu.memory_space<hbm>>) target(%dma_start3A_431 : memref<128xi32, #tpu.memory_space<vmem>>) offsets(%dma_start3A_434 : memref<128xi32, #tpu.memory_space<vmem>>) semaphore(%arg17 : memref<!tpu.dma_semaphore, #tpu.memory_space<semaphore_mem>>)
    %dma_start3A_437 = arith.constant 5 : i32
    %dma_start3A_438 = arith.constant 5 : i32
    %dma_start3A_439 = arith.constant 0 : i32
    %dma_start3A_440 = tpu.memref_slice %arg10[%dma_start3A_438, %dma_start3A_439] : memref<8x128xi32, #tpu.memory_space<vmem>> -> memref<1x128xi32, #tpu.memory_space<vmem>>
    %dma_start3A_441 = tpu.memref_squeeze %dma_start3A_440 : memref<1x128xi32, #tpu.memory_space<vmem>> -> memref<128xi32, #tpu.memory_space<vmem>>
    %dma_start3A_442 = arith.constant 0 : i32
    %dma_start3A_443 = tpu.memref_slice %arg9[%dma_start3A_437, %dma_start3A_442] : memref<8x128xi32, #tpu.memory_space<vmem>> -> memref<1x128xi32, #tpu.memory_space<vmem>>
    %dma_start3A_444 = tpu.memref_squeeze %dma_start3A_443 : memref<1x128xi32, #tpu.memory_space<vmem>> -> memref<128xi32, #tpu.memory_space<vmem>>
    %dma_start3A_445 = arith.constant 0 : i32
    %dma_start3A_446 = tpu.memref_slice %arg4[%dma_start3A_445] : memref<102400xi32, #tpu.memory_space<hbm>> -> memref<102400xi32, #tpu.memory_space<hbm>>
    tpu.enqueue_indirect_dma source(%dma_start3A_446 : memref<102400xi32, #tpu.memory_space<hbm>>) target(%dma_start3A_441 : memref<128xi32, #tpu.memory_space<vmem>>) offsets(%dma_start3A_444 : memref<128xi32, #tpu.memory_space<vmem>>) semaphore(%arg17 : memref<!tpu.dma_semaphore, #tpu.memory_space<semaphore_mem>>)
    %dma_start3A_447 = arith.constant 6 : i32
    %dma_start3A_448 = arith.constant 6 : i32
    %dma_start3A_449 = arith.constant 0 : i32
    %dma_start3A_450 = tpu.memref_slice %arg10[%dma_start3A_448, %dma_start3A_449] : memref<8x128xi32, #tpu.memory_space<vmem>> -> memref<1x128xi32, #tpu.memory_space<vmem>>
    %dma_start3A_451 = tpu.memref_squeeze %dma_start3A_450 : memref<1x128xi32, #tpu.memory_space<vmem>> -> memref<128xi32, #tpu.memory_space<vmem>>
    %dma_start3A_452 = arith.constant 0 : i32
    %dma_start3A_453 = tpu.memref_slice %arg9[%dma_start3A_447, %dma_start3A_452] : memref<8x128xi32, #tpu.memory_space<vmem>> -> memref<1x128xi32, #tpu.memory_space<vmem>>
    %dma_start3A_454 = tpu.memref_squeeze %dma_start3A_453 : memref<1x128xi32, #tpu.memory_space<vmem>> -> memref<128xi32, #tpu.memory_space<vmem>>
    %dma_start3A_455 = arith.constant 0 : i32
    %dma_start3A_456 = tpu.memref_slice %arg4[%dma_start3A_455] : memref<102400xi32, #tpu.memory_space<hbm>> -> memref<102400xi32, #tpu.memory_space<hbm>>
    tpu.enqueue_indirect_dma source(%dma_start3A_456 : memref<102400xi32, #tpu.memory_space<hbm>>) target(%dma_start3A_451 : memref<128xi32, #tpu.memory_space<vmem>>) offsets(%dma_start3A_454 : memref<128xi32, #tpu.memory_space<vmem>>) semaphore(%arg17 : memref<!tpu.dma_semaphore, #tpu.memory_space<semaphore_mem>>)
    %dma_start3A_457 = arith.constant 7 : i32
    %dma_start3A_458 = arith.constant 7 : i32
    %dma_start3A_459 = arith.constant 0 : i32
    %dma_start3A_460 = tpu.memref_slice %arg10[%dma_start3A_458, %dma_start3A_459] : memref<8x128xi32, #tpu.memory_space<vmem>> -> memref<1x128xi32, #tpu.memory_space<vmem>>
    %dma_start3A_461 = tpu.memref_squeeze %dma_start3A_460 : memref<1x128xi32, #tpu.memory_space<vmem>> -> memref<128xi32, #tpu.memory_space<vmem>>
    %dma_start3A_462 = arith.constant 0 : i32
    %dma_start3A_463 = tpu.memref_slice %arg9[%dma_start3A_457, %dma_start3A_462] : memref<8x128xi32, #tpu.memory_space<vmem>> -> memref<1x128xi32, #tpu.memory_space<vmem>>
    %dma_start3A_464 = tpu.memref_squeeze %dma_start3A_463 : memref<1x128xi32, #tpu.memory_space<vmem>> -> memref<128xi32, #tpu.memory_space<vmem>>
    %dma_start3A_465 = arith.constant 0 : i32
    %dma_start3A_466 = tpu.memref_slice %arg4[%dma_start3A_465] : memref<102400xi32, #tpu.memory_space<hbm>> -> memref<102400xi32, #tpu.memory_space<hbm>>
    tpu.enqueue_indirect_dma source(%dma_start3A_466 : memref<102400xi32, #tpu.memory_space<hbm>>) target(%dma_start3A_461 : memref<128xi32, #tpu.memory_space<vmem>>) offsets(%dma_start3A_464 : memref<128xi32, #tpu.memory_space<vmem>>) semaphore(%arg17 : memref<!tpu.dma_semaphore, #tpu.memory_space<semaphore_mem>>)
    %dma_wait3A = arith.constant 0 : i32
    %dma_wait3A_467 = arith.constant 0 : i32
    %dma_wait3A_468 = arith.constant 0 : i32
    %dma_wait3A_469 = tpu.memref_slice %arg10[%dma_wait3A_467, %dma_wait3A_468] : memref<8x128xi32, #tpu.memory_space<vmem>> -> memref<1x128xi32, #tpu.memory_space<vmem>>
    %dma_wait3A_470 = tpu.memref_squeeze %dma_wait3A_469 : memref<1x128xi32, #tpu.memory_space<vmem>> -> memref<128xi32, #tpu.memory_space<vmem>>
    %dma_wait3A_471 = arith.constant 0 : i32
    %dma_wait3A_472 = tpu.memref_slice %arg9[%dma_wait3A, %dma_wait3A_471] : memref<8x128xi32, #tpu.memory_space<vmem>> -> memref<1x128xi32, #tpu.memory_space<vmem>>
    %dma_wait3A_473 = tpu.memref_squeeze %dma_wait3A_472 : memref<1x128xi32, #tpu.memory_space<vmem>> -> memref<128xi32, #tpu.memory_space<vmem>>
    %dma_wait3A_474 = arith.constant 0 : i32
    %dma_wait3A_475 = tpu.memref_slice %arg4[%dma_wait3A_474] : memref<102400xi32, #tpu.memory_space<hbm>> -> memref<102400xi32, #tpu.memory_space<hbm>>
    tpu.wait_indirect_dma semaphore(%arg17 : memref<!tpu.dma_semaphore, #tpu.memory_space<semaphore_mem>>) src(%dma_wait3A_475 : memref<102400xi32, #tpu.memory_space<hbm>>) dst(%dma_wait3A_470 : memref<128xi32, #tpu.memory_space<vmem>>)
    %dma_wait3A_476 = arith.constant 1 : i32
    %dma_wait3A_477 = arith.constant 1 : i32
    %dma_wait3A_478 = arith.constant 0 : i32
    %dma_wait3A_479 = tpu.memref_slice %arg10[%dma_wait3A_477, %dma_wait3A_478] : memref<8x128xi32, #tpu.memory_space<vmem>> -> memref<1x128xi32, #tpu.memory_space<vmem>>
    %dma_wait3A_480 = tpu.memref_squeeze %dma_wait3A_479 : memref<1x128xi32, #tpu.memory_space<vmem>> -> memref<128xi32, #tpu.memory_space<vmem>>
    %dma_wait3A_481 = arith.constant 0 : i32
    %dma_wait3A_482 = tpu.memref_slice %arg9[%dma_wait3A_476, %dma_wait3A_481] : memref<8x128xi32, #tpu.memory_space<vmem>> -> memref<1x128xi32, #tpu.memory_space<vmem>>
    %dma_wait3A_483 = tpu.memref_squeeze %dma_wait3A_482 : memref<1x128xi32, #tpu.memory_space<vmem>> -> memref<128xi32, #tpu.memory_space<vmem>>
    %dma_wait3A_484 = arith.constant 0 : i32
    %dma_wait3A_485 = tpu.memref_slice %arg4[%dma_wait3A_484] : memref<102400xi32, #tpu.memory_space<hbm>> -> memref<102400xi32, #tpu.memory_space<hbm>>
    tpu.wait_indirect_dma semaphore(%arg17 : memref<!tpu.dma_semaphore, #tpu.memory_space<semaphore_mem>>) src(%dma_wait3A_485 : memref<102400xi32, #tpu.memory_space<hbm>>) dst(%dma_wait3A_480 : memref<128xi32, #tpu.memory_space<vmem>>)
    %dma_wait3A_486 = arith.constant 2 : i32
    %dma_wait3A_487 = arith.constant 2 : i32
    %dma_wait3A_488 = arith.constant 0 : i32
    %dma_wait3A_489 = tpu.memref_slice %arg10[%dma_wait3A_487, %dma_wait3A_488] : memref<8x128xi32, #tpu.memory_space<vmem>> -> memref<1x128xi32, #tpu.memory_space<vmem>>
    %dma_wait3A_490 = tpu.memref_squeeze %dma_wait3A_489 : memref<1x128xi32, #tpu.memory_space<vmem>> -> memref<128xi32, #tpu.memory_space<vmem>>
    %dma_wait3A_491 = arith.constant 0 : i32
    %dma_wait3A_492 = tpu.memref_slice %arg9[%dma_wait3A_486, %dma_wait3A_491] : memref<8x128xi32, #tpu.memory_space<vmem>> -> memref<1x128xi32, #tpu.memory_space<vmem>>
    %dma_wait3A_493 = tpu.memref_squeeze %dma_wait3A_492 : memref<1x128xi32, #tpu.memory_space<vmem>> -> memref<128xi32, #tpu.memory_space<vmem>>
    %dma_wait3A_494 = arith.constant 0 : i32
    %dma_wait3A_495 = tpu.memref_slice %arg4[%dma_wait3A_494] : memref<102400xi32, #tpu.memory_space<hbm>> -> memref<102400xi32, #tpu.memory_space<hbm>>
    tpu.wait_indirect_dma semaphore(%arg17 : memref<!tpu.dma_semaphore, #tpu.memory_space<semaphore_mem>>) src(%dma_wait3A_495 : memref<102400xi32, #tpu.memory_space<hbm>>) dst(%dma_wait3A_490 : memref<128xi32, #tpu.memory_space<vmem>>)
    %dma_wait3A_496 = arith.constant 3 : i32
    %dma_wait3A_497 = arith.constant 3 : i32
    %dma_wait3A_498 = arith.constant 0 : i32
    %dma_wait3A_499 = tpu.memref_slice %arg10[%dma_wait3A_497, %dma_wait3A_498] : memref<8x128xi32, #tpu.memory_space<vmem>> -> memref<1x128xi32, #tpu.memory_space<vmem>>
    %dma_wait3A_500 = tpu.memref_squeeze %dma_wait3A_499 : memref<1x128xi32, #tpu.memory_space<vmem>> -> memref<128xi32, #tpu.memory_space<vmem>>
    %dma_wait3A_501 = arith.constant 0 : i32
    %dma_wait3A_502 = tpu.memref_slice %arg9[%dma_wait3A_496, %dma_wait3A_501] : memref<8x128xi32, #tpu.memory_space<vmem>> -> memref<1x128xi32, #tpu.memory_space<vmem>>
    %dma_wait3A_503 = tpu.memref_squeeze %dma_wait3A_502 : memref<1x128xi32, #tpu.memory_space<vmem>> -> memref<128xi32, #tpu.memory_space<vmem>>
    %dma_wait3A_504 = arith.constant 0 : i32
    %dma_wait3A_505 = tpu.memref_slice %arg4[%dma_wait3A_504] : memref<102400xi32, #tpu.memory_space<hbm>> -> memref<102400xi32, #tpu.memory_space<hbm>>
    tpu.wait_indirect_dma semaphore(%arg17 : memref<!tpu.dma_semaphore, #tpu.memory_space<semaphore_mem>>) src(%dma_wait3A_505 : memref<102400xi32, #tpu.memory_space<hbm>>) dst(%dma_wait3A_500 : memref<128xi32, #tpu.memory_space<vmem>>)
    %dma_wait3A_506 = arith.constant 4 : i32
    %dma_wait3A_507 = arith.constant 4 : i32
    %dma_wait3A_508 = arith.constant 0 : i32
    %dma_wait3A_509 = tpu.memref_slice %arg10[%dma_wait3A_507, %dma_wait3A_508] : memref<8x128xi32, #tpu.memory_space<vmem>> -> memref<1x128xi32, #tpu.memory_space<vmem>>
    %dma_wait3A_510 = tpu.memref_squeeze %dma_wait3A_509 : memref<1x128xi32, #tpu.memory_space<vmem>> -> memref<128xi32, #tpu.memory_space<vmem>>
    %dma_wait3A_511 = arith.constant 0 : i32
    %dma_wait3A_512 = tpu.memref_slice %arg9[%dma_wait3A_506, %dma_wait3A_511] : memref<8x128xi32, #tpu.memory_space<vmem>> -> memref<1x128xi32, #tpu.memory_space<vmem>>
    %dma_wait3A_513 = tpu.memref_squeeze %dma_wait3A_512 : memref<1x128xi32, #tpu.memory_space<vmem>> -> memref<128xi32, #tpu.memory_space<vmem>>
    %dma_wait3A_514 = arith.constant 0 : i32
    %dma_wait3A_515 = tpu.memref_slice %arg4[%dma_wait3A_514] : memref<102400xi32, #tpu.memory_space<hbm>> -> memref<102400xi32, #tpu.memory_space<hbm>>
    tpu.wait_indirect_dma semaphore(%arg17 : memref<!tpu.dma_semaphore, #tpu.memory_space<semaphore_mem>>) src(%dma_wait3A_515 : memref<102400xi32, #tpu.memory_space<hbm>>) dst(%dma_wait3A_510 : memref<128xi32, #tpu.memory_space<vmem>>)
    %dma_wait3A_516 = arith.constant 5 : i32
    %dma_wait3A_517 = arith.constant 5 : i32
    %dma_wait3A_518 = arith.constant 0 : i32
    %dma_wait3A_519 = tpu.memref_slice %arg10[%dma_wait3A_517, %dma_wait3A_518] : memref<8x128xi32, #tpu.memory_space<vmem>> -> memref<1x128xi32, #tpu.memory_space<vmem>>
    %dma_wait3A_520 = tpu.memref_squeeze %dma_wait3A_519 : memref<1x128xi32, #tpu.memory_space<vmem>> -> memref<128xi32, #tpu.memory_space<vmem>>
    %dma_wait3A_521 = arith.constant 0 : i32
    %dma_wait3A_522 = tpu.memref_slice %arg9[%dma_wait3A_516, %dma_wait3A_521] : memref<8x128xi32, #tpu.memory_space<vmem>> -> memref<1x128xi32, #tpu.memory_space<vmem>>
    %dma_wait3A_523 = tpu.memref_squeeze %dma_wait3A_522 : memref<1x128xi32, #tpu.memory_space<vmem>> -> memref<128xi32, #tpu.memory_space<vmem>>
    %dma_wait3A_524 = arith.constant 0 : i32
    %dma_wait3A_525 = tpu.memref_slice %arg4[%dma_wait3A_524] : memref<102400xi32, #tpu.memory_space<hbm>> -> memref<102400xi32, #tpu.memory_space<hbm>>
    tpu.wait_indirect_dma semaphore(%arg17 : memref<!tpu.dma_semaphore, #tpu.memory_space<semaphore_mem>>) src(%dma_wait3A_525 : memref<102400xi32, #tpu.memory_space<hbm>>) dst(%dma_wait3A_520 : memref<128xi32, #tpu.memory_space<vmem>>)
    %dma_wait3A_526 = arith.constant 6 : i32
    %dma_wait3A_527 = arith.constant 6 : i32
    %dma_wait3A_528 = arith.constant 0 : i32
    %dma_wait3A_529 = tpu.memref_slice %arg10[%dma_wait3A_527, %dma_wait3A_528] : memref<8x128xi32, #tpu.memory_space<vmem>> -> memref<1x128xi32, #tpu.memory_space<vmem>>
    %dma_wait3A_530 = tpu.memref_squeeze %dma_wait3A_529 : memref<1x128xi32, #tpu.memory_space<vmem>> -> memref<128xi32, #tpu.memory_space<vmem>>
    %dma_wait3A_531 = arith.constant 0 : i32
    %dma_wait3A_532 = tpu.memref_slice %arg9[%dma_wait3A_526, %dma_wait3A_531] : memref<8x128xi32, #tpu.memory_space<vmem>> -> memref<1x128xi32, #tpu.memory_space<vmem>>
    %dma_wait3A_533 = tpu.memref_squeeze %dma_wait3A_532 : memref<1x128xi32, #tpu.memory_space<vmem>> -> memref<128xi32, #tpu.memory_space<vmem>>
    %dma_wait3A_534 = arith.constant 0 : i32
    %dma_wait3A_535 = tpu.memref_slice %arg4[%dma_wait3A_534] : memref<102400xi32, #tpu.memory_space<hbm>> -> memref<102400xi32, #tpu.memory_space<hbm>>
    tpu.wait_indirect_dma semaphore(%arg17 : memref<!tpu.dma_semaphore, #tpu.memory_space<semaphore_mem>>) src(%dma_wait3A_535 : memref<102400xi32, #tpu.memory_space<hbm>>) dst(%dma_wait3A_530 : memref<128xi32, #tpu.memory_space<vmem>>)
    %dma_wait3A_536 = arith.constant 7 : i32
    %dma_wait3A_537 = arith.constant 7 : i32
    %dma_wait3A_538 = arith.constant 0 : i32
    %dma_wait3A_539 = tpu.memref_slice %arg10[%dma_wait3A_537, %dma_wait3A_538] : memref<8x128xi32, #tpu.memory_space<vmem>> -> memref<1x128xi32, #tpu.memory_space<vmem>>
    %dma_wait3A_540 = tpu.memref_squeeze %dma_wait3A_539 : memref<1x128xi32, #tpu.memory_space<vmem>> -> memref<128xi32, #tpu.memory_space<vmem>>
    %dma_wait3A_541 = arith.constant 0 : i32
    %dma_wait3A_542 = tpu.memref_slice %arg9[%dma_wait3A_536, %dma_wait3A_541] : memref<8x128xi32, #tpu.memory_space<vmem>> -> memref<1x128xi32, #tpu.memory_space<vmem>>
    %dma_wait3A_543 = tpu.memref_squeeze %dma_wait3A_542 : memref<1x128xi32, #tpu.memory_space<vmem>> -> memref<128xi32, #tpu.memory_space<vmem>>
    %dma_wait3A_544 = arith.constant 0 : i32
    %dma_wait3A_545 = tpu.memref_slice %arg4[%dma_wait3A_544] : memref<102400xi32, #tpu.memory_space<hbm>> -> memref<102400xi32, #tpu.memory_space<hbm>>
    tpu.wait_indirect_dma semaphore(%arg17 : memref<!tpu.dma_semaphore, #tpu.memory_space<semaphore_mem>>) src(%dma_wait3A_545 : memref<102400xi32, #tpu.memory_space<hbm>>) dst(%dma_wait3A_540 : memref<128xi32, #tpu.memory_space<vmem>>)
    %dma_start3A_546 = arith.constant 0 : i32
    %dma_start3A_547 = arith.constant 0 : i32
    %dma_start3A_548 = tpu.memref_slice %arg10[%dma_start3A_546, %dma_start3A_547] : memref<8x128xi32, #tpu.memory_space<vmem>> -> memref<1x128xi32, #tpu.memory_space<vmem>>
    %dma_start3A_549 = tpu.memref_squeeze %dma_start3A_548 : memref<1x128xi32, #tpu.memory_space<vmem>> -> memref<128xi32, #tpu.memory_space<vmem>>
    %dma_start3A_550 = arith.constant 0 : i32
    %dma_start3A_551 = arith.constant 0 : i32
    %dma_start3A_552 = tpu.memref_slice %arg5[%dma_start3A_550, %dma_start3A_551] : memref<32768x128xf32, #tpu.memory_space<hbm>> -> memref<32768x128xf32, #tpu.memory_space<hbm>>
    tpu.enqueue_indirect_dma source(%dma_start3A_552 : memref<32768x128xf32, #tpu.memory_space<hbm>>) target(%arg11 : memref<128x128xf32, #tpu.memory_space<vmem>>) offsets(%dma_start3A_549 : memref<128xi32, #tpu.memory_space<vmem>>) semaphore(%arg13 : memref<!tpu.dma_semaphore, #tpu.memory_space<semaphore_mem>>)
    %dma_start3A_553 = arith.constant 1 : i32
    %dma_start3A_554 = arith.constant 0 : i32
    %dma_start3A_555 = tpu.memref_slice %arg10[%dma_start3A_553, %dma_start3A_554] : memref<8x128xi32, #tpu.memory_space<vmem>> -> memref<1x128xi32, #tpu.memory_space<vmem>>
    %dma_start3A_556 = tpu.memref_squeeze %dma_start3A_555 : memref<1x128xi32, #tpu.memory_space<vmem>> -> memref<128xi32, #tpu.memory_space<vmem>>
    %dma_start3A_557 = arith.constant 0 : i32
    %dma_start3A_558 = arith.constant 0 : i32
    %dma_start3A_559 = tpu.memref_slice %arg5[%dma_start3A_557, %dma_start3A_558] : memref<32768x128xf32, #tpu.memory_space<hbm>> -> memref<32768x128xf32, #tpu.memory_space<hbm>>
    tpu.enqueue_indirect_dma source(%dma_start3A_559 : memref<32768x128xf32, #tpu.memory_space<hbm>>) target(%arg12 : memref<128x128xf32, #tpu.memory_space<vmem>>) offsets(%dma_start3A_556 : memref<128xi32, #tpu.memory_space<vmem>>) semaphore(%arg14 : memref<!tpu.dma_semaphore, #tpu.memory_space<semaphore_mem>>)
    %dma_wait3A_560 = arith.constant 0 : i32
    %dma_wait3A_561 = arith.constant 0 : i32
    %dma_wait3A_562 = tpu.memref_slice %arg10[%dma_wait3A_560, %dma_wait3A_561] : memref<8x128xi32, #tpu.memory_space<vmem>> -> memref<1x128xi32, #tpu.memory_space<vmem>>
    %dma_wait3A_563 = tpu.memref_squeeze %dma_wait3A_562 : memref<1x128xi32, #tpu.memory_space<vmem>> -> memref<128xi32, #tpu.memory_space<vmem>>
    %dma_wait3A_564 = arith.constant 0 : i32
    %dma_wait3A_565 = arith.constant 0 : i32
    %dma_wait3A_566 = tpu.memref_slice %arg5[%dma_wait3A_564, %dma_wait3A_565] : memref<32768x128xf32, #tpu.memory_space<hbm>> -> memref<32768x128xf32, #tpu.memory_space<hbm>>
    tpu.wait_indirect_dma semaphore(%arg13 : memref<!tpu.dma_semaphore, #tpu.memory_space<semaphore_mem>>) src(%dma_wait3A_566 : memref<32768x128xf32, #tpu.memory_space<hbm>>) dst(%arg11 : memref<128x128xf32, #tpu.memory_space<vmem>>)
    %dma_start3A_567 = arith.constant 0 : i32
    %dma_start3A_568 = arith.constant 0 : i32
    %dma_start3A_569 = tpu.memref_slice %arg9[%dma_start3A_567, %dma_start3A_568] : memref<8x128xi32, #tpu.memory_space<vmem>> -> memref<1x128xi32, #tpu.memory_space<vmem>>
    %dma_start3A_570 = tpu.memref_squeeze %dma_start3A_569 : memref<1x128xi32, #tpu.memory_space<vmem>> -> memref<128xi32, #tpu.memory_space<vmem>>
    %dma_start3A_571 = arith.constant 0 : i32
    %dma_start3A_572 = arith.constant 0 : i32
    %dma_start3A_573 = tpu.memref_slice %arg6[%dma_start3A_571, %dma_start3A_572] : memref<100000x128xf32, #tpu.memory_space<hbm>> -> memref<100000x128xf32, #tpu.memory_space<hbm>>
    tpu.enqueue_indirect_dma source(%arg11 : memref<128x128xf32, #tpu.memory_space<vmem>>) target(%dma_start3A_573 : memref<100000x128xf32, #tpu.memory_space<hbm>>) offsets(%dma_start3A_570 : memref<128xi32, #tpu.memory_space<vmem>>) semaphore(%arg15 : memref<!tpu.dma_semaphore, #tpu.memory_space<semaphore_mem>>)
    %dma_wait3A_574 = arith.constant 0 : i32
    %dma_wait3A_575 = arith.constant 0 : i32
    %dma_wait3A_576 = tpu.memref_slice %arg9[%dma_wait3A_574, %dma_wait3A_575] : memref<8x128xi32, #tpu.memory_space<vmem>> -> memref<1x128xi32, #tpu.memory_space<vmem>>
    %dma_wait3A_577 = tpu.memref_squeeze %dma_wait3A_576 : memref<1x128xi32, #tpu.memory_space<vmem>> -> memref<128xi32, #tpu.memory_space<vmem>>
    %dma_wait3A_578 = arith.constant 0 : i32
    %dma_wait3A_579 = arith.constant 0 : i32
    %dma_wait3A_580 = tpu.memref_slice %arg6[%dma_wait3A_578, %dma_wait3A_579] : memref<100000x128xf32, #tpu.memory_space<hbm>> -> memref<100000x128xf32, #tpu.memory_space<hbm>>
    tpu.wait_indirect_dma semaphore(%arg15 : memref<!tpu.dma_semaphore, #tpu.memory_space<semaphore_mem>>) src(%arg11 : memref<128x128xf32, #tpu.memory_space<vmem>>) dst(%dma_wait3A_580 : memref<100000x128xf32, #tpu.memory_space<hbm>>)
    %dma_start3A_581 = arith.constant 2 : i32
    %dma_start3A_582 = arith.constant 0 : i32
    %dma_start3A_583 = tpu.memref_slice %arg10[%dma_start3A_581, %dma_start3A_582] : memref<8x128xi32, #tpu.memory_space<vmem>> -> memref<1x128xi32, #tpu.memory_space<vmem>>
    %dma_start3A_584 = tpu.memref_squeeze %dma_start3A_583 : memref<1x128xi32, #tpu.memory_space<vmem>> -> memref<128xi32, #tpu.memory_space<vmem>>
    %dma_start3A_585 = arith.constant 0 : i32
    %dma_start3A_586 = arith.constant 0 : i32
    %dma_start3A_587 = tpu.memref_slice %arg5[%dma_start3A_585, %dma_start3A_586] : memref<32768x128xf32, #tpu.memory_space<hbm>> -> memref<32768x128xf32, #tpu.memory_space<hbm>>
    tpu.enqueue_indirect_dma source(%dma_start3A_587 : memref<32768x128xf32, #tpu.memory_space<hbm>>) target(%arg11 : memref<128x128xf32, #tpu.memory_space<vmem>>) offsets(%dma_start3A_584 : memref<128xi32, #tpu.memory_space<vmem>>) semaphore(%arg13 : memref<!tpu.dma_semaphore, #tpu.memory_space<semaphore_mem>>)
    %dma_wait3A_588 = arith.constant 1 : i32
    %dma_wait3A_589 = arith.constant 0 : i32
    %dma_wait3A_590 = tpu.memref_slice %arg10[%dma_wait3A_588, %dma_wait3A_589] : memref<8x128xi32, #tpu.memory_space<vmem>> -> memref<1x128xi32, #tpu.memory_space<vmem>>
    %dma_wait3A_591 = tpu.memref_squeeze %dma_wait3A_590 : memref<1x128xi32, #tpu.memory_space<vmem>> -> memref<128xi32, #tpu.memory_space<vmem>>
    %dma_wait3A_592 = arith.constant 0 : i32
    %dma_wait3A_593 = arith.constant 0 : i32
    %dma_wait3A_594 = tpu.memref_slice %arg5[%dma_wait3A_592, %dma_wait3A_593] : memref<32768x128xf32, #tpu.memory_space<hbm>> -> memref<32768x128xf32, #tpu.memory_space<hbm>>
    tpu.wait_indirect_dma semaphore(%arg14 : memref<!tpu.dma_semaphore, #tpu.memory_space<semaphore_mem>>) src(%dma_wait3A_594 : memref<32768x128xf32, #tpu.memory_space<hbm>>) dst(%arg12 : memref<128x128xf32, #tpu.memory_space<vmem>>)
    %dma_start3A_595 = arith.constant 1 : i32
    %dma_start3A_596 = arith.constant 0 : i32
    %dma_start3A_597 = tpu.memref_slice %arg9[%dma_start3A_595, %dma_start3A_596] : memref<8x128xi32, #tpu.memory_space<vmem>> -> memref<1x128xi32, #tpu.memory_space<vmem>>
    %dma_start3A_598 = tpu.memref_squeeze %dma_start3A_597 : memref<1x128xi32, #tpu.memory_space<vmem>> -> memref<128xi32, #tpu.memory_space<vmem>>
    %dma_start3A_599 = arith.constant 0 : i32
    %dma_start3A_600 = arith.constant 0 : i32
    %dma_start3A_601 = tpu.memref_slice %arg6[%dma_start3A_599, %dma_start3A_600] : memref<100000x128xf32, #tpu.memory_space<hbm>> -> memref<100000x128xf32, #tpu.memory_space<hbm>>
    tpu.enqueue_indirect_dma source(%arg12 : memref<128x128xf32, #tpu.memory_space<vmem>>) target(%dma_start3A_601 : memref<100000x128xf32, #tpu.memory_space<hbm>>) offsets(%dma_start3A_598 : memref<128xi32, #tpu.memory_space<vmem>>) semaphore(%arg16 : memref<!tpu.dma_semaphore, #tpu.memory_space<semaphore_mem>>)
    %dma_wait3A_602 = arith.constant 1 : i32
    %dma_wait3A_603 = arith.constant 0 : i32
    %dma_wait3A_604 = tpu.memref_slice %arg9[%dma_wait3A_602, %dma_wait3A_603] : memref<8x128xi32, #tpu.memory_space<vmem>> -> memref<1x128xi32, #tpu.memory_space<vmem>>
    %dma_wait3A_605 = tpu.memref_squeeze %dma_wait3A_604 : memref<1x128xi32, #tpu.memory_space<vmem>> -> memref<128xi32, #tpu.memory_space<vmem>>
    %dma_wait3A_606 = arith.constant 0 : i32
    %dma_wait3A_607 = arith.constant 0 : i32
    %dma_wait3A_608 = tpu.memref_slice %arg6[%dma_wait3A_606, %dma_wait3A_607] : memref<100000x128xf32, #tpu.memory_space<hbm>> -> memref<100000x128xf32, #tpu.memory_space<hbm>>
    tpu.wait_indirect_dma semaphore(%arg16 : memref<!tpu.dma_semaphore, #tpu.memory_space<semaphore_mem>>) src(%arg12 : memref<128x128xf32, #tpu.memory_space<vmem>>) dst(%dma_wait3A_608 : memref<100000x128xf32, #tpu.memory_space<hbm>>)
    %dma_start3A_609 = arith.constant 3 : i32
    %dma_start3A_610 = arith.constant 0 : i32
    %dma_start3A_611 = tpu.memref_slice %arg10[%dma_start3A_609, %dma_start3A_610] : memref<8x128xi32, #tpu.memory_space<vmem>> -> memref<1x128xi32, #tpu.memory_space<vmem>>
    %dma_start3A_612 = tpu.memref_squeeze %dma_start3A_611 : memref<1x128xi32, #tpu.memory_space<vmem>> -> memref<128xi32, #tpu.memory_space<vmem>>
    %dma_start3A_613 = arith.constant 0 : i32
    %dma_start3A_614 = arith.constant 0 : i32
    %dma_start3A_615 = tpu.memref_slice %arg5[%dma_start3A_613, %dma_start3A_614] : memref<32768x128xf32, #tpu.memory_space<hbm>> -> memref<32768x128xf32, #tpu.memory_space<hbm>>
    tpu.enqueue_indirect_dma source(%dma_start3A_615 : memref<32768x128xf32, #tpu.memory_space<hbm>>) target(%arg12 : memref<128x128xf32, #tpu.memory_space<vmem>>) offsets(%dma_start3A_612 : memref<128xi32, #tpu.memory_space<vmem>>) semaphore(%arg14 : memref<!tpu.dma_semaphore, #tpu.memory_space<semaphore_mem>>)
    %dma_wait3A_616 = arith.constant 2 : i32
    %dma_wait3A_617 = arith.constant 0 : i32
    %dma_wait3A_618 = tpu.memref_slice %arg10[%dma_wait3A_616, %dma_wait3A_617] : memref<8x128xi32, #tpu.memory_space<vmem>> -> memref<1x128xi32, #tpu.memory_space<vmem>>
    %dma_wait3A_619 = tpu.memref_squeeze %dma_wait3A_618 : memref<1x128xi32, #tpu.memory_space<vmem>> -> memref<128xi32, #tpu.memory_space<vmem>>
    %dma_wait3A_620 = arith.constant 0 : i32
    %dma_wait3A_621 = arith.constant 0 : i32
    %dma_wait3A_622 = tpu.memref_slice %arg5[%dma_wait3A_620, %dma_wait3A_621] : memref<32768x128xf32, #tpu.memory_space<hbm>> -> memref<32768x128xf32, #tpu.memory_space<hbm>>
    tpu.wait_indirect_dma semaphore(%arg13 : memref<!tpu.dma_semaphore, #tpu.memory_space<semaphore_mem>>) src(%dma_wait3A_622 : memref<32768x128xf32, #tpu.memory_space<hbm>>) dst(%arg11 : memref<128x128xf32, #tpu.memory_space<vmem>>)
    %dma_start3A_623 = arith.constant 2 : i32
    %dma_start3A_624 = arith.constant 0 : i32
    %dma_start3A_625 = tpu.memref_slice %arg9[%dma_start3A_623, %dma_start3A_624] : memref<8x128xi32, #tpu.memory_space<vmem>> -> memref<1x128xi32, #tpu.memory_space<vmem>>
    %dma_start3A_626 = tpu.memref_squeeze %dma_start3A_625 : memref<1x128xi32, #tpu.memory_space<vmem>> -> memref<128xi32, #tpu.memory_space<vmem>>
    %dma_start3A_627 = arith.constant 0 : i32
    %dma_start3A_628 = arith.constant 0 : i32
    %dma_start3A_629 = tpu.memref_slice %arg6[%dma_start3A_627, %dma_start3A_628] : memref<100000x128xf32, #tpu.memory_space<hbm>> -> memref<100000x128xf32, #tpu.memory_space<hbm>>
    tpu.enqueue_indirect_dma source(%arg11 : memref<128x128xf32, #tpu.memory_space<vmem>>) target(%dma_start3A_629 : memref<100000x128xf32, #tpu.memory_space<hbm>>) offsets(%dma_start3A_626 : memref<128xi32, #tpu.memory_space<vmem>>) semaphore(%arg15 : memref<!tpu.dma_semaphore, #tpu.memory_space<semaphore_mem>>)
    %dma_wait3A_630 = arith.constant 2 : i32
    %dma_wait3A_631 = arith.constant 0 : i32
    %dma_wait3A_632 = tpu.memref_slice %arg9[%dma_wait3A_630, %dma_wait3A_631] : memref<8x128xi32, #tpu.memory_space<vmem>> -> memref<1x128xi32, #tpu.memory_space<vmem>>
    %dma_wait3A_633 = tpu.memref_squeeze %dma_wait3A_632 : memref<1x128xi32, #tpu.memory_space<vmem>> -> memref<128xi32, #tpu.memory_space<vmem>>
    %dma_wait3A_634 = arith.constant 0 : i32
    %dma_wait3A_635 = arith.constant 0 : i32
    %dma_wait3A_636 = tpu.memref_slice %arg6[%dma_wait3A_634, %dma_wait3A_635] : memref<100000x128xf32, #tpu.memory_space<hbm>> -> memref<100000x128xf32, #tpu.memory_space<hbm>>
    tpu.wait_indirect_dma semaphore(%arg15 : memref<!tpu.dma_semaphore, #tpu.memory_space<semaphore_mem>>) src(%arg11 : memref<128x128xf32, #tpu.memory_space<vmem>>) dst(%dma_wait3A_636 : memref<100000x128xf32, #tpu.memory_space<hbm>>)
    %dma_start3A_637 = arith.constant 4 : i32
    %dma_start3A_638 = arith.constant 0 : i32
    %dma_start3A_639 = tpu.memref_slice %arg10[%dma_start3A_637, %dma_start3A_638] : memref<8x128xi32, #tpu.memory_space<vmem>> -> memref<1x128xi32, #tpu.memory_space<vmem>>
    %dma_start3A_640 = tpu.memref_squeeze %dma_start3A_639 : memref<1x128xi32, #tpu.memory_space<vmem>> -> memref<128xi32, #tpu.memory_space<vmem>>
    %dma_start3A_641 = arith.constant 0 : i32
    %dma_start3A_642 = arith.constant 0 : i32
    %dma_start3A_643 = tpu.memref_slice %arg5[%dma_start3A_641, %dma_start3A_642] : memref<32768x128xf32, #tpu.memory_space<hbm>> -> memref<32768x128xf32, #tpu.memory_space<hbm>>
    tpu.enqueue_indirect_dma source(%dma_start3A_643 : memref<32768x128xf32, #tpu.memory_space<hbm>>) target(%arg11 : memref<128x128xf32, #tpu.memory_space<vmem>>) offsets(%dma_start3A_640 : memref<128xi32, #tpu.memory_space<vmem>>) semaphore(%arg13 : memref<!tpu.dma_semaphore, #tpu.memory_space<semaphore_mem>>)
    %dma_wait3A_644 = arith.constant 3 : i32
    %dma_wait3A_645 = arith.constant 0 : i32
    %dma_wait3A_646 = tpu.memref_slice %arg10[%dma_wait3A_644, %dma_wait3A_645] : memref<8x128xi32, #tpu.memory_space<vmem>> -> memref<1x128xi32, #tpu.memory_space<vmem>>
    %dma_wait3A_647 = tpu.memref_squeeze %dma_wait3A_646 : memref<1x128xi32, #tpu.memory_space<vmem>> -> memref<128xi32, #tpu.memory_space<vmem>>
    %dma_wait3A_648 = arith.constant 0 : i32
    %dma_wait3A_649 = arith.constant 0 : i32
    %dma_wait3A_650 = tpu.memref_slice %arg5[%dma_wait3A_648, %dma_wait3A_649] : memref<32768x128xf32, #tpu.memory_space<hbm>> -> memref<32768x128xf32, #tpu.memory_space<hbm>>
    tpu.wait_indirect_dma semaphore(%arg14 : memref<!tpu.dma_semaphore, #tpu.memory_space<semaphore_mem>>) src(%dma_wait3A_650 : memref<32768x128xf32, #tpu.memory_space<hbm>>) dst(%arg12 : memref<128x128xf32, #tpu.memory_space<vmem>>)
    %dma_start3A_651 = arith.constant 3 : i32
    %dma_start3A_652 = arith.constant 0 : i32
    %dma_start3A_653 = tpu.memref_slice %arg9[%dma_start3A_651, %dma_start3A_652] : memref<8x128xi32, #tpu.memory_space<vmem>> -> memref<1x128xi32, #tpu.memory_space<vmem>>
    %dma_start3A_654 = tpu.memref_squeeze %dma_start3A_653 : memref<1x128xi32, #tpu.memory_space<vmem>> -> memref<128xi32, #tpu.memory_space<vmem>>
    %dma_start3A_655 = arith.constant 0 : i32
    %dma_start3A_656 = arith.constant 0 : i32
    %dma_start3A_657 = tpu.memref_slice %arg6[%dma_start3A_655, %dma_start3A_656] : memref<100000x128xf32, #tpu.memory_space<hbm>> -> memref<100000x128xf32, #tpu.memory_space<hbm>>
    tpu.enqueue_indirect_dma source(%arg12 : memref<128x128xf32, #tpu.memory_space<vmem>>) target(%dma_start3A_657 : memref<100000x128xf32, #tpu.memory_space<hbm>>) offsets(%dma_start3A_654 : memref<128xi32, #tpu.memory_space<vmem>>) semaphore(%arg16 : memref<!tpu.dma_semaphore, #tpu.memory_space<semaphore_mem>>)
    %dma_wait3A_658 = arith.constant 3 : i32
    %dma_wait3A_659 = arith.constant 0 : i32
    %dma_wait3A_660 = tpu.memref_slice %arg9[%dma_wait3A_658, %dma_wait3A_659] : memref<8x128xi32, #tpu.memory_space<vmem>> -> memref<1x128xi32, #tpu.memory_space<vmem>>
    %dma_wait3A_661 = tpu.memref_squeeze %dma_wait3A_660 : memref<1x128xi32, #tpu.memory_space<vmem>> -> memref<128xi32, #tpu.memory_space<vmem>>
    %dma_wait3A_662 = arith.constant 0 : i32
    %dma_wait3A_663 = arith.constant 0 : i32
    %dma_wait3A_664 = tpu.memref_slice %arg6[%dma_wait3A_662, %dma_wait3A_663] : memref<100000x128xf32, #tpu.memory_space<hbm>> -> memref<100000x128xf32, #tpu.memory_space<hbm>>
    tpu.wait_indirect_dma semaphore(%arg16 : memref<!tpu.dma_semaphore, #tpu.memory_space<semaphore_mem>>) src(%arg12 : memref<128x128xf32, #tpu.memory_space<vmem>>) dst(%dma_wait3A_664 : memref<100000x128xf32, #tpu.memory_space<hbm>>)
    %dma_start3A_665 = arith.constant 5 : i32
    %dma_start3A_666 = arith.constant 0 : i32
    %dma_start3A_667 = tpu.memref_slice %arg10[%dma_start3A_665, %dma_start3A_666] : memref<8x128xi32, #tpu.memory_space<vmem>> -> memref<1x128xi32, #tpu.memory_space<vmem>>
    %dma_start3A_668 = tpu.memref_squeeze %dma_start3A_667 : memref<1x128xi32, #tpu.memory_space<vmem>> -> memref<128xi32, #tpu.memory_space<vmem>>
    %dma_start3A_669 = arith.constant 0 : i32
    %dma_start3A_670 = arith.constant 0 : i32
    %dma_start3A_671 = tpu.memref_slice %arg5[%dma_start3A_669, %dma_start3A_670] : memref<32768x128xf32, #tpu.memory_space<hbm>> -> memref<32768x128xf32, #tpu.memory_space<hbm>>
    tpu.enqueue_indirect_dma source(%dma_start3A_671 : memref<32768x128xf32, #tpu.memory_space<hbm>>) target(%arg12 : memref<128x128xf32, #tpu.memory_space<vmem>>) offsets(%dma_start3A_668 : memref<128xi32, #tpu.memory_space<vmem>>) semaphore(%arg14 : memref<!tpu.dma_semaphore, #tpu.memory_space<semaphore_mem>>)
    %dma_wait3A_672 = arith.constant 4 : i32
    %dma_wait3A_673 = arith.constant 0 : i32
    %dma_wait3A_674 = tpu.memref_slice %arg10[%dma_wait3A_672, %dma_wait3A_673] : memref<8x128xi32, #tpu.memory_space<vmem>> -> memref<1x128xi32, #tpu.memory_space<vmem>>
    %dma_wait3A_675 = tpu.memref_squeeze %dma_wait3A_674 : memref<1x128xi32, #tpu.memory_space<vmem>> -> memref<128xi32, #tpu.memory_space<vmem>>
    %dma_wait3A_676 = arith.constant 0 : i32
    %dma_wait3A_677 = arith.constant 0 : i32
    %dma_wait3A_678 = tpu.memref_slice %arg5[%dma_wait3A_676, %dma_wait3A_677] : memref<32768x128xf32, #tpu.memory_space<hbm>> -> memref<32768x128xf32, #tpu.memory_space<hbm>>
    tpu.wait_indirect_dma semaphore(%arg13 : memref<!tpu.dma_semaphore, #tpu.memory_space<semaphore_mem>>) src(%dma_wait3A_678 : memref<32768x128xf32, #tpu.memory_space<hbm>>) dst(%arg11 : memref<128x128xf32, #tpu.memory_space<vmem>>)
    %dma_start3A_679 = arith.constant 4 : i32
    %dma_start3A_680 = arith.constant 0 : i32
    %dma_start3A_681 = tpu.memref_slice %arg9[%dma_start3A_679, %dma_start3A_680] : memref<8x128xi32, #tpu.memory_space<vmem>> -> memref<1x128xi32, #tpu.memory_space<vmem>>
    %dma_start3A_682 = tpu.memref_squeeze %dma_start3A_681 : memref<1x128xi32, #tpu.memory_space<vmem>> -> memref<128xi32, #tpu.memory_space<vmem>>
    %dma_start3A_683 = arith.constant 0 : i32
    %dma_start3A_684 = arith.constant 0 : i32
    %dma_start3A_685 = tpu.memref_slice %arg6[%dma_start3A_683, %dma_start3A_684] : memref<100000x128xf32, #tpu.memory_space<hbm>> -> memref<100000x128xf32, #tpu.memory_space<hbm>>
    tpu.enqueue_indirect_dma source(%arg11 : memref<128x128xf32, #tpu.memory_space<vmem>>) target(%dma_start3A_685 : memref<100000x128xf32, #tpu.memory_space<hbm>>) offsets(%dma_start3A_682 : memref<128xi32, #tpu.memory_space<vmem>>) semaphore(%arg15 : memref<!tpu.dma_semaphore, #tpu.memory_space<semaphore_mem>>)
    %dma_wait3A_686 = arith.constant 4 : i32
    %dma_wait3A_687 = arith.constant 0 : i32
    %dma_wait3A_688 = tpu.memref_slice %arg9[%dma_wait3A_686, %dma_wait3A_687] : memref<8x128xi32, #tpu.memory_space<vmem>> -> memref<1x128xi32, #tpu.memory_space<vmem>>
    %dma_wait3A_689 = tpu.memref_squeeze %dma_wait3A_688 : memref<1x128xi32, #tpu.memory_space<vmem>> -> memref<128xi32, #tpu.memory_space<vmem>>
    %dma_wait3A_690 = arith.constant 0 : i32
    %dma_wait3A_691 = arith.constant 0 : i32
    %dma_wait3A_692 = tpu.memref_slice %arg6[%dma_wait3A_690, %dma_wait3A_691] : memref<100000x128xf32, #tpu.memory_space<hbm>> -> memref<100000x128xf32, #tpu.memory_space<hbm>>
    tpu.wait_indirect_dma semaphore(%arg15 : memref<!tpu.dma_semaphore, #tpu.memory_space<semaphore_mem>>) src(%arg11 : memref<128x128xf32, #tpu.memory_space<vmem>>) dst(%dma_wait3A_692 : memref<100000x128xf32, #tpu.memory_space<hbm>>)
    %dma_start3A_693 = arith.constant 6 : i32
    %dma_start3A_694 = arith.constant 0 : i32
    %dma_start3A_695 = tpu.memref_slice %arg10[%dma_start3A_693, %dma_start3A_694] : memref<8x128xi32, #tpu.memory_space<vmem>> -> memref<1x128xi32, #tpu.memory_space<vmem>>
    %dma_start3A_696 = tpu.memref_squeeze %dma_start3A_695 : memref<1x128xi32, #tpu.memory_space<vmem>> -> memref<128xi32, #tpu.memory_space<vmem>>
    %dma_start3A_697 = arith.constant 0 : i32
    %dma_start3A_698 = arith.constant 0 : i32
    %dma_start3A_699 = tpu.memref_slice %arg5[%dma_start3A_697, %dma_start3A_698] : memref<32768x128xf32, #tpu.memory_space<hbm>> -> memref<32768x128xf32, #tpu.memory_space<hbm>>
    tpu.enqueue_indirect_dma source(%dma_start3A_699 : memref<32768x128xf32, #tpu.memory_space<hbm>>) target(%arg11 : memref<128x128xf32, #tpu.memory_space<vmem>>) offsets(%dma_start3A_696 : memref<128xi32, #tpu.memory_space<vmem>>) semaphore(%arg13 : memref<!tpu.dma_semaphore, #tpu.memory_space<semaphore_mem>>)
    %dma_wait3A_700 = arith.constant 5 : i32
    %dma_wait3A_701 = arith.constant 0 : i32
    %dma_wait3A_702 = tpu.memref_slice %arg10[%dma_wait3A_700, %dma_wait3A_701] : memref<8x128xi32, #tpu.memory_space<vmem>> -> memref<1x128xi32, #tpu.memory_space<vmem>>
    %dma_wait3A_703 = tpu.memref_squeeze %dma_wait3A_702 : memref<1x128xi32, #tpu.memory_space<vmem>> -> memref<128xi32, #tpu.memory_space<vmem>>
    %dma_wait3A_704 = arith.constant 0 : i32
    %dma_wait3A_705 = arith.constant 0 : i32
    %dma_wait3A_706 = tpu.memref_slice %arg5[%dma_wait3A_704, %dma_wait3A_705] : memref<32768x128xf32, #tpu.memory_space<hbm>> -> memref<32768x128xf32, #tpu.memory_space<hbm>>
    tpu.wait_indirect_dma semaphore(%arg14 : memref<!tpu.dma_semaphore, #tpu.memory_space<semaphore_mem>>) src(%dma_wait3A_706 : memref<32768x128xf32, #tpu.memory_space<hbm>>) dst(%arg12 : memref<128x128xf32, #tpu.memory_space<vmem>>)
    %dma_start3A_707 = arith.constant 5 : i32
    %dma_start3A_708 = arith.constant 0 : i32
    %dma_start3A_709 = tpu.memref_slice %arg9[%dma_start3A_707, %dma_start3A_708] : memref<8x128xi32, #tpu.memory_space<vmem>> -> memref<1x128xi32, #tpu.memory_space<vmem>>
    %dma_start3A_710 = tpu.memref_squeeze %dma_start3A_709 : memref<1x128xi32, #tpu.memory_space<vmem>> -> memref<128xi32, #tpu.memory_space<vmem>>
    %dma_start3A_711 = arith.constant 0 : i32
    %dma_start3A_712 = arith.constant 0 : i32
    %dma_start3A_713 = tpu.memref_slice %arg6[%dma_start3A_711, %dma_start3A_712] : memref<100000x128xf32, #tpu.memory_space<hbm>> -> memref<100000x128xf32, #tpu.memory_space<hbm>>
    tpu.enqueue_indirect_dma source(%arg12 : memref<128x128xf32, #tpu.memory_space<vmem>>) target(%dma_start3A_713 : memref<100000x128xf32, #tpu.memory_space<hbm>>) offsets(%dma_start3A_710 : memref<128xi32, #tpu.memory_space<vmem>>) semaphore(%arg16 : memref<!tpu.dma_semaphore, #tpu.memory_space<semaphore_mem>>)
    %dma_wait3A_714 = arith.constant 5 : i32
    %dma_wait3A_715 = arith.constant 0 : i32
    %dma_wait3A_716 = tpu.memref_slice %arg9[%dma_wait3A_714, %dma_wait3A_715] : memref<8x128xi32, #tpu.memory_space<vmem>> -> memref<1x128xi32, #tpu.memory_space<vmem>>
    %dma_wait3A_717 = tpu.memref_squeeze %dma_wait3A_716 : memref<1x128xi32, #tpu.memory_space<vmem>> -> memref<128xi32, #tpu.memory_space<vmem>>
    %dma_wait3A_718 = arith.constant 0 : i32
    %dma_wait3A_719 = arith.constant 0 : i32
    %dma_wait3A_720 = tpu.memref_slice %arg6[%dma_wait3A_718, %dma_wait3A_719] : memref<100000x128xf32, #tpu.memory_space<hbm>> -> memref<100000x128xf32, #tpu.memory_space<hbm>>
    tpu.wait_indirect_dma semaphore(%arg16 : memref<!tpu.dma_semaphore, #tpu.memory_space<semaphore_mem>>) src(%arg12 : memref<128x128xf32, #tpu.memory_space<vmem>>) dst(%dma_wait3A_720 : memref<100000x128xf32, #tpu.memory_space<hbm>>)
    %dma_start3A_721 = arith.constant 7 : i32
    %dma_start3A_722 = arith.constant 0 : i32
    %dma_start3A_723 = tpu.memref_slice %arg10[%dma_start3A_721, %dma_start3A_722] : memref<8x128xi32, #tpu.memory_space<vmem>> -> memref<1x128xi32, #tpu.memory_space<vmem>>
    %dma_start3A_724 = tpu.memref_squeeze %dma_start3A_723 : memref<1x128xi32, #tpu.memory_space<vmem>> -> memref<128xi32, #tpu.memory_space<vmem>>
    %dma_start3A_725 = arith.constant 0 : i32
    %dma_start3A_726 = arith.constant 0 : i32
    %dma_start3A_727 = tpu.memref_slice %arg5[%dma_start3A_725, %dma_start3A_726] : memref<32768x128xf32, #tpu.memory_space<hbm>> -> memref<32768x128xf32, #tpu.memory_space<hbm>>
    tpu.enqueue_indirect_dma source(%dma_start3A_727 : memref<32768x128xf32, #tpu.memory_space<hbm>>) target(%arg12 : memref<128x128xf32, #tpu.memory_space<vmem>>) offsets(%dma_start3A_724 : memref<128xi32, #tpu.memory_space<vmem>>) semaphore(%arg14 : memref<!tpu.dma_semaphore, #tpu.memory_space<semaphore_mem>>)
    %dma_wait3A_728 = arith.constant 6 : i32
    %dma_wait3A_729 = arith.constant 0 : i32
    %dma_wait3A_730 = tpu.memref_slice %arg10[%dma_wait3A_728, %dma_wait3A_729] : memref<8x128xi32, #tpu.memory_space<vmem>> -> memref<1x128xi32, #tpu.memory_space<vmem>>
    %dma_wait3A_731 = tpu.memref_squeeze %dma_wait3A_730 : memref<1x128xi32, #tpu.memory_space<vmem>> -> memref<128xi32, #tpu.memory_space<vmem>>
    %dma_wait3A_732 = arith.constant 0 : i32
    %dma_wait3A_733 = arith.constant 0 : i32
    %dma_wait3A_734 = tpu.memref_slice %arg5[%dma_wait3A_732, %dma_wait3A_733] : memref<32768x128xf32, #tpu.memory_space<hbm>> -> memref<32768x128xf32, #tpu.memory_space<hbm>>
    tpu.wait_indirect_dma semaphore(%arg13 : memref<!tpu.dma_semaphore, #tpu.memory_space<semaphore_mem>>) src(%dma_wait3A_734 : memref<32768x128xf32, #tpu.memory_space<hbm>>) dst(%arg11 : memref<128x128xf32, #tpu.memory_space<vmem>>)
    %dma_start3A_735 = arith.constant 6 : i32
    %dma_start3A_736 = arith.constant 0 : i32
    %dma_start3A_737 = tpu.memref_slice %arg9[%dma_start3A_735, %dma_start3A_736] : memref<8x128xi32, #tpu.memory_space<vmem>> -> memref<1x128xi32, #tpu.memory_space<vmem>>
    %dma_start3A_738 = tpu.memref_squeeze %dma_start3A_737 : memref<1x128xi32, #tpu.memory_space<vmem>> -> memref<128xi32, #tpu.memory_space<vmem>>
    %dma_start3A_739 = arith.constant 0 : i32
    %dma_start3A_740 = arith.constant 0 : i32
    %dma_start3A_741 = tpu.memref_slice %arg6[%dma_start3A_739, %dma_start3A_740] : memref<100000x128xf32, #tpu.memory_space<hbm>> -> memref<100000x128xf32, #tpu.memory_space<hbm>>
    tpu.enqueue_indirect_dma source(%arg11 : memref<128x128xf32, #tpu.memory_space<vmem>>) target(%dma_start3A_741 : memref<100000x128xf32, #tpu.memory_space<hbm>>) offsets(%dma_start3A_738 : memref<128xi32, #tpu.memory_space<vmem>>) semaphore(%arg15 : memref<!tpu.dma_semaphore, #tpu.memory_space<semaphore_mem>>)
    %dma_wait3A_742 = arith.constant 7 : i32
    %dma_wait3A_743 = arith.constant 0 : i32
    %dma_wait3A_744 = tpu.memref_slice %arg10[%dma_wait3A_742, %dma_wait3A_743] : memref<8x128xi32, #tpu.memory_space<vmem>> -> memref<1x128xi32, #tpu.memory_space<vmem>>
    %dma_wait3A_745 = tpu.memref_squeeze %dma_wait3A_744 : memref<1x128xi32, #tpu.memory_space<vmem>> -> memref<128xi32, #tpu.memory_space<vmem>>
    %dma_wait3A_746 = arith.constant 0 : i32
    %dma_wait3A_747 = arith.constant 0 : i32
    %dma_wait3A_748 = tpu.memref_slice %arg5[%dma_wait3A_746, %dma_wait3A_747] : memref<32768x128xf32, #tpu.memory_space<hbm>> -> memref<32768x128xf32, #tpu.memory_space<hbm>>
    tpu.wait_indirect_dma semaphore(%arg14 : memref<!tpu.dma_semaphore, #tpu.memory_space<semaphore_mem>>) src(%dma_wait3A_748 : memref<32768x128xf32, #tpu.memory_space<hbm>>) dst(%arg12 : memref<128x128xf32, #tpu.memory_space<vmem>>)
    %dma_start3A_749 = arith.constant 7 : i32
    %dma_start3A_750 = arith.constant 0 : i32
    %dma_start3A_751 = tpu.memref_slice %arg9[%dma_start3A_749, %dma_start3A_750] : memref<8x128xi32, #tpu.memory_space<vmem>> -> memref<1x128xi32, #tpu.memory_space<vmem>>
    %dma_start3A_752 = tpu.memref_squeeze %dma_start3A_751 : memref<1x128xi32, #tpu.memory_space<vmem>> -> memref<128xi32, #tpu.memory_space<vmem>>
    %dma_start3A_753 = arith.constant 0 : i32
    %dma_start3A_754 = arith.constant 0 : i32
    %dma_start3A_755 = tpu.memref_slice %arg6[%dma_start3A_753, %dma_start3A_754] : memref<100000x128xf32, #tpu.memory_space<hbm>> -> memref<100000x128xf32, #tpu.memory_space<hbm>>
    tpu.enqueue_indirect_dma source(%arg12 : memref<128x128xf32, #tpu.memory_space<vmem>>) target(%dma_start3A_755 : memref<100000x128xf32, #tpu.memory_space<hbm>>) offsets(%dma_start3A_752 : memref<128xi32, #tpu.memory_space<vmem>>) semaphore(%arg16 : memref<!tpu.dma_semaphore, #tpu.memory_space<semaphore_mem>>)
    %dma_wait3A_756 = arith.constant 6 : i32
    %dma_wait3A_757 = arith.constant 0 : i32
    %dma_wait3A_758 = tpu.memref_slice %arg9[%dma_wait3A_756, %dma_wait3A_757] : memref<8x128xi32, #tpu.memory_space<vmem>> -> memref<1x128xi32, #tpu.memory_space<vmem>>
    %dma_wait3A_759 = tpu.memref_squeeze %dma_wait3A_758 : memref<1x128xi32, #tpu.memory_space<vmem>> -> memref<128xi32, #tpu.memory_space<vmem>>
    %dma_wait3A_760 = arith.constant 0 : i32
    %dma_wait3A_761 = arith.constant 0 : i32
    %dma_wait3A_762 = tpu.memref_slice %arg6[%dma_wait3A_760, %dma_wait3A_761] : memref<100000x128xf32, #tpu.memory_space<hbm>> -> memref<100000x128xf32, #tpu.memory_space<hbm>>
    tpu.wait_indirect_dma semaphore(%arg15 : memref<!tpu.dma_semaphore, #tpu.memory_space<semaphore_mem>>) src(%arg11 : memref<128x128xf32, #tpu.memory_space<vmem>>) dst(%dma_wait3A_762 : memref<100000x128xf32, #tpu.memory_space<hbm>>)
    %dma_wait3A_763 = arith.constant 7 : i32
    %dma_wait3A_764 = arith.constant 0 : i32
    %dma_wait3A_765 = tpu.memref_slice %arg9[%dma_wait3A_763, %dma_wait3A_764] : memref<8x128xi32, #tpu.memory_space<vmem>> -> memref<1x128xi32, #tpu.memory_space<vmem>>
    %dma_wait3A_766 = tpu.memref_squeeze %dma_wait3A_765 : memref<1x128xi32, #tpu.memory_space<vmem>> -> memref<128xi32, #tpu.memory_space<vmem>>
    %dma_wait3A_767 = arith.constant 0 : i32
    %dma_wait3A_768 = arith.constant 0 : i32
    %dma_wait3A_769 = tpu.memref_slice %arg6[%dma_wait3A_767, %dma_wait3A_768] : memref<100000x128xf32, #tpu.memory_space<hbm>> -> memref<100000x128xf32, #tpu.memory_space<hbm>>
    tpu.wait_indirect_dma semaphore(%arg16 : memref<!tpu.dma_semaphore, #tpu.memory_space<semaphore_mem>>) src(%arg12 : memref<128x128xf32, #tpu.memory_space<vmem>>) dst(%dma_wait3A_769 : memref<100000x128xf32, #tpu.memory_space<hbm>>)
    return
  }
}

module attributes {stable_mosaic.version = 14 : i64} {
  func.func @_msg_body(%arg0: i32, %arg1: memref<2048x128xf32, #tpu.memory_space<vmem>>, %arg2: memref<2048x128xf32, #tpu.memory_space<vmem>>, %arg3: memref<2048x16xf32, #tpu.memory_space<vmem>>, %arg4: memref<2048x1xf32, #tpu.memory_space<vmem>>, %arg5: memref<1x32xf32, #tpu.memory_space<vmem>>, %arg6: memref<1x32xf32, #tpu.memory_space<vmem>>, %arg7: memref<304x128xf32, #tpu.memory_space<vmem>>, %arg8: memref<1x128xf32, #tpu.memory_space<vmem>>, %arg9: memref<2048x128xf32, #tpu.memory_space<vmem>>) attributes {dimension_semantics = [#tpu.dimension_semantics<arbitrary>], iteration_bounds = array<i64: 16>, scalar_prefetch = 0 : i64, scratch_operands = 0 : i64, tpu.core_type = #tpu.core_type<tc>, window_params = [{transform_indices = @transform_0, window_bounds = array<i64: 2048, 128>}, {transform_indices = @transform_1, window_bounds = array<i64: 2048, 128>}, {transform_indices = @transform_2, window_bounds = array<i64: 2048, 16>}, {transform_indices = @transform_3, window_bounds = array<i64: 2048, 1>}, {pipeline_mode = #tpu.pipeline_mode<synchronous>, transform_indices = @transform_4, window_bounds = array<i64: 1, 32>}, {pipeline_mode = #tpu.pipeline_mode<synchronous>, transform_indices = @transform_5, window_bounds = array<i64: 1, 32>}, {pipeline_mode = #tpu.pipeline_mode<synchronous>, transform_indices = @transform_6, window_bounds = array<i64: 304, 128>}, {pipeline_mode = #tpu.pipeline_mode<synchronous>, transform_indices = @transform_7, window_bounds = array<i64: 1, 128>}, {transform_indices = @transform_8, window_bounds = array<i64: 2048, 128>}]} {
    %ge3A = arith.constant 8 : i32
    %ge3A_0 = arith.cmpi sge, %arg0, %ge3A : i32
    %get3A = arith.constant 0 : index
    %get3A_1 = arith.constant 0 : index
    %get3A_2 = vector.load %arg1[%get3A, %get3A_1] : memref<2048x128xf32, #tpu.memory_space<vmem>>, vector<2048x128xf32>
    %get3A_3 = arith.constant 0 : index
    %get3A_4 = arith.constant 0 : index
    %get3A_5 = vector.load %arg2[%get3A_3, %get3A_4] : memref<2048x128xf32, #tpu.memory_space<vmem>>, vector<2048x128xf32>
    %select_n3A = arith.select %ge3A_0, %get3A_5, %get3A_2 : vector<2048x128xf32>
    %select_n3A_6 = arith.select %ge3A_0, %get3A_2, %get3A_5 : vector<2048x128xf32>
    %get3A_7 = arith.constant 0 : index
    %get3A_8 = arith.constant 0 : index
    %get3A_9 = vector.load %arg4[%get3A_7, %get3A_8] : memref<2048x1xf32, #tpu.memory_space<vmem>>, vector<2048x1xf32>
    %get3A_10 = arith.constant 0 : index
    %get3A_11 = arith.constant 0 : index
    %get3A_12 = vector.load %arg5[%get3A_10, %get3A_11] : memref<1x32xf32, #tpu.memory_space<vmem>>, vector<1x32xf32>
    %mul3A = vector.broadcast %get3A_9 : vector<2048x1xf32> to vector<2048x32xf32>
    %mul3A_13 = vector.broadcast %get3A_12 : vector<1x32xf32> to vector<2048x32xf32>
    %mul3A_14 = arith.mulf %mul3A, %mul3A_13 : vector<2048x32xf32>
    %get3A_15 = arith.constant 0 : index
    %get3A_16 = arith.constant 0 : index
    %get3A_17 = vector.load %arg6[%get3A_15, %get3A_16] : memref<1x32xf32, #tpu.memory_space<vmem>>, vector<1x32xf32>
    %add3A = vector.broadcast %get3A_17 : vector<1x32xf32> to vector<2048x32xf32>
    %add3A_18 = arith.addf %mul3A_14, %add3A : vector<2048x32xf32>
    %cos3A = math.cos %add3A_18 : vector<2048x32xf32>
    %get3A_19 = arith.constant 0 : index
    %get3A_20 = arith.constant 0 : index
    %get3A_21 = vector.load %arg7[%get3A_19, %get3A_20] : memref<304x128xf32, #tpu.memory_space<vmem>>, vector<128x128xf32>
    %dot_general3A = arith.constant dense<0.000000e+00> : vector<2048x128xf32>
    %dot_general3A_22 = tpu.matmul %select_n3A, %get3A_21, %dot_general3A {dimension_numbers = #tpu.dot_dimension_numbers<[1], [0], [0], [1], [0, 0, 1, 1], [], []>, transpose_lhs_hint = false} : vector<2048x128xf32>, vector<128x128xf32>, vector<2048x128xf32> -> vector<2048x128xf32>
    %get3A_23 = arith.constant 128 : index
    %get3A_24 = arith.constant 0 : index
    %get3A_25 = vector.load %arg7[%get3A_23, %get3A_24] : memref<304x128xf32, #tpu.memory_space<vmem>>, vector<128x128xf32>
    %dot_general3A_26 = arith.constant dense<0.000000e+00> : vector<2048x128xf32>
    %dot_general3A_27 = tpu.matmul %select_n3A_6, %get3A_25, %dot_general3A_26 {dimension_numbers = #tpu.dot_dimension_numbers<[1], [0], [0], [1], [0, 0, 1, 1], [], []>, transpose_lhs_hint = false} : vector<2048x128xf32>, vector<128x128xf32>, vector<2048x128xf32> -> vector<2048x128xf32>
    %add3A_28 = arith.addf %dot_general3A_22, %dot_general3A_27 : vector<2048x128xf32>
    %get3A_29 = arith.constant 0 : index
    %get3A_30 = arith.constant 0 : index
    %get3A_31 = vector.load %arg3[%get3A_29, %get3A_30] : memref<2048x16xf32, #tpu.memory_space<vmem>>, vector<2048x16xf32>
    %get3A_32 = arith.constant 256 : index
    %get3A_33 = arith.constant 0 : index
    %get3A_34 = vector.load %arg7[%get3A_32, %get3A_33] : memref<304x128xf32, #tpu.memory_space<vmem>>, vector<16x128xf32>
    %dot_general3A_35 = arith.constant dense<0.000000e+00> : vector<2048x128xf32>
    %dot_general3A_36 = tpu.matmul %get3A_31, %get3A_34, %dot_general3A_35 {dimension_numbers = #tpu.dot_dimension_numbers<[1], [0], [0], [1], [0, 0, 1, 1], [], []>, transpose_lhs_hint = false} : vector<2048x16xf32>, vector<16x128xf32>, vector<2048x128xf32> -> vector<2048x128xf32>
    %add3A_37 = arith.addf %add3A_28, %dot_general3A_36 : vector<2048x128xf32>
    %get3A_38 = arith.constant 272 : index
    %get3A_39 = arith.constant 0 : index
    %get3A_40 = vector.load %arg7[%get3A_38, %get3A_39] : memref<304x128xf32, #tpu.memory_space<vmem>>, vector<32x128xf32>
    %dot_general3A_41 = arith.constant dense<0.000000e+00> : vector<2048x128xf32>
    %dot_general3A_42 = tpu.matmul %cos3A, %get3A_40, %dot_general3A_41 {dimension_numbers = #tpu.dot_dimension_numbers<[1], [0], [0], [1], [0, 0, 1, 1], [], []>, transpose_lhs_hint = false} : vector<2048x32xf32>, vector<32x128xf32>, vector<2048x128xf32> -> vector<2048x128xf32>
    %add3A_43 = arith.addf %add3A_37, %dot_general3A_42 : vector<2048x128xf32>
    %get3A_44 = arith.constant 0 : index
    %get3A_45 = arith.constant 0 : index
    %get3A_46 = vector.load %arg8[%get3A_44, %get3A_45] : memref<1x128xf32, #tpu.memory_space<vmem>>, vector<1x128xf32>
    %add3A_47 = vector.broadcast %get3A_46 : vector<1x128xf32> to vector<2048x128xf32>
    %add3A_48 = arith.addf %add3A_43, %add3A_47 : vector<2048x128xf32>
    %max3A = arith.constant 0.000000e+00 : f32
    %max3A_49 = vector.broadcast %max3A : f32 to vector<2048x128xf32>
    %max3A_50 = arith.maximumf %add3A_48, %max3A_49 : vector<2048x128xf32>
    %swap3A = arith.constant 0 : index
    %swap3A_51 = arith.constant 0 : index
    %swap3A_52 = vector.load %arg9[%swap3A, %swap3A_51] : memref<2048x128xf32, #tpu.memory_space<vmem>>, vector<2048x128xf32>
    tpu.vector_store %arg9[%swap3A, %swap3A_51], %max3A_50 {strides = array<i32>} : memref<2048x128xf32, #tpu.memory_space<vmem>>, vector<2048x128xf32>,
    return
  }
  func.func @transform_0(%arg0: i32) -> (i32, i32) {
    %jit3A = arith.constant 8 : i32
    %eq3A = arith.constant 0 : i32
    %eq3A_0 = arith.cmpi eq, %jit3A, %eq3A : i32
    %jit3A_1 = arith.constant 1 : i32
    %select_n3A = arith.select %eq3A_0, %jit3A_1, %jit3A : i32
    %rem3A = arith.remsi %arg0, %select_n3A : i32
    %ne3A = arith.constant 0 : i32
    %ne3A_2 = arith.cmpi ne, %rem3A, %ne3A : i32
    %lt3A = arith.constant 0 : i32
    %lt3A_3 = arith.cmpi slt, %rem3A, %lt3A : i32
    %lt3A_4 = arith.constant 0 : i32
    %lt3A_5 = arith.cmpi slt, %select_n3A, %lt3A_4 : i32
    %ne3A_6 = arith.xori %lt3A_3, %lt3A_5 : i1
    %and3A = arith.andi %ne3A_6, %ne3A_2 : i1
    %add3A = arith.addi %rem3A, %select_n3A : i32
    %select_n3A_7 = arith.select %and3A, %add3A, %rem3A : i32
    %c0_i32 = arith.constant 0 : i32
    %c0_i32_8 = arith.constant 0 : i32
    return %select_n3A_7, %c0_i32 : i32, i32
  }
  func.func @transform_1(%arg0: i32) -> (i32, i32) {
    %jit3A = arith.constant 8 : i32
    %eq3A = arith.constant 0 : i32
    %eq3A_0 = arith.cmpi eq, %jit3A, %eq3A : i32
    %jit3A_1 = arith.constant 1 : i32
    %select_n3A = arith.select %eq3A_0, %jit3A_1, %jit3A : i32
    %rem3A = arith.remsi %arg0, %select_n3A : i32
    %ne3A = arith.constant 0 : i32
    %ne3A_2 = arith.cmpi ne, %rem3A, %ne3A : i32
    %lt3A = arith.constant 0 : i32
    %lt3A_3 = arith.cmpi slt, %rem3A, %lt3A : i32
    %lt3A_4 = arith.constant 0 : i32
    %lt3A_5 = arith.cmpi slt, %select_n3A, %lt3A_4 : i32
    %ne3A_6 = arith.xori %lt3A_3, %lt3A_5 : i1
    %and3A = arith.andi %ne3A_6, %ne3A_2 : i1
    %add3A = arith.addi %rem3A, %select_n3A : i32
    %select_n3A_7 = arith.select %and3A, %add3A, %rem3A : i32
    %c0_i32 = arith.constant 0 : i32
    %c0_i32_8 = arith.constant 0 : i32
    return %select_n3A_7, %c0_i32 : i32, i32
  }
  func.func @transform_2(%arg0: i32) -> (i32, i32) {
    %jit3A = arith.constant 8 : i32
    %eq3A = arith.constant 0 : i32
    %eq3A_0 = arith.cmpi eq, %jit3A, %eq3A : i32
    %jit3A_1 = arith.constant 1 : i32
    %select_n3A = arith.select %eq3A_0, %jit3A_1, %jit3A : i32
    %rem3A = arith.remsi %arg0, %select_n3A : i32
    %ne3A = arith.constant 0 : i32
    %ne3A_2 = arith.cmpi ne, %rem3A, %ne3A : i32
    %lt3A = arith.constant 0 : i32
    %lt3A_3 = arith.cmpi slt, %rem3A, %lt3A : i32
    %lt3A_4 = arith.constant 0 : i32
    %lt3A_5 = arith.cmpi slt, %select_n3A, %lt3A_4 : i32
    %ne3A_6 = arith.xori %lt3A_3, %lt3A_5 : i1
    %and3A = arith.andi %ne3A_6, %ne3A_2 : i1
    %add3A = arith.addi %rem3A, %select_n3A : i32
    %select_n3A_7 = arith.select %and3A, %add3A, %rem3A : i32
    %c0_i32 = arith.constant 0 : i32
    %c0_i32_8 = arith.constant 0 : i32
    return %select_n3A_7, %c0_i32 : i32, i32
  }
  func.func @transform_3(%arg0: i32) -> (i32, i32) {
    %jit3A = arith.constant 8 : i32
    %eq3A = arith.constant 0 : i32
    %eq3A_0 = arith.cmpi eq, %jit3A, %eq3A : i32
    %jit3A_1 = arith.constant 1 : i32
    %select_n3A = arith.select %eq3A_0, %jit3A_1, %jit3A : i32
    %rem3A = arith.remsi %arg0, %select_n3A : i32
    %ne3A = arith.constant 0 : i32
    %ne3A_2 = arith.cmpi ne, %rem3A, %ne3A : i32
    %lt3A = arith.constant 0 : i32
    %lt3A_3 = arith.cmpi slt, %rem3A, %lt3A : i32
    %lt3A_4 = arith.constant 0 : i32
    %lt3A_5 = arith.cmpi slt, %select_n3A, %lt3A_4 : i32
    %ne3A_6 = arith.xori %lt3A_3, %lt3A_5 : i1
    %and3A = arith.andi %ne3A_6, %ne3A_2 : i1
    %add3A = arith.addi %rem3A, %select_n3A : i32
    %select_n3A_7 = arith.select %and3A, %add3A, %rem3A : i32
    %c0_i32 = arith.constant 0 : i32
    %c0_i32_8 = arith.constant 0 : i32
    return %select_n3A_7, %c0_i32 : i32, i32
  }
  func.func @transform_4(%arg0: i32) -> (i32, i32) {
    %c0_i32 = arith.constant 0 : i32
    %c0_i32_0 = arith.constant 0 : i32
    %c0_i32_1 = arith.constant 0 : i32
    return %c0_i32, %c0_i32_0 : i32, i32
  }
  func.func @transform_5(%arg0: i32) -> (i32, i32) {
    %c0_i32 = arith.constant 0 : i32
    %c0_i32_0 = arith.constant 0 : i32
    %c0_i32_1 = arith.constant 0 : i32
    return %c0_i32, %c0_i32_0 : i32, i32
  }
  func.func @transform_6(%arg0: i32) -> (i32, i32) {
    %c0_i32 = arith.constant 0 : i32
    %c0_i32_0 = arith.constant 0 : i32
    %c0_i32_1 = arith.constant 0 : i32
    return %c0_i32, %c0_i32_0 : i32, i32
  }
  func.func @transform_7(%arg0: i32) -> (i32, i32) {
    %c0_i32 = arith.constant 0 : i32
    %c0_i32_0 = arith.constant 0 : i32
    %c0_i32_1 = arith.constant 0 : i32
    return %c0_i32, %c0_i32_0 : i32, i32
  }
  func.func @transform_8(%arg0: i32) -> (i32, i32) {
    %c0_i32 = arith.constant 0 : i32
    %c0_i32_0 = arith.constant 0 : i32
    return %arg0, %c0_i32 : i32, i32
  }
}

module attributes {stable_mosaic.version = 14 : i64} {
  func.func @_gru_body(%arg0: i32, %arg1: memref<2048x128xf32, #tpu.memory_space<vmem>>, %arg2: memref<2048x128xf32, #tpu.memory_space<vmem>>, %arg3: memref<128x384xf32, #tpu.memory_space<vmem>>, %arg4: memref<128x384xf32, #tpu.memory_space<vmem>>, %arg5: memref<1x384xf32, #tpu.memory_space<vmem>>, %arg6: memref<1x384xf32, #tpu.memory_space<vmem>>, %arg7: memref<2048x128xf32, #tpu.memory_space<vmem>>) attributes {dimension_semantics = [#tpu.dimension_semantics<arbitrary>], iteration_bounds = array<i64: 16>, scalar_prefetch = 0 : i64, scratch_operands = 0 : i64, tpu.core_type = #tpu.core_type<tc>, window_params = [{transform_indices = @transform_0, window_bounds = array<i64: 2048, 128>}, {transform_indices = @transform_1, window_bounds = array<i64: 2048, 128>}, {pipeline_mode = #tpu.pipeline_mode<synchronous>, transform_indices = @transform_2, window_bounds = array<i64: 128, 384>}, {pipeline_mode = #tpu.pipeline_mode<synchronous>, transform_indices = @transform_3, window_bounds = array<i64: 128, 384>}, {pipeline_mode = #tpu.pipeline_mode<synchronous>, transform_indices = @transform_4, window_bounds = array<i64: 1, 384>}, {pipeline_mode = #tpu.pipeline_mode<synchronous>, transform_indices = @transform_5, window_bounds = array<i64: 1, 384>}, {transform_indices = @transform_6, window_bounds = array<i64: 2048, 128>}]} {
    %get3A = arith.constant 0 : index
    %get3A_0 = arith.constant 0 : index
    %get3A_1 = vector.load %arg1[%get3A, %get3A_0] : memref<2048x128xf32, #tpu.memory_space<vmem>>, vector<2048x128xf32>
    %get3A_2 = arith.constant 0 : index
    %get3A_3 = arith.constant 0 : index
    %get3A_4 = vector.load %arg2[%get3A_2, %get3A_3] : memref<2048x128xf32, #tpu.memory_space<vmem>>, vector<2048x128xf32>
    %get3A_5 = arith.constant 0 : index
    %get3A_6 = arith.constant 0 : index
    %get3A_7 = vector.load %arg3[%get3A_5, %get3A_6] : memref<128x384xf32, #tpu.memory_space<vmem>>, vector<128x384xf32>
    %dot_general3A = arith.constant dense<0.000000e+00> : vector<2048x384xf32>
    %dot_general3A_8 = tpu.matmul %get3A_1, %get3A_7, %dot_general3A {dimension_numbers = #tpu.dot_dimension_numbers<[1], [0], [0], [1], [0, 0, 1, 1], [], []>, transpose_lhs_hint = false} : vector<2048x128xf32>, vector<128x384xf32>, vector<2048x384xf32> -> vector<2048x384xf32>
    %get3A_9 = arith.constant 0 : index
    %get3A_10 = arith.constant 0 : index
    %get3A_11 = vector.load %arg5[%get3A_9, %get3A_10] : memref<1x384xf32, #tpu.memory_space<vmem>>, vector<1x384xf32>
    %add3A = vector.broadcast %get3A_11 : vector<1x384xf32> to vector<2048x384xf32>
    %add3A_12 = arith.addf %dot_general3A_8, %add3A : vector<2048x384xf32>
    %get3A_13 = arith.constant 0 : index
    %get3A_14 = arith.constant 0 : index
    %get3A_15 = vector.load %arg4[%get3A_13, %get3A_14] : memref<128x384xf32, #tpu.memory_space<vmem>>, vector<128x384xf32>
    %dot_general3A_16 = arith.constant dense<0.000000e+00> : vector<2048x384xf32>
    %dot_general3A_17 = tpu.matmul %get3A_4, %get3A_15, %dot_general3A_16 {dimension_numbers = #tpu.dot_dimension_numbers<[1], [0], [0], [1], [0, 0, 1, 1], [], []>, transpose_lhs_hint = false} : vector<2048x128xf32>, vector<128x384xf32>, vector<2048x384xf32> -> vector<2048x384xf32>
    %get3A_18 = arith.constant 0 : index
    %get3A_19 = arith.constant 0 : index
    %get3A_20 = vector.load %arg6[%get3A_18, %get3A_19] : memref<1x384xf32, #tpu.memory_space<vmem>>, vector<1x384xf32>
    %add3A_21 = vector.broadcast %get3A_20 : vector<1x384xf32> to vector<2048x384xf32>
    %add3A_22 = arith.addf %dot_general3A_17, %add3A_21 : vector<2048x384xf32>
    %slice3A = vector.extract_strided_slice %add3A_12 {offsets = [0, 0], sizes = [2048, 128], strides = [1, 1]} : vector<2048x384xf32> to vector<2048x128xf32>
    %slice3A_23 = vector.extract_strided_slice %add3A_22 {offsets = [0, 0], sizes = [2048, 128], strides = [1, 1]} : vector<2048x384xf32> to vector<2048x128xf32>
    %add3A_24 = arith.addf %slice3A, %slice3A_23 : vector<2048x128xf32>
    %neg3A = arith.constant 0.000000e+00 : f32
    %neg3A_25 = vector.broadcast %neg3A : f32 to vector<2048x128xf32>
    %neg3A_26 = arith.subf %neg3A_25, %add3A_24 : vector<2048x128xf32>
    %exp3A = math.exp %neg3A_26 : vector<2048x128xf32>
    %add3A_27 = arith.constant 1.000000e+00 : f32
    %add3A_28 = vector.broadcast %add3A_27 : f32 to vector<2048x128xf32>
    %add3A_29 = arith.addf %add3A_28, %exp3A : vector<2048x128xf32>
    %div3A = arith.constant 1.000000e+00 : f32
    %div3A_30 = vector.broadcast %div3A : f32 to vector<2048x128xf32>
    %div3A_31 = arith.divf %div3A_30, %add3A_29 : vector<2048x128xf32>
    %slice3A_32 = vector.extract_strided_slice %add3A_12 {offsets = [0, 128], sizes = [2048, 128], strides = [1, 1]} : vector<2048x384xf32> to vector<2048x128xf32>
    %slice3A_33 = vector.extract_strided_slice %add3A_22 {offsets = [0, 128], sizes = [2048, 128], strides = [1, 1]} : vector<2048x384xf32> to vector<2048x128xf32>
    %add3A_34 = arith.addf %slice3A_32, %slice3A_33 : vector<2048x128xf32>
    %neg3A_35 = arith.constant 0.000000e+00 : f32
    %neg3A_36 = vector.broadcast %neg3A_35 : f32 to vector<2048x128xf32>
    %neg3A_37 = arith.subf %neg3A_36, %add3A_34 : vector<2048x128xf32>
    %exp3A_38 = math.exp %neg3A_37 : vector<2048x128xf32>
    %add3A_39 = arith.constant 1.000000e+00 : f32
    %add3A_40 = vector.broadcast %add3A_39 : f32 to vector<2048x128xf32>
    %add3A_41 = arith.addf %add3A_40, %exp3A_38 : vector<2048x128xf32>
    %div3A_42 = arith.constant 1.000000e+00 : f32
    %div3A_43 = vector.broadcast %div3A_42 : f32 to vector<2048x128xf32>
    %div3A_44 = arith.divf %div3A_43, %add3A_41 : vector<2048x128xf32>
    %slice3A_45 = vector.extract_strided_slice %add3A_12 {offsets = [0, 256], sizes = [2048, 128], strides = [1, 1]} : vector<2048x384xf32> to vector<2048x128xf32>
    %slice3A_46 = vector.extract_strided_slice %add3A_22 {offsets = [0, 256], sizes = [2048, 128], strides = [1, 1]} : vector<2048x384xf32> to vector<2048x128xf32>
    %mul3A = arith.mulf %div3A_31, %slice3A_46 : vector<2048x128xf32>
    %add3A_47 = arith.addf %slice3A_45, %mul3A : vector<2048x128xf32>
    %tanh3A = math.tanh %add3A_47 : vector<2048x128xf32>
    %sub3A = arith.constant 1.000000e+00 : f32
    %sub3A_48 = vector.broadcast %sub3A : f32 to vector<2048x128xf32>
    %sub3A_49 = arith.subf %sub3A_48, %div3A_44 : vector<2048x128xf32>
    %mul3A_50 = arith.mulf %sub3A_49, %tanh3A : vector<2048x128xf32>
    %mul3A_51 = arith.mulf %div3A_44, %get3A_4 : vector<2048x128xf32>
    %add3A_52 = arith.addf %mul3A_50, %mul3A_51 : vector<2048x128xf32>
    %swap3A = arith.constant 0 : index
    %swap3A_53 = arith.constant 0 : index
    %swap3A_54 = vector.load %arg7[%swap3A, %swap3A_53] : memref<2048x128xf32, #tpu.memory_space<vmem>>, vector<2048x128xf32>
    tpu.vector_store %arg7[%swap3A, %swap3A_53], %add3A_52 {strides = array<i32>} : memref<2048x128xf32, #tpu.memory_space<vmem>>, vector<2048x128xf32>,
    return
  }
  func.func @transform_0(%arg0: i32) -> (i32, i32) {
    %c0_i32 = arith.constant 0 : i32
    %c0_i32_0 = arith.constant 0 : i32
    return %arg0, %c0_i32 : i32, i32
  }
  func.func @transform_1(%arg0: i32) -> (i32, i32) {
    %c0_i32 = arith.constant 0 : i32
    %c0_i32_0 = arith.constant 0 : i32
    return %arg0, %c0_i32 : i32, i32
  }
  func.func @transform_2(%arg0: i32) -> (i32, i32) {
    %c0_i32 = arith.constant 0 : i32
    %c0_i32_0 = arith.constant 0 : i32
    %c0_i32_1 = arith.constant 0 : i32
    return %c0_i32, %c0_i32_0 : i32, i32
  }
  func.func @transform_3(%arg0: i32) -> (i32, i32) {
    %c0_i32 = arith.constant 0 : i32
    %c0_i32_0 = arith.constant 0 : i32
    %c0_i32_1 = arith.constant 0 : i32
    return %c0_i32, %c0_i32_0 : i32, i32
  }
  func.func @transform_4(%arg0: i32) -> (i32, i32) {
    %c0_i32 = arith.constant 0 : i32
    %c0_i32_0 = arith.constant 0 : i32
    %c0_i32_1 = arith.constant 0 : i32
    return %c0_i32, %c0_i32_0 : i32, i32
  }
  func.func @transform_5(%arg0: i32) -> (i32, i32) {
    %c0_i32 = arith.constant 0 : i32
    %c0_i32_0 = arith.constant 0 : i32
    %c0_i32_1 = arith.constant 0 : i32
    return %c0_i32, %c0_i32_0 : i32, i32
  }
  func.func @transform_6(%arg0: i32) -> (i32, i32) {
    %c0_i32 = arith.constant 0 : i32
    %c0_i32_0 = arith.constant 0 : i32
    return %arg0, %c0_i32 : i32, i32
  }
}

</mosaic_0001>

<sc_bundles>
// kernel: kernel.6.cloned.1.call-start
scs
__scs_entry_jumppad:
0x0: {  	(pc) =	sbr.rel $0x88, $3  }
0x1: {  	(tag) =	ssettag $0x0;
	lr =	simm.s32 $0x1  }
0x2: {  	[smem:$0x3F92] =	sst lr;
	_ =	strace $0xD0000000  }
0x3: {  	_ = 	snop  }
0x4: {  	_ = 	snop  }
0x5: {  	_ = 	snop  }
0x6: {  	_ = 	snop  }
0x7: {  	_ = 	snop  }
__scs_overlays_trampoline_lowered:
0x8: {  	[smem:$0x3FA1] =	sst s0  }
0x9: {  	[smem:$0x3FA2] =	sst s1  }
0xa: {  	[smem:$0x3FA3] =	sst s2  }
0xb: {  	[smem:$0x3FA4] =	sst s3  }
0xc: {  	[smem:$0x3FA5] =	sst s4  }
0xd: {  	[smem:$0x3FA6] =	sst s5  }
0xe: {  	[smem:$0x3FA7] =	sst s6  }
0xf: {  	[smem:$0x3FA8] =	sst s7  }
0x10: {  	[smem:$0x3FA9] =	sst s8  }
0x11: {  	[smem:$0x3FAA] =	sst s9;
	s0 =	simm.s32 @!p0 $0x0  }
0x12: {  	s1 =	sld [smem:$0x3F90];
	s0 =	simm.s32 @p0 $0x1  }
0x13: {  	[smem:$0x3FAB] =	sst s0;
	s0 =	simm.s32 @!p1 $0x0  }
0x14: {  	s2 =	sld [smem:$0x3F8F];
	s0 =	simm.s32 @p1 $0x1  }
0x15: {  	[smem:$0x3FAC] =	sst s0;
	s0 =	simm.s32 @!p2 $0x0  }
0x16: {  	s3 =	sld [smem:$0x3FDB];
	s0 =	simm.s32 @p2 $0x1  }
0x17: {  	s4 =	simm.s32 $0x1BF5;
	[smem:$0x3FAE] =	sst s0  }
0x18: {  	s0 =	sld [smem:$0x3F91];
	_ =	swait.ge [sflag:s4], $0x0  }
0x19: {  	s7 =	sld [smem:$0x3F92]  }
0x1a: {  	s8 =	sadd.s32 $0xFFFFE003, lr  }
0x1b: {  	s9 =	sadd.s32 $0xFFFFFEF7, lr;
	s5 =	simm.s32 $0xFFFFFFFF;
	p2 =	slt.u32 s8, $0xFFFFF086  }
0x1c: {  	p1 =	slt.u32 s9, $0xF7A;
	s5 =	simm.s32 @!p2 $0x0  }
0x1d: {  	s5 =	simm.s32 @p1 $0x1;
	p0 =	seq.s32 s7, s2  }
0x1e: {  	s7 =	smul.u32 @!p0 $0xF7A, s2;
	p2 =	seq.s32 @!p0 s5, $0x0  }
0x1f: {  	s9 =	smul.u32 $0xF7A, s1;
	s8 =	simm.s32 @!p0 $0x1BF5;
	p2 =	por !p2, p0  }
0x20: {  	[sflag:s8] =	ssyncset.s32 @!p0 $0xFFFFF086;
	s6 =	sadd.s32 @!p0 s3, s7;
	s7 =	simm.s32 @!p0 $0x108  }
0x21: {  	s3 =	sadd.s32 s3, s9;
	s6 =	sadd.s32 @!p0 $0x88, s6;
	s7 =	simm.s32 @p2 $0x1082  }
0x22: {  	[simem:s7], [sflag:s8] =	dma.local @!p0 [hbm:s6], $0xF7A  }
0x23: {  	s9 =	sor.u32 $0xD0000000, s2;
	s6 =	simm.s32 $0x108;
	_ =	swait.ge @!p0 [sflag:s8], $0x0  }
0x24: {  	s3 =	sadd.s32 $0x88, s3;
	s6 =	simm.s32 @!p1 $0x1082;
	[sflag:s4] =	ssyncset.s32 $0xFFFFF086  }
0x25: {  	[simem:s6], [sflag:s4] =	dma.local [hbm:s3], $0xF7A  }
0x26: {  	[smem:$0x3F92] =	sst s1;
	(tag) =	ssettag s2;
	_ =	strace s9  }
0x27: {  	s1 =	sld [smem:$0x3FA2]  }
0x28: {  	s2 =	sld [smem:$0x3FA3]  }
0x29: {  	s4 =	sld [smem:$0x3FA5]  }
0x2a: {  	p0 =	seq.s32 s5, $0x0;
	s5 =	sld [smem:$0x3FA6]  }
0x2b: {  	s6 =	sld [smem:$0x3FA7]  }
0x2c: {  	s7 =	sld [smem:$0x3FA8]  }
0x2d: {  	s3 =	simm.s32 $0x108;
	s8 =	sld [smem:$0x3FA9]  }
0x2e: {  	s3 =	simm.s32 @!p0 $0x1082;
	s9 =	sld [smem:$0x3FAA]  }
0x2f: {  	lr =	sadd.s32 s0, s3;
	s0 =	sld [smem:$0x3FA1]  }
0x30: {  	s3 =	sld [smem:$0x3FA4]  }
0x31: {  	[smem:$0x3FAD] =	sst s10  }
0x32: {  	s10 =	sld [smem:$0x3FAB];
	_ =	sdelay $0x3  }
0x33: {  	p0 =	seq.s32 s10, $0x1;
	s10 =	sld [smem:$0x3FAD];
	_ =	sdelay $0x3  }
0x34: {  	[smem:$0x3FAD] =	sst s10  }
0x35: {  	s10 =	sld [smem:$0x3FAC];
	_ =	sdelay $0x3  }
0x36: {  	p1 =	seq.s32 s10, $0x1;
	s10 =	sld [smem:$0x3FAD];
	_ =	sdelay $0x3  }
0x37: {  	[smem:$0x3FAD] =	sst s10  }
0x38: {  	s10 =	sld [smem:$0x3FAE]  }
0x39: {  	_ = 	snop;
	(pc) =	sbr.ind lr, $3  }
0x3a: {  	_ = 	snop  }
0x3b: {  	_ = 	snop  }
0x3c: {  	p2 =	seq.s32 s10, $0x1;
	s10 =	sld [smem:$0x3FAD]  }
0x3d: {  	_ =	shalt  }
0x3e: {  	_ =	shalt  }
0x3f: {  	_ =	shalt  }
0x40: {  	_ =	shalt  }
0x41: {  	_ =	shalt  }
0x42: {  	_ =	shalt  }
0x43: {  	_ =	shalt  }
0x44: {  	_ =	shalt  }
0x45: {  	_ =	shalt  }
0x46: {  	_ =	shalt  }
0x47: {  	_ =	shalt  }
0x48: {  	_ =	shalt  }
0x49: {  	_ =	shalt  }
0x4a: {  	_ =	shalt  }
0x4b: {  	_ =	shalt  }
0x4c: {  	_ =	shalt  }
0x4d: {  	_ =	shalt  }
0x4e: {  	_ =	shalt  }
0x4f: {  	_ =	shalt  }
0x50: {  	_ =	shalt  }
0x51: {  	_ =	shalt  }
0x52: {  	_ =	shalt  }
0x53: {  	_ =	shalt  }
0x54: {  	_ =	shalt  }
0x55: {  	_ =	shalt  }
0x56: {  	_ =	shalt  }
0x57: {  	_ =	shalt  }
0x58: {  	_ =	shalt  }
0x59: {  	_ =	shalt  }
0x5a: {  	_ =	shalt  }
0x5b: {  	_ =	shalt  }
0x5c: {  	_ =	shalt  }
0x5d: {  	_ =	shalt  }
0x5e: {  	_ =	shalt  }
0x5f: {  	_ =	shalt  }
0x60: {  	_ =	shalt  }
0x61: {  	_ =	shalt  }
0x62: {  	_ =	shalt  }
0x63: {  	_ =	shalt  }
0x64: {  	_ =	shalt  }
0x65: {  	_ =	shalt  }
0x66: {  	_ =	shalt  }
0x67: {  	_ =	shalt  }
0x68: {  	_ =	shalt  }
0x69: {  	_ =	shalt  }
0x6a: {  	_ =	shalt  }
0x6b: {  	_ =	shalt  }
0x6c: {  	_ =	shalt  }
0x6d: {  	_ =	shalt  }
0x6e: {  	_ =	shalt  }
0x6f: {  	_ =	shalt  }
0x70: {  	_ =	shalt  }
0x71: {  	_ =	shalt  }
0x72: {  	_ =	shalt  }
0x73: {  	_ =	shalt  }
0x74: {  	_ =	shalt  }
0x75: {  	_ =	shalt  }
0x76: {  	_ =	shalt  }
0x77: {  	_ =	shalt  }
0x78: {  	_ =	shalt  }
0x79: {  	_ =	shalt  }
0x7a: {  	_ =	shalt  }
0x7b: {  	_ =	shalt  }
0x7c: {  	_ =	shalt  }
0x7d: {  	_ =	shalt  }
0x7e: {  	_ =	shalt  }
0x7f: {  	_ =	shalt  }
0x80: {  	_ =	shalt  }
0x81: {  	_ =	shalt  }
0x82: {  	_ =	shalt  }
0x83: {  	_ =	shalt  }
0x84: {  	_ =	shalt  }
0x85: {  	_ =	shalt  }
0x86: {  	_ =	shalt  }
0x87: {  	_ =	shalt  }
.Lfunc_end0:
.L_simem_size_0:
called_computation_lowered:
.L_overlay_start_0:
0x88: {  	s2 =	sld [smem:$0x3FD9]  }
0x89: {  	s3 =	sld [smem:$0x3FFE];
	_ =	sdelay $0x1  }
0x8a: {  	s1 =	srdreg.scid  }
0x8b: {  	s0 =	sand.u32 $0x1, s1  }
0x8c: {  	s17 =	sshll.u32 s0, $0xA;
	s2 =	sadd.s32 s3, s2  }
0x8d: {  	s2 =	sadd.s32 s2, s17  }
0x8e: {  	[smem:$0x3FB9] =	sst s2  }
0x8f: {  	_ = 	snop  }
0x90: {  	s2 =	sld [smem:$0x3FC8]  }
0x91: {  	s18 =	sld [smem:$0x3FC7]  }
0x92: {  	s4 =	sld [smem:$0x3FC6]  }
0x93: {  	s5 =	sld [smem:$0x3FD0];
	(tm) =	ssettm $0x1  }
0x94: {  	s6 =	sld [smem:$0x3FFB];
	_ =	sdelay $0x3  }
0x95: {  	_ =	strace s6  }
0x96: {  	s6 =	sld [smem:$0x3FFC];
	_ =	sdelay $0x3  }
0x97: {  	_ =	strace s6  }
0x98: {  	s6 =	sld [smem:$0x3FFD];
	_ =	sdelay $0x3  }
0x99: {  	_ =	strace s6  }
0x9a: {  	_ =	strace $0x8FFFFFFF  }
0x9b: {  	s19 =	sld [smem:$0x3FDB];
	_ =	sdelay $0x1  }
0x9c: {  	s7 =	simm.s32 $_scs_section_size  }
0x9d: {  	s8 =	simm.s32 $_size__tile_overlayer_lowered;
	s9 =	simm.s32 $_tile_overlayer_lowered  }
0x9e: {  	s22 =	simm.s32 $0x1BFF;
	s21 =	sshll.u32 s9, $0x1;
	s6 =	sadd.s32 s7, s19  }
0x9f: {  	s10 =	simm.s32 $0x0;
	s20 =	sshll.u32 s8, $0x1;
	s8 =	sadd.s32 s21, s6  }
0xa0: {  	[timem:s10], [sflag:s22] =	dma.local [hbm:s8], s20  }
0xa1: {  	_ =	swait.ge [sflag:s22], s20  }
0xa2: {  	s7 =	ssub.s32 $0x0, s20;
	[sflag:s22] =	ssyncset.done $0x0  }
0xa3: {  	[sflag:s22] =	ssyncadd.s32 s7;
	_ =	sdelay $0x1  }
0xa4: {  	s23 =	simm.s32 $0x1B8B  }
0xa5: {  	_ =	swait.ge [sflag:s23], $0x1  }
0xa6: {  	[sflag:s23] =	ssyncset.done $0x0  }
0xa7: {  	s25 =	simm.s32 $0x1B8E;
	s24 =	sld [smem:$0x3FFE];
	[sflag:s23] =	ssyncadd.s32 $0xFFFFFFFF  }
0xa8: {  	s26 =	simm.s32 $execute0_lowered;
	[smem:$0x3FD2] =	sst s25  }
0xa9: {  	s8 =	sshll.u32 s26, $0x1;
	_ =	strace $0x80000046;
	[dreg:$0x1] =	wrdreg $0xFFFFFFFF  }
0xaa: {  	s28 =	simm.s32 $_size_execute0_lowered;
	s6 =	sadd.s32 s6, s8;
	[dreg:$0x0] =	wrdreg $0x0  }
0xab: {  	s8 =	sshll.u32 s28, $0x1;
	[dreg:$0x2] =	wrdreg s6  }
0xac: {  	[dreg:$0x3] =	wrdreg s8  }
0xad: {  	[dreg:$0x4] =	wrdreg $0xC0  }
0xae: {  	_ =	task [dreg:s10], $0x5FFFF  }
0xaf: {  	[dreg:$0x1] =	wrdreg $0xFFFFFFFF  }
0xb0: {  	[dreg:$0x0] =	wrdreg $0x60  }
0xb1: {  	[dreg:$0x2] =	wrdreg s2  }
0xb2: {  	[dreg:$0x3] =	wrdreg s18  }
0xb3: {  	[dreg:$0x4] =	wrdreg s4  }
0xb4: {  	[dreg:$0x5] =	wrdreg s5  }
0xb5: {  	[dreg:$0x6] =	wrdreg s24  }
0xb6: {  	[dreg:$0x7] =	wrdreg $0x15D000  }
0xb7: {  	[dreg:$0x8] =	wrdreg $0x161000  }
0xb8: {  	[dreg:$0x9] =	wrdreg $0x165000  }
0xb9: {  	[dreg:$0xa] =	wrdreg $0x9  }
0xba: {  	_ =	task.clear_ibuf [dreg:s10], $0xBFFFF;
	_ =	strace $0x90000046  }
0xbb: {  	s29 =	simm.s32 $0x9;
	_ =	strace $0x80000048  }
0xbc: {  	_ =	swait.ge [sflag:s29], $0x1  }
0xbd: {  	[sflag:s29] =	ssyncadd.s32 $0xFFFFFFFF  }
0xbe: {  	_ =	strace $0x90000048  }
0xbf: {  	_ =	sfence  }
0xc0: {  	s30 =	sld [smem:$0x0];
	_ =	sdelay $0x2  }
0xc1: {  	s31 =	sshll.u32 s1, $0xD;
	s1 =	sshrl.u32 s1, $0x2  }
0xc2: {  	s3 =	sand.u32 $0x4000, s31;
	s1 =	sadd.s32 s1, s30  }
0xc3: {  	s0 =	sor.u32 s3, s0;
	s1 =	sshll.u32 s1, $0x11  }
0xc4: {  	s0 =	sor.u32 s1, s0  }
0xc5: {  	s0 =	sadd.s32 $0x8F2B, s0  }
0xc6: {  	[sflag:s0] =	ssyncadd.remote.s32 $0x1  }
0xc7: {  	_ =	sfence.sel $0xFFFF  }
0xc8: {  	[dreg:$0x0] =	wrdreg $0xFFFFFFFF;
	(pc) =	sbr.abs _section_cstart, $3  }
0xc9: {  	[dreg:$0x1] =	wrdreg $0xFFFFFFFF  }
0xca: {  	_ =	task.clear_ibuf [dreg:s10], $0x2FFFF;
	_ =	strace $0x9FFFFFFF  }
0xcb: {  	(tm) =	ssettm $0x7FFFFFFF  }
tec
execute0_lowered:
.L_overlay_start_1:
0x0: {  	(tag) =	ssettag $0x1  }
0x1: {  	s1 =	srdreg.scid;
	s2 =	stileid.u32;
	s9 =	simm.s32 $0xFFFFC000  }
0x2: {  	s1 =	sand.u32 $0x1, s1;
	s4 =	sshll.u32 s2, $0x1;
	p0 =	sgt.u32 s2, $0x7  }
0x3: {  	s3 =	rddreg [dreg:$0x3];
	s5 =	sor.u32 s1, s4;
	s9 =	simm.s32 @!p0 $0x0  }
0x4: {  	s4 =	smul.u32 $0xC80, s5;
	s7 =	sshll.u32 s5, $0xE;
	s5 =	sshll.u32 s5, $0xA  }
0x5: {  	s0 =	rddreg [dreg:$0x4];
	s8 =	simm.s32 $0x0;
	s9 =	sadd.s32 s9, s5  }
0x6: {  	[smem:$0x7FF] =	sst s8;
	s12 =	sor.u32 $0x10, s9  }
0x7: {  	_ =	strace $0x80000047;
	s13 =	sor.u32 $0x20, s9;
	[dreg:$0xa] =	wrdreg s12  }
0x8: {  	s1 =	ssub.s32 $0x2, s1;
	s14 =	sor.u32 $0x30, s9;
	[dreg:$0xb] =	wrdreg s13  }
0x9: {  	s10 =	sshrl.u32 s1, $0x1;
	s15 =	sor.u32 $0x40, s9;
	[dreg:$0xc] =	wrdreg s14  }
0xa: {  	s1 =	ssub.s32 s1, s10;
	s16 =	sor.u32 $0x50, s9;
	[dreg:$0xd] =	wrdreg s15  }
0xb: {  	s24 =	smax.u32 s1, $0x1;
	[dreg:$0xe] =	wrdreg s16  }
0xc: {  	s25 =	sor.u32 $0x60, s9;
	[dreg:$0x17] =	wrdreg s24  }
0xd: {  	s26 =	sor.u32 $0x70, s9;
	[dreg:$0x18] =	wrdreg s25  }
0xe: {  	s1 =	sor.u32 $0x80, s9;
	[dreg:$0x19] =	wrdreg s26  }
0xf: {  	p1 =	sne.s32 s2, $0x0;
	s2 =	sor.u32 $0x90, s9;
	[dreg:$0x1a] =	wrdreg s1  }
0x10: {  	s6 =	sshrl.u32 s4, $0x3;
	s5 =	sor.u32 $0xA0, s9;
	[dreg:$0x1b] =	wrdreg s2  }
0x11: {  	s10 =	sor.u32 $0xD0, s9;
	s6 =	sadd.s32 s6, s0;
	[dreg:$0x1c] =	wrdreg s5  }
0x12: {  	s0 =	sadd.s32 s7, s0;
	s7 =	sor.u32 $0xC0, s9;
	[dreg:$0x1f] =	wrdreg s10  }
0x13: {  	s12 =	sor.u32 $0xF0, s9;
	[dreg:$0x1e] =	wrdreg s7  }
0x14: {  	s13 =	sor.u32 $0x100, s9;
	[smem:$0x7D9] =	sst s12  }
0x15: {  	s14 =	sor.u32 $0x110, s9;
	[smem:$0x7DA] =	sst s13  }
0x16: {  	s15 =	sor.u32 $0x120, s9;
	[smem:$0x7DB] =	sst s14  }
0x17: {  	s16 =	sor.u32 $0x130, s9;
	[smem:$0x7DC] =	sst s15  }
0x18: {  	s24 =	sor.u32 $0x1B0, s9;
	[smem:$0x7DD] =	sst s16  }
0x19: {  	s25 =	sor.u32 $0x1C0, s9;
	[smem:$0x7E5] =	sst s24  }
0x1a: {  	s26 =	sor.u32 $0x1D0, s9;
	[smem:$0x7E6] =	sst s25  }
0x1b: {  	s1 =	sor.u32 $0x1E0, s9;
	[smem:$0x7E7] =	sst s26  }
0x1c: {  	s2 =	sor.u32 $0x1F0, s9;
	[smem:$0x7E8] =	sst s1  }
0x1d: {  	s5 =	sor.u32 $0x200, s9;
	[smem:$0x7E9] =	sst s2  }
0x1e: {  	s10 =	sor.u32 $0x230, s9;
	[smem:$0x7EA] =	sst s5  }
0x1f: {  	s11 =	sadd.s32 $0x83200, s6;
	[smem:$0x7ED] =	sst s10  }
0x20: {  	s17 =	sadd.s32 $0x3200, s0;
	[dreg:$0x9] =	wrdreg s11  }
0x21: {  	s18 =	sadd.s32 $0x3A00, s0;
	[dreg:$0xf] =	wrdreg s17  }
0x22: {  	s19 =	sadd.s32 $0x4200, s0;
	[dreg:$0x10] =	wrdreg s18  }
0x23: {  	s20 =	sadd.s32 $0x4A00, s0;
	[dreg:$0x11] =	wrdreg s19  }
0x24: {  	s21 =	sadd.s32 $0x5200, s0;
	[dreg:$0x12] =	wrdreg s20  }
0x25: {  	s22 =	sadd.s32 $0x5A00, s0;
	[dreg:$0x13] =	wrdreg s21  }
0x26: {  	s23 =	sadd.s32 $0x6200, s0;
	[dreg:$0x14] =	wrdreg s22  }
0x27: {  	s0 =	sadd.s32 $0x6A00, s0;
	[dreg:$0x15] =	wrdreg s23  }
0x28: {  	s6 =	sor.u32 $0xB0, s9;
	[dreg:$0x16] =	wrdreg s0  }
0x29: {  	s7 =	sor.u32 $0x220, s9;
	[dreg:$0x1d] =	wrdreg s6  }
0x2a: {  	s12 =	sor.u32 $0x250, s9;
	[smem:$0x7EC] =	sst s7  }
0x2b: {  	s13 =	sor.u32 $0x260, s9;
	[smem:$0x7EF] =	sst s12  }
0x2c: {  	s14 =	sor.u32 $0x270, s9;
	[smem:$0x7F0] =	sst s13  }
0x2d: {  	s15 =	sor.u32 $0x280, s9;
	[smem:$0x7F1] =	sst s14  }
0x2e: {  	s16 =	sor.u32 $0x290, s9;
	[smem:$0x7F2] =	sst s15  }
0x2f: {  	s24 =	sor.u32 $0x310, s9;
	[smem:$0x7F3] =	sst s16  }
0x30: {  	s25 =	sor.u32 $0x320, s9;
	[smem:$0x7FB] =	sst s24  }
0x31: {  	s26 =	sor.u32 $0x330, s9;
	[smem:$0x7FC] =	sst s25  }
0x32: {  	s11 =	sor.u32 $0xE0, s9;
	[smem:$0x7FD] =	sst s26  }
0x33: {  	s28 =	simm.s32 $0x3;
	s17 =	sor.u32 $0x140, s9;
	[smem:$0x7D8] =	sst s11  }
0x34: {  	s29 =	simm.s32 $0x1;
	s18 =	sor.u32 $0x150, s9;
	[smem:$0x7DE] =	sst s17  }
0x35: {  	s30 =	simm.s32 $0xC000;
	s19 =	sor.u32 $0x160, s9;
	[smem:$0x7DF] =	sst s18  }
0x36: {  	s31 =	simm.s32 $0xCC80;
	s20 =	sor.u32 $0x170, s9;
	[smem:$0x7E0] =	sst s19  }
0x37: {  	v0 =	vmov s4;
	s4 =	simm.s32 $0x0;
	s21 =	sor.u32 $0x180, s9;
	[smem:$0x7E1] =	sst s20  }
0x38: {  	s5 =	simm.s32 $0x80;
	s22 =	sor.u32 $0x190, s9;
	[smem:$0x7E2] =	sst s21  }
0x39: {  	s1 =	simm.s32 $0x11D00;
	s23 =	sor.u32 $0x1A0, s9;
	[smem:$0x7E3] =	sst s22  }
0x3a: {  	s2 =	simm.s32 $0x2;
	s6 =	sor.u32 $0x210, s9;
	[smem:$0x7E4] =	sst s23  }
0x3b: {  	s24 =	sor.u32 $0x380, s9;
	[smem:$0x7EB] =	sst s6;
	s11 =	sor.u32 $0x240, s9  }
0x3c: {  	s12 =	sor.u32 $0x3A0, s9;
	s17 =	sor.u32 $0x2A0, s9;
	[smem:$0x7EE] =	sst s11  }
0x3d: {  	s13 =	sor.u32 $0x3B0, s9;
	s18 =	sor.u32 $0x2B0, s9;
	[smem:$0x7F4] =	sst s17  }
0x3e: {  	s14 =	sor.u32 $0x3C0, s9;
	s19 =	sor.u32 $0x2C0, s9;
	[smem:$0x7F5] =	sst s18  }
0x3f: {  	s15 =	sor.u32 $0x3D0, s9;
	s20 =	sor.u32 $0x2D0, s9;
	[smem:$0x7F6] =	sst s19  }
0x40: {  	s25 =	sor.u32 $0x3E0, s9;
	s21 =	sor.u32 $0x2E0, s9;
	[smem:$0x7F7] =	sst s20  }
0x41: {  	s26 =	sor.u32 $0x3F0, s9;
	s22 =	sor.u32 $0x2F0, s9;
	[smem:$0x7F8] =	sst s21  }
0x42: {  	s0 =	simm.s32 $0xDD00;
	s23 =	sor.u32 $0x300, s9;
	[smem:$0x7F9] =	sst s22  }
0x43: {  	[smem:$0x7FA] =	sst s23;
	s20 =	sor.u32 $0x340, s9;
	s21 =	sor.u32 $0x350, s9  }
0x44: {  	v1 =	vimm.s32 $0x80000000;
	v2 =	vimm.s32 $0x0;
	v3 =	vlaneseq.u32;
	s22 =	sor.u32 $0x360, s9;
	s23 =	sor.u32 $0x370, s9;
	s11 =	sor.u32 $0x390, s9  }
.LBB2_1:
0x45: {  	s17 =	rddreg [dreg:$0x5]  }
0x46: {  	s7 =	simm.s32 @!p1 $0x1C03;
	s10 =	rddreg [dreg:$0x0];
	s6 =	sshrl.u32 @!p1 s17, $0x3  }
0x47: {  	[spmem:s6], [sflag:s7] =	dma.local @!p1 [hbm:s10], $0x800  }
0x48: {  	s6 =	simm.s32 @!p1 $0x3  }
0x49: {  	_ =	swait.ge @!p1 [sflag:s6], $0x800  }
0x4a: {  	[sflag:s6] =	ssyncset.done @!p1 $0x0  }
0x4b: {  	[sflag:s6] =	ssyncadd.s32 @!p1 $0xFFFFF800  }
0x4c: {  	s18 =	rddreg [dreg:$0x6]  }
0x4d: {  	s16 =	rddreg [dreg:$0x1];
	s10 =	sshrl.u32 @!p1 s18, $0x3  }
0x4e: {  	[spmem:s10], [sflag:s7] =	dma.local @!p1 [hbm:s16], $0x800  }
0x4f: {  	_ =	swait.ge @!p1 [sflag:s6], $0x800  }
0x50: {  	[sflag:s6] =	ssyncset.done @!p1 $0x0  }
0x51: {  	[sflag:s6] =	ssyncadd.s32 @!p1 $0xFFFFF800  }
0x52: {  	s19 =	rddreg [dreg:$0x7]  }
0x53: {  	s16 =	rddreg [dreg:$0x2];
	s10 =	sshrl.u32 @!p1 s19, $0x3  }
0x54: {  	[spmem:s10], [sflag:s7] =	dma.local @!p1 [hbm:s16], $0x800  }
0x55: {  	_ =	swait.ge @!p1 [sflag:s6], $0x800  }
0x56: {  	[sflag:s6] =	ssyncset.done @!p1 $0x0  }
0x57: {  	[sflag:s6] =	ssyncadd.s32 @!p1 $0xFFFFF800  }
0x58: {  	[bflag:$0x0] =	sbarrier.arrive $0xFFFF  }
0x59: {  	[tilespmem:s8], [sflag:$0x3] =	stream.linear.gather [spmem:s17], $0x4000, $0x38;
	[tilespmem:$0x16900] =	vst v63  }
0x5a: {  	_ =	swait.ge [sflag:s28], $0x4000  }
0x5b: {  	[sflag:s28] =	ssyncset.done $0x0  }
0x5c: {  	s17 =	simm.s32 $0x4000;
	[sflag:s28] =	ssyncadd.s32 $0xFFFFC000  }
0x5d: {  	[tilespmem:s17], [sflag:$0x3] =	stream.linear.gather [spmem:s18], $0x4000, $0x38;
	[tilespmem:$0x16900] =	vst v63  }
0x5e: {  	_ =	swait.ge [sflag:s28], $0x4000  }
0x5f: {  	[sflag:s28] =	ssyncset.done $0x0  }
0x60: {  	s18 =	simm.s32 $0x8000;
	[sflag:s28] =	ssyncadd.s32 $0xFFFFC000  }
0x61: {  	[tilespmem:s18], [sflag:$0x3] =	stream.linear.gather [spmem:s19], $0x4000, $0x38;
	[tilespmem:$0x16900] =	vst v63  }
0x62: {  	_ =	swait.ge [sflag:s28], $0x4000  }
0x63: {  	[sflag:s28] =	ssyncset.done $0x0  }
0x64: {  	s19 =	simm.s32 $0xC040;
	[sflag:s28] =	ssyncadd.s32 $0xFFFFC000  }
0x65: {  	s10 =	simm.s32 $0xCCC0;
	[tilespmem:s19+$0xFFFFFFC0] =	vst v1  }
0x66: {  	[tilespmem:s10+$0xFFFFFFC0] =	vst v2  }
0x67: {  	[tilespmem:s19+$0xFFFFFFD0] =	vst v1  }
0x68: {  	[tilespmem:s10+$0xFFFFFFD0] =	vst v2  }
0x69: {  	[tilespmem:s19+$0xFFFFFFE0] =	vst v1  }
0x6a: {  	[tilespmem:s10+$0xFFFFFFE0] =	vst v2  }
0x6b: {  	[tilespmem:s19+$0xFFFFFFF0] =	vst v1  }
0x6c: {  	[tilespmem:s10+$0xFFFFFFF0] =	vst v2  }
0x6d: {  	[tilespmem:s19+$0x0] =	vst v1  }
0x6e: {  	[tilespmem:s10+$0x0] =	vst v2  }
0x6f: {  	[tilespmem:s19+$0x10] =	vst v1  }
0x70: {  	[tilespmem:s10+$0x10] =	vst v2  }
0x71: {  	[tilespmem:s19+$0x20] =	vst v1  }
0x72: {  	[tilespmem:s10+$0x20] =	vst v2  }
0x73: {  	s16 =	simm.s32 $0x0;
	[tilespmem:s19+$0x30] =	vst v1  }
0x74: {  	s7 =	simm.s32 $0x70;
	s6 =	simm.s32 $0xFFFFFFF8;
	s17 =	simm.s32 $0xC0C0;
	[tilespmem:s10+$0x30] =	vst v2  }
.LBB2_2:
0x75: {  	[tilespmem:s17+$0xFFFFFFC0] =	vst v1;
	s10 =	sadd.s32 $0x80, s10  }
0x76: {  	[tilespmem:s10+$0xFFFFFFC0] =	vst v2  }
0x77: {  	[tilespmem:s17+$0xFFFFFFD0] =	vst v1  }
0x78: {  	[tilespmem:s10+$0xFFFFFFD0] =	vst v2  }
0x79: {  	[tilespmem:s17+$0xFFFFFFE0] =	vst v1  }
0x7a: {  	[tilespmem:s10+$0xFFFFFFE0] =	vst v2  }
0x7b: {  	[tilespmem:s17+$0xFFFFFFF0] =	vst v1  }
0x7c: {  	[tilespmem:s10+$0xFFFFFFF0] =	vst v2  }
0x7d: {  	[tilespmem:s17+$0x0] =	vst v1  }
0x7e: {  	s16 =	sadd.s32 $0x8, s16;
	[tilespmem:s10+$0x0] =	vst v2  }
0x7f: {  	p2 =	slt.u32 s16, $0xC0;
	[tilespmem:s17+$0x10] =	vst v1  }
.Ltmp0:
0x80: {  	[tilespmem:s10+$0x10] =	vst v2;
	(pc) =	sbr.rel @p2 .LBB2_2-.Ltmp0, $4  }
0x81: {  	[tilespmem:s17+$0x20] =	vst v1  }
0x82: {  	[tilespmem:s10+$0x20] =	vst v2  }
0x83: {  	[tilespmem:s17+$0x30] =	vst v1  }
0x84: {  	s17 =	sadd.s32 $0x80, s17;
	[tilespmem:s10+$0x30] =	vst v2  }
.LBB2_3:
0x85: {  	s6 =	sadd.s32 $0x8, s6  }
0x86: {  	s10 =	simm.s32 $0xFFFFC000;
	p2 =	sgt.u32 s6, $0x3FF  }
0x87: {  	s10 =	simm.s32 @!p2 $0x0  }
0x88: {  	s10 =	sadd.s32 s7, s10  }
0x89: {  	s16 =	sadd.s32 $0xFFFFFF90, s10;
	s17 =	sadd.s32 $0x3F90, s10  }
0x8a: {  	s16 =	smov.u32 @p2 s17  }
0x8b: {  	v4 =	vld [tilespmem:s16+$0x0];
	_ =	sdelay $0x4  }
0x8c: {  	v4 =	vsub.s32 v4, v0  }
0x8d: {  	vm0 =	vlt.u32 v4, $0xC80  }
0x8e: {  	v4 =	vnsel vm0, $0x0, v4;
	_ =	sdelay $0x1  }
0x8f: {  	v5 =	vld [tilespmem:s10+$0x7F90];
	_ =	sdelay $0x2  }
0x90: {  	v6 =	vld.idx.msk [tilespmem:v4+s30+$0x0], $0xffff  }
0x91: {  	s16 =	simm.s32 $0x1  }
0x92: {  	s16 =	simm.s32 @!p2 $0x0;
	v5 =	vshll.u32 v5, $0x1  }
0x93: {  	v5 =	vor.u32 s16, v5  }
0x94: {  	v5 =	vxor.u32 $0x80000000, v5  }
0x95: {  	vm1 =	vgt.s32 v5, v6  }
0x96: {  	vm1 =	vmand vm0, vm1;
	_ =	sdelay $0x4  }
0x97: {  	s19 =	sadd.s32 $0xFFFFFF90, s7  }
0x98: {  	v41 =	vor.u32 s19, v3;
	[tilespmem:v4+s30+$0x0] =	vst.idx.msk vm1, v5  }
0x99: {  	[tilespmem:v4+s31+$0x0] =	vst.idx.msk vm1, v41  }
0x9a: {  	v7 =	vld.idx.msk [tilespmem:v4+s30+$0x0], $0xffff;
	_ =	sdelay $0x4  }
0x9b: {  	vm10 =	vgt.s32 v5, v7  }
0x9c: {  	vm1 =	vmand vm0, vm10;
	_ =	sdelay $0x5  }
0x9d: {  	[tilespmem:v4+s30+$0x0] =	vst.idx.msk vm1, v5  }
0x9e: {  	[tilespmem:v4+s31+$0x0] =	vst.idx.msk vm1, v41  }
0x9f: {  	v42 =	vld.idx.msk [tilespmem:v4+s30+$0x0], $0xffff;
	_ =	sdelay $0x4  }
0xa0: {  	vm11 =	vgt.s32 v5, v42  }
0xa1: {  	vm0 =	vmand vm0, vm11;
	_ =	sdelay $0x2  }
0xa2: {  	p3 =	sgt.u32 s6, $0x3FE;
	s17 =	simm.s32 $0xFFFFC000  }
0xa3: {  	s17 =	simm.s32 @!p3 $0x0  }
0xa4: {  	s17 =	sadd.s32 s7, s17  }
0xa5: {  	s18 =	sadd.s32 $0xFFFFFFA0, s17;
	s19 =	sadd.s32 $0x3FA0, s17;
	[tilespmem:v4+s30+$0x0] =	vst.idx.msk vm0, v5  }
0xa6: {  	s18 =	smov.u32 @p3 s19;
	[tilespmem:v4+s31+$0x0] =	vst.idx.msk vm0, v41  }
0xa7: {  	v4 =	vld [tilespmem:s18+$0x0];
	_ =	sdelay $0x4  }
0xa8: {  	v4 =	vsub.s32 v4, v0  }
0xa9: {  	vm12 =	vlt.u32 v4, $0xC80  }
0xaa: {  	v4 =	vnsel vm12, $0x0, v4;
	_ =	sdelay $0x1  }
0xab: {  	v5 =	vld [tilespmem:s17+$0x7FA0];
	_ =	sdelay $0x2  }
0xac: {  	v6 =	vld.idx.msk [tilespmem:v4+s30+$0x0], $0xffff  }
0xad: {  	s17 =	simm.s32 $0x1  }
0xae: {  	s17 =	simm.s32 @!p3 $0x0;
	v5 =	vshll.u32 v5, $0x1  }
0xaf: {  	v5 =	vor.u32 s17, v5  }
0xb0: {  	v5 =	vxor.u32 $0x80000000, v5  }
0xb1: {  	vm13 =	vgt.s32 v5, v6  }
0xb2: {  	vm1 =	vmand vm12, vm13;
	_ =	sdelay $0x4  }
0xb3: {  	s18 =	sadd.s32 $0xFFFFFFA0, s7  }
0xb4: {  	v43 =	vor.u32 s18, v3;
	[tilespmem:v4+s30+$0x0] =	vst.idx.msk vm1, v5  }
0xb5: {  	[tilespmem:v4+s31+$0x0] =	vst.idx.msk vm1, v43  }
0xb6: {  	v44 =	vld.idx.msk [tilespmem:v4+s30+$0x0], $0xffff;
	_ =	sdelay $0x4  }
0xb7: {  	vm14 =	vgt.s32 v5, v44  }
0xb8: {  	vm1 =	vmand vm12, vm14;
	_ =	sdelay $0x5  }
0xb9: {  	[tilespmem:v4+s30+$0x0] =	vst.idx.msk vm1, v5  }
0xba: {  	[tilespmem:v4+s31+$0x0] =	vst.idx.msk vm1, v43  }
0xbb: {  	v45 =	vld.idx.msk [tilespmem:v4+s30+$0x0], $0xffff;
	_ =	sdelay $0x4  }
0xbc: {  	vm15 =	vgt.s32 v5, v45  }
0xbd: {  	vm0 =	vmand vm12, vm15;
	_ =	sdelay $0x5  }
0xbe: {  	s18 =	sadd.s32 $0x3FB0, s10;
	s17 =	sadd.s32 $0xFFFFFFB0, s10;
	[tilespmem:v4+s30+$0x0] =	vst.idx.msk vm0, v5  }
0xbf: {  	s17 =	smov.u32 @p2 s18;
	[tilespmem:v4+s31+$0x0] =	vst.idx.msk vm0, v43  }
0xc0: {  	v4 =	vld [tilespmem:s17+$0x0];
	_ =	sdelay $0x4  }
0xc1: {  	v4 =	vsub.s32 v4, v0  }
0xc2: {  	vm4 =	vlt.u32 v4, $0xC80  }
0xc3: {  	v4 =	vnsel vm4, $0x0, v4;
	_ =	sdelay $0x1  }
0xc4: {  	v5 =	vld [tilespmem:s10+$0x7FB0];
	_ =	sdelay $0x2  }
0xc5: {  	v6 =	vld.idx.msk [tilespmem:v4+s30+$0x0], $0xffff;
	_ =	sdelay $0x1  }
0xc6: {  	v5 =	vshll.u32 v5, $0x1  }
0xc7: {  	v5 =	vor.u32 s16, v5  }
0xc8: {  	v5 =	vxor.u32 $0x80000000, v5  }
0xc9: {  	vm5 =	vgt.s32 v5, v6  }
0xca: {  	vm1 =	vmand vm4, vm5;
	_ =	sdelay $0x4  }
0xcb: {  	s19 =	sadd.s32 $0xFFFFFFB0, s7  }
0xcc: {  	v46 =	vor.u32 s19, v3;
	[tilespmem:v4+s30+$0x0] =	vst.idx.msk vm1, v5  }
0xcd: {  	[tilespmem:v4+s31+$0x0] =	vst.idx.msk vm1, v46  }
0xce: {  	v47 =	vld.idx.msk [tilespmem:v4+s30+$0x0], $0xffff;
	_ =	sdelay $0x4  }
0xcf: {  	vm6 =	vgt.s32 v5, v47  }
0xd0: {  	vm1 =	vmand vm4, vm6;
	_ =	sdelay $0x5  }
0xd1: {  	[tilespmem:v4+s30+$0x0] =	vst.idx.msk vm1, v5  }
0xd2: {  	[tilespmem:v4+s31+$0x0] =	vst.idx.msk vm1, v46  }
0xd3: {  	v48 =	vld.idx.msk [tilespmem:v4+s30+$0x0], $0xffff;
	_ =	sdelay $0x4  }
0xd4: {  	vm7 =	vgt.s32 v5, v48  }
0xd5: {  	vm0 =	vmand vm4, vm7;
	_ =	sdelay $0x5  }
0xd6: {  	s18 =	sadd.s32 $0x3FC0, s10;
	s17 =	sadd.s32 $0xFFFFFFC0, s10;
	[tilespmem:v4+s30+$0x0] =	vst.idx.msk vm0, v5  }
0xd7: {  	s17 =	smov.u32 @p2 s18;
	[tilespmem:v4+s31+$0x0] =	vst.idx.msk vm0, v46  }
0xd8: {  	v4 =	vld [tilespmem:s17+$0x0];
	_ =	sdelay $0x4  }
0xd9: {  	v4 =	vsub.s32 v4, v0  }
0xda: {  	vm8 =	vlt.u32 v4, $0xC80  }
0xdb: {  	v4 =	vnsel vm8, $0x0, v4;
	_ =	sdelay $0x1  }
0xdc: {  	v5 =	vld [tilespmem:s10+$0x7FC0];
	_ =	sdelay $0x2  }
0xdd: {  	v6 =	vld.idx.msk [tilespmem:v4+s30+$0x0], $0xffff;
	_ =	sdelay $0x1  }
0xde: {  	v5 =	vshll.u32 v5, $0x1  }
0xdf: {  	v5 =	vor.u32 s16, v5  }
0xe0: {  	v5 =	vxor.u32 $0x80000000, v5  }
0xe1: {  	vm9 =	vgt.s32 v5, v6  }
0xe2: {  	vm1 =	vmand vm8, vm9;
	_ =	sdelay $0x4  }
0xe3: {  	s18 =	sadd.s32 $0xFFFFFFC0, s7  }
0xe4: {  	v49 =	vor.u32 s18, v3;
	[tilespmem:v4+s30+$0x0] =	vst.idx.msk vm1, v5  }
0xe5: {  	[tilespmem:v4+s31+$0x0] =	vst.idx.msk vm1, v49  }
0xe6: {  	v50 =	vld.idx.msk [tilespmem:v4+s30+$0x0], $0xffff;
	_ =	sdelay $0x4  }
0xe7: {  	vm10 =	vgt.s32 v5, v50  }
0xe8: {  	vm1 =	vmand vm8, vm10;
	_ =	sdelay $0x5  }
0xe9: {  	[tilespmem:v4+s30+$0x0] =	vst.idx.msk vm1, v5  }
0xea: {  	[tilespmem:v4+s31+$0x0] =	vst.idx.msk vm1, v49  }
0xeb: {  	v51 =	vld.idx.msk [tilespmem:v4+s30+$0x0], $0xffff;
	_ =	sdelay $0x4  }
0xec: {  	vm11 =	vgt.s32 v5, v51  }
0xed: {  	vm0 =	vmand vm8, vm11;
	_ =	sdelay $0x5  }
0xee: {  	s18 =	sadd.s32 $0x3FD0, s10;
	s17 =	sadd.s32 $0xFFFFFFD0, s10;
	[tilespmem:v4+s30+$0x0] =	vst.idx.msk vm0, v5  }
0xef: {  	s17 =	smov.u32 @p2 s18;
	[tilespmem:v4+s31+$0x0] =	vst.idx.msk vm0, v49  }
0xf0: {  	v4 =	vld [tilespmem:s17+$0x0];
	_ =	sdelay $0x4  }
0xf1: {  	v4 =	vsub.s32 v4, v0  }
0xf2: {  	vm12 =	vlt.u32 v4, $0xC80  }
0xf3: {  	v4 =	vnsel vm12, $0x0, v4;
	_ =	sdelay $0x1  }
0xf4: {  	v5 =	vld [tilespmem:s10+$0x7FD0];
	_ =	sdelay $0x2  }
0xf5: {  	v6 =	vld.idx.msk [tilespmem:v4+s30+$0x0], $0xffff;
	_ =	sdelay $0x1  }
0xf6: {  	v5 =	vshll.u32 v5, $0x1  }
0xf7: {  	v5 =	vor.u32 s16, v5  }
0xf8: {  	v5 =	vxor.u32 $0x80000000, v5  }
0xf9: {  	vm13 =	vgt.s32 v5, v6  }
0xfa: {  	vm1 =	vmand vm12, vm13;
	_ =	sdelay $0x4  }
0xfb: {  	s19 =	sadd.s32 $0xFFFFFFD0, s7  }
0xfc: {  	v52 =	vor.u32 s19, v3;
	[tilespmem:v4+s30+$0x0] =	vst.idx.msk vm1, v5  }
0xfd: {  	[tilespmem:v4+s31+$0x0] =	vst.idx.msk vm1, v52  }
0xfe: {  	v53 =	vld.idx.msk [tilespmem:v4+s30+$0x0], $0xffff;
	_ =	sdelay $0x4  }
0xff: {  	vm14 =	vgt.s32 v5, v53  }
0x100: {  	vm1 =	vmand vm12, vm14;
	_ =	sdelay $0x5  }
0x101: {  	[tilespmem:v4+s30+$0x0] =	vst.idx.msk vm1, v5  }
0x102: {  	[tilespmem:v4+s31+$0x0] =	vst.idx.msk vm1, v52  }
0x103: {  	v54 =	vld.idx.msk [tilespmem:v4+s30+$0x0], $0xffff;
	_ =	sdelay $0x4  }
0x104: {  	vm15 =	vgt.s32 v5, v54  }
0x105: {  	vm0 =	vmand vm12, vm15;
	_ =	sdelay $0x5  }
0x106: {  	s18 =	sadd.s32 $0x3FE0, s10;
	s17 =	sadd.s32 $0xFFFFFFE0, s10;
	[tilespmem:v4+s30+$0x0] =	vst.idx.msk vm0, v5  }
0x107: {  	s17 =	smov.u32 @p2 s18;
	[tilespmem:v4+s31+$0x0] =	vst.idx.msk vm0, v52  }
0x108: {  	v4 =	vld [tilespmem:s17+$0x0];
	_ =	sdelay $0x4  }
0x109: {  	v4 =	vsub.s32 v4, v0  }
0x10a: {  	vm4 =	vlt.u32 v4, $0xC80  }
0x10b: {  	v4 =	vnsel vm4, $0x0, v4;
	_ =	sdelay $0x1  }
0x10c: {  	v5 =	vld [tilespmem:s10+$0x7FE0];
	_ =	sdelay $0x2  }
0x10d: {  	v6 =	vld.idx.msk [tilespmem:v4+s30+$0x0], $0xffff;
	_ =	sdelay $0x1  }
0x10e: {  	v5 =	vshll.u32 v5, $0x1  }
0x10f: {  	v5 =	vor.u32 s16, v5  }
0x110: {  	v5 =	vxor.u32 $0x80000000, v5  }
0x111: {  	vm5 =	vgt.s32 v5, v6  }
0x112: {  	vm1 =	vmand vm4, vm5;
	_ =	sdelay $0x4  }
0x113: {  	s18 =	sadd.s32 $0xFFFFFFE0, s7  }
0x114: {  	v55 =	vor.u32 s18, v3;
	[tilespmem:v4+s30+$0x0] =	vst.idx.msk vm1, v5  }
0x115: {  	[tilespmem:v4+s31+$0x0] =	vst.idx.msk vm1, v55  }
0x116: {  	v56 =	vld.idx.msk [tilespmem:v4+s30+$0x0], $0xffff;
	_ =	sdelay $0x4  }
0x117: {  	vm6 =	vgt.s32 v5, v56  }
0x118: {  	vm1 =	vmand vm4, vm6;
	_ =	sdelay $0x5  }
0x119: {  	[tilespmem:v4+s30+$0x0] =	vst.idx.msk vm1, v5  }
0x11a: {  	[tilespmem:v4+s31+$0x0] =	vst.idx.msk vm1, v55  }
0x11b: {  	v57 =	vld.idx.msk [tilespmem:v4+s30+$0x0], $0xffff;
	_ =	sdelay $0x4  }
0x11c: {  	vm7 =	vgt.s32 v5, v57  }
0x11d: {  	vm0 =	vmand vm4, vm7;
	_ =	sdelay $0x5  }
0x11e: {  	s18 =	sadd.s32 $0x3FF0, s10;
	s17 =	sadd.s32 $0xFFFFFFF0, s10;
	[tilespmem:v4+s30+$0x0] =	vst.idx.msk vm0, v5  }
0x11f: {  	s17 =	smov.u32 @p2 s18;
	[tilespmem:v4+s31+$0x0] =	vst.idx.msk vm0, v55  }
0x120: {  	v4 =	vld [tilespmem:s17+$0x0];
	_ =	sdelay $0x4  }
0x121: {  	v4 =	vsub.s32 v4, v0  }
0x122: {  	vm8 =	vlt.u32 v4, $0xC80  }
0x123: {  	v4 =	vnsel vm8, $0x0, v4;
	_ =	sdelay $0x1  }
0x124: {  	v5 =	vld [tilespmem:s10+$0x7FF0];
	_ =	sdelay $0x2  }
0x125: {  	v6 =	vld.idx.msk [tilespmem:v4+s30+$0x0], $0xffff;
	_ =	sdelay $0x1  }
0x126: {  	v5 =	vshll.u32 v5, $0x1  }
0x127: {  	v5 =	vor.u32 s16, v5  }
0x128: {  	v5 =	vxor.u32 $0x80000000, v5  }
0x129: {  	vm9 =	vgt.s32 v5, v6  }
0x12a: {  	vm1 =	vmand vm8, vm9;
	_ =	sdelay $0x4  }
0x12b: {  	s19 =	sadd.s32 $0xFFFFFFF0, s7  }
0x12c: {  	v58 =	vor.u32 s19, v3;
	[tilespmem:v4+s30+$0x0] =	vst.idx.msk vm1, v5  }
0x12d: {  	[tilespmem:v4+s31+$0x0] =	vst.idx.msk vm1, v58  }
0x12e: {  	v59 =	vld.idx.msk [tilespmem:v4+s30+$0x0], $0xffff;
	_ =	sdelay $0x4  }
0x12f: {  	vm10 =	vgt.s32 v5, v59  }
0x130: {  	vm1 =	vmand vm8, vm10;
	_ =	sdelay $0x5  }
0x131: {  	[tilespmem:v4+s30+$0x0] =	vst.idx.msk vm1, v5  }
0x132: {  	[tilespmem:v4+s31+$0x0] =	vst.idx.msk vm1, v58  }
0x133: {  	v60 =	vld.idx.msk [tilespmem:v4+s30+$0x0], $0xffff;
	_ =	sdelay $0x4  }
0x134: {  	vm11 =	vgt.s32 v5, v60  }
0x135: {  	vm0 =	vmand vm8, vm11;
	_ =	sdelay $0x5  }
0x136: {  	s18 =	smov.u32 s10;
	s17 =	sadd.s32 $0x4000, s10;
	[tilespmem:v4+s30+$0x0] =	vst.idx.msk vm0, v5  }
0x137: {  	s18 =	smov.u32 @p2 s17;
	[tilespmem:v4+s31+$0x0] =	vst.idx.msk vm0, v58  }
0x138: {  	v4 =	vld [tilespmem:s18+$0x0];
	_ =	sdelay $0x4  }
0x139: {  	v4 =	vsub.s32 v4, v0  }
0x13a: {  	vm12 =	vlt.u32 v4, $0xC80  }
0x13b: {  	v4 =	vnsel vm12, $0x0, v4;
	_ =	sdelay $0x1  }
0x13c: {  	v5 =	vld [tilespmem:s10+$0x8000];
	_ =	sdelay $0x2  }
0x13d: {  	v6 =	vld.idx.msk [tilespmem:v4+s30+$0x0], $0xffff;
	_ =	sdelay $0x1  }
0x13e: {  	v5 =	vshll.u32 v5, $0x1  }
0x13f: {  	v5 =	vor.u32 s16, v5  }
0x140: {  	v5 =	vxor.u32 $0x80000000, v5  }
0x141: {  	vm13 =	vgt.s32 v5, v6  }
0x142: {  	vm1 =	vmand vm12, vm13;
	_ =	sdelay $0x5  }
0x143: {  	v61 =	vor.u32 s7, v3;
	[tilespmem:v4+s30+$0x0] =	vst.idx.msk vm1, v5  }
0x144: {  	[tilespmem:v4+s31+$0x0] =	vst.idx.msk vm1, v61  }
0x145: {  	v62 =	vld.idx.msk [tilespmem:v4+s30+$0x0], $0xffff;
	_ =	sdelay $0x4  }
0x146: {  	vm14 =	vgt.s32 v5, v62  }
0x147: {  	vm1 =	vmand vm12, vm14;
	_ =	sdelay $0x5  }
0x148: {  	[tilespmem:v4+s30+$0x0] =	vst.idx.msk vm1, v5  }
0x149: {  	[tilespmem:v4+s31+$0x0] =	vst.idx.msk vm1, v61  }
0x14a: {  	v63 =	vld.idx.msk [tilespmem:v4+s30+$0x0], $0xffff;
	_ =	sdelay $0x4  }
0x14b: {  	vm15 =	vgt.s32 v5, v63  }
0x14c: {  	vm0 =	vmand vm12, vm15;
	_ =	sdelay $0x1  }
0x14d: {  	p2 =	slt.u32 s6, $0x7F8  }
.Ltmp1:
0x14e: {  	_ = 	snop;
	(pc) =	sbr.rel @p2 .LBB2_3-.Ltmp1, $3  }
0x14f: {  	_ =	sdelay $0x1  }
0x150: {  	[tilespmem:v4+s30+$0x0] =	vst.idx.msk vm0, v5  }
0x151: {  	s7 =	sadd.s32 $0x80, s7;
	[tilespmem:v4+s31+$0x0] =	vst.idx.msk vm0, v61  }
0x152: {  	s6 =	rddreg [dreg:$0x9]  }
0x153: {  	[hbm4b:s6+s8] =	stream.linear.scatter [tilespmem:s31], [sflag:$0x3], $0xC80, $0x38;
	[tilespmem:$0x16900] =	vst v63  }
0x154: {  	_ =	swait.ge [sflag:s28], $0xC80  }
0x155: {  	s7 =	smov.u32 s9;
	s6 =	sadd.s32 $0x4000, s9;
	[sflag:s28] =	ssyncset.done $0x0  }
0x156: {  	s7 =	smov.u32 @p0 s6;
	[sflag:s28] =	ssyncadd.s32 $0xFFFFF380  }
0x157: {  	v4 =	vld [tilespmem:s7+$0x0];
	_ =	sdelay $0x2  }
0x158: {  	s7 =	rddreg [dreg:$0xa]  }
0x159: {  	s6 =	sadd.s32 $0x4000, s7  }
0x15a: {  	s7 =	smov.u32 @p0 s6;
	[tilespmem:$0xD900] =	vst v4  }
0x15b: {  	v4 =	vld [tilespmem:s7+$0x0];
	_ =	sdelay $0x2  }
0x15c: {  	s7 =	rddreg [dreg:$0xb]  }
0x15d: {  	s6 =	sadd.s32 $0x4000, s7  }
0x15e: {  	s7 =	smov.u32 @p0 s6;
	[tilespmem:$0xD910] =	vst v4  }
0x15f: {  	v4 =	vld [tilespmem:s7+$0x0];
	_ =	sdelay $0x2  }
0x160: {  	s7 =	rddreg [dreg:$0xc]  }
0x161: {  	s6 =	sadd.s32 $0x4000, s7  }
0x162: {  	s7 =	smov.u32 @p0 s6;
	[tilespmem:$0xD920] =	vst v4  }
0x163: {  	v4 =	vld [tilespmem:s7+$0x0];
	_ =	sdelay $0x2  }
0x164: {  	s7 =	rddreg [dreg:$0xd]  }
0x165: {  	s6 =	sadd.s32 $0x4000, s7  }
0x166: {  	s7 =	smov.u32 @p0 s6;
	[tilespmem:$0xD930] =	vst v4  }
0x167: {  	v4 =	vld [tilespmem:s7+$0x0];
	_ =	sdelay $0x2  }
0x168: {  	s7 =	rddreg [dreg:$0xe]  }
0x169: {  	s6 =	sadd.s32 $0x4000, s7  }
0x16a: {  	s7 =	smov.u32 @p0 s6;
	[tilespmem:$0xD940] =	vst v4  }
0x16b: {  	v4 =	vld [tilespmem:s7+$0x0];
	_ =	sdelay $0x2  }
0x16c: {  	s7 =	rddreg [dreg:$0x18]  }
0x16d: {  	s6 =	sadd.s32 $0x4000, s7  }
0x16e: {  	s7 =	smov.u32 @p0 s6;
	[tilespmem:$0xD950] =	vst v4  }
0x16f: {  	v4 =	vld [tilespmem:s7+$0x0];
	_ =	sdelay $0x2  }
0x170: {  	s7 =	rddreg [dreg:$0x19]  }
0x171: {  	s6 =	sadd.s32 $0x4000, s7  }
0x172: {  	s7 =	smov.u32 @p0 s6;
	[tilespmem:$0xD960] =	vst v4  }
0x173: {  	v4 =	vld [tilespmem:s7+$0x0];
	_ =	sdelay $0x2  }
0x174: {  	s7 =	rddreg [dreg:$0x1a]  }
0x175: {  	s6 =	sadd.s32 $0x4000, s7  }
0x176: {  	s7 =	smov.u32 @p0 s6;
	[tilespmem:$0xD970] =	vst v4  }
0x177: {  	v4 =	vld [tilespmem:s7+$0x0];
	_ =	sdelay $0x2  }
0x178: {  	s7 =	rddreg [dreg:$0x1b]  }
0x179: {  	s6 =	sadd.s32 $0x4000, s7  }
0x17a: {  	s7 =	smov.u32 @p0 s6;
	[tilespmem:$0xD980] =	vst v4  }
0x17b: {  	v4 =	vld [tilespmem:s7+$0x0];
	_ =	sdelay $0x2  }
0x17c: {  	s7 =	rddreg [dreg:$0x1c]  }
0x17d: {  	s6 =	sadd.s32 $0x4000, s7  }
0x17e: {  	s7 =	smov.u32 @p0 s6;
	[tilespmem:$0xD990] =	vst v4  }
0x17f: {  	v4 =	vld [tilespmem:s7+$0x0];
	_ =	sdelay $0x2  }
0x180: {  	s7 =	rddreg [dreg:$0x1d]  }
0x181: {  	s6 =	sadd.s32 $0x4000, s7  }
0x182: {  	s7 =	smov.u32 @p0 s6;
	[tilespmem:$0xD9A0] =	vst v4  }
0x183: {  	v4 =	vld [tilespmem:s7+$0x0];
	_ =	sdelay $0x2  }
0x184: {  	s7 =	rddreg [dreg:$0x1e]  }
0x185: {  	s6 =	sadd.s32 $0x4000, s7  }
0x186: {  	s7 =	smov.u32 @p0 s6;
	[tilespmem:$0xD9B0] =	vst v4  }
0x187: {  	v4 =	vld [tilespmem:s7+$0x0];
	_ =	sdelay $0x2  }
0x188: {  	s7 =	rddreg [dreg:$0x1f]  }
0x189: {  	s6 =	sadd.s32 $0x4000, s7  }
0x18a: {  	s7 =	smov.u32 @p0 s6;
	[tilespmem:$0xD9C0] =	vst v4  }
0x18b: {  	v4 =	vld [tilespmem:s7+$0x0]  }
0x18c: {  	s7 =	sld [smem:$0x7D8];
	_ =	sdelay $0x2  }
0x18d: {  	s6 =	sadd.s32 $0x4000, s7  }
0x18e: {  	s7 =	smov.u32 @p0 s6;
	[tilespmem:$0xD9D0] =	vst v4  }
0x18f: {  	v4 =	vld [tilespmem:s7+$0x0]  }
0x190: {  	s7 =	sld [smem:$0x7D9];
	_ =	sdelay $0x2  }
0x191: {  	s6 =	sadd.s32 $0x4000, s7  }
0x192: {  	s7 =	smov.u32 @p0 s6;
	[tilespmem:$0xD9E0] =	vst v4  }
0x193: {  	v4 =	vld [tilespmem:s7+$0x0]  }
0x194: {  	s7 =	sld [smem:$0x7DA];
	_ =	sdelay $0x2  }
0x195: {  	s6 =	sadd.s32 $0x4000, s7  }
0x196: {  	s7 =	smov.u32 @p0 s6;
	[tilespmem:$0xD9F0] =	vst v4  }
0x197: {  	v4 =	vld [tilespmem:s7+$0x0]  }
0x198: {  	s7 =	sld [smem:$0x7DB];
	_ =	sdelay $0x2  }
0x199: {  	s6 =	sadd.s32 $0x4000, s7  }
0x19a: {  	s7 =	smov.u32 @p0 s6;
	[tilespmem:$0xDA00] =	vst v4  }
0x19b: {  	v4 =	vld [tilespmem:s7+$0x0]  }
0x19c: {  	s7 =	sld [smem:$0x7DC];
	_ =	sdelay $0x2  }
0x19d: {  	s6 =	sadd.s32 $0x4000, s7  }
0x19e: {  	s7 =	smov.u32 @p0 s6;
	[tilespmem:$0xDA10] =	vst v4  }
0x19f: {  	v4 =	vld [tilespmem:s7+$0x0]  }
0x1a0: {  	s7 =	sld [smem:$0x7DD];
	_ =	sdelay $0x2  }
0x1a1: {  	s6 =	sadd.s32 $0x4000, s7  }
0x1a2: {  	s7 =	smov.u32 @p0 s6;
	[tilespmem:$0xDA20] =	vst v4  }
0x1a3: {  	v4 =	vld [tilespmem:s7+$0x0]  }
0x1a4: {  	s7 =	sld [smem:$0x7DE];
	_ =	sdelay $0x2  }
0x1a5: {  	s6 =	sadd.s32 $0x4000, s7  }
0x1a6: {  	s7 =	smov.u32 @p0 s6;
	[tilespmem:$0xDA30] =	vst v4  }
0x1a7: {  	v4 =	vld [tilespmem:s7+$0x0]  }
0x1a8: {  	s7 =	sld [smem:$0x7DF];
	_ =	sdelay $0x2  }
0x1a9: {  	s6 =	sadd.s32 $0x4000, s7  }
0x1aa: {  	s7 =	smov.u32 @p0 s6;
	[tilespmem:$0xDA40] =	vst v4  }
0x1ab: {  	v4 =	vld [tilespmem:s7+$0x0]  }
0x1ac: {  	s7 =	sld [smem:$0x7E0];
	_ =	sdelay $0x2  }
0x1ad: {  	s6 =	sadd.s32 $0x4000, s7  }
0x1ae: {  	s7 =	smov.u32 @p0 s6;
	[tilespmem:$0xDA50] =	vst v4  }
0x1af: {  	v4 =	vld [tilespmem:s7+$0x0]  }
0x1b0: {  	s7 =	sld [smem:$0x7E1];
	_ =	sdelay $0x2  }
0x1b1: {  	s6 =	sadd.s32 $0x4000, s7  }
0x1b2: {  	s7 =	smov.u32 @p0 s6;
	[tilespmem:$0xDA60] =	vst v4  }
0x1b3: {  	v4 =	vld [tilespmem:s7+$0x0]  }
0x1b4: {  	s7 =	sld [smem:$0x7E2];
	_ =	sdelay $0x2  }
0x1b5: {  	s6 =	sadd.s32 $0x4000, s7  }
0x1b6: {  	s7 =	smov.u32 @p0 s6;
	[tilespmem:$0xDA70] =	vst v4  }
0x1b7: {  	v4 =	vld [tilespmem:s7+$0x0]  }
0x1b8: {  	s7 =	sld [smem:$0x7E3];
	_ =	sdelay $0x2  }
0x1b9: {  	s6 =	sadd.s32 $0x4000, s7  }
0x1ba: {  	s7 =	smov.u32 @p0 s6;
	[tilespmem:$0xDA80] =	vst v4  }
0x1bb: {  	v4 =	vld [tilespmem:s7+$0x0]  }
0x1bc: {  	s7 =	sld [smem:$0x7E4];
	_ =	sdelay $0x2  }
0x1bd: {  	s6 =	sadd.s32 $0x4000, s7  }
0x1be: {  	s7 =	smov.u32 @p0 s6;
	[tilespmem:$0xDA90] =	vst v4  }
0x1bf: {  	v4 =	vld [tilespmem:s7+$0x0]  }
0x1c0: {  	s7 =	sld [smem:$0x7E5];
	_ =	sdelay $0x2  }
0x1c1: {  	s6 =	sadd.s32 $0x4000, s7  }
0x1c2: {  	s7 =	smov.u32 @p0 s6;
	[tilespmem:$0xDAA0] =	vst v4  }
0x1c3: {  	v4 =	vld [tilespmem:s7+$0x0]  }
0x1c4: {  	s7 =	sld [smem:$0x7E6];
	_ =	sdelay $0x2  }
0x1c5: {  	s6 =	sadd.s32 $0x4000, s7  }
0x1c6: {  	s7 =	smov.u32 @p0 s6;
	[tilespmem:$0xDAB0] =	vst v4  }
0x1c7: {  	v4 =	vld [tilespmem:s7+$0x0]  }
0x1c8: {  	s7 =	sld [smem:$0x7E7];
	_ =	sdelay $0x2  }
0x1c9: {  	s6 =	sadd.s32 $0x4000, s7  }
0x1ca: {  	s7 =	smov.u32 @p0 s6;
	[tilespmem:$0xDAC0] =	vst v4  }
0x1cb: {  	v4 =	vld [tilespmem:s7+$0x0]  }
0x1cc: {  	s7 =	sld [smem:$0x7E8];
	_ =	sdelay $0x2  }
0x1cd: {  	s6 =	sadd.s32 $0x4000, s7  }
0x1ce: {  	s7 =	smov.u32 @p0 s6;
	[tilespmem:$0xDAD0] =	vst v4  }
0x1cf: {  	v4 =	vld [tilespmem:s7+$0x0]  }
0x1d0: {  	s7 =	sld [smem:$0x7E9];
	_ =	sdelay $0x2  }
0x1d1: {  	s6 =	sadd.s32 $0x4000, s7  }
0x1d2: {  	s7 =	smov.u32 @p0 s6;
	[tilespmem:$0xDAE0] =	vst v4  }
0x1d3: {  	v4 =	vld [tilespmem:s7+$0x0]  }
0x1d4: {  	s7 =	sld [smem:$0x7EA];
	_ =	sdelay $0x2  }
0x1d5: {  	s6 =	sadd.s32 $0x4000, s7  }
0x1d6: {  	s7 =	smov.u32 @p0 s6;
	[tilespmem:$0xDAF0] =	vst v4  }
0x1d7: {  	v4 =	vld [tilespmem:s7+$0x0]  }
0x1d8: {  	s7 =	sld [smem:$0x7EB];
	_ =	sdelay $0x2  }
0x1d9: {  	s6 =	sadd.s32 $0x4000, s7  }
0x1da: {  	s7 =	smov.u32 @p0 s6;
	[tilespmem:$0xDB00] =	vst v4  }
0x1db: {  	v4 =	vld [tilespmem:s7+$0x0]  }
0x1dc: {  	s7 =	sld [smem:$0x7EC];
	_ =	sdelay $0x2  }
0x1dd: {  	s6 =	sadd.s32 $0x4000, s7  }
0x1de: {  	s7 =	smov.u32 @p0 s6;
	[tilespmem:$0xDB10] =	vst v4  }
0x1df: {  	v4 =	vld [tilespmem:s7+$0x0]  }
0x1e0: {  	s7 =	sld [smem:$0x7ED];
	_ =	sdelay $0x2  }
0x1e1: {  	s6 =	sadd.s32 $0x4000, s7  }
0x1e2: {  	s7 =	smov.u32 @p0 s6;
	[tilespmem:$0xDB20] =	vst v4  }
0x1e3: {  	v4 =	vld [tilespmem:s7+$0x0]  }
0x1e4: {  	s7 =	sld [smem:$0x7EE];
	_ =	sdelay $0x2  }
0x1e5: {  	s6 =	sadd.s32 $0x4000, s7  }
0x1e6: {  	s7 =	smov.u32 @p0 s6;
	[tilespmem:$0xDB30] =	vst v4  }
0x1e7: {  	v4 =	vld [tilespmem:s7+$0x0]  }
0x1e8: {  	s7 =	sld [smem:$0x7EF];
	_ =	sdelay $0x2  }
0x1e9: {  	s6 =	sadd.s32 $0x4000, s7  }
0x1ea: {  	s7 =	smov.u32 @p0 s6;
	[tilespmem:$0xDB40] =	vst v4  }
0x1eb: {  	v4 =	vld [tilespmem:s7+$0x0]  }
0x1ec: {  	s7 =	sld [smem:$0x7F0];
	_ =	sdelay $0x2  }
0x1ed: {  	s6 =	sadd.s32 $0x4000, s7  }
0x1ee: {  	s7 =	smov.u32 @p0 s6;
	[tilespmem:$0xDB50] =	vst v4  }
0x1ef: {  	v4 =	vld [tilespmem:s7+$0x0]  }
0x1f0: {  	s7 =	sld [smem:$0x7F1];
	_ =	sdelay $0x2  }
0x1f1: {  	s6 =	sadd.s32 $0x4000, s7  }
0x1f2: {  	s7 =	smov.u32 @p0 s6;
	[tilespmem:$0xDB60] =	vst v4  }
0x1f3: {  	v4 =	vld [tilespmem:s7+$0x0]  }
0x1f4: {  	s7 =	sld [smem:$0x7F2];
	_ =	sdelay $0x2  }
0x1f5: {  	s6 =	sadd.s32 $0x4000, s7  }
0x1f6: {  	s7 =	smov.u32 @p0 s6;
	[tilespmem:$0xDB70] =	vst v4  }
0x1f7: {  	v4 =	vld [tilespmem:s7+$0x0]  }
0x1f8: {  	s7 =	sld [smem:$0x7F3];
	_ =	sdelay $0x2  }
0x1f9: {  	s6 =	sadd.s32 $0x4000, s7  }
0x1fa: {  	s7 =	smov.u32 @p0 s6;
	[tilespmem:$0xDB80] =	vst v4  }
0x1fb: {  	v4 =	vld [tilespmem:s7+$0x0]  }
0x1fc: {  	s7 =	sld [smem:$0x7F4];
	_ =	sdelay $0x2  }
0x1fd: {  	s6 =	sadd.s32 $0x4000, s7  }
0x1fe: {  	s7 =	smov.u32 @p0 s6;
	[tilespmem:$0xDB90] =	vst v4  }
0x1ff: {  	v4 =	vld [tilespmem:s7+$0x0]  }
0x200: {  	s7 =	sld [smem:$0x7F5];
	_ =	sdelay $0x2  }
0x201: {  	s6 =	sadd.s32 $0x4000, s7  }
0x202: {  	s7 =	smov.u32 @p0 s6;
	[tilespmem:$0xDBA0] =	vst v4  }
0x203: {  	v4 =	vld [tilespmem:s7+$0x0]  }
0x204: {  	s7 =	sld [smem:$0x7F6];
	_ =	sdelay $0x2  }
0x205: {  	s6 =	sadd.s32 $0x4000, s7  }
0x206: {  	s7 =	smov.u32 @p0 s6;
	[tilespmem:$0xDBB0] =	vst v4  }
0x207: {  	v4 =	vld [tilespmem:s7+$0x0]  }
0x208: {  	s7 =	sld [smem:$0x7F7];
	_ =	sdelay $0x2  }
0x209: {  	s6 =	sadd.s32 $0x4000, s7  }
0x20a: {  	s7 =	smov.u32 @p0 s6;
	[tilespmem:$0xDBC0] =	vst v4  }
0x20b: {  	v4 =	vld [tilespmem:s7+$0x0]  }
0x20c: {  	s7 =	sld [smem:$0x7F8];
	_ =	sdelay $0x2  }
0x20d: {  	s6 =	sadd.s32 $0x4000, s7  }
0x20e: {  	s7 =	smov.u32 @p0 s6;
	[tilespmem:$0xDBD0] =	vst v4  }
0x20f: {  	v4 =	vld [tilespmem:s7+$0x0]  }
0x210: {  	s7 =	sld [smem:$0x7F9];
	_ =	sdelay $0x2  }
0x211: {  	s6 =	sadd.s32 $0x4000, s7  }
0x212: {  	s7 =	smov.u32 @p0 s6;
	[tilespmem:$0xDBE0] =	vst v4  }
0x213: {  	v4 =	vld [tilespmem:s7+$0x0]  }
0x214: {  	s7 =	sld [smem:$0x7FA];
	_ =	sdelay $0x2  }
0x215: {  	s6 =	sadd.s32 $0x4000, s7  }
0x216: {  	s7 =	smov.u32 @p0 s6;
	[tilespmem:$0xDBF0] =	vst v4  }
0x217: {  	v4 =	vld [tilespmem:s7+$0x0]  }
0x218: {  	s7 =	sld [smem:$0x7FB];
	_ =	sdelay $0x2  }
0x219: {  	s6 =	sadd.s32 $0x4000, s7  }
0x21a: {  	s7 =	smov.u32 @p0 s6;
	[tilespmem:$0xDC00] =	vst v4  }
0x21b: {  	v4 =	vld [tilespmem:s7+$0x0]  }
0x21c: {  	s7 =	sld [smem:$0x7FC];
	_ =	sdelay $0x2  }
0x21d: {  	s6 =	sadd.s32 $0x4000, s7  }
0x21e: {  	s7 =	smov.u32 @p0 s6;
	[tilespmem:$0xDC10] =	vst v4  }
0x21f: {  	v4 =	vld [tilespmem:s7+$0x0]  }
0x220: {  	s7 =	sld [smem:$0x7FD];
	_ =	sdelay $0x2  }
0x221: {  	s6 =	sadd.s32 $0x4000, s7  }
0x222: {  	s7 =	smov.u32 @p0 s6;
	[tilespmem:$0xDC20] =	vst v4  }
0x223: {  	v4 =	vld [tilespmem:s7+$0x0];
	_ =	sdelay $0x3  }
0x224: {  	s6 =	sadd.s32 $0x4000, s20;
	s7 =	smov.u32 s20  }
0x225: {  	s7 =	smov.u32 @p0 s6;
	[tilespmem:$0xDC30] =	vst v4  }
0x226: {  	v4 =	vld [tilespmem:s7+$0x0];
	_ =	sdelay $0x3  }
0x227: {  	s6 =	sadd.s32 $0x4000, s21;
	s7 =	smov.u32 s21  }
0x228: {  	s7 =	smov.u32 @p0 s6;
	[tilespmem:$0xDC40] =	vst v4  }
0x229: {  	v4 =	vld [tilespmem:s7+$0x0];
	_ =	sdelay $0x3  }
0x22a: {  	s6 =	sadd.s32 $0x4000, s22;
	s7 =	smov.u32 s22  }
0x22b: {  	s7 =	smov.u32 @p0 s6;
	[tilespmem:$0xDC50] =	vst v4  }
0x22c: {  	v4 =	vld [tilespmem:s7+$0x0];
	_ =	sdelay $0x3  }
0x22d: {  	s6 =	sadd.s32 $0x4000, s23;
	s7 =	smov.u32 s23  }
0x22e: {  	s7 =	smov.u32 @p0 s6;
	[tilespmem:$0xDC60] =	vst v4  }
0x22f: {  	v4 =	vld [tilespmem:s7+$0x0];
	_ =	sdelay $0x3  }
0x230: {  	s6 =	sadd.s32 $0x4000, s24;
	s7 =	smov.u32 s24  }
0x231: {  	s7 =	smov.u32 @p0 s6;
	[tilespmem:$0xDC70] =	vst v4  }
0x232: {  	v4 =	vld [tilespmem:s7+$0x0];
	_ =	sdelay $0x3  }
0x233: {  	s6 =	sadd.s32 $0x4000, s11;
	s7 =	smov.u32 s11  }
0x234: {  	s7 =	smov.u32 @p0 s6;
	[tilespmem:$0xDC80] =	vst v4  }
0x235: {  	v4 =	vld [tilespmem:s7+$0x0];
	_ =	sdelay $0x3  }
0x236: {  	s6 =	sadd.s32 $0x4000, s12;
	s7 =	smov.u32 s12  }
0x237: {  	s7 =	smov.u32 @p0 s6;
	[tilespmem:$0xDC90] =	vst v4  }
0x238: {  	v4 =	vld [tilespmem:s7+$0x0];
	_ =	sdelay $0x3  }
0x239: {  	s6 =	sadd.s32 $0x4000, s13;
	s7 =	smov.u32 s13  }
0x23a: {  	s7 =	smov.u32 @p0 s6;
	[tilespmem:$0xDCA0] =	vst v4  }
0x23b: {  	v4 =	vld [tilespmem:s7+$0x0];
	_ =	sdelay $0x3  }
0x23c: {  	s6 =	sadd.s32 $0x4000, s14;
	s7 =	smov.u32 s14  }
0x23d: {  	s7 =	smov.u32 @p0 s6;
	[tilespmem:$0xDCB0] =	vst v4  }
0x23e: {  	v4 =	vld [tilespmem:s7+$0x0];
	_ =	sdelay $0x3  }
0x23f: {  	s6 =	sadd.s32 $0x4000, s15;
	s7 =	smov.u32 s15  }
0x240: {  	s7 =	smov.u32 @p0 s6;
	[tilespmem:$0xDCC0] =	vst v4  }
0x241: {  	v4 =	vld [tilespmem:s7+$0x0];
	_ =	sdelay $0x3  }
0x242: {  	s6 =	sadd.s32 $0x4000, s25;
	s7 =	smov.u32 s25  }
0x243: {  	s7 =	smov.u32 @p0 s6;
	[tilespmem:$0xDCD0] =	vst v4  }
0x244: {  	v4 =	vld [tilespmem:s7+$0x0];
	_ =	sdelay $0x3  }
0x245: {  	s6 =	sadd.s32 $0x4000, s26;
	s7 =	smov.u32 s26  }
0x246: {  	s7 =	smov.u32 @p0 s6;
	[tilespmem:$0xDCE0] =	vst v4  }
0x247: {  	v4 =	vld [tilespmem:s7+$0x0];
	_ =	sdelay $0x4  }
0x248: {  	s10 =	simm.s32 $0xD900;
	[tilespmem:$0xDCF0] =	vst v4  }
0x249: {  	[tilespmem:s0], [sflag:$0x1] =	stream.indirect.gather [hbm4b:s3+s5], $0x80, s10, s5, $0xb8;
	[tilespmem:$0x16900] =	vst v63  }
0x24a: {  	s16 =	simm.s32 $0xD980  }
0x24b: {  	[tilespmem:s1], [sflag:$0x2] =	stream.indirect.gather [hbm4b:s3+s5], $0x80, s16, s5, $0xb8;
	[tilespmem:$0x16900] =	vst v63  }
0x24c: {  	_ =	swait.ge [sflag:s29], $0x4000  }
0x24d: {  	[sflag:s29] =	ssyncset.done $0x0  }
0x24e: {  	s17 =	rddreg [dreg:$0xf];
	[sflag:s29] =	ssyncadd.s32 $0xFFFFC000  }
0x24f: {  	[hbm4b:s17+s8] =	stream.linear.scatter [tilespmem:s0], [sflag:$0x3], $0x4000, $0x38;
	[tilespmem:$0x16900] =	vst v63  }
0x250: {  	_ =	swait.ge [sflag:s28], $0x4000  }
0x251: {  	[sflag:s28] =	ssyncset.done $0x0  }
0x252: {  	s18 =	simm.s32 $0xDA00;
	[sflag:s28] =	ssyncadd.s32 $0xFFFFC000  }
0x253: {  	[tilespmem:s0], [sflag:$0x1] =	stream.indirect.gather [hbm4b:s3+s5], $0x80, s18, s5, $0xb8;
	[tilespmem:$0x16900] =	vst v63  }
0x254: {  	_ =	swait.ge [sflag:s2], $0x4000  }
0x255: {  	[sflag:s2] =	ssyncset.done $0x0  }
0x256: {  	s19 =	rddreg [dreg:$0x10];
	[sflag:s2] =	ssyncadd.s32 $0xFFFFC000  }
0x257: {  	[hbm4b:s19+s8] =	stream.linear.scatter [tilespmem:s1], [sflag:$0x3], $0x4000, $0x38;
	[tilespmem:$0x16900] =	vst v63  }
0x258: {  	_ =	swait.ge [sflag:s28], $0x4000  }
0x259: {  	[sflag:s28] =	ssyncset.done $0x0  }
0x25a: {  	s7 =	simm.s32 $0xDA80;
	[sflag:s28] =	ssyncadd.s32 $0xFFFFC000  }
0x25b: {  	[tilespmem:s1], [sflag:$0x2] =	stream.indirect.gather [hbm4b:s3+s5], $0x80, s7, s5, $0xb8;
	[tilespmem:$0x16900] =	vst v63  }
0x25c: {  	_ =	swait.ge [sflag:s29], $0x4000  }
0x25d: {  	[sflag:s29] =	ssyncset.done $0x0  }
0x25e: {  	s10 =	rddreg [dreg:$0x11];
	[sflag:s29] =	ssyncadd.s32 $0xFFFFC000  }
0x25f: {  	[hbm4b:s10+s8] =	stream.linear.scatter [tilespmem:s0], [sflag:$0x3], $0x4000, $0x38;
	[tilespmem:$0x16900] =	vst v63  }
0x260: {  	_ =	swait.ge [sflag:s28], $0x4000  }
0x261: {  	[sflag:s28] =	ssyncset.done $0x0  }
0x262: {  	s16 =	simm.s32 $0xDB00;
	[sflag:s28] =	ssyncadd.s32 $0xFFFFC000  }
0x263: {  	[tilespmem:s0], [sflag:$0x1] =	stream.indirect.gather [hbm4b:s3+s5], $0x80, s16, s5, $0xb8;
	[tilespmem:$0x16900] =	vst v63  }
0x264: {  	_ =	swait.ge [sflag:s2], $0x4000  }
0x265: {  	[sflag:s2] =	ssyncset.done $0x0  }
0x266: {  	s17 =	rddreg [dreg:$0x12];
	[sflag:s2] =	ssyncadd.s32 $0xFFFFC000  }
0x267: {  	[hbm4b:s17+s8] =	stream.linear.scatter [tilespmem:s1], [sflag:$0x3], $0x4000, $0x38;
	[tilespmem:$0x16900] =	vst v63  }
0x268: {  	_ =	swait.ge [sflag:s28], $0x4000  }
0x269: {  	[sflag:s28] =	ssyncset.done $0x0  }
0x26a: {  	s18 =	simm.s32 $0xDB80;
	[sflag:s28] =	ssyncadd.s32 $0xFFFFC000  }
0x26b: {  	[tilespmem:s1], [sflag:$0x2] =	stream.indirect.gather [hbm4b:s3+s5], $0x80, s18, s5, $0xb8;
	[tilespmem:$0x16900] =	vst v63  }
0x26c: {  	_ =	swait.ge [sflag:s29], $0x4000  }
0x26d: {  	[sflag:s29] =	ssyncset.done $0x0  }
0x26e: {  	s19 =	rddreg [dreg:$0x13];
	[sflag:s29] =	ssyncadd.s32 $0xFFFFC000  }
0x26f: {  	[hbm4b:s19+s8] =	stream.linear.scatter [tilespmem:s0], [sflag:$0x3], $0x4000, $0x38;
	[tilespmem:$0x16900] =	vst v63  }
0x270: {  	_ =	swait.ge [sflag:s28], $0x4000  }
0x271: {  	[sflag:s28] =	ssyncset.done $0x0  }
0x272: {  	s7 =	simm.s32 $0xDC00;
	[sflag:s28] =	ssyncadd.s32 $0xFFFFC000  }
0x273: {  	[tilespmem:s0], [sflag:$0x1] =	stream.indirect.gather [hbm4b:s3+s5], $0x80, s7, s5, $0xb8;
	[tilespmem:$0x16900] =	vst v63  }
0x274: {  	_ =	swait.ge [sflag:s2], $0x4000  }
0x275: {  	[sflag:s2] =	ssyncset.done $0x0  }
0x276: {  	s10 =	rddreg [dreg:$0x14];
	[sflag:s2] =	ssyncadd.s32 $0xFFFFC000  }
0x277: {  	[hbm4b:s10+s8] =	stream.linear.scatter [tilespmem:s1], [sflag:$0x3], $0x4000, $0x38;
	[tilespmem:$0x16900] =	vst v63  }
0x278: {  	_ =	swait.ge [sflag:s28], $0x4000  }
0x279: {  	[sflag:s28] =	ssyncset.done $0x0  }
0x27a: {  	s16 =	simm.s32 $0xDC80;
	[sflag:s28] =	ssyncadd.s32 $0xFFFFC000  }
0x27b: {  	[tilespmem:s1], [sflag:$0x2] =	stream.indirect.gather [hbm4b:s3+s5], $0x80, s16, s5, $0xb8;
	[tilespmem:$0x16900] =	vst v63  }
0x27c: {  	_ =	swait.ge [sflag:s29], $0x4000  }
0x27d: {  	[sflag:s29] =	ssyncset.done $0x0  }
0x27e: {  	s17 =	rddreg [dreg:$0x15];
	[sflag:s29] =	ssyncadd.s32 $0xFFFFC000  }
0x27f: {  	[hbm4b:s17+s8] =	stream.linear.scatter [tilespmem:s0], [sflag:$0x3], $0x4000, $0x38;
	[tilespmem:$0x16900] =	vst v63  }
0x280: {  	_ =	swait.ge [sflag:s28], $0x4000  }
0x281: {  	[sflag:s28] =	ssyncset.done $0x0  }
0x282: {  	[sflag:s28] =	ssyncadd.s32 $0xFFFFC000  }
0x283: {  	_ =	swait.ge [sflag:s2], $0x4000  }
0x284: {  	[sflag:s2] =	ssyncset.done $0x0  }
0x285: {  	s18 =	rddreg [dreg:$0x16];
	[sflag:s2] =	ssyncadd.s32 $0xFFFFC000  }
0x286: {  	[hbm4b:s18+s8] =	stream.linear.scatter [tilespmem:s1], [sflag:$0x3], $0x4000, $0x38;
	[tilespmem:$0x16900] =	vst v63  }
0x287: {  	_ =	swait.ge [sflag:s28], $0x4000  }
0x288: {  	s4 =	sadd.s32 $0x1, s4;
	s19 =	rddreg [dreg:$0x17]  }
0x289: {  	p2 =	sne.s32 s4, s19  }
.Ltmp2:
0x28a: {  	_ = 	snop;
	(pc) =	sbr.rel @p2 .LBB2_1-.Ltmp2, $3  }
0x28b: {  	_ =	sdelay $0x1  }
0x28c: {  	[sflag:s28] =	ssyncset.done $0x0  }
0x28d: {  	[sflag:s28] =	ssyncadd.s32 $0xFFFFC000  }
0x28e: {  	_ =	sfence.sel $0x180000  }
0x28f: {  	[bflag:$0x0] =	sbarrier.arrive $0xFFFF  }
0x290: {  	_ =	strace $0x90000047  }
0x291: {  	[bflag:$0x2] =	sbarrier.arrive $0xFFFF  }
0x292: {  	s0 =	rddreg [dreg:$0x8]  }
0x293: {  	s0 =	sadd.s32 @!p1 $0x100000, s0  }
0x294: {  	[sflag:s0] =	ssyncadd.tile.s32 @!p1 $0x1;
	_ =	shalt  }
.Lfunc_end2:
_tile_overlayer_lowered:
.L_overlay_start_2:
0x295: {  	(tag) =	ssettag $0x2  }
0x296: {  	s0 =	rddreg [dreg:$0x0];
	s2 =	stileid.u32  }
0x297: {  	s1 =	rddreg [dreg:$0x1];
	p0 =	sne.s32 s2, $0x0  }
0x298: {  	s3 =	rddreg [dreg:$0x2];
	[bflag:$0x3] =	sbarrier.arrive $0xFFFF;
	s2 =	simm.s32 @!p0 $0x1C03  }
0x299: {  	[timem:s3], [sflag:s2] =	dma.local @!p0 [hbm:s0], s1  }
0x29a: {  	s0 =	simm.s32 @!p0 $0x3  }
0x29b: {  	_ =	swait.ge @!p0 [sflag:s0], s1  }
0x29c: {  	s1 =	ssub.s32 @!p0 $0x0, s1;
	[sflag:s0] =	ssyncset.done @!p0 $0x0  }
0x29d: {  	[sflag:s0] =	ssyncadd.s32 @!p0 s1  }
0x29e: {  	[bflag:$0x3] =	sbarrier.arrive $0xFFFF  }
0x29f: {  	_ =	shalt  }

// kernel: kernel.9.cloned.1.call-start
scs
__scs_entry_jumppad:
0x0: {  	(pc) =	sbr.rel $0x88, $3  }
0x1: {  	(tag) =	ssettag $0x0;
	lr =	simm.s32 $0x1  }
0x2: {  	[smem:$0x3F92] =	sst lr;
	_ =	strace $0xD0000000  }
0x3: {  	_ = 	snop  }
0x4: {  	_ = 	snop  }
0x5: {  	_ = 	snop  }
0x6: {  	_ = 	snop  }
0x7: {  	_ = 	snop  }
__scs_overlays_trampoline_lowered:
0x8: {  	[smem:$0x3FA1] =	sst s0  }
0x9: {  	[smem:$0x3FA2] =	sst s1  }
0xa: {  	[smem:$0x3FA3] =	sst s2  }
0xb: {  	[smem:$0x3FA4] =	sst s3  }
0xc: {  	[smem:$0x3FA5] =	sst s4  }
0xd: {  	[smem:$0x3FA6] =	sst s5  }
0xe: {  	[smem:$0x3FA7] =	sst s6  }
0xf: {  	[smem:$0x3FA8] =	sst s7  }
0x10: {  	[smem:$0x3FA9] =	sst s8  }
0x11: {  	[smem:$0x3FAA] =	sst s9;
	s0 =	simm.s32 @!p0 $0x0  }
0x12: {  	s1 =	sld [smem:$0x3F90];
	s0 =	simm.s32 @p0 $0x1  }
0x13: {  	[smem:$0x3FAB] =	sst s0;
	s0 =	simm.s32 @!p1 $0x0  }
0x14: {  	s2 =	sld [smem:$0x3F8F];
	s0 =	simm.s32 @p1 $0x1  }
0x15: {  	[smem:$0x3FAC] =	sst s0;
	s0 =	simm.s32 @!p2 $0x0  }
0x16: {  	s3 =	sld [smem:$0x3FDB];
	s0 =	simm.s32 @p2 $0x1  }
0x17: {  	s4 =	simm.s32 $0x1BF5;
	[smem:$0x3FAE] =	sst s0  }
0x18: {  	s0 =	sld [smem:$0x3F91];
	_ =	swait.ge [sflag:s4], $0x0  }
0x19: {  	s7 =	sld [smem:$0x3F92]  }
0x1a: {  	s8 =	sadd.s32 $0xFFFFE003, lr  }
0x1b: {  	s9 =	sadd.s32 $0xFFFFFEF7, lr;
	s5 =	simm.s32 $0xFFFFFFFF;
	p2 =	slt.u32 s8, $0xFFFFF086  }
0x1c: {  	p1 =	slt.u32 s9, $0xF7A;
	s5 =	simm.s32 @!p2 $0x0  }
0x1d: {  	s5 =	simm.s32 @p1 $0x1;
	p0 =	seq.s32 s7, s2  }
0x1e: {  	s7 =	smul.u32 @!p0 $0xF7A, s2;
	p2 =	seq.s32 @!p0 s5, $0x0  }
0x1f: {  	s9 =	smul.u32 $0xF7A, s1;
	s8 =	simm.s32 @!p0 $0x1BF5;
	p2 =	por !p2, p0  }
0x20: {  	[sflag:s8] =	ssyncset.s32 @!p0 $0xFFFFF086;
	s6 =	sadd.s32 @!p0 s3, s7;
	s7 =	simm.s32 @!p0 $0x108  }
0x21: {  	s3 =	sadd.s32 s3, s9;
	s6 =	sadd.s32 @!p0 $0x88, s6;
	s7 =	simm.s32 @p2 $0x1082  }
0x22: {  	[simem:s7], [sflag:s8] =	dma.local @!p0 [hbm:s6], $0xF7A  }
0x23: {  	s9 =	sor.u32 $0xD0000000, s2;
	s6 =	simm.s32 $0x108;
	_ =	swait.ge @!p0 [sflag:s8], $0x0  }
0x24: {  	s3 =	sadd.s32 $0x88, s3;
	s6 =	simm.s32 @!p1 $0x1082;
	[sflag:s4] =	ssyncset.s32 $0xFFFFF086  }
0x25: {  	[simem:s6], [sflag:s4] =	dma.local [hbm:s3], $0xF7A  }
0x26: {  	[smem:$0x3F92] =	sst s1;
	(tag) =	ssettag s2;
	_ =	strace s9  }
0x27: {  	s1 =	sld [smem:$0x3FA2]  }
0x28: {  	s2 =	sld [smem:$0x3FA3]  }
0x29: {  	s4 =	sld [smem:$0x3FA5]  }
0x2a: {  	p0 =	seq.s32 s5, $0x0;
	s5 =	sld [smem:$0x3FA6]  }
0x2b: {  	s6 =	sld [smem:$0x3FA7]  }
0x2c: {  	s7 =	sld [smem:$0x3FA8]  }
0x2d: {  	s3 =	simm.s32 $0x108;
	s8 =	sld [smem:$0x3FA9]  }
0x2e: {  	s3 =	simm.s32 @!p0 $0x1082;
	s9 =	sld [smem:$0x3FAA]  }
0x2f: {  	lr =	sadd.s32 s0, s3;
	s0 =	sld [smem:$0x3FA1]  }
0x30: {  	s3 =	sld [smem:$0x3FA4]  }
0x31: {  	[smem:$0x3FAD] =	sst s10  }
0x32: {  	s10 =	sld [smem:$0x3FAB];
	_ =	sdelay $0x3  }
0x33: {  	p0 =	seq.s32 s10, $0x1;
	s10 =	sld [smem:$0x3FAD];
	_ =	sdelay $0x3  }
0x34: {  	[smem:$0x3FAD] =	sst s10  }
0x35: {  	s10 =	sld [smem:$0x3FAC];
	_ =	sdelay $0x3  }
0x36: {  	p1 =	seq.s32 s10, $0x1;
	s10 =	sld [smem:$0x3FAD];
	_ =	sdelay $0x3  }
0x37: {  	[smem:$0x3FAD] =	sst s10  }
0x38: {  	s10 =	sld [smem:$0x3FAE]  }
0x39: {  	_ = 	snop;
	(pc) =	sbr.ind lr, $3  }
0x3a: {  	_ = 	snop  }
0x3b: {  	_ = 	snop  }
0x3c: {  	p2 =	seq.s32 s10, $0x1;
	s10 =	sld [smem:$0x3FAD]  }
0x3d: {  	_ =	shalt  }
0x3e: {  	_ =	shalt  }
0x3f: {  	_ =	shalt  }
0x40: {  	_ =	shalt  }
0x41: {  	_ =	shalt  }
0x42: {  	_ =	shalt  }
0x43: {  	_ =	shalt  }
0x44: {  	_ =	shalt  }
0x45: {  	_ =	shalt  }
0x46: {  	_ =	shalt  }
0x47: {  	_ =	shalt  }
0x48: {  	_ =	shalt  }
0x49: {  	_ =	shalt  }
0x4a: {  	_ =	shalt  }
0x4b: {  	_ =	shalt  }
0x4c: {  	_ =	shalt  }
0x4d: {  	_ =	shalt  }
0x4e: {  	_ =	shalt  }
0x4f: {  	_ =	shalt  }
0x50: {  	_ =	shalt  }
0x51: {  	_ =	shalt  }
0x52: {  	_ =	shalt  }
0x53: {  	_ =	shalt  }
0x54: {  	_ =	shalt  }
0x55: {  	_ =	shalt  }
0x56: {  	_ =	shalt  }
0x57: {  	_ =	shalt  }
0x58: {  	_ =	shalt  }
0x59: {  	_ =	shalt  }
0x5a: {  	_ =	shalt  }
0x5b: {  	_ =	shalt  }
0x5c: {  	_ =	shalt  }
0x5d: {  	_ =	shalt  }
0x5e: {  	_ =	shalt  }
0x5f: {  	_ =	shalt  }
0x60: {  	_ =	shalt  }
0x61: {  	_ =	shalt  }
0x62: {  	_ =	shalt  }
0x63: {  	_ =	shalt  }
0x64: {  	_ =	shalt  }
0x65: {  	_ =	shalt  }
0x66: {  	_ =	shalt  }
0x67: {  	_ =	shalt  }
0x68: {  	_ =	shalt  }
0x69: {  	_ =	shalt  }
0x6a: {  	_ =	shalt  }
0x6b: {  	_ =	shalt  }
0x6c: {  	_ =	shalt  }
0x6d: {  	_ =	shalt  }
0x6e: {  	_ =	shalt  }
0x6f: {  	_ =	shalt  }
0x70: {  	_ =	shalt  }
0x71: {  	_ =	shalt  }
0x72: {  	_ =	shalt  }
0x73: {  	_ =	shalt  }
0x74: {  	_ =	shalt  }
0x75: {  	_ =	shalt  }
0x76: {  	_ =	shalt  }
0x77: {  	_ =	shalt  }
0x78: {  	_ =	shalt  }
0x79: {  	_ =	shalt  }
0x7a: {  	_ =	shalt  }
0x7b: {  	_ =	shalt  }
0x7c: {  	_ =	shalt  }
0x7d: {  	_ =	shalt  }
0x7e: {  	_ =	shalt  }
0x7f: {  	_ =	shalt  }
0x80: {  	_ =	shalt  }
0x81: {  	_ =	shalt  }
0x82: {  	_ =	shalt  }
0x83: {  	_ =	shalt  }
0x84: {  	_ =	shalt  }
0x85: {  	_ =	shalt  }
0x86: {  	_ =	shalt  }
0x87: {  	_ =	shalt  }
.Lfunc_end0:
.L_simem_size_0:
called_computation.1_lowered:
.L_overlay_start_0:
0x88: {  	s2 =	sld [smem:$0x3FD9]  }
0x89: {  	s3 =	sld [smem:$0x3FFE];
	_ =	sdelay $0x1  }
0x8a: {  	s1 =	srdreg.scid  }
0x8b: {  	s0 =	sand.u32 $0x1, s1  }
0x8c: {  	s17 =	sshll.u32 s0, $0xA;
	s2 =	sadd.s32 s3, s2  }
0x8d: {  	s2 =	sadd.s32 s2, s17  }
0x8e: {  	[smem:$0x3FB9] =	sst s2  }
0x8f: {  	_ = 	snop  }
0x90: {  	s2 =	sld [smem:$0x3FC8]  }
0x91: {  	s18 =	sld [smem:$0x3FC7]  }
0x92: {  	s4 =	sld [smem:$0x3FD0];
	(tm) =	ssettm $0x1  }
0x93: {  	s5 =	sld [smem:$0x3FFB];
	_ =	sdelay $0x3  }
0x94: {  	_ =	strace s5  }
0x95: {  	s5 =	sld [smem:$0x3FFC];
	_ =	sdelay $0x3  }
0x96: {  	_ =	strace s5  }
0x97: {  	s5 =	sld [smem:$0x3FFD];
	_ =	sdelay $0x3  }
0x98: {  	_ =	strace s5  }
0x99: {  	_ =	strace $0x8FFFFFFF  }
0x9a: {  	s19 =	sld [smem:$0x3FDB];
	_ =	sdelay $0x1  }
0x9b: {  	s6 =	simm.s32 $_scs_section_size  }
0x9c: {  	s7 =	simm.s32 $_size__tile_overlayer_lowered;
	s8 =	simm.s32 $_tile_overlayer_lowered  }
0x9d: {  	s22 =	simm.s32 $0x1BFF;
	s21 =	sshll.u32 s8, $0x1;
	s5 =	sadd.s32 s6, s19  }
0x9e: {  	s9 =	simm.s32 $0x0;
	s20 =	sshll.u32 s7, $0x1;
	s7 =	sadd.s32 s21, s5  }
0x9f: {  	[timem:s9], [sflag:s22] =	dma.local [hbm:s7], s20  }
0xa0: {  	_ =	swait.ge [sflag:s22], s20  }
0xa1: {  	s6 =	ssub.s32 $0x0, s20;
	[sflag:s22] =	ssyncset.done $0x0  }
0xa2: {  	[sflag:s22] =	ssyncadd.s32 s6;
	_ =	sdelay $0x1  }
0xa3: {  	s23 =	simm.s32 $0x1B8B  }
0xa4: {  	_ =	swait.ge [sflag:s23], $0x1  }
0xa5: {  	[sflag:s23] =	ssyncset.done $0x0  }
0xa6: {  	s25 =	simm.s32 $0x1B8E;
	s24 =	sld [smem:$0x3FFE];
	[sflag:s23] =	ssyncadd.s32 $0xFFFFFFFF  }
0xa7: {  	s26 =	simm.s32 $execute0_lowered;
	[smem:$0x3FD2] =	sst s25  }
0xa8: {  	s7 =	sshll.u32 s26, $0x1;
	_ =	strace $0x80000049;
	[dreg:$0x1] =	wrdreg $0xFFFFFFFF  }
0xa9: {  	s28 =	simm.s32 $_size_execute0_lowered;
	s5 =	sadd.s32 s5, s7;
	[dreg:$0x0] =	wrdreg $0x0  }
0xaa: {  	s7 =	sshll.u32 s28, $0x1;
	[dreg:$0x2] =	wrdreg s5  }
0xab: {  	[dreg:$0x3] =	wrdreg s7  }
0xac: {  	[dreg:$0x4] =	wrdreg $0xC0  }
0xad: {  	_ =	task [dreg:s9], $0x5FFFF  }
0xae: {  	[dreg:$0x1] =	wrdreg $0xFFFFFFFF  }
0xaf: {  	[dreg:$0x0] =	wrdreg $0x60  }
0xb0: {  	[dreg:$0x2] =	wrdreg s2  }
0xb1: {  	[dreg:$0x3] =	wrdreg s18  }
0xb2: {  	[dreg:$0x4] =	wrdreg s24  }
0xb3: {  	[dreg:$0x5] =	wrdreg s4  }
0xb4: {  	[dreg:$0x6] =	wrdreg $0x9  }
0xb5: {  	_ =	task.clear_ibuf [dreg:s9], $0x7FFFF;
	_ =	strace $0x90000049  }
0xb6: {  	s29 =	simm.s32 $0x9;
	_ =	strace $0x8000004B  }
0xb7: {  	_ =	swait.ge [sflag:s29], $0x1  }
0xb8: {  	[sflag:s29] =	ssyncadd.s32 $0xFFFFFFFF  }
0xb9: {  	_ =	strace $0x9000004B  }
0xba: {  	_ =	sfence  }
0xbb: {  	s30 =	sld [smem:$0x0];
	_ =	sdelay $0x2  }
0xbc: {  	s31 =	sshll.u32 s1, $0xD;
	s1 =	sshrl.u32 s1, $0x2  }
0xbd: {  	s3 =	sand.u32 $0x4000, s31;
	s1 =	sadd.s32 s1, s30  }
0xbe: {  	s0 =	sor.u32 s3, s0;
	s1 =	sshll.u32 s1, $0x11  }
0xbf: {  	s0 =	sor.u32 s1, s0  }
0xc0: {  	s0 =	sadd.s32 $0x8F2B, s0  }
0xc1: {  	[sflag:s0] =	ssyncadd.remote.s32 $0x1  }
0xc2: {  	_ =	sfence.sel $0xFFFF  }
0xc3: {  	[dreg:$0x0] =	wrdreg $0xFFFFFFFF;
	(pc) =	sbr.abs _section_cstart, $3  }
0xc4: {  	[dreg:$0x1] =	wrdreg $0xFFFFFFFF  }
0xc5: {  	_ =	task.clear_ibuf [dreg:s9], $0x2FFFF;
	_ =	strace $0x9FFFFFFF  }
0xc6: {  	(tm) =	ssettm $0x7FFFFFFF  }
0xc7: {  	_ =	shalt  }
tec
execute0_lowered:
.L_overlay_start_1:
0x0: {  	(tag) =	ssettag $0x1  }
0x1: {  	s0 =	rddreg [dreg:$0x0]  }
0x2: {  	s5 =	rddreg [dreg:$0x1]  }
0x3: {  	s6 =	rddreg [dreg:$0x2]  }
0x4: {  	s2 =	rddreg [dreg:$0x3]  }
0x5: {  	s3 =	srdreg.scid;
	s1 =	stileid.u32  }
0x6: {  	s4 =	simm.s32 $0xFFFFC000;
	s23 =	simm.s32 $0x0;
	s10 =	simm.s32 $0x800  }
0x7: {  	s11 =	simm.s32 $0x480;
	s12 =	simm.s32 $0x880;
	s13 =	simm.s32 $0x500  }
0x8: {  	s14 =	simm.s32 $0x900;
	s15 =	simm.s32 $0x580;
	s16 =	simm.s32 $0x980  }
0x9: {  	s17 =	simm.s32 $0x600;
	s18 =	simm.s32 $0xA00;
	s19 =	simm.s32 $0x680  }
0xa: {  	s20 =	simm.s32 $0xA80;
	s21 =	simm.s32 $0x700;
	s22 =	simm.s32 $0xB00  }
0xb: {  	s28 =	simm.s32 $0x4C00;
	s29 =	simm.s32 $0x1;
	s30 =	simm.s32 $0x3  }
0xc: {  	s31 =	simm.s32 $0x2;
	s7 =	sand.u32 $0x1, s3;
	p0 =	sgt.u32 s1, $0x7  }
0xd: {  	s8 =	sshll.u32 s1, $0xB;
	[smem:$0x7FF] =	sst s23;
	s23 =	simm.s32 $0x780  }
0xe: {  	s9 =	sshll.u32 s7, $0xA;
	s4 =	simm.s32 @!p0 $0x7;
	_ =	strace $0x8000004A  }
0xf: {  	s7 =	ssub.s32 $0x2, s7;
	p0 =	slt.u32 s1, $0x8;
	s8 =	sor.u32 s9, s8  }
0x10: {  	s24 =	sshrl.u32 s7, $0x1;
	s9 =	simm.s32 $0x400;
	s4 =	sadd.s32 s4, s8  }
0x11: {  	s26 =	ssub.s32 s7, s24;
	s7 =	simm.s32 $0x6;
	s8 =	sshrl.u32 s4, $0x3  }
0x12: {  	s24 =	simm.s32 $0xB80;
	s4 =	sadd.s32 $0x83200, s6;
	s0 =	sadd.s32 s0, s8  }
0x13: {  	s25 =	sadd.s32 s5, s8;
	s5 =	sadd.s32 $0x3200, s6;
	s6 =	smax.u32 s26, $0x1  }
0x14: {  	s8 =	simm.s32 $0x80;
	s26 =	simm.s32 $0xC00;
	[dreg:$0x5] =	wrdreg s0  }
0x15: {  	[dreg:$0x6] =	wrdreg s25;
	s25 =	simm.s32 $0x5;
	s0 =	simm.s32 $0x4  }
.LBB2_1:
0x16: {  	s1 =	rddreg [dreg:$0x5];
	s3 =	simm.s32 $0x0  }
0x17: {  	[tilespmem:s3], [sflag:$0x6] =	stream.linear.gather [hbm4b:s1+s3], $0x400, $0x38;
	[tilespmem:$0x8C00] =	vst v63  }
0x18: {  	_ =	swait.ge [sflag:s7], $0x400  }
0x19: {  	[sflag:s7] =	ssyncset.done $0x0  }
0x1a: {  	s3 =	simm.s32 @!p0 $0x0;
	s1 =	rddreg [dreg:$0x6];
	[sflag:s7] =	ssyncadd.s32 $0xFFFFFC00  }
0x1b: {  	[tilespmem:s3], [sflag:$0x6] =	stream.linear.gather @!p0 [hbm4b:s1+s3], $0x400, $0x38;
	[tilespmem:$0x8C00] =	vst v63  }
0x1c: {  	s1 =	simm.s32 @!p0 $0x6  }
0x1d: {  	_ =	swait.ge @!p0 [sflag:s1], $0x400  }
0x1e: {  	[sflag:s1] =	ssyncset.done @!p0 $0x0  }
0x1f: {  	[sflag:s1] =	ssyncadd.s32 @!p0 $0xFFFFFC00  }
0x20: {  	v0 =	vld [tilespmem:$0x0]  }
0x21: {  	v1 =	vld [tilespmem:$0x10]  }
0x22: {  	v2 =	vld [tilespmem:$0x20]  }
0x23: {  	v3 =	vld [tilespmem:$0x30]  }
0x24: {  	v4 =	vld [tilespmem:$0x40]  }
0x25: {  	v61 =	vld [tilespmem:$0x50];
	[tilespmem:$0x400] =	vst v0  }
0x26: {  	v62 =	vld [tilespmem:$0x60];
	[tilespmem:$0x410] =	vst v1  }
0x27: {  	v63 =	vld [tilespmem:$0x70];
	[tilespmem:$0x420] =	vst v2  }
0x28: {  	v8 =	vld [tilespmem:$0x80];
	[tilespmem:$0x430] =	vst v3  }
0x29: {  	v9 =	vld [tilespmem:$0x90];
	[tilespmem:$0x440] =	vst v4  }
0x2a: {  	v10 =	vld [tilespmem:$0xA0];
	[tilespmem:$0x450] =	vst v61  }
0x2b: {  	v11 =	vld [tilespmem:$0xB0];
	[tilespmem:$0x460] =	vst v62  }
0x2c: {  	v12 =	vld [tilespmem:$0xC0];
	[tilespmem:$0x470] =	vst v63  }
0x2d: {  	v13 =	vld [tilespmem:$0xD0];
	[tilespmem:$0x480] =	vst v8  }
0x2e: {  	v14 =	vld [tilespmem:$0xE0];
	[tilespmem:$0x490] =	vst v9  }
0x2f: {  	v15 =	vld [tilespmem:$0xF0];
	[tilespmem:$0x4A0] =	vst v10  }
0x30: {  	v16 =	vld [tilespmem:$0x100];
	[tilespmem:$0x4B0] =	vst v11  }
0x31: {  	v17 =	vld [tilespmem:$0x110];
	[tilespmem:$0x4C0] =	vst v12  }
0x32: {  	v18 =	vld [tilespmem:$0x120];
	[tilespmem:$0x4D0] =	vst v13  }
0x33: {  	v19 =	vld [tilespmem:$0x130];
	[tilespmem:$0x4E0] =	vst v14  }
0x34: {  	v20 =	vld [tilespmem:$0x140];
	[tilespmem:$0x4F0] =	vst v15  }
0x35: {  	v21 =	vld [tilespmem:$0x150];
	[tilespmem:$0x500] =	vst v16  }
0x36: {  	v22 =	vld [tilespmem:$0x160];
	[tilespmem:$0x510] =	vst v17  }
0x37: {  	v23 =	vld [tilespmem:$0x170];
	[tilespmem:$0x520] =	vst v18  }
0x38: {  	v24 =	vld [tilespmem:$0x180];
	[tilespmem:$0x530] =	vst v19  }
0x39: {  	v25 =	vld [tilespmem:$0x190];
	[tilespmem:$0x540] =	vst v20  }
0x3a: {  	v26 =	vld [tilespmem:$0x1A0];
	[tilespmem:$0x550] =	vst v21  }
0x3b: {  	v27 =	vld [tilespmem:$0x1B0];
	[tilespmem:$0x560] =	vst v22  }
0x3c: {  	v28 =	vld [tilespmem:$0x1C0];
	[tilespmem:$0x570] =	vst v23  }
0x3d: {  	v29 =	vld [tilespmem:$0x1D0];
	[tilespmem:$0x580] =	vst v24  }
0x3e: {  	v30 =	vld [tilespmem:$0x1E0];
	[tilespmem:$0x590] =	vst v25  }
0x3f: {  	v31 =	vld [tilespmem:$0x1F0];
	[tilespmem:$0x5A0] =	vst v26  }
0x40: {  	v32 =	vld [tilespmem:$0x200];
	[tilespmem:$0x5B0] =	vst v27  }
0x41: {  	v33 =	vld [tilespmem:$0x210];
	[tilespmem:$0x5C0] =	vst v28  }
0x42: {  	v34 =	vld [tilespmem:$0x220];
	[tilespmem:$0x5D0] =	vst v29  }
0x43: {  	v35 =	vld [tilespmem:$0x230];
	[tilespmem:$0x5E0] =	vst v30  }
0x44: {  	v36 =	vld [tilespmem:$0x240];
	[tilespmem:$0x5F0] =	vst v31  }
0x45: {  	v37 =	vld [tilespmem:$0x250];
	[tilespmem:$0x600] =	vst v32  }
0x46: {  	v38 =	vld [tilespmem:$0x260];
	[tilespmem:$0x610] =	vst v33  }
0x47: {  	v39 =	vld [tilespmem:$0x270];
	[tilespmem:$0x620] =	vst v34  }
0x48: {  	v40 =	vld [tilespmem:$0x280];
	[tilespmem:$0x630] =	vst v35  }
0x49: {  	v41 =	vld [tilespmem:$0x290];
	[tilespmem:$0x640] =	vst v36  }
0x4a: {  	v42 =	vld [tilespmem:$0x2A0];
	[tilespmem:$0x650] =	vst v37  }
0x4b: {  	v43 =	vld [tilespmem:$0x2B0];
	[tilespmem:$0x660] =	vst v38  }
0x4c: {  	v44 =	vld [tilespmem:$0x2C0];
	[tilespmem:$0x670] =	vst v39  }
0x4d: {  	v45 =	vld [tilespmem:$0x2D0];
	[tilespmem:$0x680] =	vst v40  }
0x4e: {  	v46 =	vld [tilespmem:$0x2E0];
	[tilespmem:$0x690] =	vst v41  }
0x4f: {  	v47 =	vld [tilespmem:$0x2F0];
	[tilespmem:$0x6A0] =	vst v42  }
0x50: {  	v48 =	vld [tilespmem:$0x300];
	[tilespmem:$0x6B0] =	vst v43  }
0x51: {  	v49 =	vld [tilespmem:$0x310];
	[tilespmem:$0x6C0] =	vst v44  }
0x52: {  	v50 =	vld [tilespmem:$0x320];
	[tilespmem:$0x6D0] =	vst v45  }
0x53: {  	v51 =	vld [tilespmem:$0x330];
	[tilespmem:$0x6E0] =	vst v46  }
0x54: {  	v52 =	vld [tilespmem:$0x340];
	[tilespmem:$0x6F0] =	vst v47  }
0x55: {  	v53 =	vld [tilespmem:$0x350];
	[tilespmem:$0x700] =	vst v48  }
0x56: {  	v54 =	vld [tilespmem:$0x360];
	[tilespmem:$0x710] =	vst v49  }
0x57: {  	v55 =	vld [tilespmem:$0x370];
	[tilespmem:$0x720] =	vst v50  }
0x58: {  	v56 =	vld [tilespmem:$0x380];
	[tilespmem:$0x730] =	vst v51  }
0x59: {  	v57 =	vld [tilespmem:$0x390];
	[tilespmem:$0x740] =	vst v52  }
0x5a: {  	v58 =	vld [tilespmem:$0x3A0];
	[tilespmem:$0x750] =	vst v53  }
0x5b: {  	v59 =	vld [tilespmem:$0x3B0];
	[tilespmem:$0x760] =	vst v54  }
0x5c: {  	v60 =	vld [tilespmem:$0x3C0];
	[tilespmem:$0x770] =	vst v55  }
0x5d: {  	[tilespmem:$0x780] =	vst v56;
	v61 =	vld [tilespmem:$0x3D0]  }
0x5e: {  	[tilespmem:$0x790] =	vst v57;
	v62 =	vld [tilespmem:$0x3E0]  }
0x5f: {  	[tilespmem:$0x7A0] =	vst v58;
	v63 =	vld [tilespmem:$0x3F0]  }
0x60: {  	[tilespmem:$0x7B0] =	vst v59  }
0x61: {  	[tilespmem:$0x7C0] =	vst v60  }
0x62: {  	[tilespmem:$0x7D0] =	vst v61  }
0x63: {  	[tilespmem:$0x7E0] =	vst v62  }
0x64: {  	[tilespmem:$0x7F0] =	vst v63  }
0x65: {  	[tilespmem:s10], [sflag:$0x5] =	stream.indirect.gather [hbm4b:s4+s8], $0x1, s9, s8, $0xb8;
	[tilespmem:$0x8C00] =	vst v63  }
0x66: {  	_ = 	snop  }
0x67: {  	[tilespmem:s12], [sflag:$0x5] =	stream.indirect.gather [hbm4b:s4+s8], $0x1, s11, s8, $0xb8;
	[tilespmem:$0x8C00] =	vst v63  }
0x68: {  	_ = 	snop  }
0x69: {  	[tilespmem:s14], [sflag:$0x5] =	stream.indirect.gather [hbm4b:s4+s8], $0x1, s13, s8, $0xb8;
	[tilespmem:$0x8C00] =	vst v63  }
0x6a: {  	_ = 	snop  }
0x6b: {  	[tilespmem:s16], [sflag:$0x5] =	stream.indirect.gather [hbm4b:s4+s8], $0x1, s15, s8, $0xb8;
	[tilespmem:$0x8C00] =	vst v63  }
0x6c: {  	_ = 	snop  }
0x6d: {  	[tilespmem:s18], [sflag:$0x5] =	stream.indirect.gather [hbm4b:s4+s8], $0x1, s17, s8, $0xb8;
	[tilespmem:$0x8C00] =	vst v63  }
0x6e: {  	_ = 	snop  }
0x6f: {  	[tilespmem:s20], [sflag:$0x5] =	stream.indirect.gather [hbm4b:s4+s8], $0x1, s19, s8, $0xb8;
	[tilespmem:$0x8C00] =	vst v63  }
0x70: {  	_ = 	snop  }
0x71: {  	[tilespmem:s22], [sflag:$0x5] =	stream.indirect.gather [hbm4b:s4+s8], $0x1, s21, s8, $0xb8;
	[tilespmem:$0x8C00] =	vst v63  }
0x72: {  	_ = 	snop  }
0x73: {  	[tilespmem:s24], [sflag:$0x5] =	stream.indirect.gather [hbm4b:s4+s8], $0x1, s23, s8, $0xb8;
	[tilespmem:$0x8C00] =	vst v63  }
0x74: {  	_ =	swait.ge [sflag:s25], $0x80  }
0x75: {  	[sflag:s25] =	ssyncset.done $0x0  }
0x76: {  	[sflag:s25] =	ssyncadd.s32 $0xFFFFFF80  }
0x77: {  	_ =	swait.ge [sflag:s25], $0x80  }
0x78: {  	[sflag:s25] =	ssyncset.done $0x0  }
0x79: {  	[sflag:s25] =	ssyncadd.s32 $0xFFFFFF80  }
0x7a: {  	_ =	swait.ge [sflag:s25], $0x80  }
0x7b: {  	[sflag:s25] =	ssyncset.done $0x0  }
0x7c: {  	[sflag:s25] =	ssyncadd.s32 $0xFFFFFF80  }
0x7d: {  	_ =	swait.ge [sflag:s25], $0x80  }
0x7e: {  	[sflag:s25] =	ssyncset.done $0x0  }
0x7f: {  	[sflag:s25] =	ssyncadd.s32 $0xFFFFFF80  }
0x80: {  	_ =	swait.ge [sflag:s25], $0x80  }
0x81: {  	[sflag:s25] =	ssyncset.done $0x0  }
0x82: {  	[sflag:s25] =	ssyncadd.s32 $0xFFFFFF80  }
0x83: {  	_ =	swait.ge [sflag:s25], $0x80  }
0x84: {  	[sflag:s25] =	ssyncset.done $0x0  }
0x85: {  	[sflag:s25] =	ssyncadd.s32 $0xFFFFFF80  }
0x86: {  	_ =	swait.ge [sflag:s25], $0x80  }
0x87: {  	[sflag:s25] =	ssyncset.done $0x0  }
0x88: {  	[sflag:s25] =	ssyncadd.s32 $0xFFFFFF80  }
0x89: {  	_ =	swait.ge [sflag:s25], $0x80  }
0x8a: {  	[sflag:s25] =	ssyncset.done $0x0  }
0x8b: {  	[sflag:s25] =	ssyncadd.s32 $0xFFFFFF80  }
0x8c: {  	[tilespmem:s26], [sflag:$0x1] =	stream.indirect.gather [hbm4b:s5+s8], $0x80, s10, s8, $0xb8;
	[tilespmem:$0x8C00] =	vst v63  }
0x8d: {  	_ = 	snop  }
0x8e: {  	[tilespmem:s28], [sflag:$0x2] =	stream.indirect.gather [hbm4b:s5+s8], $0x80, s12, s8, $0xb8;
	[tilespmem:$0x8C00] =	vst v63  }
0x8f: {  	_ =	swait.ge [sflag:s29], $0x4000  }
0x90: {  	[sflag:s29] =	ssyncset.done $0x0  }
0x91: {  	[sflag:s29] =	ssyncadd.s32 $0xFFFFC000  }
0x92: {  	[hbm4b:s2+s8] =	stream.indirect.scatter [tilespmem:s26], [sflag:$0x3], $0x80, s9, s8, $0xb8;
	[tilespmem:$0x8C00] =	vst v63  }
0x93: {  	_ =	swait.ge [sflag:s30], $0x4000  }
0x94: {  	[sflag:s30] =	ssyncset.done $0x0  }
0x95: {  	[sflag:s30] =	ssyncadd.s32 $0xFFFFC000  }
0x96: {  	[tilespmem:s26], [sflag:$0x1] =	stream.indirect.gather [hbm4b:s5+s8], $0x80, s14, s8, $0xb8;
	[tilespmem:$0x8C00] =	vst v63  }
0x97: {  	_ =	swait.ge [sflag:s31], $0x4000  }
0x98: {  	[sflag:s31] =	ssyncset.done $0x0  }
0x99: {  	[sflag:s31] =	ssyncadd.s32 $0xFFFFC000  }
0x9a: {  	[hbm4b:s2+s8] =	stream.indirect.scatter [tilespmem:s28], [sflag:$0x4], $0x80, s11, s8, $0xb8;
	[tilespmem:$0x8C00] =	vst v63  }
0x9b: {  	_ =	swait.ge [sflag:s0], $0x4000  }
0x9c: {  	[sflag:s0] =	ssyncset.done $0x0  }
0x9d: {  	[sflag:s0] =	ssyncadd.s32 $0xFFFFC000  }
0x9e: {  	[tilespmem:s28], [sflag:$0x2] =	stream.indirect.gather [hbm4b:s5+s8], $0x80, s16, s8, $0xb8;
	[tilespmem:$0x8C00] =	vst v63  }
0x9f: {  	_ =	swait.ge [sflag:s29], $0x4000  }
0xa0: {  	[sflag:s29] =	ssyncset.done $0x0  }
0xa1: {  	[sflag:s29] =	ssyncadd.s32 $0xFFFFC000  }
0xa2: {  	[hbm4b:s2+s8] =	stream.indirect.scatter [tilespmem:s26], [sflag:$0x3], $0x80, s13, s8, $0xb8;
	[tilespmem:$0x8C00] =	vst v63  }
0xa3: {  	_ =	swait.ge [sflag:s30], $0x4000  }
0xa4: {  	[sflag:s30] =	ssyncset.done $0x0  }
0xa5: {  	[sflag:s30] =	ssyncadd.s32 $0xFFFFC000  }
0xa6: {  	[tilespmem:s26], [sflag:$0x1] =	stream.indirect.gather [hbm4b:s5+s8], $0x80, s18, s8, $0xb8;
	[tilespmem:$0x8C00] =	vst v63  }
0xa7: {  	_ =	swait.ge [sflag:s31], $0x4000  }
0xa8: {  	[sflag:s31] =	ssyncset.done $0x0  }
0xa9: {  	[sflag:s31] =	ssyncadd.s32 $0xFFFFC000  }
0xaa: {  	[hbm4b:s2+s8] =	stream.indirect.scatter [tilespmem:s28], [sflag:$0x4], $0x80, s15, s8, $0xb8;
	[tilespmem:$0x8C00] =	vst v63  }
0xab: {  	_ =	swait.ge [sflag:s0], $0x4000  }
0xac: {  	[sflag:s0] =	ssyncset.done $0x0  }
0xad: {  	[sflag:s0] =	ssyncadd.s32 $0xFFFFC000  }
0xae: {  	[tilespmem:s28], [sflag:$0x2] =	stream.indirect.gather [hbm4b:s5+s8], $0x80, s20, s8, $0xb8;
	[tilespmem:$0x8C00] =	vst v63  }
0xaf: {  	_ =	swait.ge [sflag:s29], $0x4000  }
0xb0: {  	[sflag:s29] =	ssyncset.done $0x0  }
0xb1: {  	[sflag:s29] =	ssyncadd.s32 $0xFFFFC000  }
0xb2: {  	[hbm4b:s2+s8] =	stream.indirect.scatter [tilespmem:s26], [sflag:$0x3], $0x80, s17, s8, $0xb8;
	[tilespmem:$0x8C00] =	vst v63  }
0xb3: {  	_ =	swait.ge [sflag:s30], $0x4000  }
0xb4: {  	[sflag:s30] =	ssyncset.done $0x0  }
0xb5: {  	[sflag:s30] =	ssyncadd.s32 $0xFFFFC000  }
0xb6: {  	[tilespmem:s26], [sflag:$0x1] =	stream.indirect.gather [hbm4b:s5+s8], $0x80, s22, s8, $0xb8;
	[tilespmem:$0x8C00] =	vst v63  }
0xb7: {  	_ =	swait.ge [sflag:s31], $0x4000  }
0xb8: {  	[sflag:s31] =	ssyncset.done $0x0  }
0xb9: {  	[sflag:s31] =	ssyncadd.s32 $0xFFFFC000  }
0xba: {  	[hbm4b:s2+s8] =	stream.indirect.scatter [tilespmem:s28], [sflag:$0x4], $0x80, s19, s8, $0xb8;
	[tilespmem:$0x8C00] =	vst v63  }
0xbb: {  	_ =	swait.ge [sflag:s0], $0x4000  }
0xbc: {  	[sflag:s0] =	ssyncset.done $0x0  }
0xbd: {  	[sflag:s0] =	ssyncadd.s32 $0xFFFFC000  }
0xbe: {  	[tilespmem:s28], [sflag:$0x2] =	stream.indirect.gather [hbm4b:s5+s8], $0x80, s24, s8, $0xb8;
	[tilespmem:$0x8C00] =	vst v63  }
0xbf: {  	_ =	swait.ge [sflag:s29], $0x4000  }
0xc0: {  	[sflag:s29] =	ssyncset.done $0x0  }
0xc1: {  	[sflag:s29] =	ssyncadd.s32 $0xFFFFC000  }
0xc2: {  	[hbm4b:s2+s8] =	stream.indirect.scatter [tilespmem:s26], [sflag:$0x3], $0x80, s21, s8, $0xb8;
	[tilespmem:$0x8C00] =	vst v63  }
0xc3: {  	_ =	swait.ge [sflag:s31], $0x4000  }
0xc4: {  	[sflag:s31] =	ssyncset.done $0x0  }
0xc5: {  	s6 =	sadd.s32 $0xFFFFFFFF, s6;
	[sflag:s31] =	ssyncadd.s32 $0xFFFFC000  }
0xc6: {  	[hbm4b:s2+s8] =	stream.indirect.scatter [tilespmem:s28], [sflag:$0x4], $0x80, s23, s8, $0xb8;
	[tilespmem:$0x8C00] =	vst v63  }
0xc7: {  	p1 =	sne.s32 s6, $0x0;
	_ =	swait.ge [sflag:s30], $0x4000  }
.Ltmp0:
0xc8: {  	[sflag:s30] =	ssyncset.done $0x0;
	(pc) =	sbr.rel @p1 .LBB2_1-.Ltmp0, $4  }
0xc9: {  	[sflag:s30] =	ssyncadd.s32 $0xFFFFC000  }
0xca: {  	_ =	swait.ge [sflag:s0], $0x4000  }
0xcb: {  	[sflag:s0] =	ssyncset.done $0x0  }
0xcc: {  	[sflag:s0] =	ssyncadd.s32 $0xFFFFC000  }
0xcd: {  	_ =	sfence.sel $0x180000  }
0xce: {  	[bflag:$0x0] =	sbarrier.arrive $0xFFFF  }
0xcf: {  	_ =	strace $0x9000004A  }
0xd0: {  	s0 =	stileid.u32;
	[bflag:$0x2] =	sbarrier.arrive $0xFFFF  }
0xd1: {  	p0 =	sne.s32 s0, $0x0;
	s0 =	rddreg [dreg:$0x4]  }
0xd2: {  	s0 =	sadd.s32 @!p0 $0x100000, s0  }
0xd3: {  	[sflag:s0] =	ssyncadd.tile.s32 @!p0 $0x1;
	_ =	shalt  }
.Lfunc_end2:
_tile_overlayer_lowered:
.L_overlay_start_2:
0xd4: {  	(tag) =	ssettag $0x2  }
0xd5: {  	s0 =	rddreg [dreg:$0x0];
	s2 =	stileid.u32  }
0xd6: {  	s1 =	rddreg [dreg:$0x1];
	p0 =	sne.s32 s2, $0x0  }
0xd7: {  	s3 =	rddreg [dreg:$0x2];
	[bflag:$0x3] =	sbarrier.arrive $0xFFFF;
	s2 =	simm.s32 @!p0 $0x1C06  }
0xd8: {  	[timem:s3], [sflag:s2] =	dma.local @!p0 [hbm:s0], s1  }
0xd9: {  	s0 =	simm.s32 @!p0 $0x6  }
0xda: {  	_ =	swait.ge @!p0 [sflag:s0], s1  }
0xdb: {  	s1 =	ssub.s32 @!p0 $0x0, s1;
	[sflag:s0] =	ssyncset.done @!p0 $0x0  }
0xdc: {  	[sflag:s0] =	ssyncadd.s32 @!p0 s1  }
0xdd: {  	[bflag:$0x3] =	sbarrier.arrive $0xFFFF  }
0xde: {  	_ =	shalt  }

</sc_bundles>
